<compile_context>
chip_gen: v7x
topology: tpu7x:2x2x1
jax: 0.10.2.dev20260603
libtpu: 0.0.44.dev20260713+nightly
codegen_flags: <defaults>
</compile_context>

<pallas_src>
import functools

import jax
import jax.numpy as jnp
from jax import lax
from jax.experimental import pallas as pl
from jax.experimental.pallas import tpu as pltpu
from jax.experimental.pallas import tpu_sc as plsc

_N = 5000
_HID = 256
_REAL = [5000, 2000, 1000, 500]
_PAD = [5120, 2048, 1024, 512]


def _blk(n):
    for b in (1024, 512, 256, 128):
        if n % b == 0:
            return b
    return n




def _mm_rowscale_kernel(x_ref, w_ref, s_ref, p_ref, x2_ref, s2_ref, o_ref,
                        *, premul, addend):
    x = x_ref[...]
    if premul:
        x = x * p_ref[...]
    if addend:
        x = x + s2_ref[...] * x2_ref[...]
    o_ref[...] = s_ref[...] * jnp.dot(
        x, w_ref[...], preferred_element_type=jnp.float32)


def _mm_rowscale(x, w, rowscale, premul=None, addend=None, addend_scale=None):
    n, k = x.shape
    m = w.shape[1]
    bm = _blk(n)
    has_p = premul is not None
    has_a = addend is not None
    dummy = jnp.zeros((n, 1), jnp.float32)
    if premul is None:
        premul = dummy
    if addend is None:
        addend = dummy
        addend_scale = dummy
    return pl.pallas_call(
        functools.partial(_mm_rowscale_kernel, premul=has_p, addend=has_a),
        grid=(n // bm,),
        in_specs=[
            pl.BlockSpec((bm, k), lambda i: (i, 0)),
            pl.BlockSpec((k, m), lambda i: (0, 0)),
            pl.BlockSpec((bm, 1), lambda i: (i, 0)),
            pl.BlockSpec((bm, 1), lambda i: (i, 0)),
            pl.BlockSpec((bm, addend.shape[1]), lambda i: (i, 0)),
            pl.BlockSpec((bm, 1), lambda i: (i, 0)),
        ],
        out_specs=pl.BlockSpec((bm, m), lambda i: (i, 0)),
        out_shape=jax.ShapeDtypeStruct((n, m), jnp.float32),
    )(x, w, rowscale, premul, addend, addend_scale)


def _spmm_kernel(at_ref, z_ref, zd_ref, dinv_ref, fix_ref, b_ref, sw_ref,
                 invn_ref, o_ref, s_ref, acc_ref, *, nk, relu):
    k = pl.program_id(1)

    @pl.when(k == 0)
    def _():
        acc_ref[...] = jnp.zeros_like(acc_ref)

    acc_ref[...] += jnp.dot(at_ref[...].astype(jnp.float32), z_ref[...],
                            preferred_element_type=jnp.float32)

    @pl.when(k == nk - 1)
    def _():
        out = dinv_ref[...] * (acc_ref[...] + fix_ref[...] * zd_ref[...]) \
            + b_ref[...]
        if relu:
            out = jnp.maximum(out, 0.0)
        o_ref[...] = out
        s = jnp.sum(out * sw_ref[...], axis=1, keepdims=True)
        s_ref[...] = jnp.tanh(s * invn_ref[...])


def _spmm_gcn(at, z, dinv, fix, b, relu, score_w=None, score_invn=None):
    n = at.shape[0]
    m = z.shape[1]
    bm = _blk(n)
    nk = n // bm
    if score_w is None:
        score_w = jnp.zeros((1, m), jnp.float32)
        score_invn = jnp.zeros((1, 1), jnp.float32)
    out, s = pl.pallas_call(
        functools.partial(_spmm_kernel, nk=nk, relu=relu),
        grid=(nk, nk),
        in_specs=[
            pl.BlockSpec((bm, bm), lambda i, k: (i, k)),
            pl.BlockSpec((bm, m), lambda i, k: (k, 0)),
            pl.BlockSpec((bm, m), lambda i, k: (i, 0)),
            pl.BlockSpec((bm, 1), lambda i, k: (i, 0)),
            pl.BlockSpec((bm, 1), lambda i, k: (i, 0)),
            pl.BlockSpec((1, m), lambda i, k: (0, 0)),
            pl.BlockSpec((1, m), lambda i, k: (0, 0)),
            pl.BlockSpec((1, 1), lambda i, k: (0, 0)),
        ],
        out_specs=[
            pl.BlockSpec((bm, m), lambda i, k: (i, 0)),
            pl.BlockSpec((bm, 1), lambda i, k: (i, 0)),
        ],
        out_shape=[
            jax.ShapeDtypeStruct((n, m), jnp.float32),
            jax.ShapeDtypeStruct((n, 1), jnp.float32),
        ],
        scratch_shapes=[pltpu.VMEM((bm, m), jnp.float32)],
        compiler_params=pltpu.CompilerParams(
            dimension_semantics=("parallel", "arbitrary")),
    )(at, z, z, dinv, fix, b, score_w, score_invn)
    return out, s


def _smm_kernel(g_ref, gt_ref, pr_ref, pc_ref, o_ref, acc_ref,
                *, nk, bm, bn, bk):
    i, j, k = pl.program_id(0), pl.program_id(1), pl.program_id(2)

    @pl.when(k == 0)
    def _():
        acc_ref[...] = jnp.zeros_like(acc_ref)

    one = jnp.ones((), g_ref.dtype)
    colg = k * bk + lax.broadcasted_iota(jnp.int32, (bm, bk), 1)
    g = jnp.where(pr_ref[...] == colg, one, g_ref[...]).astype(jnp.bfloat16)
    colgt = k * bk + lax.broadcasted_iota(jnp.int32, (bn, bk), 1)
    gt = jnp.where(pc_ref[...] == colgt, one, gt_ref[...]).astype(jnp.bfloat16)
    acc_ref[...] += lax.dot_general(
        g, gt, (((1,), (1,)), ((), ())),
        preferred_element_type=jnp.float32)

    @pl.when(k == nk - 1)
    def _():
        rows = i * bm + lax.broadcasted_iota(jnp.int32, (bm, bn), 0)
        cols = j * bn + lax.broadcasted_iota(jnp.int32, (bm, bn), 1)
        o_ref[...] = jnp.where(rows == cols, 0.0, acc_ref[...])


def _smm(g, gt, perm_col):
    m, kk = g.shape
    n = gt.shape[0]
    bm = _blk(m)
    bn = _blk(n)
    bk = min(_blk(kk), 512)
    nk = kk // bk
    return pl.pallas_call(
        functools.partial(_smm_kernel, nk=nk, bm=bm, bn=bn, bk=bk),
        grid=(m // bm, n // bn, nk),
        in_specs=[
            pl.BlockSpec((bm, bk), lambda i, j, k: (i, k)),
            pl.BlockSpec((bn, bk), lambda i, j, k: (j, k)),
            pl.BlockSpec((bm, 1), lambda i, j, k: (i, 0)),
            pl.BlockSpec((bn, 1), lambda i, j, k: (j, 0)),
        ],
        out_specs=pl.BlockSpec((bm, bn), lambda i, j, k: (i, j)),
        out_shape=jax.ShapeDtypeStruct((m, n), jnp.float32),
        scratch_shapes=[pltpu.VMEM((bm, bn), jnp.float32)],
        compiler_params=pltpu.CompilerParams(
            dimension_semantics=("parallel", "parallel", "arbitrary")),
    )(g, gt, perm_col, perm_col)




def _sc_gather_rows(table, idx):
    v, d = table.shape
    b = idx.shape[0]
    info = plsc.get_sparse_core_info()
    nw = info.num_cores * info.num_subcores
    b_per_w = b // nw
    mesh = plsc.VectorSubcoreMesh(core_axis_name="c", subcore_axis_name="s")

    @functools.partial(
        pl.kernel, mesh=mesh,
        out_type=jax.ShapeDtypeStruct((b, d), jnp.float32),
        scratch_types=[
            pltpu.VMEM((b_per_w,), jnp.int32),
            pltpu.VMEM((b_per_w, d), jnp.float32),
            pltpu.SemaphoreType.DMA,
        ],
    )
    def k(table_hbm, idx_hbm, out_hbm, idx_v, rows_v, sem):
        wid = lax.axis_index("s") * info.num_cores + lax.axis_index("c")
        base = wid * b_per_w
        pltpu.sync_copy(idx_hbm.at[pl.ds(base, b_per_w)], idx_v)
        pltpu.async_copy(table_hbm.at[idx_v], rows_v, sem).wait()
        pltpu.sync_copy(rows_v, out_hbm.at[pl.ds(base, b_per_w)])

    return k(table, idx)


def _tr_kernel(a_ref, o_ref):
    o_ref[...] = a_ref[...].T.astype(o_ref.dtype)


def _tr2_kernel(a_ref, o_ref, o2_ref):
    t = a_ref[...].T
    o_ref[...] = t
    o2_ref[...] = t.astype(jnp.bfloat16)


def _transpose(a, out_dtype=None):
    n = a.shape[0]
    b = min(_blk(n), 256)
    return pl.pallas_call(
        _tr_kernel,
        grid=(n // b, n // b),
        in_specs=[pl.BlockSpec((b, b), lambda i, j: (j, i))],
        out_specs=pl.BlockSpec((b, b), lambda i, j: (i, j)),
        out_shape=jax.ShapeDtypeStruct((n, n), out_dtype or a.dtype),
    )(a)


def _transpose2(a):
    n = a.shape[0]
    b = min(_blk(n), 512)
    return pl.pallas_call(
        _tr2_kernel,
        grid=(n // b, n // b),
        in_specs=[pl.BlockSpec((b, b), lambda i, j: (j, i))],
        out_specs=[pl.BlockSpec((b, b), lambda i, j: (i, j)),
                   pl.BlockSpec((b, b), lambda i, j: (i, j))],
        out_shape=[jax.ShapeDtypeStruct((n, n), jnp.float32),
                   jax.ShapeDtypeStruct((n, n), jnp.bfloat16)],
    )(a)




def _colsum_kernel(a_ref, o_ref, *, nk):
    k = pl.program_id(1)

    @pl.when(k == 0)
    def _():
        o_ref[...] = jnp.zeros_like(o_ref)

    o_ref[...] += jnp.sum(a_ref[...].astype(jnp.float32), axis=0,
                          keepdims=True)


def _colsum(a):
    rows, cols = a.shape
    bk = _blk(rows)
    bn = _blk(cols)
    nk = rows // bk
    return pl.pallas_call(
        functools.partial(_colsum_kernel, nk=nk),
        grid=(cols // bn, nk),
        in_specs=[pl.BlockSpec((bk, bn), lambda j, k: (k, j))],
        out_specs=pl.BlockSpec((1, bn), lambda j, k: (0, j)),
        out_shape=jax.ShapeDtypeStruct((1, cols), jnp.float32),
    )(a)


def _diag_kernel(a_ref, o_ref):
    b = a_ref.shape[0]
    eye = (lax.broadcasted_iota(jnp.int32, (b, b), 0)
           == lax.broadcasted_iota(jnp.int32, (b, b), 1))
    o_ref[...] = jnp.sum(jnp.where(eye, a_ref[...], 0.0), axis=0,
                         keepdims=True)


def _diag(a):
    n = a.shape[0]
    b = min(_blk(n), 512)
    return pl.pallas_call(
        _diag_kernel,
        grid=(n // b,),
        in_specs=[pl.BlockSpec((b, b), lambda i: (i, i))],
        out_specs=pl.BlockSpec((1, b), lambda i: (0, i)),
        out_shape=jax.ShapeDtypeStruct((1, n), jnp.float32),
    )(a)


def _rowsum_kernel(a_ref, o_ref, *, nk):
    k = pl.program_id(1)

    @pl.when(k == 0)
    def _():
        o_ref[...] = jnp.zeros_like(o_ref)

    o_ref[...] += jnp.sum(a_ref[...], axis=1, keepdims=True)


def _rowsum(a):
    rows, cols = a.shape
    bm = _blk(rows)
    bk = _blk(cols)
    nk = cols // bk
    return pl.pallas_call(
        functools.partial(_rowsum_kernel, nk=nk),
        grid=(rows // bm, nk),
        in_specs=[pl.BlockSpec((bm, bk), lambda i, k: (i, k))],
        out_specs=pl.BlockSpec((bm, 1), lambda i, k: (i, 0)),
        out_shape=jax.ShapeDtypeStruct((rows, 1), jnp.float32),
    )(a)




def _head_kernel(x_ref, w1_ref, b1_ref, w2_ref, b2_ref, w3_ref, b3_ref,
                 o_ref):
    h = jnp.dot(x_ref[...], w1_ref[...],
                preferred_element_type=jnp.float32) + b1_ref[...]
    h = jnp.maximum(h, 0.0)
    h = jnp.dot(h, w2_ref[...],
                preferred_element_type=jnp.float32) + b2_ref[...]
    o = jnp.dot(h, w3_ref[...],
                preferred_element_type=jnp.float32) + b3_ref[...]
    m = jnp.max(o, axis=1, keepdims=True)
    lse = m + jnp.log(jnp.sum(jnp.exp(o - m), axis=1, keepdims=True))
    o_ref[...] = o - lse


def _head(x, w1, b1, w2, b2, w3, b3):
    n, m = x.shape
    bm = _blk(n)
    nout = w3.shape[1]
    return pl.pallas_call(
        _head_kernel,
        grid=(n // bm,),
        in_specs=[
            pl.BlockSpec((bm, m), lambda i: (i, 0)),
            pl.BlockSpec((m, m), lambda i: (0, 0)),
            pl.BlockSpec((1, m), lambda i: (0, 0)),
            pl.BlockSpec((m, m), lambda i: (0, 0)),
            pl.BlockSpec((1, m), lambda i: (0, 0)),
            pl.BlockSpec((m, nout), lambda i: (0, 0)),
            pl.BlockSpec((1, nout), lambda i: (0, 0)),
        ],
        out_specs=pl.BlockSpec((bm, nout), lambda i: (i, 0)),
        out_shape=jax.ShapeDtypeStruct((n, nout), jnp.float32),
    )(x, w1, b1, w2, b2, w3, b3)




def _gcn_level(at, x, w, b, dinv, fix, relu, score_w=None, score_invn=None):
    z = _mm_rowscale(x, w, dinv)
    return _spmm_gcn(at, z, dinv, fix, b, relu, score_w, score_invn)


def _pad_col(v, p):
    return jnp.pad(v, (0, p - v.shape[0]))[:, None]


def kernel(pos, edge_index, params):
    p = params
    e0 = edge_index[0]
    e1 = edge_index[1]
    f32 = jnp.float32
    P0 = _PAD[0]

    a0 = jnp.zeros((P0, P0), f32).at[e0, e1].add(1.0)
    a0t, a0t_bf = _transpose2(a0)

    d0 = _diag(a0)[0, :_N]
    fix0 = jnp.where(d0 != 0, 0.0, 2.0)
    deg0 = _colsum(a0)[0, :_N] + fix0
    dinv0 = jnp.where(deg0 > 0, 1.0 / jnp.sqrt(deg0), 0.0)
    dinv0 = _pad_col(dinv0, P0)
    fix0 = _pad_col(fix0, P0)

    def score_params(i):
        w = p['pw%d' % i]
        invn = 1.0 / jnp.linalg.norm(w)
        return w[None, :], invn[None, None]

    posp = jnp.pad(pos, ((0, P0 - pos.shape[0]), (0, 128 - pos.shape[1])))
    w0p = jnp.pad(p['dw0'], ((0, 128 - p['dw0'].shape[0]), (0, 0)))
    sw1, invn1 = score_params(1)
    x0, s1 = _gcn_level(a0t_bf, posp, w0p, p['db0'][None, :], dinv0, fix0,
                        relu=True, score_w=sw1, score_invn=invn1)

    xs = [x0]
    s_cur = s1
    x_cur = x0
    a_cur, at_cur = a0, a0t
    st_list = []
    dinv_list = [dinv0]
    perms = []
    for i in range(1, 4):
        n_prev, n_i = _REAL[i - 1], _REAL[i]
        p_prev, p_i = _PAD[i - 1], _PAD[i]
        top, perm = lax.top_k(s_cur[:n_prev, 0], n_i)
        perms.append(perm)
        perm_pad = jnp.concatenate(
            [perm, n_prev + jnp.arange(p_i - n_i, dtype=perm.dtype)])
        top_pad = jnp.concatenate([top, jnp.zeros((p_i - n_i,), f32)])

        perm_col = perm_pad[:, None].astype(jnp.int32)
        if i == 1:
            g = a_cur[perm_pad]
            gt = at_cur[perm_pad]
        else:
            g = _sc_gather_rows(a_cur, perm_pad.astype(jnp.int32))
            gt = _sc_gather_rows(at_cur, perm_pad.astype(jnp.int32))

        if i < 3:
            s_mat = _smm(g, gt, perm_col)
            st_mat = _transpose(s_mat)
            deg = _colsum(s_mat)[0, :n_i] + 2.0
        else:
            st_mat = _smm(gt, g, perm_col)
            s_mat = None
            deg = _rowsum(st_mat)[:n_i, 0] + 2.0
        dinv = _pad_col(1.0 / jnp.sqrt(deg), p_i)
        fix = _pad_col(jnp.full((n_i,), 2.0, f32), p_i)

        xp = _sc_gather_rows(x_cur, perm_pad.astype(jnp.int32))
        if i < 3:
            sw, invn = score_params(i + 1)
        else:
            sw, invn = None, None
        z = _mm_rowscale(xp, p['dw%d' % i], dinv, premul=top_pad[:, None])
        x_cur, s_cur = _spmm_gcn(st_mat, z, dinv, fix,
                                 p['db%d' % i][None, :], relu=True,
                                 score_w=sw, score_invn=invn)
        if i < 3:
            xs.append(x_cur)
            st_list.append(st_mat)
            dinv_list.append(dinv)
        a_cur, at_cur = s_mat, st_mat

    ats = [a0t_bf] + st_list
    fix2 = _pad_col(jnp.full((_REAL[2],), 2.0, f32), _PAD[2])
    fix1 = _pad_col(jnp.full((_REAL[1],), 2.0, f32), _PAD[1])
    fixes = [fix0, fix1, fix2]
    for i in range(3):
        j = 2 - i
        k_rows = _REAL[j + 1]
        p_prev = _PAD[j]
        invp = jnp.zeros((p_prev,), jnp.int32).at[perms[j]].set(
            1 + jnp.arange(k_rows, dtype=jnp.int32))
        ga = x_cur[jnp.maximum(invp - 1, 0)]
        sel = (invp > 0).astype(f32)[:, None]
        z = _mm_rowscale(xs[j], p['uw%d' % i], dinv_list[j],
                         addend=ga, addend_scale=sel)
        x_cur, _ = _spmm_gcn(ats[j], z, dinv_list[j], fixes[j],
                             p['ub%d' % i][None, :], relu=(i < 2))

    out = _head(x_cur, p['w1'], p['b1'][None, :], p['w2'], p['b2'][None, :],
                p['w3'], p['b3'][None, :])
    return out[:_N]

# --- scband reference (transcript-rebuilt; emitter-appended) ---
"""Pipeline reference for scband-graph-unet-33397665694061 (READ-ONLY COPY).

The authoritative reference and input builder live on the scoring server;
editing this copy changes nothing except your own understanding.
"""

import jax, jax.numpy as jnp
import numpy as np
import math

N = 5000
E = 80000
INP = 3
HID = 256
OUT = 40
DEPTH = 3
RATIOS = [0.4, 0.5, 0.5]


def _k(i):
    return jax.random.fold_in(jax.random.key(0), i)


def _glorot(key, shape):
    lim = math.sqrt(6.0 / (shape[0] + shape[1]))
    return jax.random.uniform(key, shape, jnp.float32, -lim, lim)


def setup_inputs() -> dict:
    pos = jax.random.normal(_k(1), (N, INP), dtype=jnp.float32)
    edge_index = jax.random.randint(_k(2), (2, E), 0, N, dtype=jnp.int32)
    params = {}
    dims = [(INP, HID)] + [(HID, HID)] * DEPTH
    for i, (a, b) in enumerate(dims):
        params['dw%d' % i] = _glorot(_k(10 + i), (a, b))
        params['db%d' % i] = jnp.zeros((b,), jnp.float32)
    for i in range(1, DEPTH + 1):
        params['pw%d' % i] = _glorot(_k(20 + i), (1, HID))[0]
    for i in range(DEPTH):
        params['uw%d' % i] = _glorot(_k(30 + i), (HID, HID))
        params['ub%d' % i] = jnp.zeros((HID,), jnp.float32)
    params['w1'] = _glorot(_k(40), (HID, HID)); params['b1'] = jnp.zeros((HID,), jnp.float32)
    params['w2'] = _glorot(_k(41), (HID, HID)); params['b2'] = jnp.zeros((HID,), jnp.float32)
    params['w3'] = _glorot(_k(42), (HID, OUT)); params['b3'] = jnp.zeros((OUT,), jnp.float32)
    return {'pos': pos, 'edge_index': edge_index, 'params': params}


def _gcn(A, x, W, b):
    # GCNConv(improved=True): add_remaining_self_loops with fill_value=2.0,
    # deg from dst (col) sums, symmetric normalization, aggregate at dst.
    d = jnp.diag(A)
    Ah = A + jnp.diag(jnp.where(d != 0, 0.0, 2.0))
    deg = Ah.sum(axis=0)
    dinv = jnp.where(deg > 0, 1.0 / jnp.sqrt(jnp.where(deg > 0, deg, 1.0)), 0.0)
    Nh = dinv[:, None] * Ah * dinv[None, :]
    return Nh.T @ (x @ W) + b


def _augment(A):
    # remove_self_loops -> add_self_loops(w=1) -> spspmm(A, A) -> remove_self_loops
    n = A.shape[0]
    eye = jnp.eye(n, dtype=A.dtype)
    A1 = A * (1.0 - eye) + eye
    A2 = A1 @ A1
    return A2 * (1.0 - eye)


def _pool(A, x, w, ratio):
    # TopKPooling: score = tanh((x*w).sum(-1)/||w||); keep top ceil(ratio*N)
    k = int(math.ceil(ratio * A.shape[0]))
    score = jnp.tanh((x * w).sum(-1) / jnp.linalg.norm(w))
    top, perm = jax.lax.top_k(score, k)
    return A[perm][:, perm], x[perm] * top[:, None], perm


def _forward(pos, A0, p):
    # GraphUNet (depth=3, sum_res=True, act=relu); dropout_adj is identity in eval.
    x = jax.nn.relu(_gcn(A0, pos, p['dw0'], p['db0']))
    xs = [x]; As = [A0]; perms = []
    A = A0
    for i in range(1, DEPTH + 1):
        A = _augment(A)
        A, x, perm = _pool(A, x, p['pw%d' % i], RATIOS[i - 1])
        x = jax.nn.relu(_gcn(A, x, p['dw%d' % i], p['db%d' % i]))
        if i < DEPTH:
            xs.append(x); As.append(A)
        perms.append(perm)
    for i in range(DEPTH):
        j = DEPTH - 1 - i
        up = jnp.zeros_like(xs[j]).at[perms[j]].set(x)
        x = xs[j] + up
        x = _gcn(As[j], x, p['uw%d' % i], p['ub%d' % i])
        if i < DEPTH - 1:
            x = jax.nn.relu(x)
    x = x @ p['w1'] + p['b1']
    x = jax.nn.relu(x) @ p['w2'] + p['b2']
    x = x @ p['w3'] + p['b3']
    return jax.nn.log_softmax(x, axis=1)


def reference(pos, edge_index, params):
    A0 = jnp.zeros((N, N), jnp.float32).at[edge_index[0], edge_index[1]].add(1.0)
    return _forward(pos, A0, params)

if __name__ == "__main__":
    import jax
    _d = setup_inputs()
    print(jax.jit(kernel)(*tuple(_d.values())))

</pallas_src>

<mosaic_0001>
#map = affine_map<(d0, d1) -> (0, 0)>
#map1 = affine_map<(d0, d1) -> (0)>
module attributes {stable_mosaic.version = 14 : i64} {
  func.func @k(%arg0: i32, %arg1: i32, %arg2: memref<5120x256xf32, #tpu.memory_space<hbm>>, %arg3: memref<2048xi32, #tpu.memory_space<hbm>>, %arg4: memref<2048x256xf32, #tpu.memory_space<hbm>>, %arg5: memref<64xi32, #tpu.memory_space<vmem>>, %arg6: memref<64x256xf32, #tpu.memory_space<vmem>>, %arg7: memref<!tpu.dma_semaphore, #tpu.memory_space<semaphore_mem>>) attributes {dimension_semantics = [#tpu.dimension_semantics<core_parallel>, #tpu.dimension_semantics<subcore_parallel>], iteration_bounds = array<i64: 2, 16>, scalar_prefetch = 0 : i64, scratch_operands = 3 : i64, tpu.core_type = #tpu.core_type<sc_vector_subcore>, window_params = [{transform_indices = #map}, {transform_indices = #map1}, {transform_indices = #map}]} {
    %mul3A = arith.constant 2 : i32
    %mul3A_0 = arith.muli %arg1, %mul3A : i32
    %add3A = arith.addi %mul3A_0, %arg0 : i32
    %mul3A_1 = arith.constant 64 : i32
    %mul3A_2 = arith.muli %add3A, %mul3A_1 : i32
    "tpu.region"() ({
      %run_scoped3A = tpu.sem_alloc : memref<!tpu.dma_semaphore, #tpu.memory_space<semaphore_mem>>
      %dma_start3A_7 = tpu.memref_slice %arg3[%mul3A_2] : memref<2048xi32, #tpu.memory_space<hbm>> -> memref<64xi32, #tpu.memory_space<hbm>>
      %dma_start3A_8 = tpu.memref_slice %arg3[%mul3A_2] : memref<2048xi32, #tpu.memory_space<hbm>> -> memref<64xi32, #tpu.memory_space<hbm>>
      tpu.enqueue_dma source(%dma_start3A_8 : memref<64xi32, #tpu.memory_space<hbm>>) target(%arg5 : memref<64xi32, #tpu.memory_space<vmem>>) target_semaphore(%run_scoped3A : memref<!tpu.dma_semaphore, #tpu.memory_space<semaphore_mem>>)
      %dma_wait3A_9 = tpu.memref_slice %arg3[%mul3A_2] : memref<2048xi32, #tpu.memory_space<hbm>> -> memref<64xi32, #tpu.memory_space<hbm>>
      %dma_wait3A_10 = tpu.memref_slice %arg3[%mul3A_2] : memref<2048xi32, #tpu.memory_space<hbm>> -> memref<64xi32, #tpu.memory_space<hbm>>
      tpu.wait_dma2 semaphore(%run_scoped3A : memref<!tpu.dma_semaphore, #tpu.memory_space<semaphore_mem>>) src(%dma_wait3A_10 : memref<64xi32, #tpu.memory_space<hbm>>) dst(%arg5 : memref<64xi32, #tpu.memory_space<vmem>>)
      tpu.yield
    }) : () -> ()
    %dma_start3A = arith.constant 0 : i32
    %dma_start3A_3 = arith.constant 0 : i32
    %dma_start3A_4 = tpu.memref_slice %arg2[%dma_start3A, %dma_start3A_3] : memref<5120x256xf32, #tpu.memory_space<hbm>> -> memref<5120x256xf32, #tpu.memory_space<hbm>>
    tpu.enqueue_indirect_dma source(%dma_start3A_4 : memref<5120x256xf32, #tpu.memory_space<hbm>>) target(%arg6 : memref<64x256xf32, #tpu.memory_space<vmem>>) offsets(%arg5 : memref<64xi32, #tpu.memory_space<vmem>>) semaphore(%arg7 : memref<!tpu.dma_semaphore, #tpu.memory_space<semaphore_mem>>)
    %dma_wait3A = arith.constant 0 : i32
    %dma_wait3A_5 = arith.constant 0 : i32
    %dma_wait3A_6 = tpu.memref_slice %arg2[%dma_wait3A, %dma_wait3A_5] : memref<5120x256xf32, #tpu.memory_space<hbm>> -> memref<5120x256xf32, #tpu.memory_space<hbm>>
    tpu.wait_indirect_dma semaphore(%arg7 : memref<!tpu.dma_semaphore, #tpu.memory_space<semaphore_mem>>) src(%dma_wait3A_6 : memref<5120x256xf32, #tpu.memory_space<hbm>>) dst(%arg6 : memref<64x256xf32, #tpu.memory_space<vmem>>)
    "tpu.region"() ({
      %run_scoped3A = tpu.sem_alloc : memref<!tpu.dma_semaphore, #tpu.memory_space<semaphore_mem>>
      %dma_start3A_7 = arith.constant 0 : i32
      %dma_start3A_8 = tpu.memref_slice %arg4[%mul3A_2, %dma_start3A_7] : memref<2048x256xf32, #tpu.memory_space<hbm>> -> memref<64x256xf32, #tpu.memory_space<hbm>>
      %dma_start3A_9 = arith.constant 0 : i32
      %dma_start3A_10 = tpu.memref_slice %arg4[%mul3A_2, %dma_start3A_9] : memref<2048x256xf32, #tpu.memory_space<hbm>> -> memref<64x256xf32, #tpu.memory_space<hbm>>
      tpu.enqueue_dma source(%arg6 : memref<64x256xf32, #tpu.memory_space<vmem>>) target(%dma_start3A_10 : memref<64x256xf32, #tpu.memory_space<hbm>>) target_semaphore(%run_scoped3A : memref<!tpu.dma_semaphore, #tpu.memory_space<semaphore_mem>>)
      %dma_wait3A_11 = arith.constant 0 : i32
      %dma_wait3A_12 = tpu.memref_slice %arg4[%mul3A_2, %dma_wait3A_11] : memref<2048x256xf32, #tpu.memory_space<hbm>> -> memref<64x256xf32, #tpu.memory_space<hbm>>
      %dma_wait3A_13 = arith.constant 0 : i32
      %dma_wait3A_14 = tpu.memref_slice %arg4[%mul3A_2, %dma_wait3A_13] : memref<2048x256xf32, #tpu.memory_space<hbm>> -> memref<64x256xf32, #tpu.memory_space<hbm>>
      tpu.wait_dma2 semaphore(%run_scoped3A : memref<!tpu.dma_semaphore, #tpu.memory_space<semaphore_mem>>) src(%arg6 : memref<64x256xf32, #tpu.memory_space<vmem>>) dst(%dma_wait3A_14 : memref<64x256xf32, #tpu.memory_space<hbm>>)
      tpu.yield
    }) : () -> ()
    return
  }
}

#map = affine_map<(d0, d1) -> (0, 0)>
#map1 = affine_map<(d0, d1) -> (0)>
module attributes {stable_mosaic.version = 14 : i64} {
  func.func @k(%arg0: i32, %arg1: i32, %arg2: memref<2048x2048xf32, #tpu.memory_space<hbm>>, %arg3: memref<1024xi32, #tpu.memory_space<hbm>>, %arg4: memref<1024x2048xf32, #tpu.memory_space<hbm>>, %arg5: memref<32xi32, #tpu.memory_space<vmem>>, %arg6: memref<32x2048xf32, #tpu.memory_space<vmem>>, %arg7: memref<!tpu.dma_semaphore, #tpu.memory_space<semaphore_mem>>) attributes {dimension_semantics = [#tpu.dimension_semantics<core_parallel>, #tpu.dimension_semantics<subcore_parallel>], iteration_bounds = array<i64: 2, 16>, scalar_prefetch = 0 : i64, scratch_operands = 3 : i64, tpu.core_type = #tpu.core_type<sc_vector_subcore>, window_params = [{transform_indices = #map}, {transform_indices = #map1}, {transform_indices = #map}]} {
    %mul3A = arith.constant 2 : i32
    %mul3A_0 = arith.muli %arg1, %mul3A : i32
    %add3A = arith.addi %mul3A_0, %arg0 : i32
    %mul3A_1 = arith.constant 32 : i32
    %mul3A_2 = arith.muli %add3A, %mul3A_1 : i32
    "tpu.region"() ({
      %run_scoped3A = tpu.sem_alloc : memref<!tpu.dma_semaphore, #tpu.memory_space<semaphore_mem>>
      %dma_start3A_7 = tpu.memref_slice %arg3[%mul3A_2] : memref<1024xi32, #tpu.memory_space<hbm>> -> memref<32xi32, #tpu.memory_space<hbm>>
      %dma_start3A_8 = tpu.memref_slice %arg3[%mul3A_2] : memref<1024xi32, #tpu.memory_space<hbm>> -> memref<32xi32, #tpu.memory_space<hbm>>
      tpu.enqueue_dma source(%dma_start3A_8 : memref<32xi32, #tpu.memory_space<hbm>>) target(%arg5 : memref<32xi32, #tpu.memory_space<vmem>>) target_semaphore(%run_scoped3A : memref<!tpu.dma_semaphore, #tpu.memory_space<semaphore_mem>>)
      %dma_wait3A_9 = tpu.memref_slice %arg3[%mul3A_2] : memref<1024xi32, #tpu.memory_space<hbm>> -> memref<32xi32, #tpu.memory_space<hbm>>
      %dma_wait3A_10 = tpu.memref_slice %arg3[%mul3A_2] : memref<1024xi32, #tpu.memory_space<hbm>> -> memref<32xi32, #tpu.memory_space<hbm>>
      tpu.wait_dma2 semaphore(%run_scoped3A : memref<!tpu.dma_semaphore, #tpu.memory_space<semaphore_mem>>) src(%dma_wait3A_10 : memref<32xi32, #tpu.memory_space<hbm>>) dst(%arg5 : memref<32xi32, #tpu.memory_space<vmem>>)
      tpu.yield
    }) : () -> ()
    %dma_start3A = arith.constant 0 : i32
    %dma_start3A_3 = arith.constant 0 : i32
    %dma_start3A_4 = tpu.memref_slice %arg2[%dma_start3A, %dma_start3A_3] : memref<2048x2048xf32, #tpu.memory_space<hbm>> -> memref<2048x2048xf32, #tpu.memory_space<hbm>>
    tpu.enqueue_indirect_dma source(%dma_start3A_4 : memref<2048x2048xf32, #tpu.memory_space<hbm>>) target(%arg6 : memref<32x2048xf32, #tpu.memory_space<vmem>>) offsets(%arg5 : memref<32xi32, #tpu.memory_space<vmem>>) semaphore(%arg7 : memref<!tpu.dma_semaphore, #tpu.memory_space<semaphore_mem>>)
    %dma_wait3A = arith.constant 0 : i32
    %dma_wait3A_5 = arith.constant 0 : i32
    %dma_wait3A_6 = tpu.memref_slice %arg2[%dma_wait3A, %dma_wait3A_5] : memref<2048x2048xf32, #tpu.memory_space<hbm>> -> memref<2048x2048xf32, #tpu.memory_space<hbm>>
    tpu.wait_indirect_dma semaphore(%arg7 : memref<!tpu.dma_semaphore, #tpu.memory_space<semaphore_mem>>) src(%dma_wait3A_6 : memref<2048x2048xf32, #tpu.memory_space<hbm>>) dst(%arg6 : memref<32x2048xf32, #tpu.memory_space<vmem>>)
    "tpu.region"() ({
      %run_scoped3A = tpu.sem_alloc : memref<!tpu.dma_semaphore, #tpu.memory_space<semaphore_mem>>
      %dma_start3A_7 = arith.constant 0 : i32
      %dma_start3A_8 = tpu.memref_slice %arg4[%mul3A_2, %dma_start3A_7] : memref<1024x2048xf32, #tpu.memory_space<hbm>> -> memref<32x2048xf32, #tpu.memory_space<hbm>>
      %dma_start3A_9 = arith.constant 0 : i32
      %dma_start3A_10 = tpu.memref_slice %arg4[%mul3A_2, %dma_start3A_9] : memref<1024x2048xf32, #tpu.memory_space<hbm>> -> memref<32x2048xf32, #tpu.memory_space<hbm>>
      tpu.enqueue_dma source(%arg6 : memref<32x2048xf32, #tpu.memory_space<vmem>>) target(%dma_start3A_10 : memref<32x2048xf32, #tpu.memory_space<hbm>>) target_semaphore(%run_scoped3A : memref<!tpu.dma_semaphore, #tpu.memory_space<semaphore_mem>>)
      %dma_wait3A_11 = arith.constant 0 : i32
      %dma_wait3A_12 = tpu.memref_slice %arg4[%mul3A_2, %dma_wait3A_11] : memref<1024x2048xf32, #tpu.memory_space<hbm>> -> memref<32x2048xf32, #tpu.memory_space<hbm>>
      %dma_wait3A_13 = arith.constant 0 : i32
      %dma_wait3A_14 = tpu.memref_slice %arg4[%mul3A_2, %dma_wait3A_13] : memref<1024x2048xf32, #tpu.memory_space<hbm>> -> memref<32x2048xf32, #tpu.memory_space<hbm>>
      tpu.wait_dma2 semaphore(%run_scoped3A : memref<!tpu.dma_semaphore, #tpu.memory_space<semaphore_mem>>) src(%arg6 : memref<32x2048xf32, #tpu.memory_space<vmem>>) dst(%dma_wait3A_14 : memref<32x2048xf32, #tpu.memory_space<hbm>>)
      tpu.yield
    }) : () -> ()
    return
  }
}

#map = affine_map<(d0, d1) -> (0, 0)>
#map1 = affine_map<(d0, d1) -> (0)>
module attributes {stable_mosaic.version = 14 : i64} {
  func.func @k(%arg0: i32, %arg1: i32, %arg2: memref<2048x2048xf32, #tpu.memory_space<hbm>>, %arg3: memref<1024xi32, #tpu.memory_space<hbm>>, %arg4: memref<1024x2048xf32, #tpu.memory_space<hbm>>, %arg5: memref<32xi32, #tpu.memory_space<vmem>>, %arg6: memref<32x2048xf32, #tpu.memory_space<vmem>>, %arg7: memref<!tpu.dma_semaphore, #tpu.memory_space<semaphore_mem>>) attributes {dimension_semantics = [#tpu.dimension_semantics<core_parallel>, #tpu.dimension_semantics<subcore_parallel>], iteration_bounds = array<i64: 2, 16>, scalar_prefetch = 0 : i64, scratch_operands = 3 : i64, tpu.core_type = #tpu.core_type<sc_vector_subcore>, window_params = [{transform_indices = #map}, {transform_indices = #map1}, {transform_indices = #map}]} {
    %mul3A = arith.constant 2 : i32
    %mul3A_0 = arith.muli %arg1, %mul3A : i32
    %add3A = arith.addi %mul3A_0, %arg0 : i32
    %mul3A_1 = arith.constant 32 : i32
    %mul3A_2 = arith.muli %add3A, %mul3A_1 : i32
    "tpu.region"() ({
      %run_scoped3A = tpu.sem_alloc : memref<!tpu.dma_semaphore, #tpu.memory_space<semaphore_mem>>
      %dma_start3A_7 = tpu.memref_slice %arg3[%mul3A_2] : memref<1024xi32, #tpu.memory_space<hbm>> -> memref<32xi32, #tpu.memory_space<hbm>>
      %dma_start3A_8 = tpu.memref_slice %arg3[%mul3A_2] : memref<1024xi32, #tpu.memory_space<hbm>> -> memref<32xi32, #tpu.memory_space<hbm>>
      tpu.enqueue_dma source(%dma_start3A_8 : memref<32xi32, #tpu.memory_space<hbm>>) target(%arg5 : memref<32xi32, #tpu.memory_space<vmem>>) target_semaphore(%run_scoped3A : memref<!tpu.dma_semaphore, #tpu.memory_space<semaphore_mem>>)
      %dma_wait3A_9 = tpu.memref_slice %arg3[%mul3A_2] : memref<1024xi32, #tpu.memory_space<hbm>> -> memref<32xi32, #tpu.memory_space<hbm>>
      %dma_wait3A_10 = tpu.memref_slice %arg3[%mul3A_2] : memref<1024xi32, #tpu.memory_space<hbm>> -> memref<32xi32, #tpu.memory_space<hbm>>
      tpu.wait_dma2 semaphore(%run_scoped3A : memref<!tpu.dma_semaphore, #tpu.memory_space<semaphore_mem>>) src(%dma_wait3A_10 : memref<32xi32, #tpu.memory_space<hbm>>) dst(%arg5 : memref<32xi32, #tpu.memory_space<vmem>>)
      tpu.yield
    }) : () -> ()
    %dma_start3A = arith.constant 0 : i32
    %dma_start3A_3 = arith.constant 0 : i32
    %dma_start3A_4 = tpu.memref_slice %arg2[%dma_start3A, %dma_start3A_3] : memref<2048x2048xf32, #tpu.memory_space<hbm>> -> memref<2048x2048xf32, #tpu.memory_space<hbm>>
    tpu.enqueue_indirect_dma source(%dma_start3A_4 : memref<2048x2048xf32, #tpu.memory_space<hbm>>) target(%arg6 : memref<32x2048xf32, #tpu.memory_space<vmem>>) offsets(%arg5 : memref<32xi32, #tpu.memory_space<vmem>>) semaphore(%arg7 : memref<!tpu.dma_semaphore, #tpu.memory_space<semaphore_mem>>)
    %dma_wait3A = arith.constant 0 : i32
    %dma_wait3A_5 = arith.constant 0 : i32
    %dma_wait3A_6 = tpu.memref_slice %arg2[%dma_wait3A, %dma_wait3A_5] : memref<2048x2048xf32, #tpu.memory_space<hbm>> -> memref<2048x2048xf32, #tpu.memory_space<hbm>>
    tpu.wait_indirect_dma semaphore(%arg7 : memref<!tpu.dma_semaphore, #tpu.memory_space<semaphore_mem>>) src(%dma_wait3A_6 : memref<2048x2048xf32, #tpu.memory_space<hbm>>) dst(%arg6 : memref<32x2048xf32, #tpu.memory_space<vmem>>)
    "tpu.region"() ({
      %run_scoped3A = tpu.sem_alloc : memref<!tpu.dma_semaphore, #tpu.memory_space<semaphore_mem>>
      %dma_start3A_7 = arith.constant 0 : i32
      %dma_start3A_8 = tpu.memref_slice %arg4[%mul3A_2, %dma_start3A_7] : memref<1024x2048xf32, #tpu.memory_space<hbm>> -> memref<32x2048xf32, #tpu.memory_space<hbm>>
      %dma_start3A_9 = arith.constant 0 : i32
      %dma_start3A_10 = tpu.memref_slice %arg4[%mul3A_2, %dma_start3A_9] : memref<1024x2048xf32, #tpu.memory_space<hbm>> -> memref<32x2048xf32, #tpu.memory_space<hbm>>
      tpu.enqueue_dma source(%arg6 : memref<32x2048xf32, #tpu.memory_space<vmem>>) target(%dma_start3A_10 : memref<32x2048xf32, #tpu.memory_space<hbm>>) target_semaphore(%run_scoped3A : memref<!tpu.dma_semaphore, #tpu.memory_space<semaphore_mem>>)
      %dma_wait3A_11 = arith.constant 0 : i32
      %dma_wait3A_12 = tpu.memref_slice %arg4[%mul3A_2, %dma_wait3A_11] : memref<1024x2048xf32, #tpu.memory_space<hbm>> -> memref<32x2048xf32, #tpu.memory_space<hbm>>
      %dma_wait3A_13 = arith.constant 0 : i32
      %dma_wait3A_14 = tpu.memref_slice %arg4[%mul3A_2, %dma_wait3A_13] : memref<1024x2048xf32, #tpu.memory_space<hbm>> -> memref<32x2048xf32, #tpu.memory_space<hbm>>
      tpu.wait_dma2 semaphore(%run_scoped3A : memref<!tpu.dma_semaphore, #tpu.memory_space<semaphore_mem>>) src(%arg6 : memref<32x2048xf32, #tpu.memory_space<vmem>>) dst(%dma_wait3A_14 : memref<32x2048xf32, #tpu.memory_space<hbm>>)
      tpu.yield
    }) : () -> ()
    return
  }
}

#map = affine_map<(d0, d1) -> (0, 0)>
#map1 = affine_map<(d0, d1) -> (0)>
module attributes {stable_mosaic.version = 14 : i64} {
  func.func @k(%arg0: i32, %arg1: i32, %arg2: memref<2048x256xf32, #tpu.memory_space<hbm>>, %arg3: memref<1024xi32, #tpu.memory_space<hbm>>, %arg4: memref<1024x256xf32, #tpu.memory_space<hbm>>, %arg5: memref<32xi32, #tpu.memory_space<vmem>>, %arg6: memref<32x256xf32, #tpu.memory_space<vmem>>, %arg7: memref<!tpu.dma_semaphore, #tpu.memory_space<semaphore_mem>>) attributes {dimension_semantics = [#tpu.dimension_semantics<core_parallel>, #tpu.dimension_semantics<subcore_parallel>], iteration_bounds = array<i64: 2, 16>, scalar_prefetch = 0 : i64, scratch_operands = 3 : i64, tpu.core_type = #tpu.core_type<sc_vector_subcore>, window_params = [{transform_indices = #map}, {transform_indices = #map1}, {transform_indices = #map}]} {
    %mul3A = arith.constant 2 : i32
    %mul3A_0 = arith.muli %arg1, %mul3A : i32
    %add3A = arith.addi %mul3A_0, %arg0 : i32
    %mul3A_1 = arith.constant 32 : i32
    %mul3A_2 = arith.muli %add3A, %mul3A_1 : i32
    "tpu.region"() ({
      %run_scoped3A = tpu.sem_alloc : memref<!tpu.dma_semaphore, #tpu.memory_space<semaphore_mem>>
      %dma_start3A_7 = tpu.memref_slice %arg3[%mul3A_2] : memref<1024xi32, #tpu.memory_space<hbm>> -> memref<32xi32, #tpu.memory_space<hbm>>
      %dma_start3A_8 = tpu.memref_slice %arg3[%mul3A_2] : memref<1024xi32, #tpu.memory_space<hbm>> -> memref<32xi32, #tpu.memory_space<hbm>>
      tpu.enqueue_dma source(%dma_start3A_8 : memref<32xi32, #tpu.memory_space<hbm>>) target(%arg5 : memref<32xi32, #tpu.memory_space<vmem>>) target_semaphore(%run_scoped3A : memref<!tpu.dma_semaphore, #tpu.memory_space<semaphore_mem>>)
      %dma_wait3A_9 = tpu.memref_slice %arg3[%mul3A_2] : memref<1024xi32, #tpu.memory_space<hbm>> -> memref<32xi32, #tpu.memory_space<hbm>>
      %dma_wait3A_10 = tpu.memref_slice %arg3[%mul3A_2] : memref<1024xi32, #tpu.memory_space<hbm>> -> memref<32xi32, #tpu.memory_space<hbm>>
      tpu.wait_dma2 semaphore(%run_scoped3A : memref<!tpu.dma_semaphore, #tpu.memory_space<semaphore_mem>>) src(%dma_wait3A_10 : memref<32xi32, #tpu.memory_space<hbm>>) dst(%arg5 : memref<32xi32, #tpu.memory_space<vmem>>)
      tpu.yield
    }) : () -> ()
    %dma_start3A = arith.constant 0 : i32
    %dma_start3A_3 = arith.constant 0 : i32
    %dma_start3A_4 = tpu.memref_slice %arg2[%dma_start3A, %dma_start3A_3] : memref<2048x256xf32, #tpu.memory_space<hbm>> -> memref<2048x256xf32, #tpu.memory_space<hbm>>
    tpu.enqueue_indirect_dma source(%dma_start3A_4 : memref<2048x256xf32, #tpu.memory_space<hbm>>) target(%arg6 : memref<32x256xf32, #tpu.memory_space<vmem>>) offsets(%arg5 : memref<32xi32, #tpu.memory_space<vmem>>) semaphore(%arg7 : memref<!tpu.dma_semaphore, #tpu.memory_space<semaphore_mem>>)
    %dma_wait3A = arith.constant 0 : i32
    %dma_wait3A_5 = arith.constant 0 : i32
    %dma_wait3A_6 = tpu.memref_slice %arg2[%dma_wait3A, %dma_wait3A_5] : memref<2048x256xf32, #tpu.memory_space<hbm>> -> memref<2048x256xf32, #tpu.memory_space<hbm>>
    tpu.wait_indirect_dma semaphore(%arg7 : memref<!tpu.dma_semaphore, #tpu.memory_space<semaphore_mem>>) src(%dma_wait3A_6 : memref<2048x256xf32, #tpu.memory_space<hbm>>) dst(%arg6 : memref<32x256xf32, #tpu.memory_space<vmem>>)
    "tpu.region"() ({
      %run_scoped3A = tpu.sem_alloc : memref<!tpu.dma_semaphore, #tpu.memory_space<semaphore_mem>>
      %dma_start3A_7 = arith.constant 0 : i32
      %dma_start3A_8 = tpu.memref_slice %arg4[%mul3A_2, %dma_start3A_7] : memref<1024x256xf32, #tpu.memory_space<hbm>> -> memref<32x256xf32, #tpu.memory_space<hbm>>
      %dma_start3A_9 = arith.constant 0 : i32
      %dma_start3A_10 = tpu.memref_slice %arg4[%mul3A_2, %dma_start3A_9] : memref<1024x256xf32, #tpu.memory_space<hbm>> -> memref<32x256xf32, #tpu.memory_space<hbm>>
      tpu.enqueue_dma source(%arg6 : memref<32x256xf32, #tpu.memory_space<vmem>>) target(%dma_start3A_10 : memref<32x256xf32, #tpu.memory_space<hbm>>) target_semaphore(%run_scoped3A : memref<!tpu.dma_semaphore, #tpu.memory_space<semaphore_mem>>)
      %dma_wait3A_11 = arith.constant 0 : i32
      %dma_wait3A_12 = tpu.memref_slice %arg4[%mul3A_2, %dma_wait3A_11] : memref<1024x256xf32, #tpu.memory_space<hbm>> -> memref<32x256xf32, #tpu.memory_space<hbm>>
      %dma_wait3A_13 = arith.constant 0 : i32
      %dma_wait3A_14 = tpu.memref_slice %arg4[%mul3A_2, %dma_wait3A_13] : memref<1024x256xf32, #tpu.memory_space<hbm>> -> memref<32x256xf32, #tpu.memory_space<hbm>>
      tpu.wait_dma2 semaphore(%run_scoped3A : memref<!tpu.dma_semaphore, #tpu.memory_space<semaphore_mem>>) src(%arg6 : memref<32x256xf32, #tpu.memory_space<vmem>>) dst(%dma_wait3A_14 : memref<32x256xf32, #tpu.memory_space<hbm>>)
      tpu.yield
    }) : () -> ()
    return
  }
}

#map = affine_map<(d0, d1) -> (0, 0)>
#map1 = affine_map<(d0, d1) -> (0)>
module attributes {stable_mosaic.version = 14 : i64} {
  func.func @k(%arg0: i32, %arg1: i32, %arg2: memref<1024x1024xf32, #tpu.memory_space<hbm>>, %arg3: memref<512xi32, #tpu.memory_space<hbm>>, %arg4: memref<512x1024xf32, #tpu.memory_space<hbm>>, %arg5: memref<16xi32, #tpu.memory_space<vmem>>, %arg6: memref<16x1024xf32, #tpu.memory_space<vmem>>, %arg7: memref<!tpu.dma_semaphore, #tpu.memory_space<semaphore_mem>>) attributes {dimension_semantics = [#tpu.dimension_semantics<core_parallel>, #tpu.dimension_semantics<subcore_parallel>], iteration_bounds = array<i64: 2, 16>, scalar_prefetch = 0 : i64, scratch_operands = 3 : i64, tpu.core_type = #tpu.core_type<sc_vector_subcore>, window_params = [{transform_indices = #map}, {transform_indices = #map1}, {transform_indices = #map}]} {
    %mul3A = arith.constant 2 : i32
    %mul3A_0 = arith.muli %arg1, %mul3A : i32
    %add3A = arith.addi %mul3A_0, %arg0 : i32
    %mul3A_1 = arith.constant 16 : i32
    %mul3A_2 = arith.muli %add3A, %mul3A_1 : i32
    "tpu.region"() ({
      %run_scoped3A = tpu.sem_alloc : memref<!tpu.dma_semaphore, #tpu.memory_space<semaphore_mem>>
      %dma_start3A_7 = tpu.memref_slice %arg3[%mul3A_2] : memref<512xi32, #tpu.memory_space<hbm>> -> memref<16xi32, #tpu.memory_space<hbm>>
      %dma_start3A_8 = tpu.memref_slice %arg3[%mul3A_2] : memref<512xi32, #tpu.memory_space<hbm>> -> memref<16xi32, #tpu.memory_space<hbm>>
      tpu.enqueue_dma source(%dma_start3A_8 : memref<16xi32, #tpu.memory_space<hbm>>) target(%arg5 : memref<16xi32, #tpu.memory_space<vmem>>) target_semaphore(%run_scoped3A : memref<!tpu.dma_semaphore, #tpu.memory_space<semaphore_mem>>)
      %dma_wait3A_9 = tpu.memref_slice %arg3[%mul3A_2] : memref<512xi32, #tpu.memory_space<hbm>> -> memref<16xi32, #tpu.memory_space<hbm>>
      %dma_wait3A_10 = tpu.memref_slice %arg3[%mul3A_2] : memref<512xi32, #tpu.memory_space<hbm>> -> memref<16xi32, #tpu.memory_space<hbm>>
      tpu.wait_dma2 semaphore(%run_scoped3A : memref<!tpu.dma_semaphore, #tpu.memory_space<semaphore_mem>>) src(%dma_wait3A_10 : memref<16xi32, #tpu.memory_space<hbm>>) dst(%arg5 : memref<16xi32, #tpu.memory_space<vmem>>)
      tpu.yield
    }) : () -> ()
    %dma_start3A = arith.constant 0 : i32
    %dma_start3A_3 = arith.constant 0 : i32
    %dma_start3A_4 = tpu.memref_slice %arg2[%dma_start3A, %dma_start3A_3] : memref<1024x1024xf32, #tpu.memory_space<hbm>> -> memref<1024x1024xf32, #tpu.memory_space<hbm>>
    tpu.enqueue_indirect_dma source(%dma_start3A_4 : memref<1024x1024xf32, #tpu.memory_space<hbm>>) target(%arg6 : memref<16x1024xf32, #tpu.memory_space<vmem>>) offsets(%arg5 : memref<16xi32, #tpu.memory_space<vmem>>) semaphore(%arg7 : memref<!tpu.dma_semaphore, #tpu.memory_space<semaphore_mem>>)
    %dma_wait3A = arith.constant 0 : i32
    %dma_wait3A_5 = arith.constant 0 : i32
    %dma_wait3A_6 = tpu.memref_slice %arg2[%dma_wait3A, %dma_wait3A_5] : memref<1024x1024xf32, #tpu.memory_space<hbm>> -> memref<1024x1024xf32, #tpu.memory_space<hbm>>
    tpu.wait_indirect_dma semaphore(%arg7 : memref<!tpu.dma_semaphore, #tpu.memory_space<semaphore_mem>>) src(%dma_wait3A_6 : memref<1024x1024xf32, #tpu.memory_space<hbm>>) dst(%arg6 : memref<16x1024xf32, #tpu.memory_space<vmem>>)
    "tpu.region"() ({
      %run_scoped3A = tpu.sem_alloc : memref<!tpu.dma_semaphore, #tpu.memory_space<semaphore_mem>>
      %dma_start3A_7 = arith.constant 0 : i32
      %dma_start3A_8 = tpu.memref_slice %arg4[%mul3A_2, %dma_start3A_7] : memref<512x1024xf32, #tpu.memory_space<hbm>> -> memref<16x1024xf32, #tpu.memory_space<hbm>>
      %dma_start3A_9 = arith.constant 0 : i32
      %dma_start3A_10 = tpu.memref_slice %arg4[%mul3A_2, %dma_start3A_9] : memref<512x1024xf32, #tpu.memory_space<hbm>> -> memref<16x1024xf32, #tpu.memory_space<hbm>>
      tpu.enqueue_dma source(%arg6 : memref<16x1024xf32, #tpu.memory_space<vmem>>) target(%dma_start3A_10 : memref<16x1024xf32, #tpu.memory_space<hbm>>) target_semaphore(%run_scoped3A : memref<!tpu.dma_semaphore, #tpu.memory_space<semaphore_mem>>)
      %dma_wait3A_11 = arith.constant 0 : i32
      %dma_wait3A_12 = tpu.memref_slice %arg4[%mul3A_2, %dma_wait3A_11] : memref<512x1024xf32, #tpu.memory_space<hbm>> -> memref<16x1024xf32, #tpu.memory_space<hbm>>
      %dma_wait3A_13 = arith.constant 0 : i32
      %dma_wait3A_14 = tpu.memref_slice %arg4[%mul3A_2, %dma_wait3A_13] : memref<512x1024xf32, #tpu.memory_space<hbm>> -> memref<16x1024xf32, #tpu.memory_space<hbm>>
      tpu.wait_dma2 semaphore(%run_scoped3A : memref<!tpu.dma_semaphore, #tpu.memory_space<semaphore_mem>>) src(%arg6 : memref<16x1024xf32, #tpu.memory_space<vmem>>) dst(%dma_wait3A_14 : memref<16x1024xf32, #tpu.memory_space<hbm>>)
      tpu.yield
    }) : () -> ()
    return
  }
}

#map = affine_map<(d0, d1) -> (0, 0)>
#map1 = affine_map<(d0, d1) -> (0)>
module attributes {stable_mosaic.version = 14 : i64} {
  func.func @k(%arg0: i32, %arg1: i32, %arg2: memref<1024x1024xf32, #tpu.memory_space<hbm>>, %arg3: memref<512xi32, #tpu.memory_space<hbm>>, %arg4: memref<512x1024xf32, #tpu.memory_space<hbm>>, %arg5: memref<16xi32, #tpu.memory_space<vmem>>, %arg6: memref<16x1024xf32, #tpu.memory_space<vmem>>, %arg7: memref<!tpu.dma_semaphore, #tpu.memory_space<semaphore_mem>>) attributes {dimension_semantics = [#tpu.dimension_semantics<core_parallel>, #tpu.dimension_semantics<subcore_parallel>], iteration_bounds = array<i64: 2, 16>, scalar_prefetch = 0 : i64, scratch_operands = 3 : i64, tpu.core_type = #tpu.core_type<sc_vector_subcore>, window_params = [{transform_indices = #map}, {transform_indices = #map1}, {transform_indices = #map}]} {
    %mul3A = arith.constant 2 : i32
    %mul3A_0 = arith.muli %arg1, %mul3A : i32
    %add3A = arith.addi %mul3A_0, %arg0 : i32
    %mul3A_1 = arith.constant 16 : i32
    %mul3A_2 = arith.muli %add3A, %mul3A_1 : i32
    "tpu.region"() ({
      %run_scoped3A = tpu.sem_alloc : memref<!tpu.dma_semaphore, #tpu.memory_space<semaphore_mem>>
      %dma_start3A_7 = tpu.memref_slice %arg3[%mul3A_2] : memref<512xi32, #tpu.memory_space<hbm>> -> memref<16xi32, #tpu.memory_space<hbm>>
      %dma_start3A_8 = tpu.memref_slice %arg3[%mul3A_2] : memref<512xi32, #tpu.memory_space<hbm>> -> memref<16xi32, #tpu.memory_space<hbm>>
      tpu.enqueue_dma source(%dma_start3A_8 : memref<16xi32, #tpu.memory_space<hbm>>) target(%arg5 : memref<16xi32, #tpu.memory_space<vmem>>) target_semaphore(%run_scoped3A : memref<!tpu.dma_semaphore, #tpu.memory_space<semaphore_mem>>)
      %dma_wait3A_9 = tpu.memref_slice %arg3[%mul3A_2] : memref<512xi32, #tpu.memory_space<hbm>> -> memref<16xi32, #tpu.memory_space<hbm>>
      %dma_wait3A_10 = tpu.memref_slice %arg3[%mul3A_2] : memref<512xi32, #tpu.memory_space<hbm>> -> memref<16xi32, #tpu.memory_space<hbm>>
      tpu.wait_dma2 semaphore(%run_scoped3A : memref<!tpu.dma_semaphore, #tpu.memory_space<semaphore_mem>>) src(%dma_wait3A_10 : memref<16xi32, #tpu.memory_space<hbm>>) dst(%arg5 : memref<16xi32, #tpu.memory_space<vmem>>)
      tpu.yield
    }) : () -> ()
    %dma_start3A = arith.constant 0 : i32
    %dma_start3A_3 = arith.constant 0 : i32
    %dma_start3A_4 = tpu.memref_slice %arg2[%dma_start3A, %dma_start3A_3] : memref<1024x1024xf32, #tpu.memory_space<hbm>> -> memref<1024x1024xf32, #tpu.memory_space<hbm>>
    tpu.enqueue_indirect_dma source(%dma_start3A_4 : memref<1024x1024xf32, #tpu.memory_space<hbm>>) target(%arg6 : memref<16x1024xf32, #tpu.memory_space<vmem>>) offsets(%arg5 : memref<16xi32, #tpu.memory_space<vmem>>) semaphore(%arg7 : memref<!tpu.dma_semaphore, #tpu.memory_space<semaphore_mem>>)
    %dma_wait3A = arith.constant 0 : i32
    %dma_wait3A_5 = arith.constant 0 : i32
    %dma_wait3A_6 = tpu.memref_slice %arg2[%dma_wait3A, %dma_wait3A_5] : memref<1024x1024xf32, #tpu.memory_space<hbm>> -> memref<1024x1024xf32, #tpu.memory_space<hbm>>
    tpu.wait_indirect_dma semaphore(%arg7 : memref<!tpu.dma_semaphore, #tpu.memory_space<semaphore_mem>>) src(%dma_wait3A_6 : memref<1024x1024xf32, #tpu.memory_space<hbm>>) dst(%arg6 : memref<16x1024xf32, #tpu.memory_space<vmem>>)
    "tpu.region"() ({
      %run_scoped3A = tpu.sem_alloc : memref<!tpu.dma_semaphore, #tpu.memory_space<semaphore_mem>>
      %dma_start3A_7 = arith.constant 0 : i32
      %dma_start3A_8 = tpu.memref_slice %arg4[%mul3A_2, %dma_start3A_7] : memref<512x1024xf32, #tpu.memory_space<hbm>> -> memref<16x1024xf32, #tpu.memory_space<hbm>>
      %dma_start3A_9 = arith.constant 0 : i32
      %dma_start3A_10 = tpu.memref_slice %arg4[%mul3A_2, %dma_start3A_9] : memref<512x1024xf32, #tpu.memory_space<hbm>> -> memref<16x1024xf32, #tpu.memory_space<hbm>>
      tpu.enqueue_dma source(%arg6 : memref<16x1024xf32, #tpu.memory_space<vmem>>) target(%dma_start3A_10 : memref<16x1024xf32, #tpu.memory_space<hbm>>) target_semaphore(%run_scoped3A : memref<!tpu.dma_semaphore, #tpu.memory_space<semaphore_mem>>)
      %dma_wait3A_11 = arith.constant 0 : i32
      %dma_wait3A_12 = tpu.memref_slice %arg4[%mul3A_2, %dma_wait3A_11] : memref<512x1024xf32, #tpu.memory_space<hbm>> -> memref<16x1024xf32, #tpu.memory_space<hbm>>
      %dma_wait3A_13 = arith.constant 0 : i32
      %dma_wait3A_14 = tpu.memref_slice %arg4[%mul3A_2, %dma_wait3A_13] : memref<512x1024xf32, #tpu.memory_space<hbm>> -> memref<16x1024xf32, #tpu.memory_space<hbm>>
      tpu.wait_dma2 semaphore(%run_scoped3A : memref<!tpu.dma_semaphore, #tpu.memory_space<semaphore_mem>>) src(%arg6 : memref<16x1024xf32, #tpu.memory_space<vmem>>) dst(%dma_wait3A_14 : memref<16x1024xf32, #tpu.memory_space<hbm>>)
      tpu.yield
    }) : () -> ()
    return
  }
}

#map = affine_map<(d0, d1) -> (0, 0)>
#map1 = affine_map<(d0, d1) -> (0)>
module attributes {stable_mosaic.version = 14 : i64} {
  func.func @k(%arg0: i32, %arg1: i32, %arg2: memref<1024x256xf32, #tpu.memory_space<hbm>>, %arg3: memref<512xi32, #tpu.memory_space<hbm>>, %arg4: memref<512x256xf32, #tpu.memory_space<hbm>>, %arg5: memref<16xi32, #tpu.memory_space<vmem>>, %arg6: memref<16x256xf32, #tpu.memory_space<vmem>>, %arg7: memref<!tpu.dma_semaphore, #tpu.memory_space<semaphore_mem>>) attributes {dimension_semantics = [#tpu.dimension_semantics<core_parallel>, #tpu.dimension_semantics<subcore_parallel>], iteration_bounds = array<i64: 2, 16>, scalar_prefetch = 0 : i64, scratch_operands = 3 : i64, tpu.core_type = #tpu.core_type<sc_vector_subcore>, window_params = [{transform_indices = #map}, {transform_indices = #map1}, {transform_indices = #map}]} {
    %mul3A = arith.constant 2 : i32
    %mul3A_0 = arith.muli %arg1, %mul3A : i32
    %add3A = arith.addi %mul3A_0, %arg0 : i32
    %mul3A_1 = arith.constant 16 : i32
    %mul3A_2 = arith.muli %add3A, %mul3A_1 : i32
    "tpu.region"() ({
      %run_scoped3A = tpu.sem_alloc : memref<!tpu.dma_semaphore, #tpu.memory_space<semaphore_mem>>
      %dma_start3A_7 = tpu.memref_slice %arg3[%mul3A_2] : memref<512xi32, #tpu.memory_space<hbm>> -> memref<16xi32, #tpu.memory_space<hbm>>
      %dma_start3A_8 = tpu.memref_slice %arg3[%mul3A_2] : memref<512xi32, #tpu.memory_space<hbm>> -> memref<16xi32, #tpu.memory_space<hbm>>
      tpu.enqueue_dma source(%dma_start3A_8 : memref<16xi32, #tpu.memory_space<hbm>>) target(%arg5 : memref<16xi32, #tpu.memory_space<vmem>>) target_semaphore(%run_scoped3A : memref<!tpu.dma_semaphore, #tpu.memory_space<semaphore_mem>>)
      %dma_wait3A_9 = tpu.memref_slice %arg3[%mul3A_2] : memref<512xi32, #tpu.memory_space<hbm>> -> memref<16xi32, #tpu.memory_space<hbm>>
      %dma_wait3A_10 = tpu.memref_slice %arg3[%mul3A_2] : memref<512xi32, #tpu.memory_space<hbm>> -> memref<16xi32, #tpu.memory_space<hbm>>
      tpu.wait_dma2 semaphore(%run_scoped3A : memref<!tpu.dma_semaphore, #tpu.memory_space<semaphore_mem>>) src(%dma_wait3A_10 : memref<16xi32, #tpu.memory_space<hbm>>) dst(%arg5 : memref<16xi32, #tpu.memory_space<vmem>>)
      tpu.yield
    }) : () -> ()
    %dma_start3A = arith.constant 0 : i32
    %dma_start3A_3 = arith.constant 0 : i32
    %dma_start3A_4 = tpu.memref_slice %arg2[%dma_start3A, %dma_start3A_3] : memref<1024x256xf32, #tpu.memory_space<hbm>> -> memref<1024x256xf32, #tpu.memory_space<hbm>>
    tpu.enqueue_indirect_dma source(%dma_start3A_4 : memref<1024x256xf32, #tpu.memory_space<hbm>>) target(%arg6 : memref<16x256xf32, #tpu.memory_space<vmem>>) offsets(%arg5 : memref<16xi32, #tpu.memory_space<vmem>>) semaphore(%arg7 : memref<!tpu.dma_semaphore, #tpu.memory_space<semaphore_mem>>)
    %dma_wait3A = arith.constant 0 : i32
    %dma_wait3A_5 = arith.constant 0 : i32
    %dma_wait3A_6 = tpu.memref_slice %arg2[%dma_wait3A, %dma_wait3A_5] : memref<1024x256xf32, #tpu.memory_space<hbm>> -> memref<1024x256xf32, #tpu.memory_space<hbm>>
    tpu.wait_indirect_dma semaphore(%arg7 : memref<!tpu.dma_semaphore, #tpu.memory_space<semaphore_mem>>) src(%dma_wait3A_6 : memref<1024x256xf32, #tpu.memory_space<hbm>>) dst(%arg6 : memref<16x256xf32, #tpu.memory_space<vmem>>)
    "tpu.region"() ({
      %run_scoped3A = tpu.sem_alloc : memref<!tpu.dma_semaphore, #tpu.memory_space<semaphore_mem>>
      %dma_start3A_7 = arith.constant 0 : i32
      %dma_start3A_8 = tpu.memref_slice %arg4[%mul3A_2, %dma_start3A_7] : memref<512x256xf32, #tpu.memory_space<hbm>> -> memref<16x256xf32, #tpu.memory_space<hbm>>
      %dma_start3A_9 = arith.constant 0 : i32
      %dma_start3A_10 = tpu.memref_slice %arg4[%mul3A_2, %dma_start3A_9] : memref<512x256xf32, #tpu.memory_space<hbm>> -> memref<16x256xf32, #tpu.memory_space<hbm>>
      tpu.enqueue_dma source(%arg6 : memref<16x256xf32, #tpu.memory_space<vmem>>) target(%dma_start3A_10 : memref<16x256xf32, #tpu.memory_space<hbm>>) target_semaphore(%run_scoped3A : memref<!tpu.dma_semaphore, #tpu.memory_space<semaphore_mem>>)
      %dma_wait3A_11 = arith.constant 0 : i32
      %dma_wait3A_12 = tpu.memref_slice %arg4[%mul3A_2, %dma_wait3A_11] : memref<512x256xf32, #tpu.memory_space<hbm>> -> memref<16x256xf32, #tpu.memory_space<hbm>>
      %dma_wait3A_13 = arith.constant 0 : i32
      %dma_wait3A_14 = tpu.memref_slice %arg4[%mul3A_2, %dma_wait3A_13] : memref<512x256xf32, #tpu.memory_space<hbm>> -> memref<16x256xf32, #tpu.memory_space<hbm>>
      tpu.wait_dma2 semaphore(%run_scoped3A : memref<!tpu.dma_semaphore, #tpu.memory_space<semaphore_mem>>) src(%arg6 : memref<16x256xf32, #tpu.memory_space<vmem>>) dst(%dma_wait3A_14 : memref<16x256xf32, #tpu.memory_space<hbm>>)
      tpu.yield
    }) : () -> ()
    return
  }
}

module attributes {stable_mosaic.version = 14 : i64} {
  func.func @_tr2_kernel(%arg0: i32, %arg1: i32, %arg2: memref<512x512xf32, #tpu.memory_space<vmem>>, %arg3: memref<512x512xf32, #tpu.memory_space<vmem>>, %arg4: memref<512x512xbf16, #tpu.memory_space<vmem>>) attributes {dimension_semantics = [#tpu.dimension_semantics<arbitrary>, #tpu.dimension_semantics<arbitrary>], iteration_bounds = array<i64: 10, 10>, scalar_prefetch = 0 : i64, scratch_operands = 0 : i64, tpu.core_type = #tpu.core_type<tc>, window_params = [{transform_indices = @transform_0, window_bounds = array<i64: 512, 512>}, {transform_indices = @transform_1, window_bounds = array<i64: 512, 512>}, {transform_indices = @transform_2, window_bounds = array<i64: 512, 512>}]} {
    %get3A = arith.constant 0 : index
    %get3A_0 = arith.constant 0 : index
    %get3A_1 = vector.load %arg2[%get3A, %get3A_0] : memref<512x512xf32, #tpu.memory_space<vmem>>, vector<512x512xf32>
    %transpose3A = tpu.transpose %get3A_1, [1, 0] : vector<512x512xf32> -> vector<512x512xf32>
    %swap3A = arith.constant 0 : index
    %swap3A_2 = arith.constant 0 : index
    %swap3A_3 = vector.load %arg3[%swap3A, %swap3A_2] : memref<512x512xf32, #tpu.memory_space<vmem>>, vector<512x512xf32>
    tpu.vector_store %arg3[%swap3A, %swap3A_2], %transpose3A {strides = array<i32>} : memref<512x512xf32, #tpu.memory_space<vmem>>, vector<512x512xf32>,
    %convert_element_type3A = arith.truncf %transpose3A : vector<512x512xf32> to vector<512x512xbf16>
    %swap3A_4 = arith.constant 0 : index
    %swap3A_5 = arith.constant 0 : index
    %swap3A_6 = vector.load %arg4[%swap3A_4, %swap3A_5] : memref<512x512xbf16, #tpu.memory_space<vmem>>, vector<512x512xbf16>
    tpu.vector_store %arg4[%swap3A_4, %swap3A_5], %convert_element_type3A {strides = array<i32>} : memref<512x512xbf16, #tpu.memory_space<vmem>>, vector<512x512xbf16>,
    return
  }
  func.func @transform_0(%arg0: i32, %arg1: i32) -> (i32, i32) {
    %c0_i32 = arith.constant 0 : i32
    return %arg1, %arg0 : i32, i32
  }
  func.func @transform_1(%arg0: i32, %arg1: i32) -> (i32, i32) {
    %c0_i32 = arith.constant 0 : i32
    return %arg0, %arg1 : i32, i32
  }
  func.func @transform_2(%arg0: i32, %arg1: i32) -> (i32, i32) {
    %c0_i32 = arith.constant 0 : i32
    return %arg0, %arg1 : i32, i32
  }
}

module attributes {stable_mosaic.version = 14 : i64} {
  func.func @_colsum_kernel(%arg0: i32, %arg1: i32, %arg2: memref<1024x1024xf32, #tpu.memory_space<vmem>>, %arg3: memref<1x1024xf32, #tpu.memory_space<vmem>>) attributes {dimension_semantics = [#tpu.dimension_semantics<arbitrary>, #tpu.dimension_semantics<arbitrary>], iteration_bounds = array<i64: 5, 5>, scalar_prefetch = 0 : i64, scratch_operands = 0 : i64, tpu.core_type = #tpu.core_type<tc>, window_params = [{transform_indices = @transform_0, window_bounds = array<i64: 1024, 1024>}, {transform_indices = @transform_1, window_bounds = array<i64: 1, 1024>}]} {
    %eq3A = arith.constant 0 : i32
    %eq3A_0 = arith.cmpi eq, %arg1, %eq3A : i32
    %convert_element_type3A = arith.extui %eq3A_0 : i1 to i32
    %cond3A = arith.constant 0 : i32
    %cond3A_1 = arith.cmpi ne, %convert_element_type3A, %cond3A : i32
    scf.if %cond3A_1 {
      %broadcast_in_dim3A_10 = arith.constant 0.000000e+00 : f32
      %broadcast_in_dim3A_11 = vector.broadcast %broadcast_in_dim3A_10 : f32 to vector<1x1024xf32>
      %swap3A_12 = arith.constant 0 : index
      %swap3A_13 = arith.constant 0 : index
      %swap3A_14 = vector.load %arg3[%swap3A_12, %swap3A_13] : memref<1x1024xf32, #tpu.memory_space<vmem>>, vector<1x1024xf32>
      tpu.vector_store %arg3[%swap3A_12, %swap3A_13], %broadcast_in_dim3A_11 {strides = array<i32>} : memref<1x1024xf32, #tpu.memory_space<vmem>>, vector<1x1024xf32>,
    } else {
    }
    %get3A = arith.constant 0 : index
    %get3A_2 = arith.constant 0 : index
    %get3A_3 = vector.load %arg3[%get3A, %get3A_2] : memref<1x1024xf32, #tpu.memory_space<vmem>>, vector<1x1024xf32>
    %get3A_4 = arith.constant 0 : index
    %get3A_5 = arith.constant 0 : index
    %get3A_6 = vector.load %arg2[%get3A_4, %get3A_5] : memref<1024x1024xf32, #tpu.memory_space<vmem>>, vector<1024x1024xf32>
    %reduce_sum3A = arith.constant dense<0.000000e+00> : vector<1024xf32>
    %reduce_sum3A_7 = vector.multi_reduction <add>, %get3A_6, %reduce_sum3A [0] : vector<1024x1024xf32> to vector<1024xf32>
    %broadcast_in_dim3A = vector.shape_cast %reduce_sum3A_7 : vector<1024xf32> to vector<1x1024xf32>
    %add3A = arith.addf %get3A_3, %broadcast_in_dim3A : vector<1x1024xf32>
    %swap3A = arith.constant 0 : index
    %swap3A_8 = arith.constant 0 : index
    %swap3A_9 = vector.load %arg3[%swap3A, %swap3A_8] : memref<1x1024xf32, #tpu.memory_space<vmem>>, vector<1x1024xf32>
    tpu.vector_store %arg3[%swap3A, %swap3A_8], %add3A {strides = array<i32>} : memref<1x1024xf32, #tpu.memory_space<vmem>>, vector<1x1024xf32>,
    return
  }
  func.func @transform_0(%arg0: i32, %arg1: i32) -> (i32, i32) {
    %c0_i32 = arith.constant 0 : i32
    return %arg1, %arg0 : i32, i32
  }
  func.func @transform_1(%arg0: i32, %arg1: i32) -> (i32, i32) {
    %c0_i32 = arith.constant 0 : i32
    %c0_i32_0 = arith.constant 0 : i32
    return %c0_i32, %arg0 : i32, i32
  }
}

module attributes {stable_mosaic.version = 14 : i64} {
  func.func @_diag_kernel(%arg0: i32, %arg1: memref<512x512xf32, #tpu.memory_space<vmem>>, %arg2: memref<1x512xf32, #tpu.memory_space<vmem>>) attributes {dimension_semantics = [#tpu.dimension_semantics<arbitrary>], iteration_bounds = array<i64: 10>, scalar_prefetch = 0 : i64, scratch_operands = 0 : i64, tpu.core_type = #tpu.core_type<tc>, window_params = [{transform_indices = @transform_0, window_bounds = array<i64: 512, 512>}, {transform_indices = @transform_1, window_bounds = array<i64: 1, 512>}]} {
    %iota3A = tpu.iota {dimensions = array<i32: 0>} : vector<512x512xi32>
    %iota3A_0 = tpu.iota {dimensions = array<i32: 1>} : vector<512x512xi32>
    %eq3A = arith.cmpi eq, %iota3A, %iota3A_0 : vector<512x512xi32>
    %get3A = arith.constant 0 : index
    %get3A_1 = arith.constant 0 : index
    %get3A_2 = vector.load %arg1[%get3A, %get3A_1] : memref<512x512xf32, #tpu.memory_space<vmem>>, vector<512x512xf32>
    %jit3A = arith.constant 0.000000e+00 : f32
    %broadcast_in_dim3A = vector.broadcast %jit3A : f32 to vector<512x512xf32>
    %select_n3A = arith.select %eq3A, %get3A_2, %broadcast_in_dim3A : vector<512x512xi1>, vector<512x512xf32>
    %reduce_sum3A = arith.constant dense<0.000000e+00> : vector<512xf32>
    %reduce_sum3A_3 = vector.multi_reduction <add>, %select_n3A, %reduce_sum3A [0] : vector<512x512xf32> to vector<512xf32>
    %broadcast_in_dim3A_4 = vector.shape_cast %reduce_sum3A_3 : vector<512xf32> to vector<1x512xf32>
    %swap3A = arith.constant 0 : index
    %swap3A_5 = arith.constant 0 : index
    %swap3A_6 = vector.load %arg2[%swap3A, %swap3A_5] : memref<1x512xf32, #tpu.memory_space<vmem>>, vector<1x512xf32>
    tpu.vector_store %arg2[%swap3A, %swap3A_5], %broadcast_in_dim3A_4 {strides = array<i32>} : memref<1x512xf32, #tpu.memory_space<vmem>>, vector<1x512xf32>,
    return
  }
  func.func @transform_0(%arg0: i32) -> (i32, i32) {
    %c0_i32 = arith.constant 0 : i32
    return %arg0, %arg0 : i32, i32
  }
  func.func @transform_1(%arg0: i32) -> (i32, i32) {
    %c0_i32 = arith.constant 0 : i32
    %c0_i32_0 = arith.constant 0 : i32
    return %c0_i32, %arg0 : i32, i32
  }
}

module attributes {stable_mosaic.version = 14 : i64} {
  func.func @_mm_rowscale_kernel(%arg0: i32, %arg1: memref<1024x128xf32, #tpu.memory_space<vmem>>, %arg2: memref<128x256xf32, #tpu.memory_space<vmem>>, %arg3: memref<1024x1xf32, #tpu.memory_space<vmem>>, %arg4: memref<1024x1xf32, #tpu.memory_space<vmem>>, %arg5: memref<1024x1xf32, #tpu.memory_space<vmem>>, %arg6: memref<1024x1xf32, #tpu.memory_space<vmem>>, %arg7: memref<1024x256xf32, #tpu.memory_space<vmem>>) attributes {dimension_semantics = [#tpu.dimension_semantics<arbitrary>], iteration_bounds = array<i64: 5>, scalar_prefetch = 0 : i64, scratch_operands = 0 : i64, tpu.core_type = #tpu.core_type<tc>, window_params = [{transform_indices = @transform_0, window_bounds = array<i64: 1024, 128>}, {pipeline_mode = #tpu.pipeline_mode<synchronous>, transform_indices = @transform_1, window_bounds = array<i64: 128, 256>}, {transform_indices = @transform_2, window_bounds = array<i64: 1024, 1>}, {transform_indices = @transform_3, window_bounds = array<i64: 1024, 1>}, {transform_indices = @transform_4, window_bounds = array<i64: 1024, 1>}, {transform_indices = @transform_5, window_bounds = array<i64: 1024, 1>}, {transform_indices = @transform_6, window_bounds = array<i64: 1024, 256>}]} {
    %get3A = arith.constant 0 : index
    %get3A_0 = arith.constant 0 : index
    %get3A_1 = vector.load %arg1[%get3A, %get3A_0] : memref<1024x128xf32, #tpu.memory_space<vmem>>, vector<1024x128xf32>
    %get3A_2 = arith.constant 0 : index
    %get3A_3 = arith.constant 0 : index
    %get3A_4 = vector.load %arg3[%get3A_2, %get3A_3] : memref<1024x1xf32, #tpu.memory_space<vmem>>, vector<1024x1xf32>
    %get3A_5 = arith.constant 0 : index
    %get3A_6 = arith.constant 0 : index
    %get3A_7 = vector.load %arg2[%get3A_5, %get3A_6] : memref<128x256xf32, #tpu.memory_space<vmem>>, vector<128x256xf32>
    %dot_general3A = arith.constant dense<0.000000e+00> : vector<1024x256xf32>
    %dot_general3A_8 = tpu.matmul %get3A_1, %get3A_7, %dot_general3A {dimension_numbers = #tpu.dot_dimension_numbers<[1], [0], [0], [1], [0, 0, 1, 1], [], []>, transpose_lhs_hint = false} : vector<1024x128xf32>, vector<128x256xf32>, vector<1024x256xf32> -> vector<1024x256xf32>
    %mul3A = vector.broadcast %get3A_4 : vector<1024x1xf32> to vector<1024x256xf32>
    %mul3A_9 = arith.mulf %mul3A, %dot_general3A_8 : vector<1024x256xf32>
    %swap3A = arith.constant 0 : index
    %swap3A_10 = arith.constant 0 : index
    %swap3A_11 = vector.load %arg7[%swap3A, %swap3A_10] : memref<1024x256xf32, #tpu.memory_space<vmem>>, vector<1024x256xf32>
    tpu.vector_store %arg7[%swap3A, %swap3A_10], %mul3A_9 {strides = array<i32>} : memref<1024x256xf32, #tpu.memory_space<vmem>>, vector<1024x256xf32>,
    return
  }
  func.func @transform_0(%arg0: i32) -> (i32, i32) {
    %c0_i32 = arith.constant 0 : i32
    %c0_i32_0 = arith.constant 0 : i32
    return %arg0, %c0_i32 : i32, i32
  }
  func.func @transform_1(%arg0: i32) -> (i32, i32) {
    %c0_i32 = arith.constant 0 : i32
    %c0_i32_0 = arith.constant 0 : i32
    %c0_i32_1 = arith.constant 0 : i32
    return %c0_i32, %c0_i32_0 : i32, i32
  }
  func.func @transform_2(%arg0: i32) -> (i32, i32) {
    %c0_i32 = arith.constant 0 : i32
    %c0_i32_0 = arith.constant 0 : i32
    return %arg0, %c0_i32 : i32, i32
  }
  func.func @transform_3(%arg0: i32) -> (i32, i32) {
    %c0_i32 = arith.constant 0 : i32
    %c0_i32_0 = arith.constant 0 : i32
    return %arg0, %c0_i32 : i32, i32
  }
  func.func @transform_4(%arg0: i32) -> (i32, i32) {
    %c0_i32 = arith.constant 0 : i32
    %c0_i32_0 = arith.constant 0 : i32
    return %arg0, %c0_i32 : i32, i32
  }
  func.func @transform_5(%arg0: i32) -> (i32, i32) {
    %c0_i32 = arith.constant 0 : i32
    %c0_i32_0 = arith.constant 0 : i32
    return %arg0, %c0_i32 : i32, i32
  }
  func.func @transform_6(%arg0: i32) -> (i32, i32) {
    %c0_i32 = arith.constant 0 : i32
    %c0_i32_0 = arith.constant 0 : i32
    return %arg0, %c0_i32 : i32, i32
  }
}

module attributes {stable_mosaic.version = 14 : i64} {
  func.func @_spmm_kernel(%arg0: i32, %arg1: i32, %arg2: memref<1024x1024xbf16, #tpu.memory_space<vmem>>, %arg3: memref<1024x256xf32, #tpu.memory_space<vmem>>, %arg4: memref<1024x256xf32, #tpu.memory_space<vmem>>, %arg5: memref<1024x1xf32, #tpu.memory_space<vmem>>, %arg6: memref<1024x1xf32, #tpu.memory_space<vmem>>, %arg7: memref<1x256xf32, #tpu.memory_space<vmem>>, %arg8: memref<1x256xf32, #tpu.memory_space<vmem>>, %arg9: memref<1x1xf32, #tpu.memory_space<vmem>>, %arg10: memref<1024x256xf32, #tpu.memory_space<vmem>>, %arg11: memref<1024x1xf32, #tpu.memory_space<vmem>>, %arg12: memref<1024x256xf32, #tpu.memory_space<vmem>>) attributes {dimension_semantics = [#tpu.dimension_semantics<parallel>, #tpu.dimension_semantics<arbitrary>], iteration_bounds = array<i64: 5, 5>, scalar_prefetch = 0 : i64, scratch_operands = 1 : i64, tpu.core_type = #tpu.core_type<tc>, window_params = [{transform_indices = @transform_0, window_bounds = array<i64: 1024, 1024>}, {transform_indices = @transform_1, window_bounds = array<i64: 1024, 256>}, {transform_indices = @transform_2, window_bounds = array<i64: 1024, 256>}, {transform_indices = @transform_3, window_bounds = array<i64: 1024, 1>}, {transform_indices = @transform_4, window_bounds = array<i64: 1024, 1>}, {pipeline_mode = #tpu.pipeline_mode<synchronous>, transform_indices = @transform_5, window_bounds = array<i64: 1, 256>}, {pipeline_mode = #tpu.pipeline_mode<synchronous>, transform_indices = @transform_6, window_bounds = array<i64: 1, 256>}, {pipeline_mode = #tpu.pipeline_mode<synchronous>, transform_indices = @transform_7, window_bounds = array<i64: 1, 1>}, {transform_indices = @transform_8, window_bounds = array<i64: 1024, 256>}, {transform_indices = @transform_9, window_bounds = array<i64: 1024, 1>}]} {
    %eq3A = arith.constant 0 : i32
    %eq3A_0 = arith.cmpi eq, %arg1, %eq3A : i32
    %convert_element_type3A = arith.extui %eq3A_0 : i1 to i32
    %cond3A = arith.constant 0 : i32
    %cond3A_1 = arith.cmpi ne, %convert_element_type3A, %cond3A : i32
    scf.if %cond3A_1 {
      %broadcast_in_dim3A = arith.constant 0.000000e+00 : f32
      %broadcast_in_dim3A_19 = vector.broadcast %broadcast_in_dim3A : f32 to vector<1024x256xf32>
      %swap3A_20 = arith.constant 0 : index
      %swap3A_21 = arith.constant 0 : index
      %swap3A_22 = vector.load %arg12[%swap3A_20, %swap3A_21] : memref<1024x256xf32, #tpu.memory_space<vmem>>, vector<1024x256xf32>
      tpu.vector_store %arg12[%swap3A_20, %swap3A_21], %broadcast_in_dim3A_19 {strides = array<i32>} : memref<1024x256xf32, #tpu.memory_space<vmem>>, vector<1024x256xf32>,
    } else {
    }
    %get3A = arith.constant 0 : index
    %get3A_2 = arith.constant 0 : index
    %get3A_3 = vector.load %arg12[%get3A, %get3A_2] : memref<1024x256xf32, #tpu.memory_space<vmem>>, vector<1024x256xf32>
    %get3A_4 = arith.constant 0 : index
    %get3A_5 = arith.constant 0 : index
    %get3A_6 = vector.load %arg2[%get3A_4, %get3A_5] : memref<1024x1024xbf16, #tpu.memory_space<vmem>>, vector<1024x1024xbf16>
    %convert_element_type3A_7 = arith.extf %get3A_6 : vector<1024x1024xbf16> to vector<1024x1024xf32>
    %get3A_8 = arith.constant 0 : index
    %get3A_9 = arith.constant 0 : index
    %get3A_10 = vector.load %arg3[%get3A_8, %get3A_9] : memref<1024x256xf32, #tpu.memory_space<vmem>>, vector<1024x256xf32>
    %dot_general3A = arith.constant dense<0.000000e+00> : vector<1024x256xf32>
    %dot_general3A_11 = tpu.matmul %convert_element_type3A_7, %get3A_10, %dot_general3A {dimension_numbers = #tpu.dot_dimension_numbers<[1], [0], [0], [1], [0, 0, 1, 1], [], []>, transpose_lhs_hint = false} : vector<1024x1024xf32>, vector<1024x256xf32>, vector<1024x256xf32> -> vector<1024x256xf32>
    %add3A = arith.addf %get3A_3, %dot_general3A_11 : vector<1024x256xf32>
    %swap3A = arith.constant 0 : index
    %swap3A_12 = arith.constant 0 : index
    %swap3A_13 = vector.load %arg12[%swap3A, %swap3A_12] : memref<1024x256xf32, #tpu.memory_space<vmem>>, vector<1024x256xf32>
    tpu.vector_store %arg12[%swap3A, %swap3A_12], %add3A {strides = array<i32>} : memref<1024x256xf32, #tpu.memory_space<vmem>>, vector<1024x256xf32>,
    %eq3A_14 = arith.constant 4 : i32
    %eq3A_15 = arith.cmpi eq, %arg1, %eq3A_14 : i32
    %convert_element_type3A_16 = arith.extui %eq3A_15 : i1 to i32
    %cond3A_17 = arith.constant 0 : i32
    %cond3A_18 = arith.cmpi ne, %convert_element_type3A_16, %cond3A_17 : i32
    scf.if %cond3A_18 {
      %get3A_19 = arith.constant 0 : index
      %get3A_20 = arith.constant 0 : index
      %get3A_21 = vector.load %arg5[%get3A_19, %get3A_20] : memref<1024x1xf32, #tpu.memory_space<vmem>>, vector<1024x1xf32>
      %get3A_22 = arith.constant 0 : index
      %get3A_23 = arith.constant 0 : index
      %get3A_24 = vector.load %arg12[%get3A_22, %get3A_23] : memref<1024x256xf32, #tpu.memory_space<vmem>>, vector<1024x256xf32>
      %get3A_25 = arith.constant 0 : index
      %get3A_26 = arith.constant 0 : index
      %get3A_27 = vector.load %arg6[%get3A_25, %get3A_26] : memref<1024x1xf32, #tpu.memory_space<vmem>>, vector<1024x1xf32>
      %get3A_28 = vector.shape_cast %get3A_27 : vector<1024x1xf32> to vector<1024x1xf32>
      %get3A_29 = arith.constant 0 : index
      %get3A_30 = arith.constant 0 : index
      %get3A_31 = vector.load %arg4[%get3A_29, %get3A_30] : memref<1024x256xf32, #tpu.memory_space<vmem>>, vector<1024x256xf32>
      %mul3A = vector.broadcast %get3A_28 : vector<1024x1xf32> to vector<1024x256xf32>
      %mul3A_32 = arith.mulf %mul3A, %get3A_31 : vector<1024x256xf32>
      %add3A_33 = arith.addf %get3A_24, %mul3A_32 : vector<1024x256xf32>
      %mul3A_34 = vector.broadcast %get3A_21 : vector<1024x1xf32> to vector<1024x256xf32>
      %mul3A_35 = arith.mulf %mul3A_34, %add3A_33 : vector<1024x256xf32>
      %get3A_36 = arith.constant 0 : index
      %get3A_37 = arith.constant 0 : index
      %get3A_38 = vector.load %arg7[%get3A_36, %get3A_37] : memref<1x256xf32, #tpu.memory_space<vmem>>, vector<1x256xf32>
      %add3A_39 = vector.broadcast %get3A_38 : vector<1x256xf32> to vector<1024x256xf32>
      %add3A_40 = arith.addf %mul3A_35, %add3A_39 : vector<1024x256xf32>
      %max3A = arith.constant 0.000000e+00 : f32
      %max3A_41 = vector.broadcast %max3A : f32 to vector<1024x256xf32>
      %max3A_42 = arith.maximumf %add3A_40, %max3A_41 : vector<1024x256xf32>
      %swap3A_43 = arith.constant 0 : index
      %swap3A_44 = arith.constant 0 : index
      %swap3A_45 = vector.load %arg10[%swap3A_43, %swap3A_44] : memref<1024x256xf32, #tpu.memory_space<vmem>>, vector<1024x256xf32>
      tpu.vector_store %arg10[%swap3A_43, %swap3A_44], %max3A_42 {strides = array<i32>} : memref<1024x256xf32, #tpu.memory_space<vmem>>, vector<1024x256xf32>,
      %get3A_46 = arith.constant 0 : index
      %get3A_47 = arith.constant 0 : index
      %get3A_48 = vector.load %arg8[%get3A_46, %get3A_47] : memref<1x256xf32, #tpu.memory_space<vmem>>, vector<1x256xf32>
      %mul3A_49 = vector.broadcast %get3A_48 : vector<1x256xf32> to vector<1024x256xf32>
      %mul3A_50 = arith.mulf %max3A_42, %mul3A_49 : vector<1024x256xf32>
      %reduce_sum3A = arith.constant dense<0.000000e+00> : vector<1024xf32>
      %reduce_sum3A_51 = vector.multi_reduction <add>, %mul3A_50, %reduce_sum3A [1] : vector<1024x256xf32> to vector<1024xf32>
      %broadcast_in_dim3A = vector.shape_cast %reduce_sum3A_51 : vector<1024xf32> to vector<1024x1xf32>
      %get3A_52 = arith.constant 0 : index
      %get3A_53 = arith.constant 0 : index
      %get3A_54 = vector.load %arg9[%get3A_52, %get3A_53] : memref<1x1xf32, #tpu.memory_space<vmem>>, vector<1x1xf32>
      %mul3A_55 = vector.broadcast %get3A_54 : vector<1x1xf32> to vector<1024x1xf32>
      %mul3A_56 = arith.mulf %broadcast_in_dim3A, %mul3A_55 : vector<1024x1xf32>
      %tanh3A = math.tanh %mul3A_56 : vector<1024x1xf32>
      %swap3A_57 = arith.constant 0 : index
      %swap3A_58 = arith.constant 0 : index
      %swap3A_59 = vector.load %arg11[%swap3A_57, %swap3A_58] : memref<1024x1xf32, #tpu.memory_space<vmem>>, vector<1024x1xf32>
      tpu.vector_store %arg11[%swap3A_57, %swap3A_58], %tanh3A {strides = array<i32>} : memref<1024x1xf32, #tpu.memory_space<vmem>>, vector<1024x1xf32>,
    } else {
    }
    return
  }
  func.func @transform_0(%arg0: i32, %arg1: i32) -> (i32, i32) {
    %c0_i32 = arith.constant 0 : i32
    return %arg0, %arg1 : i32, i32
  }
  func.func @transform_1(%arg0: i32, %arg1: i32) -> (i32, i32) {
    %c0_i32 = arith.constant 0 : i32
    %c0_i32_0 = arith.constant 0 : i32
    return %arg1, %c0_i32 : i32, i32
  }
  func.func @transform_2(%arg0: i32, %arg1: i32) -> (i32, i32) {
    %c0_i32 = arith.constant 0 : i32
    %c0_i32_0 = arith.constant 0 : i32
    return %arg0, %c0_i32 : i32, i32
  }
  func.func @transform_3(%arg0: i32, %arg1: i32) -> (i32, i32) {
    %c0_i32 = arith.constant 0 : i32
    %c0_i32_0 = arith.constant 0 : i32
    return %arg0, %c0_i32 : i32, i32
  }
  func.func @transform_4(%arg0: i32, %arg1: i32) -> (i32, i32) {
    %c0_i32 = arith.constant 0 : i32
    %c0_i32_0 = arith.constant 0 : i32
    return %arg0, %c0_i32 : i32, i32
  }
  func.func @transform_5(%arg0: i32, %arg1: i32) -> (i32, i32) {
    %c0_i32 = arith.constant 0 : i32
    %c0_i32_0 = arith.constant 0 : i32
    %c0_i32_1 = arith.constant 0 : i32
    return %c0_i32, %c0_i32_0 : i32, i32
  }
  func.func @transform_6(%arg0: i32, %arg1: i32) -> (i32, i32) {
    %c0_i32 = arith.constant 0 : i32
    %c0_i32_0 = arith.constant 0 : i32
    %c0_i32_1 = arith.constant 0 : i32
    return %c0_i32, %c0_i32_0 : i32, i32
  }
  func.func @transform_7(%arg0: i32, %arg1: i32) -> (i32, i32) {
    %c0_i32 = arith.constant 0 : i32
    %c0_i32_0 = arith.constant 0 : i32
    %c0_i32_1 = arith.constant 0 : i32
    return %c0_i32, %c0_i32_0 : i32, i32
  }
  func.func @transform_8(%arg0: i32, %arg1: i32) -> (i32, i32) {
    %c0_i32 = arith.constant 0 : i32
    %c0_i32_0 = arith.constant 0 : i32
    return %arg0, %c0_i32 : i32, i32
  }
  func.func @transform_9(%arg0: i32, %arg1: i32) -> (i32, i32) {
    %c0_i32 = arith.constant 0 : i32
    %c0_i32_0 = arith.constant 0 : i32
    return %arg0, %c0_i32 : i32, i32
  }
}

module attributes {stable_mosaic.version = 14 : i64} {
  func.func @_smm_kernel(%arg0: i32, %arg1: i32, %arg2: i32, %arg3: memref<1024x512xf32, #tpu.memory_space<vmem>>, %arg4: memref<1024x512xf32, #tpu.memory_space<vmem>>, %arg5: memref<1024x1xi32, #tpu.memory_space<vmem>>, %arg6: memref<1024x1xi32, #tpu.memory_space<vmem>>, %arg7: memref<1024x1024xf32, #tpu.memory_space<vmem>>, %arg8: memref<1024x1024xf32, #tpu.memory_space<vmem>>) attributes {dimension_semantics = [#tpu.dimension_semantics<parallel>, #tpu.dimension_semantics<parallel>, #tpu.dimension_semantics<arbitrary>], iteration_bounds = array<i64: 2, 2, 10>, scalar_prefetch = 0 : i64, scratch_operands = 1 : i64, tpu.core_type = #tpu.core_type<tc>, window_params = [{transform_indices = @transform_0, window_bounds = array<i64: 1024, 512>}, {transform_indices = @transform_1, window_bounds = array<i64: 1024, 512>}, {transform_indices = @transform_2, window_bounds = array<i64: 1024, 1>}, {transform_indices = @transform_3, window_bounds = array<i64: 1024, 1>}, {transform_indices = @transform_4, window_bounds = array<i64: 1024, 1024>}]} {
    %eq3A = arith.constant 0 : i32
    %eq3A_0 = arith.cmpi eq, %arg2, %eq3A : i32
    %convert_element_type3A = arith.extui %eq3A_0 : i1 to i32
    %cond3A = arith.constant 0 : i32
    %cond3A_1 = arith.cmpi ne, %convert_element_type3A, %cond3A : i32
    scf.if %cond3A_1 {
      %broadcast_in_dim3A_41 = arith.constant 0.000000e+00 : f32
      %broadcast_in_dim3A_42 = vector.broadcast %broadcast_in_dim3A_41 : f32 to vector<1024x1024xf32>
      %swap3A_43 = arith.constant 0 : index
      %swap3A_44 = arith.constant 0 : index
      %swap3A_45 = vector.load %arg8[%swap3A_43, %swap3A_44] : memref<1024x1024xf32, #tpu.memory_space<vmem>>, vector<1024x1024xf32>
      tpu.vector_store %arg8[%swap3A_43, %swap3A_44], %broadcast_in_dim3A_42 {strides = array<i32>} : memref<1024x1024xf32, #tpu.memory_space<vmem>>, vector<1024x1024xf32>,
    } else {
    }
    %mul3A = arith.constant 512 : i32
    %mul3A_2 = arith.muli %arg2, %mul3A : i32
    %iota3A = tpu.iota {dimensions = array<i32: 1>} : vector<1024x512xi32>
    %add3A = vector.broadcast %mul3A_2 : i32 to vector<1024x512xi32>
    %add3A_3 = arith.addi %add3A, %iota3A : vector<1024x512xi32>
    %get3A = arith.constant 0 : index
    %get3A_4 = arith.constant 0 : index
    %get3A_5 = vector.load %arg5[%get3A, %get3A_4] : memref<1024x1xi32, #tpu.memory_space<vmem>>, vector<1024x1xi32>
    %eq3A_6 = vector.broadcast %get3A_5 : vector<1024x1xi32> to vector<1024x512xi32>
    %eq3A_7 = arith.cmpi eq, %eq3A_6, %add3A_3 : vector<1024x512xi32>
    %get3A_8 = arith.constant 0 : index
    %get3A_9 = arith.constant 0 : index
    %get3A_10 = vector.load %arg3[%get3A_8, %get3A_9] : memref<1024x512xf32, #tpu.memory_space<vmem>>, vector<1024x512xf32>
    %jit3A = arith.constant 1.000000e+00 : f32
    %broadcast_in_dim3A = vector.broadcast %jit3A : f32 to vector<1024x512xf32>
    %select_n3A = arith.select %eq3A_7, %broadcast_in_dim3A, %get3A_10 : vector<1024x512xi1>, vector<1024x512xf32>
    %convert_element_type3A_11 = arith.truncf %select_n3A : vector<1024x512xf32> to vector<1024x512xbf16>
    %mul3A_12 = arith.constant 512 : i32
    %mul3A_13 = arith.muli %arg2, %mul3A_12 : i32
    %iota3A_14 = tpu.iota {dimensions = array<i32: 1>} : vector<1024x512xi32>
    %add3A_15 = vector.broadcast %mul3A_13 : i32 to vector<1024x512xi32>
    %add3A_16 = arith.addi %add3A_15, %iota3A_14 : vector<1024x512xi32>
    %get3A_17 = arith.constant 0 : index
    %get3A_18 = arith.constant 0 : index
    %get3A_19 = vector.load %arg6[%get3A_17, %get3A_18] : memref<1024x1xi32, #tpu.memory_space<vmem>>, vector<1024x1xi32>
    %eq3A_20 = vector.broadcast %get3A_19 : vector<1024x1xi32> to vector<1024x512xi32>
    %eq3A_21 = arith.cmpi eq, %eq3A_20, %add3A_16 : vector<1024x512xi32>
    %get3A_22 = arith.constant 0 : index
    %get3A_23 = arith.constant 0 : index
    %get3A_24 = vector.load %arg4[%get3A_22, %get3A_23] : memref<1024x512xf32, #tpu.memory_space<vmem>>, vector<1024x512xf32>
    %jit3A_25 = arith.constant 1.000000e+00 : f32
    %broadcast_in_dim3A_26 = vector.broadcast %jit3A_25 : f32 to vector<1024x512xf32>
    %select_n3A_27 = arith.select %eq3A_21, %broadcast_in_dim3A_26, %get3A_24 : vector<1024x512xi1>, vector<1024x512xf32>
    %convert_element_type3A_28 = arith.truncf %select_n3A_27 : vector<1024x512xf32> to vector<1024x512xbf16>
    %get3A_29 = arith.constant 0 : index
    %get3A_30 = arith.constant 0 : index
    %get3A_31 = vector.load %arg8[%get3A_29, %get3A_30] : memref<1024x1024xf32, #tpu.memory_space<vmem>>, vector<1024x1024xf32>
    %dot_general3A = arith.constant dense<0.000000e+00> : vector<1024x1024xf32>
    %dot_general3A_32 = tpu.matmul %convert_element_type3A_11, %convert_element_type3A_28, %dot_general3A {dimension_numbers = #tpu.dot_dimension_numbers<[1], [1], [0], [0], [0, 0, 1, 0], [], []>, transpose_lhs_hint = false} : vector<1024x512xbf16>, vector<1024x512xbf16>, vector<1024x1024xf32> -> vector<1024x1024xf32>
    %add3A_33 = arith.addf %get3A_31, %dot_general3A_32 : vector<1024x1024xf32>
    %swap3A = arith.constant 0 : index
    %swap3A_34 = arith.constant 0 : index
    %swap3A_35 = vector.load %arg8[%swap3A, %swap3A_34] : memref<1024x1024xf32, #tpu.memory_space<vmem>>, vector<1024x1024xf32>
    tpu.vector_store %arg8[%swap3A, %swap3A_34], %add3A_33 {strides = array<i32>} : memref<1024x1024xf32, #tpu.memory_space<vmem>>, vector<1024x1024xf32>,
    %eq3A_36 = arith.constant 9 : i32
    %eq3A_37 = arith.cmpi eq, %arg2, %eq3A_36 : i32
    %convert_element_type3A_38 = arith.extui %eq3A_37 : i1 to i32
    %cond3A_39 = arith.constant 0 : i32
    %cond3A_40 = arith.cmpi ne, %convert_element_type3A_38, %cond3A_39 : i32
    scf.if %cond3A_40 {
      %mul3A_41 = arith.constant 1024 : i32
      %mul3A_42 = arith.muli %arg0, %mul3A_41 : i32
      %iota3A_43 = tpu.iota {dimensions = array<i32: 0>} : vector<1024x1024xi32>
      %add3A_44 = vector.broadcast %mul3A_42 : i32 to vector<1024x1024xi32>
      %add3A_45 = arith.addi %add3A_44, %iota3A_43 : vector<1024x1024xi32>
      %mul3A_46 = arith.constant 1024 : i32
      %mul3A_47 = arith.muli %arg1, %mul3A_46 : i32
      %iota3A_48 = tpu.iota {dimensions = array<i32: 1>} : vector<1024x1024xi32>
      %add3A_49 = vector.broadcast %mul3A_47 : i32 to vector<1024x1024xi32>
      %add3A_50 = arith.addi %add3A_49, %iota3A_48 : vector<1024x1024xi32>
      %eq3A_51 = arith.cmpi eq, %add3A_45, %add3A_50 : vector<1024x1024xi32>
      %get3A_52 = arith.constant 0 : index
      %get3A_53 = arith.constant 0 : index
      %get3A_54 = vector.load %arg8[%get3A_52, %get3A_53] : memref<1024x1024xf32, #tpu.memory_space<vmem>>, vector<1024x1024xf32>
      %jit3A_55 = arith.constant 0.000000e+00 : f32
      %broadcast_in_dim3A_56 = vector.broadcast %jit3A_55 : f32 to vector<1024x1024xf32>
      %select_n3A_57 = arith.select %eq3A_51, %broadcast_in_dim3A_56, %get3A_54 : vector<1024x1024xi1>, vector<1024x1024xf32>
      %swap3A_58 = arith.constant 0 : index
      %swap3A_59 = arith.constant 0 : index
      %swap3A_60 = vector.load %arg7[%swap3A_58, %swap3A_59] : memref<1024x1024xf32, #tpu.memory_space<vmem>>, vector<1024x1024xf32>
      tpu.vector_store %arg7[%swap3A_58, %swap3A_59], %select_n3A_57 {strides = array<i32>} : memref<1024x1024xf32, #tpu.memory_space<vmem>>, vector<1024x1024xf32>,
    } else {
    }
    return
  }
  func.func @transform_0(%arg0: i32, %arg1: i32, %arg2: i32) -> (i32, i32) {
    %c0_i32 = arith.constant 0 : i32
    return %arg0, %arg2 : i32, i32
  }
  func.func @transform_1(%arg0: i32, %arg1: i32, %arg2: i32) -> (i32, i32) {
    %c0_i32 = arith.constant 0 : i32
    return %arg1, %arg2 : i32, i32
  }
  func.func @transform_2(%arg0: i32, %arg1: i32, %arg2: i32) -> (i32, i32) {
    %c0_i32 = arith.constant 0 : i32
    %c0_i32_0 = arith.constant 0 : i32
    return %arg0, %c0_i32 : i32, i32
  }
  func.func @transform_3(%arg0: i32, %arg1: i32, %arg2: i32) -> (i32, i32) {
    %c0_i32 = arith.constant 0 : i32
    %c0_i32_0 = arith.constant 0 : i32
    return %arg1, %c0_i32 : i32, i32
  }
  func.func @transform_4(%arg0: i32, %arg1: i32, %arg2: i32) -> (i32, i32) {
    %c0_i32 = arith.constant 0 : i32
    return %arg0, %arg1 : i32, i32
  }
}

module attributes {stable_mosaic.version = 14 : i64} {
  func.func @_tr_kernel(%arg0: i32, %arg1: i32, %arg2: memref<256x256xf32, #tpu.memory_space<vmem>>, %arg3: memref<256x256xf32, #tpu.memory_space<vmem>>) attributes {dimension_semantics = [#tpu.dimension_semantics<arbitrary>, #tpu.dimension_semantics<arbitrary>], iteration_bounds = array<i64: 8, 8>, scalar_prefetch = 0 : i64, scratch_operands = 0 : i64, tpu.core_type = #tpu.core_type<tc>, window_params = [{transform_indices = @transform_0, window_bounds = array<i64: 256, 256>}, {transform_indices = @transform_1, window_bounds = array<i64: 256, 256>}]} {
    %get3A = arith.constant 0 : index
    %get3A_0 = arith.constant 0 : index
    %get3A_1 = vector.load %arg2[%get3A, %get3A_0] : memref<256x256xf32, #tpu.memory_space<vmem>>, vector<256x256xf32>
    %transpose3A = tpu.transpose %get3A_1, [1, 0] : vector<256x256xf32> -> vector<256x256xf32>
    %swap3A = arith.constant 0 : index
    %swap3A_2 = arith.constant 0 : index
    %swap3A_3 = vector.load %arg3[%swap3A, %swap3A_2] : memref<256x256xf32, #tpu.memory_space<vmem>>, vector<256x256xf32>
    tpu.vector_store %arg3[%swap3A, %swap3A_2], %transpose3A {strides = array<i32>} : memref<256x256xf32, #tpu.memory_space<vmem>>, vector<256x256xf32>,
    return
  }
  func.func @transform_0(%arg0: i32, %arg1: i32) -> (i32, i32) {
    %c0_i32 = arith.constant 0 : i32
    return %arg1, %arg0 : i32, i32
  }
  func.func @transform_1(%arg0: i32, %arg1: i32) -> (i32, i32) {
    %c0_i32 = arith.constant 0 : i32
    return %arg0, %arg1 : i32, i32
  }
}

module attributes {stable_mosaic.version = 14 : i64} {
  func.func @_colsum_kernel(%arg0: i32, %arg1: i32, %arg2: memref<1024x1024xf32, #tpu.memory_space<vmem>>, %arg3: memref<1x1024xf32, #tpu.memory_space<vmem>>) attributes {dimension_semantics = [#tpu.dimension_semantics<arbitrary>, #tpu.dimension_semantics<arbitrary>], iteration_bounds = array<i64: 2, 2>, scalar_prefetch = 0 : i64, scratch_operands = 0 : i64, tpu.core_type = #tpu.core_type<tc>, window_params = [{transform_indices = @transform_0, window_bounds = array<i64: 1024, 1024>}, {transform_indices = @transform_1, window_bounds = array<i64: 1, 1024>}]} {
    %eq3A = arith.constant 0 : i32
    %eq3A_0 = arith.cmpi eq, %arg1, %eq3A : i32
    %convert_element_type3A = arith.extui %eq3A_0 : i1 to i32
    %cond3A = arith.constant 0 : i32
    %cond3A_1 = arith.cmpi ne, %convert_element_type3A, %cond3A : i32
    scf.if %cond3A_1 {
      %broadcast_in_dim3A_10 = arith.constant 0.000000e+00 : f32
      %broadcast_in_dim3A_11 = vector.broadcast %broadcast_in_dim3A_10 : f32 to vector<1x1024xf32>
      %swap3A_12 = arith.constant 0 : index
      %swap3A_13 = arith.constant 0 : index
      %swap3A_14 = vector.load %arg3[%swap3A_12, %swap3A_13] : memref<1x1024xf32, #tpu.memory_space<vmem>>, vector<1x1024xf32>
      tpu.vector_store %arg3[%swap3A_12, %swap3A_13], %broadcast_in_dim3A_11 {strides = array<i32>} : memref<1x1024xf32, #tpu.memory_space<vmem>>, vector<1x1024xf32>,
    } else {
    }
    %get3A = arith.constant 0 : index
    %get3A_2 = arith.constant 0 : index
    %get3A_3 = vector.load %arg3[%get3A, %get3A_2] : memref<1x1024xf32, #tpu.memory_space<vmem>>, vector<1x1024xf32>
    %get3A_4 = arith.constant 0 : index
    %get3A_5 = arith.constant 0 : index
    %get3A_6 = vector.load %arg2[%get3A_4, %get3A_5] : memref<1024x1024xf32, #tpu.memory_space<vmem>>, vector<1024x1024xf32>
    %reduce_sum3A = arith.constant dense<0.000000e+00> : vector<1024xf32>
    %reduce_sum3A_7 = vector.multi_reduction <add>, %get3A_6, %reduce_sum3A [0] : vector<1024x1024xf32> to vector<1024xf32>
    %broadcast_in_dim3A = vector.shape_cast %reduce_sum3A_7 : vector<1024xf32> to vector<1x1024xf32>
    %add3A = arith.addf %get3A_3, %broadcast_in_dim3A : vector<1x1024xf32>
    %swap3A = arith.constant 0 : index
    %swap3A_8 = arith.constant 0 : index
    %swap3A_9 = vector.load %arg3[%swap3A, %swap3A_8] : memref<1x1024xf32, #tpu.memory_space<vmem>>, vector<1x1024xf32>
    tpu.vector_store %arg3[%swap3A, %swap3A_8], %add3A {strides = array<i32>} : memref<1x1024xf32, #tpu.memory_space<vmem>>, vector<1x1024xf32>,
    return
  }
  func.func @transform_0(%arg0: i32, %arg1: i32) -> (i32, i32) {
    %c0_i32 = arith.constant 0 : i32
    return %arg1, %arg0 : i32, i32
  }
  func.func @transform_1(%arg0: i32, %arg1: i32) -> (i32, i32) {
    %c0_i32 = arith.constant 0 : i32
    %c0_i32_0 = arith.constant 0 : i32
    return %c0_i32, %arg0 : i32, i32
  }
}

module attributes {stable_mosaic.version = 14 : i64} {
  func.func @_mm_rowscale_kernel(%arg0: i32, %arg1: memref<1024x256xf32, #tpu.memory_space<vmem>>, %arg2: memref<256x256xf32, #tpu.memory_space<vmem>>, %arg3: memref<1024x1xf32, #tpu.memory_space<vmem>>, %arg4: memref<1024x1xf32, #tpu.memory_space<vmem>>, %arg5: memref<1024x1xf32, #tpu.memory_space<vmem>>, %arg6: memref<1024x1xf32, #tpu.memory_space<vmem>>, %arg7: memref<1024x256xf32, #tpu.memory_space<vmem>>) attributes {dimension_semantics = [#tpu.dimension_semantics<arbitrary>], iteration_bounds = array<i64: 2>, scalar_prefetch = 0 : i64, scratch_operands = 0 : i64, tpu.core_type = #tpu.core_type<tc>, window_params = [{transform_indices = @transform_0, window_bounds = array<i64: 1024, 256>}, {pipeline_mode = #tpu.pipeline_mode<synchronous>, transform_indices = @transform_1, window_bounds = array<i64: 256, 256>}, {transform_indices = @transform_2, window_bounds = array<i64: 1024, 1>}, {transform_indices = @transform_3, window_bounds = array<i64: 1024, 1>}, {transform_indices = @transform_4, window_bounds = array<i64: 1024, 1>}, {transform_indices = @transform_5, window_bounds = array<i64: 1024, 1>}, {transform_indices = @transform_6, window_bounds = array<i64: 1024, 256>}]} {
    %get3A = arith.constant 0 : index
    %get3A_0 = arith.constant 0 : index
    %get3A_1 = vector.load %arg1[%get3A, %get3A_0] : memref<1024x256xf32, #tpu.memory_space<vmem>>, vector<1024x256xf32>
    %get3A_2 = arith.constant 0 : index
    %get3A_3 = arith.constant 0 : index
    %get3A_4 = vector.load %arg4[%get3A_2, %get3A_3] : memref<1024x1xf32, #tpu.memory_space<vmem>>, vector<1024x1xf32>
    %mul3A = vector.broadcast %get3A_4 : vector<1024x1xf32> to vector<1024x256xf32>
    %mul3A_5 = arith.mulf %get3A_1, %mul3A : vector<1024x256xf32>
    %get3A_6 = arith.constant 0 : index
    %get3A_7 = arith.constant 0 : index
    %get3A_8 = vector.load %arg3[%get3A_6, %get3A_7] : memref<1024x1xf32, #tpu.memory_space<vmem>>, vector<1024x1xf32>
    %get3A_9 = arith.constant 0 : index
    %get3A_10 = arith.constant 0 : index
    %get3A_11 = vector.load %arg2[%get3A_9, %get3A_10] : memref<256x256xf32, #tpu.memory_space<vmem>>, vector<256x256xf32>
    %dot_general3A = arith.constant dense<0.000000e+00> : vector<1024x256xf32>
    %dot_general3A_12 = tpu.matmul %mul3A_5, %get3A_11, %dot_general3A {dimension_numbers = #tpu.dot_dimension_numbers<[1], [0], [0], [1], [0, 0, 1, 1], [], []>, transpose_lhs_hint = false} : vector<1024x256xf32>, vector<256x256xf32>, vector<1024x256xf32> -> vector<1024x256xf32>
    %mul3A_13 = vector.broadcast %get3A_8 : vector<1024x1xf32> to vector<1024x256xf32>
    %mul3A_14 = arith.mulf %mul3A_13, %dot_general3A_12 : vector<1024x256xf32>
    %swap3A = arith.constant 0 : index
    %swap3A_15 = arith.constant 0 : index
    %swap3A_16 = vector.load %arg7[%swap3A, %swap3A_15] : memref<1024x256xf32, #tpu.memory_space<vmem>>, vector<1024x256xf32>
    tpu.vector_store %arg7[%swap3A, %swap3A_15], %mul3A_14 {strides = array<i32>} : memref<1024x256xf32, #tpu.memory_space<vmem>>, vector<1024x256xf32>,
    return
  }
  func.func @transform_0(%arg0: i32) -> (i32, i32) {
    %c0_i32 = arith.constant 0 : i32
    %c0_i32_0 = arith.constant 0 : i32
    return %arg0, %c0_i32 : i32, i32
  }
  func.func @transform_1(%arg0: i32) -> (i32, i32) {
    %c0_i32 = arith.constant 0 : i32
    %c0_i32_0 = arith.constant 0 : i32
    %c0_i32_1 = arith.constant 0 : i32
    return %c0_i32, %c0_i32_0 : i32, i32
  }
  func.func @transform_2(%arg0: i32) -> (i32, i32) {
    %c0_i32 = arith.constant 0 : i32
    %c0_i32_0 = arith.constant 0 : i32
    return %arg0, %c0_i32 : i32, i32
  }
  func.func @transform_3(%arg0: i32) -> (i32, i32) {
    %c0_i32 = arith.constant 0 : i32
    %c0_i32_0 = arith.constant 0 : i32
    return %arg0, %c0_i32 : i32, i32
  }
  func.func @transform_4(%arg0: i32) -> (i32, i32) {
    %c0_i32 = arith.constant 0 : i32
    %c0_i32_0 = arith.constant 0 : i32
    return %arg0, %c0_i32 : i32, i32
  }
  func.func @transform_5(%arg0: i32) -> (i32, i32) {
    %c0_i32 = arith.constant 0 : i32
    %c0_i32_0 = arith.constant 0 : i32
    return %arg0, %c0_i32 : i32, i32
  }
  func.func @transform_6(%arg0: i32) -> (i32, i32) {
    %c0_i32 = arith.constant 0 : i32
    %c0_i32_0 = arith.constant 0 : i32
    return %arg0, %c0_i32 : i32, i32
  }
}

module attributes {stable_mosaic.version = 14 : i64} {
  func.func @_spmm_kernel(%arg0: i32, %arg1: i32, %arg2: memref<1024x1024xf32, #tpu.memory_space<vmem>>, %arg3: memref<1024x256xf32, #tpu.memory_space<vmem>>, %arg4: memref<1024x256xf32, #tpu.memory_space<vmem>>, %arg5: memref<1024x1xf32, #tpu.memory_space<vmem>>, %arg6: memref<1024x1xf32, #tpu.memory_space<vmem>>, %arg7: memref<1x256xf32, #tpu.memory_space<vmem>>, %arg8: memref<1x256xf32, #tpu.memory_space<vmem>>, %arg9: memref<1x1xf32, #tpu.memory_space<vmem>>, %arg10: memref<1024x256xf32, #tpu.memory_space<vmem>>, %arg11: memref<1024x1xf32, #tpu.memory_space<vmem>>, %arg12: memref<1024x256xf32, #tpu.memory_space<vmem>>) attributes {dimension_semantics = [#tpu.dimension_semantics<parallel>, #tpu.dimension_semantics<arbitrary>], iteration_bounds = array<i64: 2, 2>, scalar_prefetch = 0 : i64, scratch_operands = 1 : i64, tpu.core_type = #tpu.core_type<tc>, window_params = [{transform_indices = @transform_0, window_bounds = array<i64: 1024, 1024>}, {transform_indices = @transform_1, window_bounds = array<i64: 1024, 256>}, {transform_indices = @transform_2, window_bounds = array<i64: 1024, 256>}, {transform_indices = @transform_3, window_bounds = array<i64: 1024, 1>}, {transform_indices = @transform_4, window_bounds = array<i64: 1024, 1>}, {pipeline_mode = #tpu.pipeline_mode<synchronous>, transform_indices = @transform_5, window_bounds = array<i64: 1, 256>}, {pipeline_mode = #tpu.pipeline_mode<synchronous>, transform_indices = @transform_6, window_bounds = array<i64: 1, 256>}, {pipeline_mode = #tpu.pipeline_mode<synchronous>, transform_indices = @transform_7, window_bounds = array<i64: 1, 1>}, {transform_indices = @transform_8, window_bounds = array<i64: 1024, 256>}, {transform_indices = @transform_9, window_bounds = array<i64: 1024, 1>}]} {
    %eq3A = arith.constant 0 : i32
    %eq3A_0 = arith.cmpi eq, %arg1, %eq3A : i32
    %convert_element_type3A = arith.extui %eq3A_0 : i1 to i32
    %cond3A = arith.constant 0 : i32
    %cond3A_1 = arith.cmpi ne, %convert_element_type3A, %cond3A : i32
    scf.if %cond3A_1 {
      %broadcast_in_dim3A = arith.constant 0.000000e+00 : f32
      %broadcast_in_dim3A_18 = vector.broadcast %broadcast_in_dim3A : f32 to vector<1024x256xf32>
      %swap3A_19 = arith.constant 0 : index
      %swap3A_20 = arith.constant 0 : index
      %swap3A_21 = vector.load %arg12[%swap3A_19, %swap3A_20] : memref<1024x256xf32, #tpu.memory_space<vmem>>, vector<1024x256xf32>
      tpu.vector_store %arg12[%swap3A_19, %swap3A_20], %broadcast_in_dim3A_18 {strides = array<i32>} : memref<1024x256xf32, #tpu.memory_space<vmem>>, vector<1024x256xf32>,
    } else {
    }
    %get3A = arith.constant 0 : index
    %get3A_2 = arith.constant 0 : index
    %get3A_3 = vector.load %arg12[%get3A, %get3A_2] : memref<1024x256xf32, #tpu.memory_space<vmem>>, vector<1024x256xf32>
    %get3A_4 = arith.constant 0 : index
    %get3A_5 = arith.constant 0 : index
    %get3A_6 = vector.load %arg2[%get3A_4, %get3A_5] : memref<1024x1024xf32, #tpu.memory_space<vmem>>, vector<1024x1024xf32>
    %get3A_7 = arith.constant 0 : index
    %get3A_8 = arith.constant 0 : index
    %get3A_9 = vector.load %arg3[%get3A_7, %get3A_8] : memref<1024x256xf32, #tpu.memory_space<vmem>>, vector<1024x256xf32>
    %dot_general3A = arith.constant dense<0.000000e+00> : vector<1024x256xf32>
    %dot_general3A_10 = tpu.matmul %get3A_6, %get3A_9, %dot_general3A {dimension_numbers = #tpu.dot_dimension_numbers<[1], [0], [0], [1], [0, 0, 1, 1], [], []>, transpose_lhs_hint = false} : vector<1024x1024xf32>, vector<1024x256xf32>, vector<1024x256xf32> -> vector<1024x256xf32>
    %add3A = arith.addf %get3A_3, %dot_general3A_10 : vector<1024x256xf32>
    %swap3A = arith.constant 0 : index
    %swap3A_11 = arith.constant 0 : index
    %swap3A_12 = vector.load %arg12[%swap3A, %swap3A_11] : memref<1024x256xf32, #tpu.memory_space<vmem>>, vector<1024x256xf32>
    tpu.vector_store %arg12[%swap3A, %swap3A_11], %add3A {strides = array<i32>} : memref<1024x256xf32, #tpu.memory_space<vmem>>, vector<1024x256xf32>,
    %eq3A_13 = arith.constant 1 : i32
    %eq3A_14 = arith.cmpi eq, %arg1, %eq3A_13 : i32
    %convert_element_type3A_15 = arith.extui %eq3A_14 : i1 to i32
    %cond3A_16 = arith.constant 0 : i32
    %cond3A_17 = arith.cmpi ne, %convert_element_type3A_15, %cond3A_16 : i32
    scf.if %cond3A_17 {
      %get3A_18 = arith.constant 0 : index
      %get3A_19 = arith.constant 0 : index
      %get3A_20 = vector.load %arg5[%get3A_18, %get3A_19] : memref<1024x1xf32, #tpu.memory_space<vmem>>, vector<1024x1xf32>
      %get3A_21 = arith.constant 0 : index
      %get3A_22 = arith.constant 0 : index
      %get3A_23 = vector.load %arg12[%get3A_21, %get3A_22] : memref<1024x256xf32, #tpu.memory_space<vmem>>, vector<1024x256xf32>
      %get3A_24 = arith.constant 0 : index
      %get3A_25 = arith.constant 0 : index
      %get3A_26 = vector.load %arg6[%get3A_24, %get3A_25] : memref<1024x1xf32, #tpu.memory_space<vmem>>, vector<1024x1xf32>
      %get3A_27 = arith.constant 0 : index
      %get3A_28 = arith.constant 0 : index
      %get3A_29 = vector.load %arg4[%get3A_27, %get3A_28] : memref<1024x256xf32, #tpu.memory_space<vmem>>, vector<1024x256xf32>
      %mul3A = vector.broadcast %get3A_26 : vector<1024x1xf32> to vector<1024x256xf32>
      %mul3A_30 = arith.mulf %mul3A, %get3A_29 : vector<1024x256xf32>
      %add3A_31 = arith.addf %get3A_23, %mul3A_30 : vector<1024x256xf32>
      %mul3A_32 = vector.broadcast %get3A_20 : vector<1024x1xf32> to vector<1024x256xf32>
      %mul3A_33 = arith.mulf %mul3A_32, %add3A_31 : vector<1024x256xf32>
      %get3A_34 = arith.constant 0 : index
      %get3A_35 = arith.constant 0 : index
      %get3A_36 = vector.load %arg7[%get3A_34, %get3A_35] : memref<1x256xf32, #tpu.memory_space<vmem>>, vector<1x256xf32>
      %add3A_37 = vector.broadcast %get3A_36 : vector<1x256xf32> to vector<1024x256xf32>
      %add3A_38 = arith.addf %mul3A_33, %add3A_37 : vector<1024x256xf32>
      %max3A = arith.constant 0.000000e+00 : f32
      %max3A_39 = vector.broadcast %max3A : f32 to vector<1024x256xf32>
      %max3A_40 = arith.maximumf %add3A_38, %max3A_39 : vector<1024x256xf32>
      %swap3A_41 = arith.constant 0 : index
      %swap3A_42 = arith.constant 0 : index
      %swap3A_43 = vector.load %arg10[%swap3A_41, %swap3A_42] : memref<1024x256xf32, #tpu.memory_space<vmem>>, vector<1024x256xf32>
      tpu.vector_store %arg10[%swap3A_41, %swap3A_42], %max3A_40 {strides = array<i32>} : memref<1024x256xf32, #tpu.memory_space<vmem>>, vector<1024x256xf32>,
      %get3A_44 = arith.constant 0 : index
      %get3A_45 = arith.constant 0 : index
      %get3A_46 = vector.load %arg8[%get3A_44, %get3A_45] : memref<1x256xf32, #tpu.memory_space<vmem>>, vector<1x256xf32>
      %mul3A_47 = vector.broadcast %get3A_46 : vector<1x256xf32> to vector<1024x256xf32>
      %mul3A_48 = arith.mulf %max3A_40, %mul3A_47 : vector<1024x256xf32>
      %reduce_sum3A = arith.constant dense<0.000000e+00> : vector<1024xf32>
      %reduce_sum3A_49 = vector.multi_reduction <add>, %mul3A_48, %reduce_sum3A [1] : vector<1024x256xf32> to vector<1024xf32>
      %broadcast_in_dim3A = vector.shape_cast %reduce_sum3A_49 : vector<1024xf32> to vector<1024x1xf32>
      %get3A_50 = arith.constant 0 : index
      %get3A_51 = arith.constant 0 : index
      %get3A_52 = vector.load %arg9[%get3A_50, %get3A_51] : memref<1x1xf32, #tpu.memory_space<vmem>>, vector<1x1xf32>
      %mul3A_53 = vector.broadcast %get3A_52 : vector<1x1xf32> to vector<1024x1xf32>
      %mul3A_54 = arith.mulf %broadcast_in_dim3A, %mul3A_53 : vector<1024x1xf32>
      %tanh3A = math.tanh %mul3A_54 : vector<1024x1xf32>
      %swap3A_55 = arith.constant 0 : index
      %swap3A_56 = arith.constant 0 : index
      %swap3A_57 = vector.load %arg11[%swap3A_55, %swap3A_56] : memref<1024x1xf32, #tpu.memory_space<vmem>>, vector<1024x1xf32>
      tpu.vector_store %arg11[%swap3A_55, %swap3A_56], %tanh3A {strides = array<i32>} : memref<1024x1xf32, #tpu.memory_space<vmem>>, vector<1024x1xf32>,
    } else {
    }
    return
  }
  func.func @transform_0(%arg0: i32, %arg1: i32) -> (i32, i32) {
    %c0_i32 = arith.constant 0 : i32
    return %arg0, %arg1 : i32, i32
  }
  func.func @transform_1(%arg0: i32, %arg1: i32) -> (i32, i32) {
    %c0_i32 = arith.constant 0 : i32
    %c0_i32_0 = arith.constant 0 : i32
    return %arg1, %c0_i32 : i32, i32
  }
  func.func @transform_2(%arg0: i32, %arg1: i32) -> (i32, i32) {
    %c0_i32 = arith.constant 0 : i32
    %c0_i32_0 = arith.constant 0 : i32
    return %arg0, %c0_i32 : i32, i32
  }
  func.func @transform_3(%arg0: i32, %arg1: i32) -> (i32, i32) {
    %c0_i32 = arith.constant 0 : i32
    %c0_i32_0 = arith.constant 0 : i32
    return %arg0, %c0_i32 : i32, i32
  }
  func.func @transform_4(%arg0: i32, %arg1: i32) -> (i32, i32) {
    %c0_i32 = arith.constant 0 : i32
    %c0_i32_0 = arith.constant 0 : i32
    return %arg0, %c0_i32 : i32, i32
  }
  func.func @transform_5(%arg0: i32, %arg1: i32) -> (i32, i32) {
    %c0_i32 = arith.constant 0 : i32
    %c0_i32_0 = arith.constant 0 : i32
    %c0_i32_1 = arith.constant 0 : i32
    return %c0_i32, %c0_i32_0 : i32, i32
  }
  func.func @transform_6(%arg0: i32, %arg1: i32) -> (i32, i32) {
    %c0_i32 = arith.constant 0 : i32
    %c0_i32_0 = arith.constant 0 : i32
    %c0_i32_1 = arith.constant 0 : i32
    return %c0_i32, %c0_i32_0 : i32, i32
  }
  func.func @transform_7(%arg0: i32, %arg1: i32) -> (i32, i32) {
    %c0_i32 = arith.constant 0 : i32
    %c0_i32_0 = arith.constant 0 : i32
    %c0_i32_1 = arith.constant 0 : i32
    return %c0_i32, %c0_i32_0 : i32, i32
  }
  func.func @transform_8(%arg0: i32, %arg1: i32) -> (i32, i32) {
    %c0_i32 = arith.constant 0 : i32
    %c0_i32_0 = arith.constant 0 : i32
    return %arg0, %c0_i32 : i32, i32
  }
  func.func @transform_9(%arg0: i32, %arg1: i32) -> (i32, i32) {
    %c0_i32 = arith.constant 0 : i32
    %c0_i32_0 = arith.constant 0 : i32
    return %arg0, %c0_i32 : i32, i32
  }
}

module attributes {stable_mosaic.version = 14 : i64} {
  func.func @_smm_kernel(%arg0: i32, %arg1: i32, %arg2: i32, %arg3: memref<1024x512xf32, #tpu.memory_space<vmem>>, %arg4: memref<1024x512xf32, #tpu.memory_space<vmem>>, %arg5: memref<1024x1xi32, #tpu.memory_space<vmem>>, %arg6: memref<1024x1xi32, #tpu.memory_space<vmem>>, %arg7: memref<1024x1024xf32, #tpu.memory_space<vmem>>, %arg8: memref<1024x1024xf32, #tpu.memory_space<vmem>>) attributes {dimension_semantics = [#tpu.dimension_semantics<parallel>, #tpu.dimension_semantics<parallel>, #tpu.dimension_semantics<arbitrary>], iteration_bounds = array<i64: 1, 1, 4>, scalar_prefetch = 0 : i64, scratch_operands = 1 : i64, tpu.core_type = #tpu.core_type<tc>, window_params = [{transform_indices = @transform_0, window_bounds = array<i64: 1024, 512>}, {transform_indices = @transform_1, window_bounds = array<i64: 1024, 512>}, {transform_indices = @transform_2, window_bounds = array<i64: 1024, 1>}, {transform_indices = @transform_3, window_bounds = array<i64: 1024, 1>}, {transform_indices = @transform_4, window_bounds = array<i64: 1024, 1024>}]} {
    %eq3A = arith.constant 0 : i32
    %eq3A_0 = arith.cmpi eq, %arg2, %eq3A : i32
    %convert_element_type3A = arith.extui %eq3A_0 : i1 to i32
    %cond3A = arith.constant 0 : i32
    %cond3A_1 = arith.cmpi ne, %convert_element_type3A, %cond3A : i32
    scf.if %cond3A_1 {
      %broadcast_in_dim3A_41 = arith.constant 0.000000e+00 : f32
      %broadcast_in_dim3A_42 = vector.broadcast %broadcast_in_dim3A_41 : f32 to vector<1024x1024xf32>
      %swap3A_43 = arith.constant 0 : index
      %swap3A_44 = arith.constant 0 : index
      %swap3A_45 = vector.load %arg8[%swap3A_43, %swap3A_44] : memref<1024x1024xf32, #tpu.memory_space<vmem>>, vector<1024x1024xf32>
      tpu.vector_store %arg8[%swap3A_43, %swap3A_44], %broadcast_in_dim3A_42 {strides = array<i32>} : memref<1024x1024xf32, #tpu.memory_space<vmem>>, vector<1024x1024xf32>,
    } else {
    }
    %mul3A = arith.constant 512 : i32
    %mul3A_2 = arith.muli %arg2, %mul3A : i32
    %iota3A = tpu.iota {dimensions = array<i32: 1>} : vector<1024x512xi32>
    %add3A = vector.broadcast %mul3A_2 : i32 to vector<1024x512xi32>
    %add3A_3 = arith.addi %add3A, %iota3A : vector<1024x512xi32>
    %get3A = arith.constant 0 : index
    %get3A_4 = arith.constant 0 : index
    %get3A_5 = vector.load %arg5[%get3A, %get3A_4] : memref<1024x1xi32, #tpu.memory_space<vmem>>, vector<1024x1xi32>
    %eq3A_6 = vector.broadcast %get3A_5 : vector<1024x1xi32> to vector<1024x512xi32>
    %eq3A_7 = arith.cmpi eq, %eq3A_6, %add3A_3 : vector<1024x512xi32>
    %get3A_8 = arith.constant 0 : index
    %get3A_9 = arith.constant 0 : index
    %get3A_10 = vector.load %arg3[%get3A_8, %get3A_9] : memref<1024x512xf32, #tpu.memory_space<vmem>>, vector<1024x512xf32>
    %jit3A = arith.constant 1.000000e+00 : f32
    %broadcast_in_dim3A = vector.broadcast %jit3A : f32 to vector<1024x512xf32>
    %select_n3A = arith.select %eq3A_7, %broadcast_in_dim3A, %get3A_10 : vector<1024x512xi1>, vector<1024x512xf32>
    %convert_element_type3A_11 = arith.truncf %select_n3A : vector<1024x512xf32> to vector<1024x512xbf16>
    %mul3A_12 = arith.constant 512 : i32
    %mul3A_13 = arith.muli %arg2, %mul3A_12 : i32
    %iota3A_14 = tpu.iota {dimensions = array<i32: 1>} : vector<1024x512xi32>
    %add3A_15 = vector.broadcast %mul3A_13 : i32 to vector<1024x512xi32>
    %add3A_16 = arith.addi %add3A_15, %iota3A_14 : vector<1024x512xi32>
    %get3A_17 = arith.constant 0 : index
    %get3A_18 = arith.constant 0 : index
    %get3A_19 = vector.load %arg6[%get3A_17, %get3A_18] : memref<1024x1xi32, #tpu.memory_space<vmem>>, vector<1024x1xi32>
    %eq3A_20 = vector.broadcast %get3A_19 : vector<1024x1xi32> to vector<1024x512xi32>
    %eq3A_21 = arith.cmpi eq, %eq3A_20, %add3A_16 : vector<1024x512xi32>
    %get3A_22 = arith.constant 0 : index
    %get3A_23 = arith.constant 0 : index
    %get3A_24 = vector.load %arg4[%get3A_22, %get3A_23] : memref<1024x512xf32, #tpu.memory_space<vmem>>, vector<1024x512xf32>
    %jit3A_25 = arith.constant 1.000000e+00 : f32
    %broadcast_in_dim3A_26 = vector.broadcast %jit3A_25 : f32 to vector<1024x512xf32>
    %select_n3A_27 = arith.select %eq3A_21, %broadcast_in_dim3A_26, %get3A_24 : vector<1024x512xi1>, vector<1024x512xf32>
    %convert_element_type3A_28 = arith.truncf %select_n3A_27 : vector<1024x512xf32> to vector<1024x512xbf16>
    %get3A_29 = arith.constant 0 : index
    %get3A_30 = arith.constant 0 : index
    %get3A_31 = vector.load %arg8[%get3A_29, %get3A_30] : memref<1024x1024xf32, #tpu.memory_space<vmem>>, vector<1024x1024xf32>
    %dot_general3A = arith.constant dense<0.000000e+00> : vector<1024x1024xf32>
    %dot_general3A_32 = tpu.matmul %convert_element_type3A_11, %convert_element_type3A_28, %dot_general3A {dimension_numbers = #tpu.dot_dimension_numbers<[1], [1], [0], [0], [0, 0, 1, 0], [], []>, transpose_lhs_hint = false} : vector<1024x512xbf16>, vector<1024x512xbf16>, vector<1024x1024xf32> -> vector<1024x1024xf32>
    %add3A_33 = arith.addf %get3A_31, %dot_general3A_32 : vector<1024x1024xf32>
    %swap3A = arith.constant 0 : index
    %swap3A_34 = arith.constant 0 : index
    %swap3A_35 = vector.load %arg8[%swap3A, %swap3A_34] : memref<1024x1024xf32, #tpu.memory_space<vmem>>, vector<1024x1024xf32>
    tpu.vector_store %arg8[%swap3A, %swap3A_34], %add3A_33 {strides = array<i32>} : memref<1024x1024xf32, #tpu.memory_space<vmem>>, vector<1024x1024xf32>,
    %eq3A_36 = arith.constant 3 : i32
    %eq3A_37 = arith.cmpi eq, %arg2, %eq3A_36 : i32
    %convert_element_type3A_38 = arith.extui %eq3A_37 : i1 to i32
    %cond3A_39 = arith.constant 0 : i32
    %cond3A_40 = arith.cmpi ne, %convert_element_type3A_38, %cond3A_39 : i32
    scf.if %cond3A_40 {
      %mul3A_41 = arith.constant 1024 : i32
      %mul3A_42 = arith.muli %arg0, %mul3A_41 : i32
      %iota3A_43 = tpu.iota {dimensions = array<i32: 0>} : vector<1024x1024xi32>
      %add3A_44 = vector.broadcast %mul3A_42 : i32 to vector<1024x1024xi32>
      %add3A_45 = arith.addi %add3A_44, %iota3A_43 : vector<1024x1024xi32>
      %mul3A_46 = arith.constant 1024 : i32
      %mul3A_47 = arith.muli %arg1, %mul3A_46 : i32
      %iota3A_48 = tpu.iota {dimensions = array<i32: 1>} : vector<1024x1024xi32>
      %add3A_49 = vector.broadcast %mul3A_47 : i32 to vector<1024x1024xi32>
      %add3A_50 = arith.addi %add3A_49, %iota3A_48 : vector<1024x1024xi32>
      %eq3A_51 = arith.cmpi eq, %add3A_45, %add3A_50 : vector<1024x1024xi32>
      %get3A_52 = arith.constant 0 : index
      %get3A_53 = arith.constant 0 : index
      %get3A_54 = vector.load %arg8[%get3A_52, %get3A_53] : memref<1024x1024xf32, #tpu.memory_space<vmem>>, vector<1024x1024xf32>
      %jit3A_55 = arith.constant 0.000000e+00 : f32
      %broadcast_in_dim3A_56 = vector.broadcast %jit3A_55 : f32 to vector<1024x1024xf32>
      %select_n3A_57 = arith.select %eq3A_51, %broadcast_in_dim3A_56, %get3A_54 : vector<1024x1024xi1>, vector<1024x1024xf32>
      %swap3A_58 = arith.constant 0 : index
      %swap3A_59 = arith.constant 0 : index
      %swap3A_60 = vector.load %arg7[%swap3A_58, %swap3A_59] : memref<1024x1024xf32, #tpu.memory_space<vmem>>, vector<1024x1024xf32>
      tpu.vector_store %arg7[%swap3A_58, %swap3A_59], %select_n3A_57 {strides = array<i32>} : memref<1024x1024xf32, #tpu.memory_space<vmem>>, vector<1024x1024xf32>,
    } else {
    }
    return
  }
  func.func @transform_0(%arg0: i32, %arg1: i32, %arg2: i32) -> (i32, i32) {
    %c0_i32 = arith.constant 0 : i32
    return %arg0, %arg2 : i32, i32
  }
  func.func @transform_1(%arg0: i32, %arg1: i32, %arg2: i32) -> (i32, i32) {
    %c0_i32 = arith.constant 0 : i32
    return %arg1, %arg2 : i32, i32
  }
  func.func @transform_2(%arg0: i32, %arg1: i32, %arg2: i32) -> (i32, i32) {
    %c0_i32 = arith.constant 0 : i32
    %c0_i32_0 = arith.constant 0 : i32
    return %arg0, %c0_i32 : i32, i32
  }
  func.func @transform_3(%arg0: i32, %arg1: i32, %arg2: i32) -> (i32, i32) {
    %c0_i32 = arith.constant 0 : i32
    %c0_i32_0 = arith.constant 0 : i32
    return %arg1, %c0_i32 : i32, i32
  }
  func.func @transform_4(%arg0: i32, %arg1: i32, %arg2: i32) -> (i32, i32) {
    %c0_i32 = arith.constant 0 : i32
    return %arg0, %arg1 : i32, i32
  }
}

module attributes {stable_mosaic.version = 14 : i64} {
  func.func @_tr_kernel(%arg0: i32, %arg1: i32, %arg2: memref<256x256xf32, #tpu.memory_space<vmem>>, %arg3: memref<256x256xf32, #tpu.memory_space<vmem>>) attributes {dimension_semantics = [#tpu.dimension_semantics<arbitrary>, #tpu.dimension_semantics<arbitrary>], iteration_bounds = array<i64: 4, 4>, scalar_prefetch = 0 : i64, scratch_operands = 0 : i64, tpu.core_type = #tpu.core_type<tc>, window_params = [{transform_indices = @transform_0, window_bounds = array<i64: 256, 256>}, {transform_indices = @transform_1, window_bounds = array<i64: 256, 256>}]} {
    %get3A = arith.constant 0 : index
    %get3A_0 = arith.constant 0 : index
    %get3A_1 = vector.load %arg2[%get3A, %get3A_0] : memref<256x256xf32, #tpu.memory_space<vmem>>, vector<256x256xf32>
    %transpose3A = tpu.transpose %get3A_1, [1, 0] : vector<256x256xf32> -> vector<256x256xf32>
    %swap3A = arith.constant 0 : index
    %swap3A_2 = arith.constant 0 : index
    %swap3A_3 = vector.load %arg3[%swap3A, %swap3A_2] : memref<256x256xf32, #tpu.memory_space<vmem>>, vector<256x256xf32>
    tpu.vector_store %arg3[%swap3A, %swap3A_2], %transpose3A {strides = array<i32>} : memref<256x256xf32, #tpu.memory_space<vmem>>, vector<256x256xf32>,
    return
  }
  func.func @transform_0(%arg0: i32, %arg1: i32) -> (i32, i32) {
    %c0_i32 = arith.constant 0 : i32
    return %arg1, %arg0 : i32, i32
  }
  func.func @transform_1(%arg0: i32, %arg1: i32) -> (i32, i32) {
    %c0_i32 = arith.constant 0 : i32
    return %arg0, %arg1 : i32, i32
  }
}

module attributes {stable_mosaic.version = 14 : i64} {
  func.func @_colsum_kernel(%arg0: i32, %arg1: i32, %arg2: memref<1024x1024xf32, #tpu.memory_space<vmem>>, %arg3: memref<1x1024xf32, #tpu.memory_space<vmem>>) attributes {dimension_semantics = [#tpu.dimension_semantics<arbitrary>, #tpu.dimension_semantics<arbitrary>], iteration_bounds = array<i64: 1, 1>, scalar_prefetch = 0 : i64, scratch_operands = 0 : i64, tpu.core_type = #tpu.core_type<tc>, window_params = [{transform_indices = @transform_0, window_bounds = array<i64: 1024, 1024>}, {transform_indices = @transform_1, window_bounds = array<i64: 1, 1024>}]} {
    %eq3A = arith.constant 0 : i32
    %eq3A_0 = arith.cmpi eq, %arg1, %eq3A : i32
    %convert_element_type3A = arith.extui %eq3A_0 : i1 to i32
    %cond3A = arith.constant 0 : i32
    %cond3A_1 = arith.cmpi ne, %convert_element_type3A, %cond3A : i32
    scf.if %cond3A_1 {
      %broadcast_in_dim3A_10 = arith.constant 0.000000e+00 : f32
      %broadcast_in_dim3A_11 = vector.broadcast %broadcast_in_dim3A_10 : f32 to vector<1x1024xf32>
      %swap3A_12 = arith.constant 0 : index
      %swap3A_13 = arith.constant 0 : index
      %swap3A_14 = vector.load %arg3[%swap3A_12, %swap3A_13] : memref<1x1024xf32, #tpu.memory_space<vmem>>, vector<1x1024xf32>
      tpu.vector_store %arg3[%swap3A_12, %swap3A_13], %broadcast_in_dim3A_11 {strides = array<i32>} : memref<1x1024xf32, #tpu.memory_space<vmem>>, vector<1x1024xf32>,
    } else {
    }
    %get3A = arith.constant 0 : index
    %get3A_2 = arith.constant 0 : index
    %get3A_3 = vector.load %arg3[%get3A, %get3A_2] : memref<1x1024xf32, #tpu.memory_space<vmem>>, vector<1x1024xf32>
    %get3A_4 = arith.constant 0 : index
    %get3A_5 = arith.constant 0 : index
    %get3A_6 = vector.load %arg2[%get3A_4, %get3A_5] : memref<1024x1024xf32, #tpu.memory_space<vmem>>, vector<1024x1024xf32>
    %reduce_sum3A = arith.constant dense<0.000000e+00> : vector<1024xf32>
    %reduce_sum3A_7 = vector.multi_reduction <add>, %get3A_6, %reduce_sum3A [0] : vector<1024x1024xf32> to vector<1024xf32>
    %broadcast_in_dim3A = vector.shape_cast %reduce_sum3A_7 : vector<1024xf32> to vector<1x1024xf32>
    %add3A = arith.addf %get3A_3, %broadcast_in_dim3A : vector<1x1024xf32>
    %swap3A = arith.constant 0 : index
    %swap3A_8 = arith.constant 0 : index
    %swap3A_9 = vector.load %arg3[%swap3A, %swap3A_8] : memref<1x1024xf32, #tpu.memory_space<vmem>>, vector<1x1024xf32>
    tpu.vector_store %arg3[%swap3A, %swap3A_8], %add3A {strides = array<i32>} : memref<1x1024xf32, #tpu.memory_space<vmem>>, vector<1x1024xf32>,
    return
  }
  func.func @transform_0(%arg0: i32, %arg1: i32) -> (i32, i32) {
    %c0_i32 = arith.constant 0 : i32
    return %arg1, %arg0 : i32, i32
  }
  func.func @transform_1(%arg0: i32, %arg1: i32) -> (i32, i32) {
    %c0_i32 = arith.constant 0 : i32
    %c0_i32_0 = arith.constant 0 : i32
    return %c0_i32, %arg0 : i32, i32
  }
}

module attributes {stable_mosaic.version = 14 : i64} {
  func.func @_mm_rowscale_kernel(%arg0: i32, %arg1: memref<1024x256xf32, #tpu.memory_space<vmem>>, %arg2: memref<256x256xf32, #tpu.memory_space<vmem>>, %arg3: memref<1024x1xf32, #tpu.memory_space<vmem>>, %arg4: memref<1024x1xf32, #tpu.memory_space<vmem>>, %arg5: memref<1024x1xf32, #tpu.memory_space<vmem>>, %arg6: memref<1024x1xf32, #tpu.memory_space<vmem>>, %arg7: memref<1024x256xf32, #tpu.memory_space<vmem>>) attributes {dimension_semantics = [#tpu.dimension_semantics<arbitrary>], iteration_bounds = array<i64: 1>, scalar_prefetch = 0 : i64, scratch_operands = 0 : i64, tpu.core_type = #tpu.core_type<tc>, window_params = [{transform_indices = @transform_0, window_bounds = array<i64: 1024, 256>}, {pipeline_mode = #tpu.pipeline_mode<synchronous>, transform_indices = @transform_1, window_bounds = array<i64: 256, 256>}, {transform_indices = @transform_2, window_bounds = array<i64: 1024, 1>}, {transform_indices = @transform_3, window_bounds = array<i64: 1024, 1>}, {transform_indices = @transform_4, window_bounds = array<i64: 1024, 1>}, {transform_indices = @transform_5, window_bounds = array<i64: 1024, 1>}, {transform_indices = @transform_6, window_bounds = array<i64: 1024, 256>}]} {
    %get3A = arith.constant 0 : index
    %get3A_0 = arith.constant 0 : index
    %get3A_1 = vector.load %arg1[%get3A, %get3A_0] : memref<1024x256xf32, #tpu.memory_space<vmem>>, vector<1024x256xf32>
    %get3A_2 = arith.constant 0 : index
    %get3A_3 = arith.constant 0 : index
    %get3A_4 = vector.load %arg4[%get3A_2, %get3A_3] : memref<1024x1xf32, #tpu.memory_space<vmem>>, vector<1024x1xf32>
    %mul3A = vector.broadcast %get3A_4 : vector<1024x1xf32> to vector<1024x256xf32>
    %mul3A_5 = arith.mulf %get3A_1, %mul3A : vector<1024x256xf32>
    %get3A_6 = arith.constant 0 : index
    %get3A_7 = arith.constant 0 : index
    %get3A_8 = vector.load %arg3[%get3A_6, %get3A_7] : memref<1024x1xf32, #tpu.memory_space<vmem>>, vector<1024x1xf32>
    %get3A_9 = arith.constant 0 : index
    %get3A_10 = arith.constant 0 : index
    %get3A_11 = vector.load %arg2[%get3A_9, %get3A_10] : memref<256x256xf32, #tpu.memory_space<vmem>>, vector<256x256xf32>
    %dot_general3A = arith.constant dense<0.000000e+00> : vector<1024x256xf32>
    %dot_general3A_12 = tpu.matmul %mul3A_5, %get3A_11, %dot_general3A {dimension_numbers = #tpu.dot_dimension_numbers<[1], [0], [0], [1], [0, 0, 1, 1], [], []>, transpose_lhs_hint = false} : vector<1024x256xf32>, vector<256x256xf32>, vector<1024x256xf32> -> vector<1024x256xf32>
    %mul3A_13 = vector.broadcast %get3A_8 : vector<1024x1xf32> to vector<1024x256xf32>
    %mul3A_14 = arith.mulf %mul3A_13, %dot_general3A_12 : vector<1024x256xf32>
    %swap3A = arith.constant 0 : index
    %swap3A_15 = arith.constant 0 : index
    %swap3A_16 = vector.load %arg7[%swap3A, %swap3A_15] : memref<1024x256xf32, #tpu.memory_space<vmem>>, vector<1024x256xf32>
    tpu.vector_store %arg7[%swap3A, %swap3A_15], %mul3A_14 {strides = array<i32>} : memref<1024x256xf32, #tpu.memory_space<vmem>>, vector<1024x256xf32>,
    return
  }
  func.func @transform_0(%arg0: i32) -> (i32, i32) {
    %c0_i32 = arith.constant 0 : i32
    %c0_i32_0 = arith.constant 0 : i32
    return %arg0, %c0_i32 : i32, i32
  }
  func.func @transform_1(%arg0: i32) -> (i32, i32) {
    %c0_i32 = arith.constant 0 : i32
    %c0_i32_0 = arith.constant 0 : i32
    %c0_i32_1 = arith.constant 0 : i32
    return %c0_i32, %c0_i32_0 : i32, i32
  }
  func.func @transform_2(%arg0: i32) -> (i32, i32) {
    %c0_i32 = arith.constant 0 : i32
    %c0_i32_0 = arith.constant 0 : i32
    return %arg0, %c0_i32 : i32, i32
  }
  func.func @transform_3(%arg0: i32) -> (i32, i32) {
    %c0_i32 = arith.constant 0 : i32
    %c0_i32_0 = arith.constant 0 : i32
    return %arg0, %c0_i32 : i32, i32
  }
  func.func @transform_4(%arg0: i32) -> (i32, i32) {
    %c0_i32 = arith.constant 0 : i32
    %c0_i32_0 = arith.constant 0 : i32
    return %arg0, %c0_i32 : i32, i32
  }
  func.func @transform_5(%arg0: i32) -> (i32, i32) {
    %c0_i32 = arith.constant 0 : i32
    %c0_i32_0 = arith.constant 0 : i32
    return %arg0, %c0_i32 : i32, i32
  }
  func.func @transform_6(%arg0: i32) -> (i32, i32) {
    %c0_i32 = arith.constant 0 : i32
    %c0_i32_0 = arith.constant 0 : i32
    return %arg0, %c0_i32 : i32, i32
  }
}

module attributes {stable_mosaic.version = 14 : i64} {
  func.func @_spmm_kernel(%arg0: i32, %arg1: i32, %arg2: memref<1024x1024xf32, #tpu.memory_space<vmem>>, %arg3: memref<1024x256xf32, #tpu.memory_space<vmem>>, %arg4: memref<1024x256xf32, #tpu.memory_space<vmem>>, %arg5: memref<1024x1xf32, #tpu.memory_space<vmem>>, %arg6: memref<1024x1xf32, #tpu.memory_space<vmem>>, %arg7: memref<1x256xf32, #tpu.memory_space<vmem>>, %arg8: memref<1x256xf32, #tpu.memory_space<vmem>>, %arg9: memref<1x1xf32, #tpu.memory_space<vmem>>, %arg10: memref<1024x256xf32, #tpu.memory_space<vmem>>, %arg11: memref<1024x1xf32, #tpu.memory_space<vmem>>, %arg12: memref<1024x256xf32, #tpu.memory_space<vmem>>) attributes {dimension_semantics = [#tpu.dimension_semantics<parallel>, #tpu.dimension_semantics<arbitrary>], iteration_bounds = array<i64: 1, 1>, scalar_prefetch = 0 : i64, scratch_operands = 1 : i64, tpu.core_type = #tpu.core_type<tc>, window_params = [{transform_indices = @transform_0, window_bounds = array<i64: 1024, 1024>}, {transform_indices = @transform_1, window_bounds = array<i64: 1024, 256>}, {transform_indices = @transform_2, window_bounds = array<i64: 1024, 256>}, {transform_indices = @transform_3, window_bounds = array<i64: 1024, 1>}, {transform_indices = @transform_4, window_bounds = array<i64: 1024, 1>}, {pipeline_mode = #tpu.pipeline_mode<synchronous>, transform_indices = @transform_5, window_bounds = array<i64: 1, 256>}, {pipeline_mode = #tpu.pipeline_mode<synchronous>, transform_indices = @transform_6, window_bounds = array<i64: 1, 256>}, {pipeline_mode = #tpu.pipeline_mode<synchronous>, transform_indices = @transform_7, window_bounds = array<i64: 1, 1>}, {transform_indices = @transform_8, window_bounds = array<i64: 1024, 256>}, {transform_indices = @transform_9, window_bounds = array<i64: 1024, 1>}]} {
    %eq3A = arith.constant 0 : i32
    %eq3A_0 = arith.cmpi eq, %arg1, %eq3A : i32
    %convert_element_type3A = arith.extui %eq3A_0 : i1 to i32
    %cond3A = arith.constant 0 : i32
    %cond3A_1 = arith.cmpi ne, %convert_element_type3A, %cond3A : i32
    scf.if %cond3A_1 {
      %broadcast_in_dim3A = arith.constant 0.000000e+00 : f32
      %broadcast_in_dim3A_18 = vector.broadcast %broadcast_in_dim3A : f32 to vector<1024x256xf32>
      %swap3A_19 = arith.constant 0 : index
      %swap3A_20 = arith.constant 0 : index
      %swap3A_21 = vector.load %arg12[%swap3A_19, %swap3A_20] : memref<1024x256xf32, #tpu.memory_space<vmem>>, vector<1024x256xf32>
      tpu.vector_store %arg12[%swap3A_19, %swap3A_20], %broadcast_in_dim3A_18 {strides = array<i32>} : memref<1024x256xf32, #tpu.memory_space<vmem>>, vector<1024x256xf32>,
    } else {
    }
    %get3A = arith.constant 0 : index
    %get3A_2 = arith.constant 0 : index
    %get3A_3 = vector.load %arg12[%get3A, %get3A_2] : memref<1024x256xf32, #tpu.memory_space<vmem>>, vector<1024x256xf32>
    %get3A_4 = arith.constant 0 : index
    %get3A_5 = arith.constant 0 : index
    %get3A_6 = vector.load %arg2[%get3A_4, %get3A_5] : memref<1024x1024xf32, #tpu.memory_space<vmem>>, vector<1024x1024xf32>
    %get3A_7 = arith.constant 0 : index
    %get3A_8 = arith.constant 0 : index
    %get3A_9 = vector.load %arg3[%get3A_7, %get3A_8] : memref<1024x256xf32, #tpu.memory_space<vmem>>, vector<1024x256xf32>
    %dot_general3A = arith.constant dense<0.000000e+00> : vector<1024x256xf32>
    %dot_general3A_10 = tpu.matmul %get3A_6, %get3A_9, %dot_general3A {dimension_numbers = #tpu.dot_dimension_numbers<[1], [0], [0], [1], [0, 0, 1, 1], [], []>, transpose_lhs_hint = false} : vector<1024x1024xf32>, vector<1024x256xf32>, vector<1024x256xf32> -> vector<1024x256xf32>
    %add3A = arith.addf %get3A_3, %dot_general3A_10 : vector<1024x256xf32>
    %swap3A = arith.constant 0 : index
    %swap3A_11 = arith.constant 0 : index
    %swap3A_12 = vector.load %arg12[%swap3A, %swap3A_11] : memref<1024x256xf32, #tpu.memory_space<vmem>>, vector<1024x256xf32>
    tpu.vector_store %arg12[%swap3A, %swap3A_11], %add3A {strides = array<i32>} : memref<1024x256xf32, #tpu.memory_space<vmem>>, vector<1024x256xf32>,
    %eq3A_13 = arith.constant 0 : i32
    %eq3A_14 = arith.cmpi eq, %arg1, %eq3A_13 : i32
    %convert_element_type3A_15 = arith.extui %eq3A_14 : i1 to i32
    %cond3A_16 = arith.constant 0 : i32
    %cond3A_17 = arith.cmpi ne, %convert_element_type3A_15, %cond3A_16 : i32
    scf.if %cond3A_17 {
      %get3A_18 = arith.constant 0 : index
      %get3A_19 = arith.constant 0 : index
      %get3A_20 = vector.load %arg5[%get3A_18, %get3A_19] : memref<1024x1xf32, #tpu.memory_space<vmem>>, vector<1024x1xf32>
      %get3A_21 = arith.constant 0 : index
      %get3A_22 = arith.constant 0 : index
      %get3A_23 = vector.load %arg12[%get3A_21, %get3A_22] : memref<1024x256xf32, #tpu.memory_space<vmem>>, vector<1024x256xf32>
      %get3A_24 = arith.constant 0 : index
      %get3A_25 = arith.constant 0 : index
      %get3A_26 = vector.load %arg6[%get3A_24, %get3A_25] : memref<1024x1xf32, #tpu.memory_space<vmem>>, vector<1024x1xf32>
      %get3A_27 = arith.constant 0 : index
      %get3A_28 = arith.constant 0 : index
      %get3A_29 = vector.load %arg4[%get3A_27, %get3A_28] : memref<1024x256xf32, #tpu.memory_space<vmem>>, vector<1024x256xf32>
      %mul3A = vector.broadcast %get3A_26 : vector<1024x1xf32> to vector<1024x256xf32>
      %mul3A_30 = arith.mulf %mul3A, %get3A_29 : vector<1024x256xf32>
      %add3A_31 = arith.addf %get3A_23, %mul3A_30 : vector<1024x256xf32>
      %mul3A_32 = vector.broadcast %get3A_20 : vector<1024x1xf32> to vector<1024x256xf32>
      %mul3A_33 = arith.mulf %mul3A_32, %add3A_31 : vector<1024x256xf32>
      %get3A_34 = arith.constant 0 : index
      %get3A_35 = arith.constant 0 : index
      %get3A_36 = vector.load %arg7[%get3A_34, %get3A_35] : memref<1x256xf32, #tpu.memory_space<vmem>>, vector<1x256xf32>
      %add3A_37 = vector.broadcast %get3A_36 : vector<1x256xf32> to vector<1024x256xf32>
      %add3A_38 = arith.addf %mul3A_33, %add3A_37 : vector<1024x256xf32>
      %max3A = arith.constant 0.000000e+00 : f32
      %max3A_39 = vector.broadcast %max3A : f32 to vector<1024x256xf32>
      %max3A_40 = arith.maximumf %add3A_38, %max3A_39 : vector<1024x256xf32>
      %swap3A_41 = arith.constant 0 : index
      %swap3A_42 = arith.constant 0 : index
      %swap3A_43 = vector.load %arg10[%swap3A_41, %swap3A_42] : memref<1024x256xf32, #tpu.memory_space<vmem>>, vector<1024x256xf32>
      tpu.vector_store %arg10[%swap3A_41, %swap3A_42], %max3A_40 {strides = array<i32>} : memref<1024x256xf32, #tpu.memory_space<vmem>>, vector<1024x256xf32>,
      %get3A_44 = arith.constant 0 : index
      %get3A_45 = arith.constant 0 : index
      %get3A_46 = vector.load %arg8[%get3A_44, %get3A_45] : memref<1x256xf32, #tpu.memory_space<vmem>>, vector<1x256xf32>
      %mul3A_47 = vector.broadcast %get3A_46 : vector<1x256xf32> to vector<1024x256xf32>
      %mul3A_48 = arith.mulf %max3A_40, %mul3A_47 : vector<1024x256xf32>
      %reduce_sum3A = arith.constant dense<0.000000e+00> : vector<1024xf32>
      %reduce_sum3A_49 = vector.multi_reduction <add>, %mul3A_48, %reduce_sum3A [1] : vector<1024x256xf32> to vector<1024xf32>
      %broadcast_in_dim3A = vector.shape_cast %reduce_sum3A_49 : vector<1024xf32> to vector<1024x1xf32>
      %get3A_50 = arith.constant 0 : index
      %get3A_51 = arith.constant 0 : index
      %get3A_52 = vector.load %arg9[%get3A_50, %get3A_51] : memref<1x1xf32, #tpu.memory_space<vmem>>, vector<1x1xf32>
      %mul3A_53 = vector.broadcast %get3A_52 : vector<1x1xf32> to vector<1024x1xf32>
      %mul3A_54 = arith.mulf %broadcast_in_dim3A, %mul3A_53 : vector<1024x1xf32>
      %tanh3A = math.tanh %mul3A_54 : vector<1024x1xf32>
      %swap3A_55 = arith.constant 0 : index
      %swap3A_56 = arith.constant 0 : index
      %swap3A_57 = vector.load %arg11[%swap3A_55, %swap3A_56] : memref<1024x1xf32, #tpu.memory_space<vmem>>, vector<1024x1xf32>
      tpu.vector_store %arg11[%swap3A_55, %swap3A_56], %tanh3A {strides = array<i32>} : memref<1024x1xf32, #tpu.memory_space<vmem>>, vector<1024x1xf32>,
    } else {
    }
    return
  }
  func.func @transform_0(%arg0: i32, %arg1: i32) -> (i32, i32) {
    %c0_i32 = arith.constant 0 : i32
    return %arg0, %arg1 : i32, i32
  }
  func.func @transform_1(%arg0: i32, %arg1: i32) -> (i32, i32) {
    %c0_i32 = arith.constant 0 : i32
    %c0_i32_0 = arith.constant 0 : i32
    return %arg1, %c0_i32 : i32, i32
  }
  func.func @transform_2(%arg0: i32, %arg1: i32) -> (i32, i32) {
    %c0_i32 = arith.constant 0 : i32
    %c0_i32_0 = arith.constant 0 : i32
    return %arg0, %c0_i32 : i32, i32
  }
  func.func @transform_3(%arg0: i32, %arg1: i32) -> (i32, i32) {
    %c0_i32 = arith.constant 0 : i32
    %c0_i32_0 = arith.constant 0 : i32
    return %arg0, %c0_i32 : i32, i32
  }
  func.func @transform_4(%arg0: i32, %arg1: i32) -> (i32, i32) {
    %c0_i32 = arith.constant 0 : i32
    %c0_i32_0 = arith.constant 0 : i32
    return %arg0, %c0_i32 : i32, i32
  }
  func.func @transform_5(%arg0: i32, %arg1: i32) -> (i32, i32) {
    %c0_i32 = arith.constant 0 : i32
    %c0_i32_0 = arith.constant 0 : i32
    %c0_i32_1 = arith.constant 0 : i32
    return %c0_i32, %c0_i32_0 : i32, i32
  }
  func.func @transform_6(%arg0: i32, %arg1: i32) -> (i32, i32) {
    %c0_i32 = arith.constant 0 : i32
    %c0_i32_0 = arith.constant 0 : i32
    %c0_i32_1 = arith.constant 0 : i32
    return %c0_i32, %c0_i32_0 : i32, i32
  }
  func.func @transform_7(%arg0: i32, %arg1: i32) -> (i32, i32) {
    %c0_i32 = arith.constant 0 : i32
    %c0_i32_0 = arith.constant 0 : i32
    %c0_i32_1 = arith.constant 0 : i32
    return %c0_i32, %c0_i32_0 : i32, i32
  }
  func.func @transform_8(%arg0: i32, %arg1: i32) -> (i32, i32) {
    %c0_i32 = arith.constant 0 : i32
    %c0_i32_0 = arith.constant 0 : i32
    return %arg0, %c0_i32 : i32, i32
  }
  func.func @transform_9(%arg0: i32, %arg1: i32) -> (i32, i32) {
    %c0_i32 = arith.constant 0 : i32
    %c0_i32_0 = arith.constant 0 : i32
    return %arg0, %c0_i32 : i32, i32
  }
}

module attributes {stable_mosaic.version = 14 : i64} {
  func.func @_smm_kernel(%arg0: i32, %arg1: i32, %arg2: i32, %arg3: memref<512x512xf32, #tpu.memory_space<vmem>>, %arg4: memref<512x512xf32, #tpu.memory_space<vmem>>, %arg5: memref<512x1xi32, #tpu.memory_space<vmem>>, %arg6: memref<512x1xi32, #tpu.memory_space<vmem>>, %arg7: memref<512x512xf32, #tpu.memory_space<vmem>>, %arg8: memref<512x512xf32, #tpu.memory_space<vmem>>) attributes {dimension_semantics = [#tpu.dimension_semantics<parallel>, #tpu.dimension_semantics<parallel>, #tpu.dimension_semantics<arbitrary>], iteration_bounds = array<i64: 1, 1, 2>, scalar_prefetch = 0 : i64, scratch_operands = 1 : i64, tpu.core_type = #tpu.core_type<tc>, window_params = [{transform_indices = @transform_0, window_bounds = array<i64: 512, 512>}, {transform_indices = @transform_1, window_bounds = array<i64: 512, 512>}, {transform_indices = @transform_2, window_bounds = array<i64: 512, 1>}, {transform_indices = @transform_3, window_bounds = array<i64: 512, 1>}, {transform_indices = @transform_4, window_bounds = array<i64: 512, 512>}]} {
    %eq3A = arith.constant 0 : i32
    %eq3A_0 = arith.cmpi eq, %arg2, %eq3A : i32
    %convert_element_type3A = arith.extui %eq3A_0 : i1 to i32
    %cond3A = arith.constant 0 : i32
    %cond3A_1 = arith.cmpi ne, %convert_element_type3A, %cond3A : i32
    scf.if %cond3A_1 {
      %broadcast_in_dim3A_41 = arith.constant 0.000000e+00 : f32
      %broadcast_in_dim3A_42 = vector.broadcast %broadcast_in_dim3A_41 : f32 to vector<512x512xf32>
      %swap3A_43 = arith.constant 0 : index
      %swap3A_44 = arith.constant 0 : index
      %swap3A_45 = vector.load %arg8[%swap3A_43, %swap3A_44] : memref<512x512xf32, #tpu.memory_space<vmem>>, vector<512x512xf32>
      tpu.vector_store %arg8[%swap3A_43, %swap3A_44], %broadcast_in_dim3A_42 {strides = array<i32>} : memref<512x512xf32, #tpu.memory_space<vmem>>, vector<512x512xf32>,
    } else {
    }
    %mul3A = arith.constant 512 : i32
    %mul3A_2 = arith.muli %arg2, %mul3A : i32
    %iota3A = tpu.iota {dimensions = array<i32: 1>} : vector<512x512xi32>
    %add3A = vector.broadcast %mul3A_2 : i32 to vector<512x512xi32>
    %add3A_3 = arith.addi %add3A, %iota3A : vector<512x512xi32>
    %get3A = arith.constant 0 : index
    %get3A_4 = arith.constant 0 : index
    %get3A_5 = vector.load %arg5[%get3A, %get3A_4] : memref<512x1xi32, #tpu.memory_space<vmem>>, vector<512x1xi32>
    %eq3A_6 = vector.broadcast %get3A_5 : vector<512x1xi32> to vector<512x512xi32>
    %eq3A_7 = arith.cmpi eq, %eq3A_6, %add3A_3 : vector<512x512xi32>
    %get3A_8 = arith.constant 0 : index
    %get3A_9 = arith.constant 0 : index
    %get3A_10 = vector.load %arg3[%get3A_8, %get3A_9] : memref<512x512xf32, #tpu.memory_space<vmem>>, vector<512x512xf32>
    %jit3A = arith.constant 1.000000e+00 : f32
    %broadcast_in_dim3A = vector.broadcast %jit3A : f32 to vector<512x512xf32>
    %select_n3A = arith.select %eq3A_7, %broadcast_in_dim3A, %get3A_10 : vector<512x512xi1>, vector<512x512xf32>
    %convert_element_type3A_11 = arith.truncf %select_n3A : vector<512x512xf32> to vector<512x512xbf16>
    %mul3A_12 = arith.constant 512 : i32
    %mul3A_13 = arith.muli %arg2, %mul3A_12 : i32
    %iota3A_14 = tpu.iota {dimensions = array<i32: 1>} : vector<512x512xi32>
    %add3A_15 = vector.broadcast %mul3A_13 : i32 to vector<512x512xi32>
    %add3A_16 = arith.addi %add3A_15, %iota3A_14 : vector<512x512xi32>
    %get3A_17 = arith.constant 0 : index
    %get3A_18 = arith.constant 0 : index
    %get3A_19 = vector.load %arg6[%get3A_17, %get3A_18] : memref<512x1xi32, #tpu.memory_space<vmem>>, vector<512x1xi32>
    %eq3A_20 = vector.broadcast %get3A_19 : vector<512x1xi32> to vector<512x512xi32>
    %eq3A_21 = arith.cmpi eq, %eq3A_20, %add3A_16 : vector<512x512xi32>
    %get3A_22 = arith.constant 0 : index
    %get3A_23 = arith.constant 0 : index
    %get3A_24 = vector.load %arg4[%get3A_22, %get3A_23] : memref<512x512xf32, #tpu.memory_space<vmem>>, vector<512x512xf32>
    %jit3A_25 = arith.constant 1.000000e+00 : f32
    %broadcast_in_dim3A_26 = vector.broadcast %jit3A_25 : f32 to vector<512x512xf32>
    %select_n3A_27 = arith.select %eq3A_21, %broadcast_in_dim3A_26, %get3A_24 : vector<512x512xi1>, vector<512x512xf32>
    %convert_element_type3A_28 = arith.truncf %select_n3A_27 : vector<512x512xf32> to vector<512x512xbf16>
    %get3A_29 = arith.constant 0 : index
    %get3A_30 = arith.constant 0 : index
    %get3A_31 = vector.load %arg8[%get3A_29, %get3A_30] : memref<512x512xf32, #tpu.memory_space<vmem>>, vector<512x512xf32>
    %dot_general3A = arith.constant dense<0.000000e+00> : vector<512x512xf32>
    %dot_general3A_32 = tpu.matmul %convert_element_type3A_11, %convert_element_type3A_28, %dot_general3A {dimension_numbers = #tpu.dot_dimension_numbers<[1], [1], [0], [0], [0, 0, 1, 0], [], []>, transpose_lhs_hint = false} : vector<512x512xbf16>, vector<512x512xbf16>, vector<512x512xf32> -> vector<512x512xf32>
    %add3A_33 = arith.addf %get3A_31, %dot_general3A_32 : vector<512x512xf32>
    %swap3A = arith.constant 0 : index
    %swap3A_34 = arith.constant 0 : index
    %swap3A_35 = vector.load %arg8[%swap3A, %swap3A_34] : memref<512x512xf32, #tpu.memory_space<vmem>>, vector<512x512xf32>
    tpu.vector_store %arg8[%swap3A, %swap3A_34], %add3A_33 {strides = array<i32>} : memref<512x512xf32, #tpu.memory_space<vmem>>, vector<512x512xf32>,
    %eq3A_36 = arith.constant 1 : i32
    %eq3A_37 = arith.cmpi eq, %arg2, %eq3A_36 : i32
    %convert_element_type3A_38 = arith.extui %eq3A_37 : i1 to i32
    %cond3A_39 = arith.constant 0 : i32
    %cond3A_40 = arith.cmpi ne, %convert_element_type3A_38, %cond3A_39 : i32
    scf.if %cond3A_40 {
      %mul3A_41 = arith.constant 512 : i32
      %mul3A_42 = arith.muli %arg0, %mul3A_41 : i32
      %iota3A_43 = tpu.iota {dimensions = array<i32: 0>} : vector<512x512xi32>
      %add3A_44 = vector.broadcast %mul3A_42 : i32 to vector<512x512xi32>
      %add3A_45 = arith.addi %add3A_44, %iota3A_43 : vector<512x512xi32>
      %mul3A_46 = arith.constant 512 : i32
      %mul3A_47 = arith.muli %arg1, %mul3A_46 : i32
      %iota3A_48 = tpu.iota {dimensions = array<i32: 1>} : vector<512x512xi32>
      %add3A_49 = vector.broadcast %mul3A_47 : i32 to vector<512x512xi32>
      %add3A_50 = arith.addi %add3A_49, %iota3A_48 : vector<512x512xi32>
      %eq3A_51 = arith.cmpi eq, %add3A_45, %add3A_50 : vector<512x512xi32>
      %get3A_52 = arith.constant 0 : index
      %get3A_53 = arith.constant 0 : index
      %get3A_54 = vector.load %arg8[%get3A_52, %get3A_53] : memref<512x512xf32, #tpu.memory_space<vmem>>, vector<512x512xf32>
      %jit3A_55 = arith.constant 0.000000e+00 : f32
      %broadcast_in_dim3A_56 = vector.broadcast %jit3A_55 : f32 to vector<512x512xf32>
      %select_n3A_57 = arith.select %eq3A_51, %broadcast_in_dim3A_56, %get3A_54 : vector<512x512xi1>, vector<512x512xf32>
      %swap3A_58 = arith.constant 0 : index
      %swap3A_59 = arith.constant 0 : index
      %swap3A_60 = vector.load %arg7[%swap3A_58, %swap3A_59] : memref<512x512xf32, #tpu.memory_space<vmem>>, vector<512x512xf32>
      tpu.vector_store %arg7[%swap3A_58, %swap3A_59], %select_n3A_57 {strides = array<i32>} : memref<512x512xf32, #tpu.memory_space<vmem>>, vector<512x512xf32>,
    } else {
    }
    return
  }
  func.func @transform_0(%arg0: i32, %arg1: i32, %arg2: i32) -> (i32, i32) {
    %c0_i32 = arith.constant 0 : i32
    return %arg0, %arg2 : i32, i32
  }
  func.func @transform_1(%arg0: i32, %arg1: i32, %arg2: i32) -> (i32, i32) {
    %c0_i32 = arith.constant 0 : i32
    return %arg1, %arg2 : i32, i32
  }
  func.func @transform_2(%arg0: i32, %arg1: i32, %arg2: i32) -> (i32, i32) {
    %c0_i32 = arith.constant 0 : i32
    %c0_i32_0 = arith.constant 0 : i32
    return %arg0, %c0_i32 : i32, i32
  }
  func.func @transform_3(%arg0: i32, %arg1: i32, %arg2: i32) -> (i32, i32) {
    %c0_i32 = arith.constant 0 : i32
    %c0_i32_0 = arith.constant 0 : i32
    return %arg1, %c0_i32 : i32, i32
  }
  func.func @transform_4(%arg0: i32, %arg1: i32, %arg2: i32) -> (i32, i32) {
    %c0_i32 = arith.constant 0 : i32
    return %arg0, %arg1 : i32, i32
  }
}

module attributes {stable_mosaic.version = 14 : i64} {
  func.func @_rowsum_kernel(%arg0: i32, %arg1: i32, %arg2: memref<512x512xf32, #tpu.memory_space<vmem>>, %arg3: memref<512x1xf32, #tpu.memory_space<vmem>>) attributes {dimension_semantics = [#tpu.dimension_semantics<arbitrary>, #tpu.dimension_semantics<arbitrary>], iteration_bounds = array<i64: 1, 1>, scalar_prefetch = 0 : i64, scratch_operands = 0 : i64, tpu.core_type = #tpu.core_type<tc>, window_params = [{transform_indices = @transform_0, window_bounds = array<i64: 512, 512>}, {transform_indices = @transform_1, window_bounds = array<i64: 512, 1>}]} {
    %eq3A = arith.constant 0 : i32
    %eq3A_0 = arith.cmpi eq, %arg1, %eq3A : i32
    %convert_element_type3A = arith.extui %eq3A_0 : i1 to i32
    %cond3A = arith.constant 0 : i32
    %cond3A_1 = arith.cmpi ne, %convert_element_type3A, %cond3A : i32
    scf.if %cond3A_1 {
      %broadcast_in_dim3A_10 = arith.constant 0.000000e+00 : f32
      %broadcast_in_dim3A_11 = vector.broadcast %broadcast_in_dim3A_10 : f32 to vector<512x1xf32>
      %swap3A_12 = arith.constant 0 : index
      %swap3A_13 = arith.constant 0 : index
      %swap3A_14 = vector.load %arg3[%swap3A_12, %swap3A_13] : memref<512x1xf32, #tpu.memory_space<vmem>>, vector<512x1xf32>
      tpu.vector_store %arg3[%swap3A_12, %swap3A_13], %broadcast_in_dim3A_11 {strides = array<i32>} : memref<512x1xf32, #tpu.memory_space<vmem>>, vector<512x1xf32>,
    } else {
    }
    %get3A = arith.constant 0 : index
    %get3A_2 = arith.constant 0 : index
    %get3A_3 = vector.load %arg3[%get3A, %get3A_2] : memref<512x1xf32, #tpu.memory_space<vmem>>, vector<512x1xf32>
    %get3A_4 = arith.constant 0 : index
    %get3A_5 = arith.constant 0 : index
    %get3A_6 = vector.load %arg2[%get3A_4, %get3A_5] : memref<512x512xf32, #tpu.memory_space<vmem>>, vector<512x512xf32>
    %reduce_sum3A = arith.constant dense<0.000000e+00> : vector<512xf32>
    %reduce_sum3A_7 = vector.multi_reduction <add>, %get3A_6, %reduce_sum3A [1] : vector<512x512xf32> to vector<512xf32>
    %broadcast_in_dim3A = vector.shape_cast %reduce_sum3A_7 : vector<512xf32> to vector<512x1xf32>
    %add3A = arith.addf %get3A_3, %broadcast_in_dim3A : vector<512x1xf32>
    %swap3A = arith.constant 0 : index
    %swap3A_8 = arith.constant 0 : index
    %swap3A_9 = vector.load %arg3[%swap3A, %swap3A_8] : memref<512x1xf32, #tpu.memory_space<vmem>>, vector<512x1xf32>
    tpu.vector_store %arg3[%swap3A, %swap3A_8], %add3A {strides = array<i32>} : memref<512x1xf32, #tpu.memory_space<vmem>>, vector<512x1xf32>,
    return
  }
  func.func @transform_0(%arg0: i32, %arg1: i32) -> (i32, i32) {
    %c0_i32 = arith.constant 0 : i32
    return %arg0, %arg1 : i32, i32
  }
  func.func @transform_1(%arg0: i32, %arg1: i32) -> (i32, i32) {
    %c0_i32 = arith.constant 0 : i32
    %c0_i32_0 = arith.constant 0 : i32
    return %arg0, %c0_i32 : i32, i32
  }
}

module attributes {stable_mosaic.version = 14 : i64} {
  func.func @_mm_rowscale_kernel(%arg0: i32, %arg1: memref<512x256xf32, #tpu.memory_space<vmem>>, %arg2: memref<256x256xf32, #tpu.memory_space<vmem>>, %arg3: memref<512x1xf32, #tpu.memory_space<vmem>>, %arg4: memref<512x1xf32, #tpu.memory_space<vmem>>, %arg5: memref<512x1xf32, #tpu.memory_space<vmem>>, %arg6: memref<512x1xf32, #tpu.memory_space<vmem>>, %arg7: memref<512x256xf32, #tpu.memory_space<vmem>>) attributes {dimension_semantics = [#tpu.dimension_semantics<arbitrary>], iteration_bounds = array<i64: 1>, scalar_prefetch = 0 : i64, scratch_operands = 0 : i64, tpu.core_type = #tpu.core_type<tc>, window_params = [{transform_indices = @transform_0, window_bounds = array<i64: 512, 256>}, {pipeline_mode = #tpu.pipeline_mode<synchronous>, transform_indices = @transform_1, window_bounds = array<i64: 256, 256>}, {transform_indices = @transform_2, window_bounds = array<i64: 512, 1>}, {transform_indices = @transform_3, window_bounds = array<i64: 512, 1>}, {transform_indices = @transform_4, window_bounds = array<i64: 512, 1>}, {transform_indices = @transform_5, window_bounds = array<i64: 512, 1>}, {transform_indices = @transform_6, window_bounds = array<i64: 512, 256>}]} {
    %get3A = arith.constant 0 : index
    %get3A_0 = arith.constant 0 : index
    %get3A_1 = vector.load %arg1[%get3A, %get3A_0] : memref<512x256xf32, #tpu.memory_space<vmem>>, vector<512x256xf32>
    %get3A_2 = arith.constant 0 : index
    %get3A_3 = arith.constant 0 : index
    %get3A_4 = vector.load %arg4[%get3A_2, %get3A_3] : memref<512x1xf32, #tpu.memory_space<vmem>>, vector<512x1xf32>
    %mul3A = vector.broadcast %get3A_4 : vector<512x1xf32> to vector<512x256xf32>
    %mul3A_5 = arith.mulf %get3A_1, %mul3A : vector<512x256xf32>
    %get3A_6 = arith.constant 0 : index
    %get3A_7 = arith.constant 0 : index
    %get3A_8 = vector.load %arg3[%get3A_6, %get3A_7] : memref<512x1xf32, #tpu.memory_space<vmem>>, vector<512x1xf32>
    %get3A_9 = arith.constant 0 : index
    %get3A_10 = arith.constant 0 : index
    %get3A_11 = vector.load %arg2[%get3A_9, %get3A_10] : memref<256x256xf32, #tpu.memory_space<vmem>>, vector<256x256xf32>
    %dot_general3A = arith.constant dense<0.000000e+00> : vector<512x256xf32>
    %dot_general3A_12 = tpu.matmul %mul3A_5, %get3A_11, %dot_general3A {dimension_numbers = #tpu.dot_dimension_numbers<[1], [0], [0], [1], [0, 0, 1, 1], [], []>, transpose_lhs_hint = false} : vector<512x256xf32>, vector<256x256xf32>, vector<512x256xf32> -> vector<512x256xf32>
    %mul3A_13 = vector.broadcast %get3A_8 : vector<512x1xf32> to vector<512x256xf32>
    %mul3A_14 = arith.mulf %mul3A_13, %dot_general3A_12 : vector<512x256xf32>
    %swap3A = arith.constant 0 : index
    %swap3A_15 = arith.constant 0 : index
    %swap3A_16 = vector.load %arg7[%swap3A, %swap3A_15] : memref<512x256xf32, #tpu.memory_space<vmem>>, vector<512x256xf32>
    tpu.vector_store %arg7[%swap3A, %swap3A_15], %mul3A_14 {strides = array<i32>} : memref<512x256xf32, #tpu.memory_space<vmem>>, vector<512x256xf32>,
    return
  }
  func.func @transform_0(%arg0: i32) -> (i32, i32) {
    %c0_i32 = arith.constant 0 : i32
    %c0_i32_0 = arith.constant 0 : i32
    return %arg0, %c0_i32 : i32, i32
  }
  func.func @transform_1(%arg0: i32) -> (i32, i32) {
    %c0_i32 = arith.constant 0 : i32
    %c0_i32_0 = arith.constant 0 : i32
    %c0_i32_1 = arith.constant 0 : i32
    return %c0_i32, %c0_i32_0 : i32, i32
  }
  func.func @transform_2(%arg0: i32) -> (i32, i32) {
    %c0_i32 = arith.constant 0 : i32
    %c0_i32_0 = arith.constant 0 : i32
    return %arg0, %c0_i32 : i32, i32
  }
  func.func @transform_3(%arg0: i32) -> (i32, i32) {
    %c0_i32 = arith.constant 0 : i32
    %c0_i32_0 = arith.constant 0 : i32
    return %arg0, %c0_i32 : i32, i32
  }
  func.func @transform_4(%arg0: i32) -> (i32, i32) {
    %c0_i32 = arith.constant 0 : i32
    %c0_i32_0 = arith.constant 0 : i32
    return %arg0, %c0_i32 : i32, i32
  }
  func.func @transform_5(%arg0: i32) -> (i32, i32) {
    %c0_i32 = arith.constant 0 : i32
    %c0_i32_0 = arith.constant 0 : i32
    return %arg0, %c0_i32 : i32, i32
  }
  func.func @transform_6(%arg0: i32) -> (i32, i32) {
    %c0_i32 = arith.constant 0 : i32
    %c0_i32_0 = arith.constant 0 : i32
    return %arg0, %c0_i32 : i32, i32
  }
}

module attributes {stable_mosaic.version = 14 : i64} {
  func.func @_spmm_kernel(%arg0: i32, %arg1: i32, %arg2: memref<512x512xf32, #tpu.memory_space<vmem>>, %arg3: memref<512x256xf32, #tpu.memory_space<vmem>>, %arg4: memref<512x256xf32, #tpu.memory_space<vmem>>, %arg5: memref<512x1xf32, #tpu.memory_space<vmem>>, %arg6: memref<512x1xf32, #tpu.memory_space<vmem>>, %arg7: memref<1x256xf32, #tpu.memory_space<vmem>>, %arg8: memref<1x256xf32, #tpu.memory_space<vmem>>, %arg9: memref<1x1xf32, #tpu.memory_space<vmem>>, %arg10: memref<512x256xf32, #tpu.memory_space<vmem>>, %arg11: memref<512x1xf32, #tpu.memory_space<vmem>>, %arg12: memref<512x256xf32, #tpu.memory_space<vmem>>) attributes {dimension_semantics = [#tpu.dimension_semantics<parallel>, #tpu.dimension_semantics<arbitrary>], iteration_bounds = array<i64: 1, 1>, scalar_prefetch = 0 : i64, scratch_operands = 1 : i64, tpu.core_type = #tpu.core_type<tc>, window_params = [{transform_indices = @transform_0, window_bounds = array<i64: 512, 512>}, {transform_indices = @transform_1, window_bounds = array<i64: 512, 256>}, {transform_indices = @transform_2, window_bounds = array<i64: 512, 256>}, {transform_indices = @transform_3, window_bounds = array<i64: 512, 1>}, {transform_indices = @transform_4, window_bounds = array<i64: 512, 1>}, {pipeline_mode = #tpu.pipeline_mode<synchronous>, transform_indices = @transform_5, window_bounds = array<i64: 1, 256>}, {pipeline_mode = #tpu.pipeline_mode<synchronous>, transform_indices = @transform_6, window_bounds = array<i64: 1, 256>}, {pipeline_mode = #tpu.pipeline_mode<synchronous>, transform_indices = @transform_7, window_bounds = array<i64: 1, 1>}, {transform_indices = @transform_8, window_bounds = array<i64: 512, 256>}, {transform_indices = @transform_9, window_bounds = array<i64: 512, 1>}]} {
    %eq3A = arith.constant 0 : i32
    %eq3A_0 = arith.cmpi eq, %arg1, %eq3A : i32
    %convert_element_type3A = arith.extui %eq3A_0 : i1 to i32
    %cond3A = arith.constant 0 : i32
    %cond3A_1 = arith.cmpi ne, %convert_element_type3A, %cond3A : i32
    scf.if %cond3A_1 {
      %broadcast_in_dim3A = arith.constant 0.000000e+00 : f32
      %broadcast_in_dim3A_18 = vector.broadcast %broadcast_in_dim3A : f32 to vector<512x256xf32>
      %swap3A_19 = arith.constant 0 : index
      %swap3A_20 = arith.constant 0 : index
      %swap3A_21 = vector.load %arg12[%swap3A_19, %swap3A_20] : memref<512x256xf32, #tpu.memory_space<vmem>>, vector<512x256xf32>
      tpu.vector_store %arg12[%swap3A_19, %swap3A_20], %broadcast_in_dim3A_18 {strides = array<i32>} : memref<512x256xf32, #tpu.memory_space<vmem>>, vector<512x256xf32>,
    } else {
    }
    %get3A = arith.constant 0 : index
    %get3A_2 = arith.constant 0 : index
    %get3A_3 = vector.load %arg12[%get3A, %get3A_2] : memref<512x256xf32, #tpu.memory_space<vmem>>, vector<512x256xf32>
    %get3A_4 = arith.constant 0 : index
    %get3A_5 = arith.constant 0 : index
    %get3A_6 = vector.load %arg2[%get3A_4, %get3A_5] : memref<512x512xf32, #tpu.memory_space<vmem>>, vector<512x512xf32>
    %get3A_7 = arith.constant 0 : index
    %get3A_8 = arith.constant 0 : index
    %get3A_9 = vector.load %arg3[%get3A_7, %get3A_8] : memref<512x256xf32, #tpu.memory_space<vmem>>, vector<512x256xf32>
    %dot_general3A = arith.constant dense<0.000000e+00> : vector<512x256xf32>
    %dot_general3A_10 = tpu.matmul %get3A_6, %get3A_9, %dot_general3A {dimension_numbers = #tpu.dot_dimension_numbers<[1], [0], [0], [1], [0, 0, 1, 1], [], []>, transpose_lhs_hint = false} : vector<512x512xf32>, vector<512x256xf32>, vector<512x256xf32> -> vector<512x256xf32>
    %add3A = arith.addf %get3A_3, %dot_general3A_10 : vector<512x256xf32>
    %swap3A = arith.constant 0 : index
    %swap3A_11 = arith.constant 0 : index
    %swap3A_12 = vector.load %arg12[%swap3A, %swap3A_11] : memref<512x256xf32, #tpu.memory_space<vmem>>, vector<512x256xf32>
    tpu.vector_store %arg12[%swap3A, %swap3A_11], %add3A {strides = array<i32>} : memref<512x256xf32, #tpu.memory_space<vmem>>, vector<512x256xf32>,
    %eq3A_13 = arith.constant 0 : i32
    %eq3A_14 = arith.cmpi eq, %arg1, %eq3A_13 : i32
    %convert_element_type3A_15 = arith.extui %eq3A_14 : i1 to i32
    %cond3A_16 = arith.constant 0 : i32
    %cond3A_17 = arith.cmpi ne, %convert_element_type3A_15, %cond3A_16 : i32
    scf.if %cond3A_17 {
      %get3A_18 = arith.constant 0 : index
      %get3A_19 = arith.constant 0 : index
      %get3A_20 = vector.load %arg5[%get3A_18, %get3A_19] : memref<512x1xf32, #tpu.memory_space<vmem>>, vector<512x1xf32>
      %get3A_21 = arith.constant 0 : index
      %get3A_22 = arith.constant 0 : index
      %get3A_23 = vector.load %arg12[%get3A_21, %get3A_22] : memref<512x256xf32, #tpu.memory_space<vmem>>, vector<512x256xf32>
      %get3A_24 = arith.constant 0 : index
      %get3A_25 = arith.constant 0 : index
      %get3A_26 = vector.load %arg6[%get3A_24, %get3A_25] : memref<512x1xf32, #tpu.memory_space<vmem>>, vector<512x1xf32>
      %get3A_27 = arith.constant 0 : index
      %get3A_28 = arith.constant 0 : index
      %get3A_29 = vector.load %arg4[%get3A_27, %get3A_28] : memref<512x256xf32, #tpu.memory_space<vmem>>, vector<512x256xf32>
      %mul3A = vector.broadcast %get3A_26 : vector<512x1xf32> to vector<512x256xf32>
      %mul3A_30 = arith.mulf %mul3A, %get3A_29 : vector<512x256xf32>
      %add3A_31 = arith.addf %get3A_23, %mul3A_30 : vector<512x256xf32>
      %mul3A_32 = vector.broadcast %get3A_20 : vector<512x1xf32> to vector<512x256xf32>
      %mul3A_33 = arith.mulf %mul3A_32, %add3A_31 : vector<512x256xf32>
      %get3A_34 = arith.constant 0 : index
      %get3A_35 = arith.constant 0 : index
      %get3A_36 = vector.load %arg7[%get3A_34, %get3A_35] : memref<1x256xf32, #tpu.memory_space<vmem>>, vector<1x256xf32>
      %add3A_37 = vector.broadcast %get3A_36 : vector<1x256xf32> to vector<512x256xf32>
      %add3A_38 = arith.addf %mul3A_33, %add3A_37 : vector<512x256xf32>
      %max3A = arith.constant 0.000000e+00 : f32
      %max3A_39 = vector.broadcast %max3A : f32 to vector<512x256xf32>
      %max3A_40 = arith.maximumf %add3A_38, %max3A_39 : vector<512x256xf32>
      %swap3A_41 = arith.constant 0 : index
      %swap3A_42 = arith.constant 0 : index
      %swap3A_43 = vector.load %arg10[%swap3A_41, %swap3A_42] : memref<512x256xf32, #tpu.memory_space<vmem>>, vector<512x256xf32>
      tpu.vector_store %arg10[%swap3A_41, %swap3A_42], %max3A_40 {strides = array<i32>} : memref<512x256xf32, #tpu.memory_space<vmem>>, vector<512x256xf32>,
      %get3A_44 = arith.constant 0 : index
      %get3A_45 = arith.constant 0 : index
      %get3A_46 = vector.load %arg8[%get3A_44, %get3A_45] : memref<1x256xf32, #tpu.memory_space<vmem>>, vector<1x256xf32>
      %mul3A_47 = vector.broadcast %get3A_46 : vector<1x256xf32> to vector<512x256xf32>
      %mul3A_48 = arith.mulf %max3A_40, %mul3A_47 : vector<512x256xf32>
      %reduce_sum3A = arith.constant dense<0.000000e+00> : vector<512xf32>
      %reduce_sum3A_49 = vector.multi_reduction <add>, %mul3A_48, %reduce_sum3A [1] : vector<512x256xf32> to vector<512xf32>
      %broadcast_in_dim3A = vector.shape_cast %reduce_sum3A_49 : vector<512xf32> to vector<512x1xf32>
      %get3A_50 = arith.constant 0 : index
      %get3A_51 = arith.constant 0 : index
      %get3A_52 = vector.load %arg9[%get3A_50, %get3A_51] : memref<1x1xf32, #tpu.memory_space<vmem>>, vector<1x1xf32>
      %mul3A_53 = vector.broadcast %get3A_52 : vector<1x1xf32> to vector<512x1xf32>
      %mul3A_54 = arith.mulf %broadcast_in_dim3A, %mul3A_53 : vector<512x1xf32>
      %tanh3A = math.tanh %mul3A_54 : vector<512x1xf32>
      %swap3A_55 = arith.constant 0 : index
      %swap3A_56 = arith.constant 0 : index
      %swap3A_57 = vector.load %arg11[%swap3A_55, %swap3A_56] : memref<512x1xf32, #tpu.memory_space<vmem>>, vector<512x1xf32>
      tpu.vector_store %arg11[%swap3A_55, %swap3A_56], %tanh3A {strides = array<i32>} : memref<512x1xf32, #tpu.memory_space<vmem>>, vector<512x1xf32>,
    } else {
    }
    return
  }
  func.func @transform_0(%arg0: i32, %arg1: i32) -> (i32, i32) {
    %c0_i32 = arith.constant 0 : i32
    return %arg0, %arg1 : i32, i32
  }
  func.func @transform_1(%arg0: i32, %arg1: i32) -> (i32, i32) {
    %c0_i32 = arith.constant 0 : i32
    %c0_i32_0 = arith.constant 0 : i32
    return %arg1, %c0_i32 : i32, i32
  }
  func.func @transform_2(%arg0: i32, %arg1: i32) -> (i32, i32) {
    %c0_i32 = arith.constant 0 : i32
    %c0_i32_0 = arith.constant 0 : i32
    return %arg0, %c0_i32 : i32, i32
  }
  func.func @transform_3(%arg0: i32, %arg1: i32) -> (i32, i32) {
    %c0_i32 = arith.constant 0 : i32
    %c0_i32_0 = arith.constant 0 : i32
    return %arg0, %c0_i32 : i32, i32
  }
  func.func @transform_4(%arg0: i32, %arg1: i32) -> (i32, i32) {
    %c0_i32 = arith.constant 0 : i32
    %c0_i32_0 = arith.constant 0 : i32
    return %arg0, %c0_i32 : i32, i32
  }
  func.func @transform_5(%arg0: i32, %arg1: i32) -> (i32, i32) {
    %c0_i32 = arith.constant 0 : i32
    %c0_i32_0 = arith.constant 0 : i32
    %c0_i32_1 = arith.constant 0 : i32
    return %c0_i32, %c0_i32_0 : i32, i32
  }
  func.func @transform_6(%arg0: i32, %arg1: i32) -> (i32, i32) {
    %c0_i32 = arith.constant 0 : i32
    %c0_i32_0 = arith.constant 0 : i32
    %c0_i32_1 = arith.constant 0 : i32
    return %c0_i32, %c0_i32_0 : i32, i32
  }
  func.func @transform_7(%arg0: i32, %arg1: i32) -> (i32, i32) {
    %c0_i32 = arith.constant 0 : i32
    %c0_i32_0 = arith.constant 0 : i32
    %c0_i32_1 = arith.constant 0 : i32
    return %c0_i32, %c0_i32_0 : i32, i32
  }
  func.func @transform_8(%arg0: i32, %arg1: i32) -> (i32, i32) {
    %c0_i32 = arith.constant 0 : i32
    %c0_i32_0 = arith.constant 0 : i32
    return %arg0, %c0_i32 : i32, i32
  }
  func.func @transform_9(%arg0: i32, %arg1: i32) -> (i32, i32) {
    %c0_i32 = arith.constant 0 : i32
    %c0_i32_0 = arith.constant 0 : i32
    return %arg0, %c0_i32 : i32, i32
  }
}

module attributes {stable_mosaic.version = 14 : i64} {
  func.func @_mm_rowscale_kernel(%arg0: i32, %arg1: memref<1024x256xf32, #tpu.memory_space<vmem>>, %arg2: memref<256x256xf32, #tpu.memory_space<vmem>>, %arg3: memref<1024x1xf32, #tpu.memory_space<vmem>>, %arg4: memref<1024x1xf32, #tpu.memory_space<vmem>>, %arg5: memref<1024x256xf32, #tpu.memory_space<vmem>>, %arg6: memref<1024x1xf32, #tpu.memory_space<vmem>>, %arg7: memref<1024x256xf32, #tpu.memory_space<vmem>>) attributes {dimension_semantics = [#tpu.dimension_semantics<arbitrary>], iteration_bounds = array<i64: 1>, scalar_prefetch = 0 : i64, scratch_operands = 0 : i64, tpu.core_type = #tpu.core_type<tc>, window_params = [{transform_indices = @transform_0, window_bounds = array<i64: 1024, 256>}, {pipeline_mode = #tpu.pipeline_mode<synchronous>, transform_indices = @transform_1, window_bounds = array<i64: 256, 256>}, {transform_indices = @transform_2, window_bounds = array<i64: 1024, 1>}, {transform_indices = @transform_3, window_bounds = array<i64: 1024, 1>}, {transform_indices = @transform_4, window_bounds = array<i64: 1024, 256>}, {transform_indices = @transform_5, window_bounds = array<i64: 1024, 1>}, {transform_indices = @transform_6, window_bounds = array<i64: 1024, 256>}]} {
    %get3A = arith.constant 0 : index
    %get3A_0 = arith.constant 0 : index
    %get3A_1 = vector.load %arg1[%get3A, %get3A_0] : memref<1024x256xf32, #tpu.memory_space<vmem>>, vector<1024x256xf32>
    %get3A_2 = arith.constant 0 : index
    %get3A_3 = arith.constant 0 : index
    %get3A_4 = vector.load %arg6[%get3A_2, %get3A_3] : memref<1024x1xf32, #tpu.memory_space<vmem>>, vector<1024x1xf32>
    %get3A_5 = arith.constant 0 : index
    %get3A_6 = arith.constant 0 : index
    %get3A_7 = vector.load %arg5[%get3A_5, %get3A_6] : memref<1024x256xf32, #tpu.memory_space<vmem>>, vector<1024x256xf32>
    %mul3A = vector.broadcast %get3A_4 : vector<1024x1xf32> to vector<1024x256xf32>
    %mul3A_8 = arith.mulf %mul3A, %get3A_7 : vector<1024x256xf32>
    %add3A = arith.addf %get3A_1, %mul3A_8 : vector<1024x256xf32>
    %get3A_9 = arith.constant 0 : index
    %get3A_10 = arith.constant 0 : index
    %get3A_11 = vector.load %arg3[%get3A_9, %get3A_10] : memref<1024x1xf32, #tpu.memory_space<vmem>>, vector<1024x1xf32>
    %get3A_12 = arith.constant 0 : index
    %get3A_13 = arith.constant 0 : index
    %get3A_14 = vector.load %arg2[%get3A_12, %get3A_13] : memref<256x256xf32, #tpu.memory_space<vmem>>, vector<256x256xf32>
    %dot_general3A = arith.constant dense<0.000000e+00> : vector<1024x256xf32>
    %dot_general3A_15 = tpu.matmul %add3A, %get3A_14, %dot_general3A {dimension_numbers = #tpu.dot_dimension_numbers<[1], [0], [0], [1], [0, 0, 1, 1], [], []>, transpose_lhs_hint = false} : vector<1024x256xf32>, vector<256x256xf32>, vector<1024x256xf32> -> vector<1024x256xf32>
    %mul3A_16 = vector.broadcast %get3A_11 : vector<1024x1xf32> to vector<1024x256xf32>
    %mul3A_17 = arith.mulf %mul3A_16, %dot_general3A_15 : vector<1024x256xf32>
    %swap3A = arith.constant 0 : index
    %swap3A_18 = arith.constant 0 : index
    %swap3A_19 = vector.load %arg7[%swap3A, %swap3A_18] : memref<1024x256xf32, #tpu.memory_space<vmem>>, vector<1024x256xf32>
    tpu.vector_store %arg7[%swap3A, %swap3A_18], %mul3A_17 {strides = array<i32>} : memref<1024x256xf32, #tpu.memory_space<vmem>>, vector<1024x256xf32>,
    return
  }
  func.func @transform_0(%arg0: i32) -> (i32, i32) {
    %c0_i32 = arith.constant 0 : i32
    %c0_i32_0 = arith.constant 0 : i32
    return %arg0, %c0_i32 : i32, i32
  }
  func.func @transform_1(%arg0: i32) -> (i32, i32) {
    %c0_i32 = arith.constant 0 : i32
    %c0_i32_0 = arith.constant 0 : i32
    %c0_i32_1 = arith.constant 0 : i32
    return %c0_i32, %c0_i32_0 : i32, i32
  }
  func.func @transform_2(%arg0: i32) -> (i32, i32) {
    %c0_i32 = arith.constant 0 : i32
    %c0_i32_0 = arith.constant 0 : i32
    return %arg0, %c0_i32 : i32, i32
  }
  func.func @transform_3(%arg0: i32) -> (i32, i32) {
    %c0_i32 = arith.constant 0 : i32
    %c0_i32_0 = arith.constant 0 : i32
    return %arg0, %c0_i32 : i32, i32
  }
  func.func @transform_4(%arg0: i32) -> (i32, i32) {
    %c0_i32 = arith.constant 0 : i32
    %c0_i32_0 = arith.constant 0 : i32
    return %arg0, %c0_i32 : i32, i32
  }
  func.func @transform_5(%arg0: i32) -> (i32, i32) {
    %c0_i32 = arith.constant 0 : i32
    %c0_i32_0 = arith.constant 0 : i32
    return %arg0, %c0_i32 : i32, i32
  }
  func.func @transform_6(%arg0: i32) -> (i32, i32) {
    %c0_i32 = arith.constant 0 : i32
    %c0_i32_0 = arith.constant 0 : i32
    return %arg0, %c0_i32 : i32, i32
  }
}

module attributes {stable_mosaic.version = 14 : i64} {
  func.func @_spmm_kernel(%arg0: i32, %arg1: i32, %arg2: memref<1024x1024xf32, #tpu.memory_space<vmem>>, %arg3: memref<1024x256xf32, #tpu.memory_space<vmem>>, %arg4: memref<1024x256xf32, #tpu.memory_space<vmem>>, %arg5: memref<1024x1xf32, #tpu.memory_space<vmem>>, %arg6: memref<1024x1xf32, #tpu.memory_space<vmem>>, %arg7: memref<1x256xf32, #tpu.memory_space<vmem>>, %arg8: memref<1x256xf32, #tpu.memory_space<vmem>>, %arg9: memref<1x1xf32, #tpu.memory_space<vmem>>, %arg10: memref<1024x256xf32, #tpu.memory_space<vmem>>, %arg11: memref<1024x1xf32, #tpu.memory_space<vmem>>, %arg12: memref<1024x256xf32, #tpu.memory_space<vmem>>) attributes {dimension_semantics = [#tpu.dimension_semantics<parallel>, #tpu.dimension_semantics<arbitrary>], iteration_bounds = array<i64: 1, 1>, scalar_prefetch = 0 : i64, scratch_operands = 1 : i64, tpu.core_type = #tpu.core_type<tc>, window_params = [{transform_indices = @transform_0, window_bounds = array<i64: 1024, 1024>}, {transform_indices = @transform_1, window_bounds = array<i64: 1024, 256>}, {transform_indices = @transform_2, window_bounds = array<i64: 1024, 256>}, {transform_indices = @transform_3, window_bounds = array<i64: 1024, 1>}, {transform_indices = @transform_4, window_bounds = array<i64: 1024, 1>}, {pipeline_mode = #tpu.pipeline_mode<synchronous>, transform_indices = @transform_5, window_bounds = array<i64: 1, 256>}, {pipeline_mode = #tpu.pipeline_mode<synchronous>, transform_indices = @transform_6, window_bounds = array<i64: 1, 256>}, {pipeline_mode = #tpu.pipeline_mode<synchronous>, transform_indices = @transform_7, window_bounds = array<i64: 1, 1>}, {transform_indices = @transform_8, window_bounds = array<i64: 1024, 256>}, {transform_indices = @transform_9, window_bounds = array<i64: 1024, 1>}]} {
    %eq3A = arith.constant 0 : i32
    %eq3A_0 = arith.cmpi eq, %arg1, %eq3A : i32
    %convert_element_type3A = arith.extui %eq3A_0 : i1 to i32
    %cond3A = arith.constant 0 : i32
    %cond3A_1 = arith.cmpi ne, %convert_element_type3A, %cond3A : i32
    scf.if %cond3A_1 {
      %broadcast_in_dim3A = arith.constant 0.000000e+00 : f32
      %broadcast_in_dim3A_18 = vector.broadcast %broadcast_in_dim3A : f32 to vector<1024x256xf32>
      %swap3A_19 = arith.constant 0 : index
      %swap3A_20 = arith.constant 0 : index
      %swap3A_21 = vector.load %arg12[%swap3A_19, %swap3A_20] : memref<1024x256xf32, #tpu.memory_space<vmem>>, vector<1024x256xf32>
      tpu.vector_store %arg12[%swap3A_19, %swap3A_20], %broadcast_in_dim3A_18 {strides = array<i32>} : memref<1024x256xf32, #tpu.memory_space<vmem>>, vector<1024x256xf32>,
    } else {
    }
    %get3A = arith.constant 0 : index
    %get3A_2 = arith.constant 0 : index
    %get3A_3 = vector.load %arg12[%get3A, %get3A_2] : memref<1024x256xf32, #tpu.memory_space<vmem>>, vector<1024x256xf32>
    %get3A_4 = arith.constant 0 : index
    %get3A_5 = arith.constant 0 : index
    %get3A_6 = vector.load %arg2[%get3A_4, %get3A_5] : memref<1024x1024xf32, #tpu.memory_space<vmem>>, vector<1024x1024xf32>
    %get3A_7 = arith.constant 0 : index
    %get3A_8 = arith.constant 0 : index
    %get3A_9 = vector.load %arg3[%get3A_7, %get3A_8] : memref<1024x256xf32, #tpu.memory_space<vmem>>, vector<1024x256xf32>
    %dot_general3A = arith.constant dense<0.000000e+00> : vector<1024x256xf32>
    %dot_general3A_10 = tpu.matmul %get3A_6, %get3A_9, %dot_general3A {dimension_numbers = #tpu.dot_dimension_numbers<[1], [0], [0], [1], [0, 0, 1, 1], [], []>, transpose_lhs_hint = false} : vector<1024x1024xf32>, vector<1024x256xf32>, vector<1024x256xf32> -> vector<1024x256xf32>
    %add3A = arith.addf %get3A_3, %dot_general3A_10 : vector<1024x256xf32>
    %swap3A = arith.constant 0 : index
    %swap3A_11 = arith.constant 0 : index
    %swap3A_12 = vector.load %arg12[%swap3A, %swap3A_11] : memref<1024x256xf32, #tpu.memory_space<vmem>>, vector<1024x256xf32>
    tpu.vector_store %arg12[%swap3A, %swap3A_11], %add3A {strides = array<i32>} : memref<1024x256xf32, #tpu.memory_space<vmem>>, vector<1024x256xf32>,
    %eq3A_13 = arith.constant 0 : i32
    %eq3A_14 = arith.cmpi eq, %arg1, %eq3A_13 : i32
    %convert_element_type3A_15 = arith.extui %eq3A_14 : i1 to i32
    %cond3A_16 = arith.constant 0 : i32
    %cond3A_17 = arith.cmpi ne, %convert_element_type3A_15, %cond3A_16 : i32
    scf.if %cond3A_17 {
      %get3A_18 = arith.constant 0 : index
      %get3A_19 = arith.constant 0 : index
      %get3A_20 = vector.load %arg5[%get3A_18, %get3A_19] : memref<1024x1xf32, #tpu.memory_space<vmem>>, vector<1024x1xf32>
      %get3A_21 = arith.constant 0 : index
      %get3A_22 = arith.constant 0 : index
      %get3A_23 = vector.load %arg12[%get3A_21, %get3A_22] : memref<1024x256xf32, #tpu.memory_space<vmem>>, vector<1024x256xf32>
      %get3A_24 = arith.constant 0 : index
      %get3A_25 = arith.constant 0 : index
      %get3A_26 = vector.load %arg6[%get3A_24, %get3A_25] : memref<1024x1xf32, #tpu.memory_space<vmem>>, vector<1024x1xf32>
      %get3A_27 = arith.constant 0 : index
      %get3A_28 = arith.constant 0 : index
      %get3A_29 = vector.load %arg4[%get3A_27, %get3A_28] : memref<1024x256xf32, #tpu.memory_space<vmem>>, vector<1024x256xf32>
      %mul3A = vector.broadcast %get3A_26 : vector<1024x1xf32> to vector<1024x256xf32>
      %mul3A_30 = arith.mulf %mul3A, %get3A_29 : vector<1024x256xf32>
      %add3A_31 = arith.addf %get3A_23, %mul3A_30 : vector<1024x256xf32>
      %mul3A_32 = vector.broadcast %get3A_20 : vector<1024x1xf32> to vector<1024x256xf32>
      %mul3A_33 = arith.mulf %mul3A_32, %add3A_31 : vector<1024x256xf32>
      %get3A_34 = arith.constant 0 : index
      %get3A_35 = arith.constant 0 : index
      %get3A_36 = vector.load %arg7[%get3A_34, %get3A_35] : memref<1x256xf32, #tpu.memory_space<vmem>>, vector<1x256xf32>
      %add3A_37 = vector.broadcast %get3A_36 : vector<1x256xf32> to vector<1024x256xf32>
      %add3A_38 = arith.addf %mul3A_33, %add3A_37 : vector<1024x256xf32>
      %max3A = arith.constant 0.000000e+00 : f32
      %max3A_39 = vector.broadcast %max3A : f32 to vector<1024x256xf32>
      %max3A_40 = arith.maximumf %add3A_38, %max3A_39 : vector<1024x256xf32>
      %swap3A_41 = arith.constant 0 : index
      %swap3A_42 = arith.constant 0 : index
      %swap3A_43 = vector.load %arg10[%swap3A_41, %swap3A_42] : memref<1024x256xf32, #tpu.memory_space<vmem>>, vector<1024x256xf32>
      tpu.vector_store %arg10[%swap3A_41, %swap3A_42], %max3A_40 {strides = array<i32>} : memref<1024x256xf32, #tpu.memory_space<vmem>>, vector<1024x256xf32>,
      %get3A_44 = arith.constant 0 : index
      %get3A_45 = arith.constant 0 : index
      %get3A_46 = vector.load %arg8[%get3A_44, %get3A_45] : memref<1x256xf32, #tpu.memory_space<vmem>>, vector<1x256xf32>
      %mul3A_47 = vector.broadcast %get3A_46 : vector<1x256xf32> to vector<1024x256xf32>
      %mul3A_48 = arith.mulf %max3A_40, %mul3A_47 : vector<1024x256xf32>
      %reduce_sum3A = arith.constant dense<0.000000e+00> : vector<1024xf32>
      %reduce_sum3A_49 = vector.multi_reduction <add>, %mul3A_48, %reduce_sum3A [1] : vector<1024x256xf32> to vector<1024xf32>
      %broadcast_in_dim3A = vector.shape_cast %reduce_sum3A_49 : vector<1024xf32> to vector<1024x1xf32>
      %get3A_50 = arith.constant 0 : index
      %get3A_51 = arith.constant 0 : index
      %get3A_52 = vector.load %arg9[%get3A_50, %get3A_51] : memref<1x1xf32, #tpu.memory_space<vmem>>, vector<1x1xf32>
      %mul3A_53 = vector.broadcast %get3A_52 : vector<1x1xf32> to vector<1024x1xf32>
      %mul3A_54 = arith.mulf %broadcast_in_dim3A, %mul3A_53 : vector<1024x1xf32>
      %tanh3A = math.tanh %mul3A_54 : vector<1024x1xf32>
      %swap3A_55 = arith.constant 0 : index
      %swap3A_56 = arith.constant 0 : index
      %swap3A_57 = vector.load %arg11[%swap3A_55, %swap3A_56] : memref<1024x1xf32, #tpu.memory_space<vmem>>, vector<1024x1xf32>
      tpu.vector_store %arg11[%swap3A_55, %swap3A_56], %tanh3A {strides = array<i32>} : memref<1024x1xf32, #tpu.memory_space<vmem>>, vector<1024x1xf32>,
    } else {
    }
    return
  }
  func.func @transform_0(%arg0: i32, %arg1: i32) -> (i32, i32) {
    %c0_i32 = arith.constant 0 : i32
    return %arg0, %arg1 : i32, i32
  }
  func.func @transform_1(%arg0: i32, %arg1: i32) -> (i32, i32) {
    %c0_i32 = arith.constant 0 : i32
    %c0_i32_0 = arith.constant 0 : i32
    return %arg1, %c0_i32 : i32, i32
  }
  func.func @transform_2(%arg0: i32, %arg1: i32) -> (i32, i32) {
    %c0_i32 = arith.constant 0 : i32
    %c0_i32_0 = arith.constant 0 : i32
    return %arg0, %c0_i32 : i32, i32
  }
  func.func @transform_3(%arg0: i32, %arg1: i32) -> (i32, i32) {
    %c0_i32 = arith.constant 0 : i32
    %c0_i32_0 = arith.constant 0 : i32
    return %arg0, %c0_i32 : i32, i32
  }
  func.func @transform_4(%arg0: i32, %arg1: i32) -> (i32, i32) {
    %c0_i32 = arith.constant 0 : i32
    %c0_i32_0 = arith.constant 0 : i32
    return %arg0, %c0_i32 : i32, i32
  }
  func.func @transform_5(%arg0: i32, %arg1: i32) -> (i32, i32) {
    %c0_i32 = arith.constant 0 : i32
    %c0_i32_0 = arith.constant 0 : i32
    %c0_i32_1 = arith.constant 0 : i32
    return %c0_i32, %c0_i32_0 : i32, i32
  }
  func.func @transform_6(%arg0: i32, %arg1: i32) -> (i32, i32) {
    %c0_i32 = arith.constant 0 : i32
    %c0_i32_0 = arith.constant 0 : i32
    %c0_i32_1 = arith.constant 0 : i32
    return %c0_i32, %c0_i32_0 : i32, i32
  }
  func.func @transform_7(%arg0: i32, %arg1: i32) -> (i32, i32) {
    %c0_i32 = arith.constant 0 : i32
    %c0_i32_0 = arith.constant 0 : i32
    %c0_i32_1 = arith.constant 0 : i32
    return %c0_i32, %c0_i32_0 : i32, i32
  }
  func.func @transform_8(%arg0: i32, %arg1: i32) -> (i32, i32) {
    %c0_i32 = arith.constant 0 : i32
    %c0_i32_0 = arith.constant 0 : i32
    return %arg0, %c0_i32 : i32, i32
  }
  func.func @transform_9(%arg0: i32, %arg1: i32) -> (i32, i32) {
    %c0_i32 = arith.constant 0 : i32
    %c0_i32_0 = arith.constant 0 : i32
    return %arg0, %c0_i32 : i32, i32
  }
}

module attributes {stable_mosaic.version = 14 : i64} {
  func.func @_mm_rowscale_kernel(%arg0: i32, %arg1: memref<1024x256xf32, #tpu.memory_space<vmem>>, %arg2: memref<256x256xf32, #tpu.memory_space<vmem>>, %arg3: memref<1024x1xf32, #tpu.memory_space<vmem>>, %arg4: memref<1024x1xf32, #tpu.memory_space<vmem>>, %arg5: memref<1024x256xf32, #tpu.memory_space<vmem>>, %arg6: memref<1024x1xf32, #tpu.memory_space<vmem>>, %arg7: memref<1024x256xf32, #tpu.memory_space<vmem>>) attributes {dimension_semantics = [#tpu.dimension_semantics<arbitrary>], iteration_bounds = array<i64: 2>, scalar_prefetch = 0 : i64, scratch_operands = 0 : i64, tpu.core_type = #tpu.core_type<tc>, window_params = [{transform_indices = @transform_0, window_bounds = array<i64: 1024, 256>}, {pipeline_mode = #tpu.pipeline_mode<synchronous>, transform_indices = @transform_1, window_bounds = array<i64: 256, 256>}, {transform_indices = @transform_2, window_bounds = array<i64: 1024, 1>}, {transform_indices = @transform_3, window_bounds = array<i64: 1024, 1>}, {transform_indices = @transform_4, window_bounds = array<i64: 1024, 256>}, {transform_indices = @transform_5, window_bounds = array<i64: 1024, 1>}, {transform_indices = @transform_6, window_bounds = array<i64: 1024, 256>}]} {
    %get3A = arith.constant 0 : index
    %get3A_0 = arith.constant 0 : index
    %get3A_1 = vector.load %arg1[%get3A, %get3A_0] : memref<1024x256xf32, #tpu.memory_space<vmem>>, vector<1024x256xf32>
    %get3A_2 = arith.constant 0 : index
    %get3A_3 = arith.constant 0 : index
    %get3A_4 = vector.load %arg6[%get3A_2, %get3A_3] : memref<1024x1xf32, #tpu.memory_space<vmem>>, vector<1024x1xf32>
    %get3A_5 = arith.constant 0 : index
    %get3A_6 = arith.constant 0 : index
    %get3A_7 = vector.load %arg5[%get3A_5, %get3A_6] : memref<1024x256xf32, #tpu.memory_space<vmem>>, vector<1024x256xf32>
    %mul3A = vector.broadcast %get3A_4 : vector<1024x1xf32> to vector<1024x256xf32>
    %mul3A_8 = arith.mulf %mul3A, %get3A_7 : vector<1024x256xf32>
    %add3A = arith.addf %get3A_1, %mul3A_8 : vector<1024x256xf32>
    %get3A_9 = arith.constant 0 : index
    %get3A_10 = arith.constant 0 : index
    %get3A_11 = vector.load %arg3[%get3A_9, %get3A_10] : memref<1024x1xf32, #tpu.memory_space<vmem>>, vector<1024x1xf32>
    %get3A_12 = arith.constant 0 : index
    %get3A_13 = arith.constant 0 : index
    %get3A_14 = vector.load %arg2[%get3A_12, %get3A_13] : memref<256x256xf32, #tpu.memory_space<vmem>>, vector<256x256xf32>
    %dot_general3A = arith.constant dense<0.000000e+00> : vector<1024x256xf32>
    %dot_general3A_15 = tpu.matmul %add3A, %get3A_14, %dot_general3A {dimension_numbers = #tpu.dot_dimension_numbers<[1], [0], [0], [1], [0, 0, 1, 1], [], []>, transpose_lhs_hint = false} : vector<1024x256xf32>, vector<256x256xf32>, vector<1024x256xf32> -> vector<1024x256xf32>
    %mul3A_16 = vector.broadcast %get3A_11 : vector<1024x1xf32> to vector<1024x256xf32>
    %mul3A_17 = arith.mulf %mul3A_16, %dot_general3A_15 : vector<1024x256xf32>
    %swap3A = arith.constant 0 : index
    %swap3A_18 = arith.constant 0 : index
    %swap3A_19 = vector.load %arg7[%swap3A, %swap3A_18] : memref<1024x256xf32, #tpu.memory_space<vmem>>, vector<1024x256xf32>
    tpu.vector_store %arg7[%swap3A, %swap3A_18], %mul3A_17 {strides = array<i32>} : memref<1024x256xf32, #tpu.memory_space<vmem>>, vector<1024x256xf32>,
    return
  }
  func.func @transform_0(%arg0: i32) -> (i32, i32) {
    %c0_i32 = arith.constant 0 : i32
    %c0_i32_0 = arith.constant 0 : i32
    return %arg0, %c0_i32 : i32, i32
  }
  func.func @transform_1(%arg0: i32) -> (i32, i32) {
    %c0_i32 = arith.constant 0 : i32
    %c0_i32_0 = arith.constant 0 : i32
    %c0_i32_1 = arith.constant 0 : i32
    return %c0_i32, %c0_i32_0 : i32, i32
  }
  func.func @transform_2(%arg0: i32) -> (i32, i32) {
    %c0_i32 = arith.constant 0 : i32
    %c0_i32_0 = arith.constant 0 : i32
    return %arg0, %c0_i32 : i32, i32
  }
  func.func @transform_3(%arg0: i32) -> (i32, i32) {
    %c0_i32 = arith.constant 0 : i32
    %c0_i32_0 = arith.constant 0 : i32
    return %arg0, %c0_i32 : i32, i32
  }
  func.func @transform_4(%arg0: i32) -> (i32, i32) {
    %c0_i32 = arith.constant 0 : i32
    %c0_i32_0 = arith.constant 0 : i32
    return %arg0, %c0_i32 : i32, i32
  }
  func.func @transform_5(%arg0: i32) -> (i32, i32) {
    %c0_i32 = arith.constant 0 : i32
    %c0_i32_0 = arith.constant 0 : i32
    return %arg0, %c0_i32 : i32, i32
  }
  func.func @transform_6(%arg0: i32) -> (i32, i32) {
    %c0_i32 = arith.constant 0 : i32
    %c0_i32_0 = arith.constant 0 : i32
    return %arg0, %c0_i32 : i32, i32
  }
}

module attributes {stable_mosaic.version = 14 : i64} {
  func.func @_spmm_kernel(%arg0: i32, %arg1: i32, %arg2: memref<1024x1024xf32, #tpu.memory_space<vmem>>, %arg3: memref<1024x256xf32, #tpu.memory_space<vmem>>, %arg4: memref<1024x256xf32, #tpu.memory_space<vmem>>, %arg5: memref<1024x1xf32, #tpu.memory_space<vmem>>, %arg6: memref<1024x1xf32, #tpu.memory_space<vmem>>, %arg7: memref<1x256xf32, #tpu.memory_space<vmem>>, %arg8: memref<1x256xf32, #tpu.memory_space<vmem>>, %arg9: memref<1x1xf32, #tpu.memory_space<vmem>>, %arg10: memref<1024x256xf32, #tpu.memory_space<vmem>>, %arg11: memref<1024x1xf32, #tpu.memory_space<vmem>>, %arg12: memref<1024x256xf32, #tpu.memory_space<vmem>>) attributes {dimension_semantics = [#tpu.dimension_semantics<parallel>, #tpu.dimension_semantics<arbitrary>], iteration_bounds = array<i64: 2, 2>, scalar_prefetch = 0 : i64, scratch_operands = 1 : i64, tpu.core_type = #tpu.core_type<tc>, window_params = [{transform_indices = @transform_0, window_bounds = array<i64: 1024, 1024>}, {transform_indices = @transform_1, window_bounds = array<i64: 1024, 256>}, {transform_indices = @transform_2, window_bounds = array<i64: 1024, 256>}, {transform_indices = @transform_3, window_bounds = array<i64: 1024, 1>}, {transform_indices = @transform_4, window_bounds = array<i64: 1024, 1>}, {pipeline_mode = #tpu.pipeline_mode<synchronous>, transform_indices = @transform_5, window_bounds = array<i64: 1, 256>}, {pipeline_mode = #tpu.pipeline_mode<synchronous>, transform_indices = @transform_6, window_bounds = array<i64: 1, 256>}, {pipeline_mode = #tpu.pipeline_mode<synchronous>, transform_indices = @transform_7, window_bounds = array<i64: 1, 1>}, {transform_indices = @transform_8, window_bounds = array<i64: 1024, 256>}, {transform_indices = @transform_9, window_bounds = array<i64: 1024, 1>}]} {
    %eq3A = arith.constant 0 : i32
    %eq3A_0 = arith.cmpi eq, %arg1, %eq3A : i32
    %convert_element_type3A = arith.extui %eq3A_0 : i1 to i32
    %cond3A = arith.constant 0 : i32
    %cond3A_1 = arith.cmpi ne, %convert_element_type3A, %cond3A : i32
    scf.if %cond3A_1 {
      %broadcast_in_dim3A = arith.constant 0.000000e+00 : f32
      %broadcast_in_dim3A_18 = vector.broadcast %broadcast_in_dim3A : f32 to vector<1024x256xf32>
      %swap3A_19 = arith.constant 0 : index
      %swap3A_20 = arith.constant 0 : index
      %swap3A_21 = vector.load %arg12[%swap3A_19, %swap3A_20] : memref<1024x256xf32, #tpu.memory_space<vmem>>, vector<1024x256xf32>
      tpu.vector_store %arg12[%swap3A_19, %swap3A_20], %broadcast_in_dim3A_18 {strides = array<i32>} : memref<1024x256xf32, #tpu.memory_space<vmem>>, vector<1024x256xf32>,
    } else {
    }
    %get3A = arith.constant 0 : index
    %get3A_2 = arith.constant 0 : index
    %get3A_3 = vector.load %arg12[%get3A, %get3A_2] : memref<1024x256xf32, #tpu.memory_space<vmem>>, vector<1024x256xf32>
    %get3A_4 = arith.constant 0 : index
    %get3A_5 = arith.constant 0 : index
    %get3A_6 = vector.load %arg2[%get3A_4, %get3A_5] : memref<1024x1024xf32, #tpu.memory_space<vmem>>, vector<1024x1024xf32>
    %get3A_7 = arith.constant 0 : index
    %get3A_8 = arith.constant 0 : index
    %get3A_9 = vector.load %arg3[%get3A_7, %get3A_8] : memref<1024x256xf32, #tpu.memory_space<vmem>>, vector<1024x256xf32>
    %dot_general3A = arith.constant dense<0.000000e+00> : vector<1024x256xf32>
    %dot_general3A_10 = tpu.matmul %get3A_6, %get3A_9, %dot_general3A {dimension_numbers = #tpu.dot_dimension_numbers<[1], [0], [0], [1], [0, 0, 1, 1], [], []>, transpose_lhs_hint = false} : vector<1024x1024xf32>, vector<1024x256xf32>, vector<1024x256xf32> -> vector<1024x256xf32>
    %add3A = arith.addf %get3A_3, %dot_general3A_10 : vector<1024x256xf32>
    %swap3A = arith.constant 0 : index
    %swap3A_11 = arith.constant 0 : index
    %swap3A_12 = vector.load %arg12[%swap3A, %swap3A_11] : memref<1024x256xf32, #tpu.memory_space<vmem>>, vector<1024x256xf32>
    tpu.vector_store %arg12[%swap3A, %swap3A_11], %add3A {strides = array<i32>} : memref<1024x256xf32, #tpu.memory_space<vmem>>, vector<1024x256xf32>,
    %eq3A_13 = arith.constant 1 : i32
    %eq3A_14 = arith.cmpi eq, %arg1, %eq3A_13 : i32
    %convert_element_type3A_15 = arith.extui %eq3A_14 : i1 to i32
    %cond3A_16 = arith.constant 0 : i32
    %cond3A_17 = arith.cmpi ne, %convert_element_type3A_15, %cond3A_16 : i32
    scf.if %cond3A_17 {
      %get3A_18 = arith.constant 0 : index
      %get3A_19 = arith.constant 0 : index
      %get3A_20 = vector.load %arg5[%get3A_18, %get3A_19] : memref<1024x1xf32, #tpu.memory_space<vmem>>, vector<1024x1xf32>
      %get3A_21 = arith.constant 0 : index
      %get3A_22 = arith.constant 0 : index
      %get3A_23 = vector.load %arg12[%get3A_21, %get3A_22] : memref<1024x256xf32, #tpu.memory_space<vmem>>, vector<1024x256xf32>
      %get3A_24 = arith.constant 0 : index
      %get3A_25 = arith.constant 0 : index
      %get3A_26 = vector.load %arg6[%get3A_24, %get3A_25] : memref<1024x1xf32, #tpu.memory_space<vmem>>, vector<1024x1xf32>
      %get3A_27 = arith.constant 0 : index
      %get3A_28 = arith.constant 0 : index
      %get3A_29 = vector.load %arg4[%get3A_27, %get3A_28] : memref<1024x256xf32, #tpu.memory_space<vmem>>, vector<1024x256xf32>
      %mul3A = vector.broadcast %get3A_26 : vector<1024x1xf32> to vector<1024x256xf32>
      %mul3A_30 = arith.mulf %mul3A, %get3A_29 : vector<1024x256xf32>
      %add3A_31 = arith.addf %get3A_23, %mul3A_30 : vector<1024x256xf32>
      %mul3A_32 = vector.broadcast %get3A_20 : vector<1024x1xf32> to vector<1024x256xf32>
      %mul3A_33 = arith.mulf %mul3A_32, %add3A_31 : vector<1024x256xf32>
      %get3A_34 = arith.constant 0 : index
      %get3A_35 = arith.constant 0 : index
      %get3A_36 = vector.load %arg7[%get3A_34, %get3A_35] : memref<1x256xf32, #tpu.memory_space<vmem>>, vector<1x256xf32>
      %add3A_37 = vector.broadcast %get3A_36 : vector<1x256xf32> to vector<1024x256xf32>
      %add3A_38 = arith.addf %mul3A_33, %add3A_37 : vector<1024x256xf32>
      %max3A = arith.constant 0.000000e+00 : f32
      %max3A_39 = vector.broadcast %max3A : f32 to vector<1024x256xf32>
      %max3A_40 = arith.maximumf %add3A_38, %max3A_39 : vector<1024x256xf32>
      %swap3A_41 = arith.constant 0 : index
      %swap3A_42 = arith.constant 0 : index
      %swap3A_43 = vector.load %arg10[%swap3A_41, %swap3A_42] : memref<1024x256xf32, #tpu.memory_space<vmem>>, vector<1024x256xf32>
      tpu.vector_store %arg10[%swap3A_41, %swap3A_42], %max3A_40 {strides = array<i32>} : memref<1024x256xf32, #tpu.memory_space<vmem>>, vector<1024x256xf32>,
      %get3A_44 = arith.constant 0 : index
      %get3A_45 = arith.constant 0 : index
      %get3A_46 = vector.load %arg8[%get3A_44, %get3A_45] : memref<1x256xf32, #tpu.memory_space<vmem>>, vector<1x256xf32>
      %mul3A_47 = vector.broadcast %get3A_46 : vector<1x256xf32> to vector<1024x256xf32>
      %mul3A_48 = arith.mulf %max3A_40, %mul3A_47 : vector<1024x256xf32>
      %reduce_sum3A = arith.constant dense<0.000000e+00> : vector<1024xf32>
      %reduce_sum3A_49 = vector.multi_reduction <add>, %mul3A_48, %reduce_sum3A [1] : vector<1024x256xf32> to vector<1024xf32>
      %broadcast_in_dim3A = vector.shape_cast %reduce_sum3A_49 : vector<1024xf32> to vector<1024x1xf32>
      %get3A_50 = arith.constant 0 : index
      %get3A_51 = arith.constant 0 : index
      %get3A_52 = vector.load %arg9[%get3A_50, %get3A_51] : memref<1x1xf32, #tpu.memory_space<vmem>>, vector<1x1xf32>
      %mul3A_53 = vector.broadcast %get3A_52 : vector<1x1xf32> to vector<1024x1xf32>
      %mul3A_54 = arith.mulf %broadcast_in_dim3A, %mul3A_53 : vector<1024x1xf32>
      %tanh3A = math.tanh %mul3A_54 : vector<1024x1xf32>
      %swap3A_55 = arith.constant 0 : index
      %swap3A_56 = arith.constant 0 : index
      %swap3A_57 = vector.load %arg11[%swap3A_55, %swap3A_56] : memref<1024x1xf32, #tpu.memory_space<vmem>>, vector<1024x1xf32>
      tpu.vector_store %arg11[%swap3A_55, %swap3A_56], %tanh3A {strides = array<i32>} : memref<1024x1xf32, #tpu.memory_space<vmem>>, vector<1024x1xf32>,
    } else {
    }
    return
  }
  func.func @transform_0(%arg0: i32, %arg1: i32) -> (i32, i32) {
    %c0_i32 = arith.constant 0 : i32
    return %arg0, %arg1 : i32, i32
  }
  func.func @transform_1(%arg0: i32, %arg1: i32) -> (i32, i32) {
    %c0_i32 = arith.constant 0 : i32
    %c0_i32_0 = arith.constant 0 : i32
    return %arg1, %c0_i32 : i32, i32
  }
  func.func @transform_2(%arg0: i32, %arg1: i32) -> (i32, i32) {
    %c0_i32 = arith.constant 0 : i32
    %c0_i32_0 = arith.constant 0 : i32
    return %arg0, %c0_i32 : i32, i32
  }
  func.func @transform_3(%arg0: i32, %arg1: i32) -> (i32, i32) {
    %c0_i32 = arith.constant 0 : i32
    %c0_i32_0 = arith.constant 0 : i32
    return %arg0, %c0_i32 : i32, i32
  }
  func.func @transform_4(%arg0: i32, %arg1: i32) -> (i32, i32) {
    %c0_i32 = arith.constant 0 : i32
    %c0_i32_0 = arith.constant 0 : i32
    return %arg0, %c0_i32 : i32, i32
  }
  func.func @transform_5(%arg0: i32, %arg1: i32) -> (i32, i32) {
    %c0_i32 = arith.constant 0 : i32
    %c0_i32_0 = arith.constant 0 : i32
    %c0_i32_1 = arith.constant 0 : i32
    return %c0_i32, %c0_i32_0 : i32, i32
  }
  func.func @transform_6(%arg0: i32, %arg1: i32) -> (i32, i32) {
    %c0_i32 = arith.constant 0 : i32
    %c0_i32_0 = arith.constant 0 : i32
    %c0_i32_1 = arith.constant 0 : i32
    return %c0_i32, %c0_i32_0 : i32, i32
  }
  func.func @transform_7(%arg0: i32, %arg1: i32) -> (i32, i32) {
    %c0_i32 = arith.constant 0 : i32
    %c0_i32_0 = arith.constant 0 : i32
    %c0_i32_1 = arith.constant 0 : i32
    return %c0_i32, %c0_i32_0 : i32, i32
  }
  func.func @transform_8(%arg0: i32, %arg1: i32) -> (i32, i32) {
    %c0_i32 = arith.constant 0 : i32
    %c0_i32_0 = arith.constant 0 : i32
    return %arg0, %c0_i32 : i32, i32
  }
  func.func @transform_9(%arg0: i32, %arg1: i32) -> (i32, i32) {
    %c0_i32 = arith.constant 0 : i32
    %c0_i32_0 = arith.constant 0 : i32
    return %arg0, %c0_i32 : i32, i32
  }
}

module attributes {stable_mosaic.version = 14 : i64} {
  func.func @_mm_rowscale_kernel(%arg0: i32, %arg1: memref<1024x256xf32, #tpu.memory_space<vmem>>, %arg2: memref<256x256xf32, #tpu.memory_space<vmem>>, %arg3: memref<1024x1xf32, #tpu.memory_space<vmem>>, %arg4: memref<1024x1xf32, #tpu.memory_space<vmem>>, %arg5: memref<1024x256xf32, #tpu.memory_space<vmem>>, %arg6: memref<1024x1xf32, #tpu.memory_space<vmem>>, %arg7: memref<1024x256xf32, #tpu.memory_space<vmem>>) attributes {dimension_semantics = [#tpu.dimension_semantics<arbitrary>], iteration_bounds = array<i64: 5>, scalar_prefetch = 0 : i64, scratch_operands = 0 : i64, tpu.core_type = #tpu.core_type<tc>, window_params = [{transform_indices = @transform_0, window_bounds = array<i64: 1024, 256>}, {pipeline_mode = #tpu.pipeline_mode<synchronous>, transform_indices = @transform_1, window_bounds = array<i64: 256, 256>}, {transform_indices = @transform_2, window_bounds = array<i64: 1024, 1>}, {transform_indices = @transform_3, window_bounds = array<i64: 1024, 1>}, {transform_indices = @transform_4, window_bounds = array<i64: 1024, 256>}, {transform_indices = @transform_5, window_bounds = array<i64: 1024, 1>}, {transform_indices = @transform_6, window_bounds = array<i64: 1024, 256>}]} {
    %get3A = arith.constant 0 : index
    %get3A_0 = arith.constant 0 : index
    %get3A_1 = vector.load %arg1[%get3A, %get3A_0] : memref<1024x256xf32, #tpu.memory_space<vmem>>, vector<1024x256xf32>
    %get3A_2 = arith.constant 0 : index
    %get3A_3 = arith.constant 0 : index
    %get3A_4 = vector.load %arg6[%get3A_2, %get3A_3] : memref<1024x1xf32, #tpu.memory_space<vmem>>, vector<1024x1xf32>
    %get3A_5 = arith.constant 0 : index
    %get3A_6 = arith.constant 0 : index
    %get3A_7 = vector.load %arg5[%get3A_5, %get3A_6] : memref<1024x256xf32, #tpu.memory_space<vmem>>, vector<1024x256xf32>
    %mul3A = vector.broadcast %get3A_4 : vector<1024x1xf32> to vector<1024x256xf32>
    %mul3A_8 = arith.mulf %mul3A, %get3A_7 : vector<1024x256xf32>
    %add3A = arith.addf %get3A_1, %mul3A_8 : vector<1024x256xf32>
    %get3A_9 = arith.constant 0 : index
    %get3A_10 = arith.constant 0 : index
    %get3A_11 = vector.load %arg3[%get3A_9, %get3A_10] : memref<1024x1xf32, #tpu.memory_space<vmem>>, vector<1024x1xf32>
    %get3A_12 = arith.constant 0 : index
    %get3A_13 = arith.constant 0 : index
    %get3A_14 = vector.load %arg2[%get3A_12, %get3A_13] : memref<256x256xf32, #tpu.memory_space<vmem>>, vector<256x256xf32>
    %dot_general3A = arith.constant dense<0.000000e+00> : vector<1024x256xf32>
    %dot_general3A_15 = tpu.matmul %add3A, %get3A_14, %dot_general3A {dimension_numbers = #tpu.dot_dimension_numbers<[1], [0], [0], [1], [0, 0, 1, 1], [], []>, transpose_lhs_hint = false} : vector<1024x256xf32>, vector<256x256xf32>, vector<1024x256xf32> -> vector<1024x256xf32>
    %mul3A_16 = vector.broadcast %get3A_11 : vector<1024x1xf32> to vector<1024x256xf32>
    %mul3A_17 = arith.mulf %mul3A_16, %dot_general3A_15 : vector<1024x256xf32>
    %swap3A = arith.constant 0 : index
    %swap3A_18 = arith.constant 0 : index
    %swap3A_19 = vector.load %arg7[%swap3A, %swap3A_18] : memref<1024x256xf32, #tpu.memory_space<vmem>>, vector<1024x256xf32>
    tpu.vector_store %arg7[%swap3A, %swap3A_18], %mul3A_17 {strides = array<i32>} : memref<1024x256xf32, #tpu.memory_space<vmem>>, vector<1024x256xf32>,
    return
  }
  func.func @transform_0(%arg0: i32) -> (i32, i32) {
    %c0_i32 = arith.constant 0 : i32
    %c0_i32_0 = arith.constant 0 : i32
    return %arg0, %c0_i32 : i32, i32
  }
  func.func @transform_1(%arg0: i32) -> (i32, i32) {
    %c0_i32 = arith.constant 0 : i32
    %c0_i32_0 = arith.constant 0 : i32
    %c0_i32_1 = arith.constant 0 : i32
    return %c0_i32, %c0_i32_0 : i32, i32
  }
  func.func @transform_2(%arg0: i32) -> (i32, i32) {
    %c0_i32 = arith.constant 0 : i32
    %c0_i32_0 = arith.constant 0 : i32
    return %arg0, %c0_i32 : i32, i32
  }
  func.func @transform_3(%arg0: i32) -> (i32, i32) {
    %c0_i32 = arith.constant 0 : i32
    %c0_i32_0 = arith.constant 0 : i32
    return %arg0, %c0_i32 : i32, i32
  }
  func.func @transform_4(%arg0: i32) -> (i32, i32) {
    %c0_i32 = arith.constant 0 : i32
    %c0_i32_0 = arith.constant 0 : i32
    return %arg0, %c0_i32 : i32, i32
  }
  func.func @transform_5(%arg0: i32) -> (i32, i32) {
    %c0_i32 = arith.constant 0 : i32
    %c0_i32_0 = arith.constant 0 : i32
    return %arg0, %c0_i32 : i32, i32
  }
  func.func @transform_6(%arg0: i32) -> (i32, i32) {
    %c0_i32 = arith.constant 0 : i32
    %c0_i32_0 = arith.constant 0 : i32
    return %arg0, %c0_i32 : i32, i32
  }
}

module attributes {stable_mosaic.version = 14 : i64} {
  func.func @_spmm_kernel(%arg0: i32, %arg1: i32, %arg2: memref<1024x1024xbf16, #tpu.memory_space<vmem>>, %arg3: memref<1024x256xf32, #tpu.memory_space<vmem>>, %arg4: memref<1024x256xf32, #tpu.memory_space<vmem>>, %arg5: memref<1024x1xf32, #tpu.memory_space<vmem>>, %arg6: memref<1024x1xf32, #tpu.memory_space<vmem>>, %arg7: memref<1x256xf32, #tpu.memory_space<vmem>>, %arg8: memref<1x256xf32, #tpu.memory_space<vmem>>, %arg9: memref<1x1xf32, #tpu.memory_space<vmem>>, %arg10: memref<1024x256xf32, #tpu.memory_space<vmem>>, %arg11: memref<1024x1xf32, #tpu.memory_space<vmem>>, %arg12: memref<1024x256xf32, #tpu.memory_space<vmem>>) attributes {dimension_semantics = [#tpu.dimension_semantics<parallel>, #tpu.dimension_semantics<arbitrary>], iteration_bounds = array<i64: 5, 5>, scalar_prefetch = 0 : i64, scratch_operands = 1 : i64, tpu.core_type = #tpu.core_type<tc>, window_params = [{transform_indices = @transform_0, window_bounds = array<i64: 1024, 1024>}, {transform_indices = @transform_1, window_bounds = array<i64: 1024, 256>}, {transform_indices = @transform_2, window_bounds = array<i64: 1024, 256>}, {transform_indices = @transform_3, window_bounds = array<i64: 1024, 1>}, {transform_indices = @transform_4, window_bounds = array<i64: 1024, 1>}, {pipeline_mode = #tpu.pipeline_mode<synchronous>, transform_indices = @transform_5, window_bounds = array<i64: 1, 256>}, {pipeline_mode = #tpu.pipeline_mode<synchronous>, transform_indices = @transform_6, window_bounds = array<i64: 1, 256>}, {pipeline_mode = #tpu.pipeline_mode<synchronous>, transform_indices = @transform_7, window_bounds = array<i64: 1, 1>}, {transform_indices = @transform_8, window_bounds = array<i64: 1024, 256>}, {transform_indices = @transform_9, window_bounds = array<i64: 1024, 1>}]} {
    %eq3A = arith.constant 0 : i32
    %eq3A_0 = arith.cmpi eq, %arg1, %eq3A : i32
    %convert_element_type3A = arith.extui %eq3A_0 : i1 to i32
    %cond3A = arith.constant 0 : i32
    %cond3A_1 = arith.cmpi ne, %convert_element_type3A, %cond3A : i32
    scf.if %cond3A_1 {
      %broadcast_in_dim3A = arith.constant 0.000000e+00 : f32
      %broadcast_in_dim3A_19 = vector.broadcast %broadcast_in_dim3A : f32 to vector<1024x256xf32>
      %swap3A_20 = arith.constant 0 : index
      %swap3A_21 = arith.constant 0 : index
      %swap3A_22 = vector.load %arg12[%swap3A_20, %swap3A_21] : memref<1024x256xf32, #tpu.memory_space<vmem>>, vector<1024x256xf32>
      tpu.vector_store %arg12[%swap3A_20, %swap3A_21], %broadcast_in_dim3A_19 {strides = array<i32>} : memref<1024x256xf32, #tpu.memory_space<vmem>>, vector<1024x256xf32>,
    } else {
    }
    %get3A = arith.constant 0 : index
    %get3A_2 = arith.constant 0 : index
    %get3A_3 = vector.load %arg12[%get3A, %get3A_2] : memref<1024x256xf32, #tpu.memory_space<vmem>>, vector<1024x256xf32>
    %get3A_4 = arith.constant 0 : index
    %get3A_5 = arith.constant 0 : index
    %get3A_6 = vector.load %arg2[%get3A_4, %get3A_5] : memref<1024x1024xbf16, #tpu.memory_space<vmem>>, vector<1024x1024xbf16>
    %convert_element_type3A_7 = arith.extf %get3A_6 : vector<1024x1024xbf16> to vector<1024x1024xf32>
    %get3A_8 = arith.constant 0 : index
    %get3A_9 = arith.constant 0 : index
    %get3A_10 = vector.load %arg3[%get3A_8, %get3A_9] : memref<1024x256xf32, #tpu.memory_space<vmem>>, vector<1024x256xf32>
    %dot_general3A = arith.constant dense<0.000000e+00> : vector<1024x256xf32>
    %dot_general3A_11 = tpu.matmul %convert_element_type3A_7, %get3A_10, %dot_general3A {dimension_numbers = #tpu.dot_dimension_numbers<[1], [0], [0], [1], [0, 0, 1, 1], [], []>, transpose_lhs_hint = false} : vector<1024x1024xf32>, vector<1024x256xf32>, vector<1024x256xf32> -> vector<1024x256xf32>
    %add3A = arith.addf %get3A_3, %dot_general3A_11 : vector<1024x256xf32>
    %swap3A = arith.constant 0 : index
    %swap3A_12 = arith.constant 0 : index
    %swap3A_13 = vector.load %arg12[%swap3A, %swap3A_12] : memref<1024x256xf32, #tpu.memory_space<vmem>>, vector<1024x256xf32>
    tpu.vector_store %arg12[%swap3A, %swap3A_12], %add3A {strides = array<i32>} : memref<1024x256xf32, #tpu.memory_space<vmem>>, vector<1024x256xf32>,
    %eq3A_14 = arith.constant 4 : i32
    %eq3A_15 = arith.cmpi eq, %arg1, %eq3A_14 : i32
    %convert_element_type3A_16 = arith.extui %eq3A_15 : i1 to i32
    %cond3A_17 = arith.constant 0 : i32
    %cond3A_18 = arith.cmpi ne, %convert_element_type3A_16, %cond3A_17 : i32
    scf.if %cond3A_18 {
      %get3A_19 = arith.constant 0 : index
      %get3A_20 = arith.constant 0 : index
      %get3A_21 = vector.load %arg5[%get3A_19, %get3A_20] : memref<1024x1xf32, #tpu.memory_space<vmem>>, vector<1024x1xf32>
      %get3A_22 = arith.constant 0 : index
      %get3A_23 = arith.constant 0 : index
      %get3A_24 = vector.load %arg12[%get3A_22, %get3A_23] : memref<1024x256xf32, #tpu.memory_space<vmem>>, vector<1024x256xf32>
      %get3A_25 = arith.constant 0 : index
      %get3A_26 = arith.constant 0 : index
      %get3A_27 = vector.load %arg6[%get3A_25, %get3A_26] : memref<1024x1xf32, #tpu.memory_space<vmem>>, vector<1024x1xf32>
      %get3A_28 = vector.shape_cast %get3A_27 : vector<1024x1xf32> to vector<1024x1xf32>
      %get3A_29 = arith.constant 0 : index
      %get3A_30 = arith.constant 0 : index
      %get3A_31 = vector.load %arg4[%get3A_29, %get3A_30] : memref<1024x256xf32, #tpu.memory_space<vmem>>, vector<1024x256xf32>
      %mul3A = vector.broadcast %get3A_28 : vector<1024x1xf32> to vector<1024x256xf32>
      %mul3A_32 = arith.mulf %mul3A, %get3A_31 : vector<1024x256xf32>
      %add3A_33 = arith.addf %get3A_24, %mul3A_32 : vector<1024x256xf32>
      %mul3A_34 = vector.broadcast %get3A_21 : vector<1024x1xf32> to vector<1024x256xf32>
      %mul3A_35 = arith.mulf %mul3A_34, %add3A_33 : vector<1024x256xf32>
      %get3A_36 = arith.constant 0 : index
      %get3A_37 = arith.constant 0 : index
      %get3A_38 = vector.load %arg7[%get3A_36, %get3A_37] : memref<1x256xf32, #tpu.memory_space<vmem>>, vector<1x256xf32>
      %add3A_39 = vector.broadcast %get3A_38 : vector<1x256xf32> to vector<1024x256xf32>
      %add3A_40 = arith.addf %mul3A_35, %add3A_39 : vector<1024x256xf32>
      %swap3A_41 = arith.constant 0 : index
      %swap3A_42 = arith.constant 0 : index
      %swap3A_43 = vector.load %arg10[%swap3A_41, %swap3A_42] : memref<1024x256xf32, #tpu.memory_space<vmem>>, vector<1024x256xf32>
      tpu.vector_store %arg10[%swap3A_41, %swap3A_42], %add3A_40 {strides = array<i32>} : memref<1024x256xf32, #tpu.memory_space<vmem>>, vector<1024x256xf32>,
      %get3A_44 = arith.constant 0 : index
      %get3A_45 = arith.constant 0 : index
      %get3A_46 = vector.load %arg8[%get3A_44, %get3A_45] : memref<1x256xf32, #tpu.memory_space<vmem>>, vector<1x256xf32>
      %mul3A_47 = vector.broadcast %get3A_46 : vector<1x256xf32> to vector<1024x256xf32>
      %mul3A_48 = arith.mulf %add3A_40, %mul3A_47 : vector<1024x256xf32>
      %reduce_sum3A = arith.constant dense<0.000000e+00> : vector<1024xf32>
      %reduce_sum3A_49 = vector.multi_reduction <add>, %mul3A_48, %reduce_sum3A [1] : vector<1024x256xf32> to vector<1024xf32>
      %broadcast_in_dim3A = vector.shape_cast %reduce_sum3A_49 : vector<1024xf32> to vector<1024x1xf32>
      %get3A_50 = arith.constant 0 : index
      %get3A_51 = arith.constant 0 : index
      %get3A_52 = vector.load %arg9[%get3A_50, %get3A_51] : memref<1x1xf32, #tpu.memory_space<vmem>>, vector<1x1xf32>
      %mul3A_53 = vector.broadcast %get3A_52 : vector<1x1xf32> to vector<1024x1xf32>
      %mul3A_54 = arith.mulf %broadcast_in_dim3A, %mul3A_53 : vector<1024x1xf32>
      %tanh3A = math.tanh %mul3A_54 : vector<1024x1xf32>
      %swap3A_55 = arith.constant 0 : index
      %swap3A_56 = arith.constant 0 : index
      %swap3A_57 = vector.load %arg11[%swap3A_55, %swap3A_56] : memref<1024x1xf32, #tpu.memory_space<vmem>>, vector<1024x1xf32>
      tpu.vector_store %arg11[%swap3A_55, %swap3A_56], %tanh3A {strides = array<i32>} : memref<1024x1xf32, #tpu.memory_space<vmem>>, vector<1024x1xf32>,
    } else {
    }
    return
  }
  func.func @transform_0(%arg0: i32, %arg1: i32) -> (i32, i32) {
    %c0_i32 = arith.constant 0 : i32
    return %arg0, %arg1 : i32, i32
  }
  func.func @transform_1(%arg0: i32, %arg1: i32) -> (i32, i32) {
    %c0_i32 = arith.constant 0 : i32
    %c0_i32_0 = arith.constant 0 : i32
    return %arg1, %c0_i32 : i32, i32
  }
  func.func @transform_2(%arg0: i32, %arg1: i32) -> (i32, i32) {
    %c0_i32 = arith.constant 0 : i32
    %c0_i32_0 = arith.constant 0 : i32
    return %arg0, %c0_i32 : i32, i32
  }
  func.func @transform_3(%arg0: i32, %arg1: i32) -> (i32, i32) {
    %c0_i32 = arith.constant 0 : i32
    %c0_i32_0 = arith.constant 0 : i32
    return %arg0, %c0_i32 : i32, i32
  }
  func.func @transform_4(%arg0: i32, %arg1: i32) -> (i32, i32) {
    %c0_i32 = arith.constant 0 : i32
    %c0_i32_0 = arith.constant 0 : i32
    return %arg0, %c0_i32 : i32, i32
  }
  func.func @transform_5(%arg0: i32, %arg1: i32) -> (i32, i32) {
    %c0_i32 = arith.constant 0 : i32
    %c0_i32_0 = arith.constant 0 : i32
    %c0_i32_1 = arith.constant 0 : i32
    return %c0_i32, %c0_i32_0 : i32, i32
  }
  func.func @transform_6(%arg0: i32, %arg1: i32) -> (i32, i32) {
    %c0_i32 = arith.constant 0 : i32
    %c0_i32_0 = arith.constant 0 : i32
    %c0_i32_1 = arith.constant 0 : i32
    return %c0_i32, %c0_i32_0 : i32, i32
  }
  func.func @transform_7(%arg0: i32, %arg1: i32) -> (i32, i32) {
    %c0_i32 = arith.constant 0 : i32
    %c0_i32_0 = arith.constant 0 : i32
    %c0_i32_1 = arith.constant 0 : i32
    return %c0_i32, %c0_i32_0 : i32, i32
  }
  func.func @transform_8(%arg0: i32, %arg1: i32) -> (i32, i32) {
    %c0_i32 = arith.constant 0 : i32
    %c0_i32_0 = arith.constant 0 : i32
    return %arg0, %c0_i32 : i32, i32
  }
  func.func @transform_9(%arg0: i32, %arg1: i32) -> (i32, i32) {
    %c0_i32 = arith.constant 0 : i32
    %c0_i32_0 = arith.constant 0 : i32
    return %arg0, %c0_i32 : i32, i32
  }
}

module attributes {stable_mosaic.version = 14 : i64} {
  func.func @_head_kernel(%arg0: i32, %arg1: memref<1024x256xf32, #tpu.memory_space<vmem>>, %arg2: memref<256x256xf32, #tpu.memory_space<vmem>>, %arg3: memref<1x256xf32, #tpu.memory_space<vmem>>, %arg4: memref<256x256xf32, #tpu.memory_space<vmem>>, %arg5: memref<1x256xf32, #tpu.memory_space<vmem>>, %arg6: memref<256x40xf32, #tpu.memory_space<vmem>>, %arg7: memref<1x40xf32, #tpu.memory_space<vmem>>, %arg8: memref<1024x40xf32, #tpu.memory_space<vmem>>) attributes {dimension_semantics = [#tpu.dimension_semantics<arbitrary>], iteration_bounds = array<i64: 5>, scalar_prefetch = 0 : i64, scratch_operands = 0 : i64, tpu.core_type = #tpu.core_type<tc>, window_params = [{transform_indices = @transform_0, window_bounds = array<i64: 1024, 256>}, {pipeline_mode = #tpu.pipeline_mode<synchronous>, transform_indices = @transform_1, window_bounds = array<i64: 256, 256>}, {pipeline_mode = #tpu.pipeline_mode<synchronous>, transform_indices = @transform_2, window_bounds = array<i64: 1, 256>}, {pipeline_mode = #tpu.pipeline_mode<synchronous>, transform_indices = @transform_3, window_bounds = array<i64: 256, 256>}, {pipeline_mode = #tpu.pipeline_mode<synchronous>, transform_indices = @transform_4, window_bounds = array<i64: 1, 256>}, {pipeline_mode = #tpu.pipeline_mode<synchronous>, transform_indices = @transform_5, window_bounds = array<i64: 256, 40>}, {pipeline_mode = #tpu.pipeline_mode<synchronous>, transform_indices = @transform_6, window_bounds = array<i64: 1, 40>}, {transform_indices = @transform_7, window_bounds = array<i64: 1024, 40>}]} {
    %get3A = arith.constant 0 : index
    %get3A_0 = arith.constant 0 : index
    %get3A_1 = vector.load %arg1[%get3A, %get3A_0] : memref<1024x256xf32, #tpu.memory_space<vmem>>, vector<1024x256xf32>
    %get3A_2 = arith.constant 0 : index
    %get3A_3 = arith.constant 0 : index
    %get3A_4 = vector.load %arg2[%get3A_2, %get3A_3] : memref<256x256xf32, #tpu.memory_space<vmem>>, vector<256x256xf32>
    %dot_general3A = arith.constant dense<0.000000e+00> : vector<1024x256xf32>
    %dot_general3A_5 = tpu.matmul %get3A_1, %get3A_4, %dot_general3A {dimension_numbers = #tpu.dot_dimension_numbers<[1], [0], [0], [1], [0, 0, 1, 1], [], []>, transpose_lhs_hint = false} : vector<1024x256xf32>, vector<256x256xf32>, vector<1024x256xf32> -> vector<1024x256xf32>
    %get3A_6 = arith.constant 0 : index
    %get3A_7 = arith.constant 0 : index
    %get3A_8 = vector.load %arg3[%get3A_6, %get3A_7] : memref<1x256xf32, #tpu.memory_space<vmem>>, vector<1x256xf32>
    %add3A = vector.broadcast %get3A_8 : vector<1x256xf32> to vector<1024x256xf32>
    %add3A_9 = arith.addf %dot_general3A_5, %add3A : vector<1024x256xf32>
    %max3A = arith.constant 0.000000e+00 : f32
    %max3A_10 = vector.broadcast %max3A : f32 to vector<1024x256xf32>
    %max3A_11 = arith.maximumf %add3A_9, %max3A_10 : vector<1024x256xf32>
    %get3A_12 = arith.constant 0 : index
    %get3A_13 = arith.constant 0 : index
    %get3A_14 = vector.load %arg4[%get3A_12, %get3A_13] : memref<256x256xf32, #tpu.memory_space<vmem>>, vector<256x256xf32>
    %dot_general3A_15 = arith.constant dense<0.000000e+00> : vector<1024x256xf32>
    %dot_general3A_16 = tpu.matmul %max3A_11, %get3A_14, %dot_general3A_15 {dimension_numbers = #tpu.dot_dimension_numbers<[1], [0], [0], [1], [0, 0, 1, 1], [], []>, transpose_lhs_hint = false} : vector<1024x256xf32>, vector<256x256xf32>, vector<1024x256xf32> -> vector<1024x256xf32>
    %get3A_17 = arith.constant 0 : index
    %get3A_18 = arith.constant 0 : index
    %get3A_19 = vector.load %arg5[%get3A_17, %get3A_18] : memref<1x256xf32, #tpu.memory_space<vmem>>, vector<1x256xf32>
    %add3A_20 = vector.broadcast %get3A_19 : vector<1x256xf32> to vector<1024x256xf32>
    %add3A_21 = arith.addf %dot_general3A_16, %add3A_20 : vector<1024x256xf32>
    %get3A_22 = arith.constant 0 : index
    %get3A_23 = arith.constant 0 : index
    %get3A_24 = vector.load %arg6[%get3A_22, %get3A_23] : memref<256x40xf32, #tpu.memory_space<vmem>>, vector<256x40xf32>
    %dot_general3A_25 = arith.constant dense<0.000000e+00> : vector<1024x40xf32>
    %dot_general3A_26 = tpu.matmul %add3A_21, %get3A_24, %dot_general3A_25 {dimension_numbers = #tpu.dot_dimension_numbers<[1], [0], [0], [1], [0, 0, 1, 1], [], []>, transpose_lhs_hint = false} : vector<1024x256xf32>, vector<256x40xf32>, vector<1024x40xf32> -> vector<1024x40xf32>
    %get3A_27 = arith.constant 0 : index
    %get3A_28 = arith.constant 0 : index
    %get3A_29 = vector.load %arg7[%get3A_27, %get3A_28] : memref<1x40xf32, #tpu.memory_space<vmem>>, vector<1x40xf32>
    %add3A_30 = vector.broadcast %get3A_29 : vector<1x40xf32> to vector<1024x40xf32>
    %add3A_31 = arith.addf %dot_general3A_26, %add3A_30 : vector<1024x40xf32>
    %reduce_max3A = arith.constant dense<0xFF800000> : vector<1024xf32>
    %reduce_max3A_32 = vector.multi_reduction <maximumf>, %add3A_31, %reduce_max3A [1] : vector<1024x40xf32> to vector<1024xf32>
    %broadcast_in_dim3A = vector.shape_cast %reduce_max3A_32 : vector<1024xf32> to vector<1024x1xf32>
    %sub3A = vector.broadcast %broadcast_in_dim3A : vector<1024x1xf32> to vector<1024x40xf32>
    %sub3A_33 = arith.subf %add3A_31, %sub3A : vector<1024x40xf32>
    %exp3A = math.exp %sub3A_33 : vector<1024x40xf32>
    %reduce_sum3A = arith.constant dense<0.000000e+00> : vector<1024xf32>
    %reduce_sum3A_34 = vector.multi_reduction <add>, %exp3A, %reduce_sum3A [1] : vector<1024x40xf32> to vector<1024xf32>
    %broadcast_in_dim3A_35 = vector.shape_cast %reduce_sum3A_34 : vector<1024xf32> to vector<1024x1xf32>
    %log3A = math.log %broadcast_in_dim3A_35 : vector<1024x1xf32>
    %add3A_36 = arith.addf %broadcast_in_dim3A, %log3A : vector<1024x1xf32>
    %sub3A_37 = vector.broadcast %add3A_36 : vector<1024x1xf32> to vector<1024x40xf32>
    %sub3A_38 = arith.subf %add3A_31, %sub3A_37 : vector<1024x40xf32>
    %swap3A = arith.constant 0 : index
    %swap3A_39 = arith.constant 0 : index
    %swap3A_40 = vector.load %arg8[%swap3A, %swap3A_39] : memref<1024x40xf32, #tpu.memory_space<vmem>>, vector<1024x40xf32>
    tpu.vector_store %arg8[%swap3A, %swap3A_39], %sub3A_38 {strides = array<i32>} : memref<1024x40xf32, #tpu.memory_space<vmem>>, vector<1024x40xf32>,
    return
  }
  func.func @transform_0(%arg0: i32) -> (i32, i32) {
    %c0_i32 = arith.constant 0 : i32
    %c0_i32_0 = arith.constant 0 : i32
    return %arg0, %c0_i32 : i32, i32
  }
  func.func @transform_1(%arg0: i32) -> (i32, i32) {
    %c0_i32 = arith.constant 0 : i32
    %c0_i32_0 = arith.constant 0 : i32
    %c0_i32_1 = arith.constant 0 : i32
    return %c0_i32, %c0_i32_0 : i32, i32
  }
  func.func @transform_2(%arg0: i32) -> (i32, i32) {
    %c0_i32 = arith.constant 0 : i32
    %c0_i32_0 = arith.constant 0 : i32
    %c0_i32_1 = arith.constant 0 : i32
    return %c0_i32, %c0_i32_0 : i32, i32
  }
  func.func @transform_3(%arg0: i32) -> (i32, i32) {
    %c0_i32 = arith.constant 0 : i32
    %c0_i32_0 = arith.constant 0 : i32
    %c0_i32_1 = arith.constant 0 : i32
    return %c0_i32, %c0_i32_0 : i32, i32
  }
  func.func @transform_4(%arg0: i32) -> (i32, i32) {
    %c0_i32 = arith.constant 0 : i32
    %c0_i32_0 = arith.constant 0 : i32
    %c0_i32_1 = arith.constant 0 : i32
    return %c0_i32, %c0_i32_0 : i32, i32
  }
  func.func @transform_5(%arg0: i32) -> (i32, i32) {
    %c0_i32 = arith.constant 0 : i32
    %c0_i32_0 = arith.constant 0 : i32
    %c0_i32_1 = arith.constant 0 : i32
    return %c0_i32, %c0_i32_0 : i32, i32
  }
  func.func @transform_6(%arg0: i32) -> (i32, i32) {
    %c0_i32 = arith.constant 0 : i32
    %c0_i32_0 = arith.constant 0 : i32
    %c0_i32_1 = arith.constant 0 : i32
    return %c0_i32, %c0_i32_0 : i32, i32
  }
  func.func @transform_7(%arg0: i32) -> (i32, i32) {
    %c0_i32 = arith.constant 0 : i32
    %c0_i32_0 = arith.constant 0 : i32
    return %arg0, %c0_i32 : i32, i32
  }
}

</mosaic_0001>

<sc_bundles>
// kernel: gather_offload_async_start.1
scs
__scs_entry_jumppad:
0x0: {  	(pc) =	sbr.rel $0x88, $3  }
0x1: {  	(tag) =	ssettag $0x0;
	lr =	simm.s32 $0x1  }
0x2: {  	[smem:$0x3F88] =	sst lr;
	_ =	strace $0xD0000000  }
0x3: {  	_ = 	snop  }
0x4: {  	_ = 	snop  }
0x5: {  	_ = 	snop  }
0x6: {  	_ = 	snop  }
0x7: {  	_ = 	snop  }
__scs_overlays_trampoline_lowered:
0x8: {  	[smem:$0x3F97] =	sst s0  }
0x9: {  	[smem:$0x3F98] =	sst s1  }
0xa: {  	[smem:$0x3F99] =	sst s2  }
0xb: {  	[smem:$0x3F9A] =	sst s3  }
0xc: {  	[smem:$0x3F9B] =	sst s4  }
0xd: {  	[smem:$0x3F9C] =	sst s5  }
0xe: {  	[smem:$0x3F9D] =	sst s6  }
0xf: {  	[smem:$0x3F9E] =	sst s7  }
0x10: {  	[smem:$0x3F9F] =	sst s8  }
0x11: {  	[smem:$0x3FA0] =	sst s9;
	s0 =	simm.s32 @!p0 $0x0  }
0x12: {  	s1 =	sld [smem:$0x3F86];
	s0 =	simm.s32 @p0 $0x1  }
0x13: {  	[smem:$0x3FA1] =	sst s0;
	s0 =	simm.s32 @!p1 $0x0  }
0x14: {  	s2 =	sld [smem:$0x3F85];
	s0 =	simm.s32 @p1 $0x1  }
0x15: {  	[smem:$0x3FA2] =	sst s0;
	s0 =	simm.s32 @!p2 $0x0  }
0x16: {  	s3 =	sld [smem:$0x3FDB];
	s0 =	simm.s32 @p2 $0x1  }
0x17: {  	s4 =	simm.s32 $0x1BF5;
	[smem:$0x3FA4] =	sst s0  }
0x18: {  	s0 =	sld [smem:$0x3F87];
	_ =	swait.ge [sflag:s4], $0x0  }
0x19: {  	s7 =	sld [smem:$0x3F88]  }
0x1a: {  	s8 =	sadd.s32 $0xFFFFE003, lr  }
0x1b: {  	s9 =	sadd.s32 $0xFFFFFEF7, lr;
	s5 =	simm.s32 $0xFFFFFFFF;
	p2 =	slt.u32 s8, $0xFFFFF086  }
0x1c: {  	p1 =	slt.u32 s9, $0xF7A;
	s5 =	simm.s32 @!p2 $0x0  }
0x1d: {  	s5 =	simm.s32 @p1 $0x1;
	p0 =	seq.s32 s7, s2  }
0x1e: {  	s7 =	smul.u32 @!p0 $0xF7A, s2;
	p2 =	seq.s32 @!p0 s5, $0x0  }
0x1f: {  	s9 =	smul.u32 $0xF7A, s1;
	s8 =	simm.s32 @!p0 $0x1BF5;
	p2 =	por !p2, p0  }
0x20: {  	[sflag:s8] =	ssyncset.s32 @!p0 $0xFFFFF086;
	s6 =	sadd.s32 @!p0 s3, s7;
	s7 =	simm.s32 @!p0 $0x108  }
0x21: {  	s3 =	sadd.s32 s3, s9;
	s6 =	sadd.s32 @!p0 $0x88, s6;
	s7 =	simm.s32 @p2 $0x1082  }
0x22: {  	[simem:s7], [sflag:s8] =	dma.local @!p0 [hbm:s6], $0xF7A  }
0x23: {  	s9 =	sor.u32 $0xD0000000, s2;
	s6 =	simm.s32 $0x108;
	_ =	swait.ge @!p0 [sflag:s8], $0x0  }
0x24: {  	s3 =	sadd.s32 $0x88, s3;
	s6 =	simm.s32 @!p1 $0x1082;
	[sflag:s4] =	ssyncset.s32 $0xFFFFF086  }
0x25: {  	[simem:s6], [sflag:s4] =	dma.local [hbm:s3], $0xF7A  }
0x26: {  	[smem:$0x3F88] =	sst s1;
	(tag) =	ssettag s2;
	_ =	strace s9  }
0x27: {  	s1 =	sld [smem:$0x3F98]  }
0x28: {  	s2 =	sld [smem:$0x3F99]  }
0x29: {  	s4 =	sld [smem:$0x3F9B]  }
0x2a: {  	p0 =	seq.s32 s5, $0x0;
	s5 =	sld [smem:$0x3F9C]  }
0x2b: {  	s6 =	sld [smem:$0x3F9D]  }
0x2c: {  	s7 =	sld [smem:$0x3F9E]  }
0x2d: {  	s3 =	simm.s32 $0x108;
	s8 =	sld [smem:$0x3F9F]  }
0x2e: {  	s3 =	simm.s32 @!p0 $0x1082;
	s9 =	sld [smem:$0x3FA0]  }
0x2f: {  	lr =	sadd.s32 s0, s3;
	s0 =	sld [smem:$0x3F97]  }
0x30: {  	s3 =	sld [smem:$0x3F9A]  }
0x31: {  	[smem:$0x3FA3] =	sst s10  }
0x32: {  	s10 =	sld [smem:$0x3FA1];
	_ =	sdelay $0x3  }
0x33: {  	p0 =	seq.s32 s10, $0x1;
	s10 =	sld [smem:$0x3FA3];
	_ =	sdelay $0x3  }
0x34: {  	[smem:$0x3FA3] =	sst s10  }
0x35: {  	s10 =	sld [smem:$0x3FA2];
	_ =	sdelay $0x3  }
0x36: {  	p1 =	seq.s32 s10, $0x1;
	s10 =	sld [smem:$0x3FA3];
	_ =	sdelay $0x3  }
0x37: {  	[smem:$0x3FA3] =	sst s10  }
0x38: {  	s10 =	sld [smem:$0x3FA4]  }
0x39: {  	_ = 	snop;
	(pc) =	sbr.ind lr, $3  }
0x3a: {  	_ = 	snop  }
0x3b: {  	_ = 	snop  }
0x3c: {  	p2 =	seq.s32 s10, $0x1;
	s10 =	sld [smem:$0x3FA3]  }
0x3d: {  	_ =	shalt  }
0x3e: {  	_ =	shalt  }
0x3f: {  	_ =	shalt  }
0x40: {  	_ =	shalt  }
0x41: {  	_ =	shalt  }
0x42: {  	_ =	shalt  }
0x43: {  	_ =	shalt  }
0x44: {  	_ =	shalt  }
0x45: {  	_ =	shalt  }
0x46: {  	_ =	shalt  }
0x47: {  	_ =	shalt  }
0x48: {  	_ =	shalt  }
0x49: {  	_ =	shalt  }
0x4a: {  	_ =	shalt  }
0x4b: {  	_ =	shalt  }
0x4c: {  	_ =	shalt  }
0x4d: {  	_ =	shalt  }
0x4e: {  	_ =	shalt  }
0x4f: {  	_ =	shalt  }
0x50: {  	_ =	shalt  }
0x51: {  	_ =	shalt  }
0x52: {  	_ =	shalt  }
0x53: {  	_ =	shalt  }
0x54: {  	_ =	shalt  }
0x55: {  	_ =	shalt  }
0x56: {  	_ =	shalt  }
0x57: {  	_ =	shalt  }
0x58: {  	_ =	shalt  }
0x59: {  	_ =	shalt  }
0x5a: {  	_ =	shalt  }
0x5b: {  	_ =	shalt  }
0x5c: {  	_ =	shalt  }
0x5d: {  	_ =	shalt  }
0x5e: {  	_ =	shalt  }
0x5f: {  	_ =	shalt  }
0x60: {  	_ =	shalt  }
0x61: {  	_ =	shalt  }
0x62: {  	_ =	shalt  }
0x63: {  	_ =	shalt  }
0x64: {  	_ =	shalt  }
0x65: {  	_ =	shalt  }
0x66: {  	_ =	shalt  }
0x67: {  	_ =	shalt  }
0x68: {  	_ =	shalt  }
0x69: {  	_ =	shalt  }
0x6a: {  	_ =	shalt  }
0x6b: {  	_ =	shalt  }
0x6c: {  	_ =	shalt  }
0x6d: {  	_ =	shalt  }
0x6e: {  	_ =	shalt  }
0x6f: {  	_ =	shalt  }
0x70: {  	_ =	shalt  }
0x71: {  	_ =	shalt  }
0x72: {  	_ =	shalt  }
0x73: {  	_ =	shalt  }
0x74: {  	_ =	shalt  }
0x75: {  	_ =	shalt  }
0x76: {  	_ =	shalt  }
0x77: {  	_ =	shalt  }
0x78: {  	_ =	shalt  }
0x79: {  	_ =	shalt  }
0x7a: {  	_ =	shalt  }
0x7b: {  	_ =	shalt  }
0x7c: {  	_ =	shalt  }
0x7d: {  	_ =	shalt  }
0x7e: {  	_ =	shalt  }
0x7f: {  	_ =	shalt  }
0x80: {  	_ =	shalt  }
0x81: {  	_ =	shalt  }
0x82: {  	_ =	shalt  }
0x83: {  	_ =	shalt  }
0x84: {  	_ =	shalt  }
0x85: {  	_ =	shalt  }
0x86: {  	_ =	shalt  }
0x87: {  	_ =	shalt  }
.Lfunc_end0:
.L_simem_size_0:
called_computation.2_lowered:
.L_overlay_start_0:
0x88: {  	s2 =	sld [smem:$0x3FD9]  }
0x89: {  	s3 =	sld [smem:$0x3FFE];
	_ =	sdelay $0x1  }
0x8a: {  	s1 =	srdreg.scid  }
0x8b: {  	s0 =	sand.u32 $0x1, s1  }
0x8c: {  	s17 =	sshll.u32 s0, $0xA;
	s2 =	sadd.s32 s3, s2  }
0x8d: {  	s2 =	sadd.s32 s2, s17  }
0x8e: {  	[smem:$0x3FAF] =	sst s2  }
0x8f: {  	_ = 	snop  }
0x90: {  	(tm) =	ssettm $0x1  }
0x91: {  	s18 =	sld [smem:$0x3FFB];
	_ =	sdelay $0x3  }
0x92: {  	_ =	strace s18  }
0x93: {  	s2 =	sld [smem:$0x3FFC];
	_ =	sdelay $0x3  }
0x94: {  	_ =	strace s2  }
0x95: {  	s2 =	sld [smem:$0x3FFD];
	_ =	sdelay $0x3  }
0x96: {  	_ =	strace s2  }
0x97: {  	_ =	strace $0x8FFFFFFF  }
0x98: {  	s19 =	sld [smem:$0x3FDB];
	_ =	sdelay $0x1  }
0x99: {  	s20 =	simm.s32 $_scs_section_size  }
0x9a: {  	s4 =	simm.s32 $_size__tile_overlayer_lowered;
	s5 =	simm.s32 $_tile_overlayer_lowered  }
0x9b: {  	s6 =	simm.s32 $0x1BFF;
	s21 =	sshll.u32 s5, $0x1;
	s3 =	sadd.s32 s20, s19  }
0x9c: {  	s22 =	simm.s32 $0x0;
	s4 =	sshll.u32 s4, $0x1;
	s5 =	sadd.s32 s21, s3  }
0x9d: {  	[timem:s22], [sflag:s6] =	dma.local [hbm:s5], s4  }
0x9e: {  	_ =	swait.ge [sflag:s6], s4  }
0x9f: {  	s4 =	ssub.s32 $0x0, s4;
	[sflag:s6] =	ssyncset.done $0x0  }
0xa0: {  	[sflag:s6] =	ssyncadd.s32 s4;
	_ =	sdelay $0x1  }
0xa1: {  	s23 =	simm.s32 $0x1B8B  }
0xa2: {  	_ =	swait.ge [sflag:s23], $0x1  }
0xa3: {  	[sflag:s23] =	ssyncset.done $0x0  }
0xa4: {  	[sflag:s23] =	ssyncadd.s32 $0xFFFFFFFF  }
0xa5: {  	s4 =	sld [smem:$0x0]  }
0xa6: {  	s5 =	sand.u32 $0xFFFFFFFE, s1  }
0xa7: {  	p0 =	sne.s32 s1, s5  }
0xa8: {  	s5 =	sshll.u32 @p0 s5, $0xE  }
0xa9: {  	s5 =	sadd.s32 @p0 $0x11B8D, s5;
	s6 =	sshll.u32 @p0 s4, $0x11  }
0xaa: {  	s5 =	sor.u32 @p0 s6, s5  }
0xab: {  	[sflag:s5] =	ssyncadd.remote.s32 @p0 $0x1;
	_ =	sdelay $0x1  }
0xac: {  	s5 =	simm.s32 @p0 $0x1B8D  }
0xad: {  	_ =	swait.eq @p0 [sflag:s5], $0x1  }
0xae: {  	[sflag:s5] =	ssyncadd.s32 @p0 $0xFFFFFFFF  }
0xaf: {  	s6 =	sshll.u32 @!p0 s1, $0xE  }
0xb0: {  	s6 =	sor.u32 @!p0 $0x4000, s6;
	s5 =	simm.s32 @!p0 $0x1B8D  }
0xb1: {  	s4 =	sshll.u32 @!p0 s4, $0x11;
	s6 =	sadd.s32 @!p0 $0x11B8D, s6;
	_ =	swait.eq @!p0 [sflag:s5], $0x1  }
0xb2: {  	s4 =	sor.u32 @!p0 s4, s6;
	[sflag:s5] =	ssyncadd.s32 @!p0 $0xFFFFFFFF  }
0xb3: {  	s25 =	simm.s32 $0x1B8E;
	s24 =	sld [smem:$0x3FFE];
	[sflag:s4] =	ssyncadd.remote.s32 @!p0 $0x1  }
0xb4: {  	s26 =	simm.s32 $execute0_lowered;
	[smem:$0x3FD2] =	sst s25  }
0xb5: {  	s5 =	sshll.u32 s26, $0x1;
	_ =	strace $0x8000004C;
	[dreg:$0x1] =	wrdreg $0xFFFFFFFF  }
0xb6: {  	s28 =	simm.s32 $_size_execute0_lowered;
	s3 =	sadd.s32 s3, s5;
	[dreg:$0x0] =	wrdreg $0x0  }
0xb7: {  	s5 =	sshll.u32 s28, $0x1;
	[dreg:$0x2] =	wrdreg s3  }
0xb8: {  	[dreg:$0x3] =	wrdreg s5  }
0xb9: {  	[dreg:$0x4] =	wrdreg $0xC0  }
0xba: {  	_ =	task [dreg:s22], $0x5FFFF  }
0xbb: {  	[dreg:$0x1] =	wrdreg $0xFFFFFFFF  }
0xbc: {  	[dreg:$0x0] =	wrdreg $0x60  }
0xbd: {  	[dreg:$0x2] =	wrdreg s24  }
0xbe: {  	[dreg:$0x3] =	wrdreg $0xA  }
0xbf: {  	_ =	task.clear_ibuf [dreg:s22], $0x4FFFF;
	_ =	strace $0x9000004C  }
0xc0: {  	s29 =	simm.s32 $0xA;
	_ =	strace $0x8000004E  }
0xc1: {  	_ =	swait.ge [sflag:s29], $0x1  }
0xc2: {  	[sflag:s29] =	ssyncadd.s32 $0xFFFFFFFF  }
0xc3: {  	_ =	strace $0x9000004E  }
0xc4: {  	_ =	sfence  }
0xc5: {  	s30 =	sld [smem:$0x0];
	_ =	sdelay $0x2  }
0xc6: {  	s31 =	sshll.u32 s1, $0xD;
	s1 =	sshrl.u32 s1, $0x2  }
0xc7: {  	s4 =	sand.u32 $0x4000, s31;
	s1 =	sadd.s32 s1, s30  }
0xc8: {  	s0 =	sor.u32 s4, s0;
	s1 =	sshll.u32 s1, $0x11  }
0xc9: {  	s0 =	sor.u32 s1, s0  }
0xca: {  	s0 =	sadd.s32 $0x8F2B, s0  }
0xcb: {  	[sflag:s0] =	ssyncadd.remote.s32 $0x1  }
0xcc: {  	_ =	sfence.sel $0xFFFF  }
0xcd: {  	[dreg:$0x0] =	wrdreg $0xFFFFFFFF;
	(pc) =	sbr.abs _section_cstart, $3  }
0xce: {  	[dreg:$0x1] =	wrdreg $0xFFFFFFFF  }
0xcf: {  	_ =	task.clear_ibuf [dreg:s22], $0x2FFFF;
	_ =	strace $0x9FFFFFFF  }
0xd0: {  	(tm) =	ssettm $0x7FFFFFFF  }
0xd1: {  	_ =	shalt  }
tec
execute0_lowered:
.L_overlay_start_1:
0x0: {  	(tag) =	ssettag $0x1  }
0x1: {  	s7 =	rddreg [dreg:$0x0]  }
0x2: {  	s0 =	rddreg [dreg:$0x1];
	_ =	strace $0x8000004D  }
0x3: {  	s1 =	srdreg.scid;
	s4 =	simm.s32 $0x1;
	s9 =	simm.s32 $0x3  }
0x4: {  	s11 =	simm.s32 $0x0;
	p0 =	por $0x0, $0x0;
	s5 =	sshll.u32 s1, $0x4  }
.Ltmp0:
0x5: {  	s1 =	stileid.u32;
	s5 =	sand.u32 $0x10, s5;
	(pc) =	sbr.rel .LBB2_1-.Ltmp0, $4  }
0x6: {  	s2 =	sadd.s32 $0x15800, s7;
	s3 =	sadd.s32 $0x14A00, s7;
	s6 =	sor.u32 s1, s5  }
0x7: {  	[sflag:s4] =	ssyncpa.u1 $0x0;
	s5 =	simm.s32 $0x2;
	s6 =	sshll.u32 s6, $0x6  }
0x8: {  	s7 =	sadd.s32 $0x978000, s7;
	[sflag:s5] =	ssyncpa.u1 $0x0;
	s8 =	sadd.s32 $0x40, s6  }
0x9: {  	vm0 =	vmmov $0xff;
	[sflag:s9] =	ssyncpa.u1 $0x0;
	s10 =	smov.u32 s6;
	s9 =	simm.s32 $0x0  }
.LBB2_5:
0xa: {  	p1 =	slt.u32 s9, $0x2;
	s11 =	sadd.s32 $0x8, s10  }
0xb: {  	s13 =	smov.u32 s6;
	s9 =	sadd.s32 $0x1, s9;
	p2 =	slt.s32 s11, s8  }
0xc: {  	s13 =	smov.u32 @p2 s11;
	p2 =	sne.s32 s9, $0xA  }
.Ltmp1:
0xd: {  	_ = 	snop;
	(pc) =	sbr.rel @!p2 .LBB2_6-.Ltmp1, $4  }
0xe: {  	s12 =	simm.s32 @!p1 $0x3  }
0xf: {  	_ =	swait.ge @!p1 [sflag:s12], $0xA000  }
0x10: {  	p0 =	por !p0, !p0;
	[sflag:s12] =	ssyncset.done @!p1 $0x0  }
0x11: {  	s11 =	smov.u32 s10;
	s10 =	smov.u32 s13;
	[sflag:s12] =	ssyncadd.s32 @!p1 $0xFFFF6000  }
.LBB2_1:
0x12: {  	p1 =	sgt.u32 s9, $0x7  }
0x13: {  	s12 =	sxor.u32 @!p1 $0xFFFFFFFF, s9  }
0x14: {  	s13 =	sshrl.u32 @!p1 s10, $0x3;
	s12 =	sshll.u32 @!p1 s12, $0x3  }
0x15: {  	s14 =	sand.u32 @!p1 $0x7, s10;
	s13 =	sadd.s32 @!p1 s3, s13;
	s12 =	sand.u32 @!p1 $0x8, s12  }
0x16: {  	[tilespmem:s12], [sflag:$0x2] =	stream.linear.gather @!p1 [hbm4b:s13+s14], $0x8, $0x38;
	[tilespmem:$0x14010] =	vst v63  }
0x17: {  	p1 =	seq.s32 s9, $0x0  }
0x18: {  	p2 =	seq.s32 @!p1 s9, $0x9  }
0x19: {  	p1 =	por p1, p2  }
.Ltmp2:
0x1a: {  	_ = 	snop;
	(pc) =	sbr.rel @p1 .LBB2_5-.Ltmp2, $1  }
0x1b: {  	_ =	sdelay $0x3  }
0x1c: {  	_ =	swait.ge [sflag:s5], $0x8  }
0x1d: {  	s12 =	sand.u32 $0x1, s9;
	[sflag:s5] =	ssyncset.done $0x0  }
0x1e: {  	s13 =	sshll.u32 s12, $0x3;
	[sflag:s5] =	ssyncadd.s32 $0xFFFFFFF8  }
0x1f: {  	v0 =	vld.msk [tilespmem:s13+$0x0 ss:$0x1], $0xff;
	_ =	sdelay $0x4  }
0x20: {  	vm1 =	vgt.s32 v0, $0x0  }
0x21: {  	v0 =	vnsel vm1, $0x0, v0  }
0x22: {  	v0 =	vmin.u32 v0, $0x13FF  }
0x23: {  	v1 =	vshrl.u32 v0, $0x3  }
0x24: {  	v0 =	vshll.u32 v0, $0x7;
	v1 =	vmul.u32 $0xA000, v1  }
0x25: {  	s13 =	simm.s32 $0x1;
	v0 =	vand.u32 $0x380, v0  }
0x26: {  	s13 =	simm.s32 @!p0 $0x0;
	v0 =	vor.u32 v0, v1  }
0x27: {  	s13 =	smul.u32 $0x28000, s13;
	v0 =	vshrl.u32 v0, $0x3  }
0x28: {  	s12 =	smul.u32 $0x28000, s12  }
0x29: {  	s13 =	sshrl.u32 s13, $0x2  }
0x2a: {  	s12 =	sshrl.u32 s12, $0x2;
	s13 =	sor.u32 $0x10, s13  }
0x2b: {  	s14 =	simm.s32 $0x1000;
	s12 =	sor.u32 $0x10, s12;
	s15 =	sadd.s32 $0x0, s13  }
.LBB2_3:
0x2c: {  	[tilespmem:s15], [sflag:$0x1] =	stream.indirect_vreg.gather [hbm:s2], $0x80, v0, vm0, $0x38;
	[tilespmem:$0x14010] =	vst v63  }
0x2d: {  	v0 =	vadd.s32 $0x80, v0;
	s15 =	smov.u32 s14;
	p1 =	sne.s32 s14, $0x27000  }
.Ltmp3:
0x2e: {  	s14 =	sadd.s32 $0x1000, s14;
	(pc) =	sbr.rel @p1 .LBB2_3-.Ltmp3, $3  }
0x2f: {  	_ =	sdelay $0x1  }
0x30: {  	s15 =	sshra.s32 s15, $0x2  }
0x31: {  	s15 =	sadd.s32 s15, s13  }
0x32: {  	_ =	sdelay $0x3  }
0x33: {  	[tilespmem:s15], [sflag:$0x1] =	stream.indirect_vreg.gather [hbm:s2], $0x80, v0, vm0, $0x38;
	[tilespmem:$0x14010] =	vst v63  }
.Ltmp4:
0x34: {  	s13 =	sshrl.u32 s11, $0x3;
	s31 =	sshll.u32 s11, $0x4;
	(pc) =	sbr.rel .LBB2_5-.Ltmp4, $4  }
0x35: {  	_ =	swait.ge [sflag:s4], $0xA000;
	s13 =	smul.u32 $0x1400, s13;
	s11 =	sand.u32 $0x70, s31  }
0x36: {  	[sflag:s4] =	ssyncset.done $0x0;
	s11 =	sadd.s32 s7, s11  }
0x37: {  	[sflag:s4] =	ssyncadd.s32 $0xFFFF6000;
	s11 =	sadd.s32 s13, s11  }
0x38: {  	[hbm:s11] =	stream.linear.scatter [tilespmem:s12], [sflag:$0x3], $0xA000, $0x38;
	[tilespmem:$0x14010] =	vst v63  }
.LBB2_6:
0x39: {  	_ =	sfence.sel $0x180000  }
0x3a: {  	s2 =	simm.s32 $0x2;
	[bflag:$0x0] =	sbarrier.arrive $0xFFFF  }
0x3b: {  	s30 =	simm.s32 $0x3;
	[sflag:s2] =	ssyncpa.u1 $0x1  }
0x3c: {  	s31 =	simm.s32 $0x1;
	[sflag:s30] =	ssyncpa.u1 $0x1  }
0x3d: {  	[sflag:s31] =	ssyncpa.u1 $0x1  }
0x3e: {  	p0 =	sne.s32 s1, $0x0;
	_ =	strace $0x9000004D  }
0x3f: {  	s0 =	sadd.s32 @!p0 $0x100000, s0;
	[bflag:$0x2] =	sbarrier.arrive $0xFFFF  }
0x40: {  	[sflag:s0] =	ssyncadd.tile.s32 @!p0 $0x1;
	_ =	shalt  }
.Lfunc_end2:
_tile_overlayer_lowered:
.L_overlay_start_2:
0x41: {  	(tag) =	ssettag $0x2  }
0x42: {  	s0 =	rddreg [dreg:$0x0];
	s2 =	stileid.u32  }
0x43: {  	s1 =	rddreg [dreg:$0x1];
	p0 =	sne.s32 s2, $0x0  }
0x44: {  	s3 =	rddreg [dreg:$0x2];
	[bflag:$0x3] =	sbarrier.arrive $0xFFFF;
	s2 =	simm.s32 @!p0 $0x1C01  }
0x45: {  	[timem:s3], [sflag:s2] =	dma.local @!p0 [hbm:s0], s1  }
0x46: {  	s0 =	simm.s32 @!p0 $0x1  }
0x47: {  	_ =	swait.ge @!p0 [sflag:s0], s1  }
0x48: {  	s1 =	ssub.s32 @!p0 $0x0, s1;
	[sflag:s0] =	ssyncset.done @!p0 $0x0  }
0x49: {  	[sflag:s0] =	ssyncadd.s32 @!p0 s1  }
0x4a: {  	[bflag:$0x3] =	sbarrier.arrive $0xFFFF  }
0x4b: {  	_ =	shalt  }

// kernel: gather_offload_async_start
scs
__scs_entry_jumppad:
0x0: {  	(pc) =	sbr.rel $0x88, $3  }
0x1: {  	(tag) =	ssettag $0x0;
	lr =	simm.s32 $0x1  }
0x2: {  	[smem:$0x3F88] =	sst lr;
	_ =	strace $0xD0000000  }
0x3: {  	_ = 	snop  }
0x4: {  	_ = 	snop  }
0x5: {  	_ = 	snop  }
0x6: {  	_ = 	snop  }
0x7: {  	_ = 	snop  }
__scs_overlays_trampoline_lowered:
0x8: {  	[smem:$0x3F97] =	sst s0  }
0x9: {  	[smem:$0x3F98] =	sst s1  }
0xa: {  	[smem:$0x3F99] =	sst s2  }
0xb: {  	[smem:$0x3F9A] =	sst s3  }
0xc: {  	[smem:$0x3F9B] =	sst s4  }
0xd: {  	[smem:$0x3F9C] =	sst s5  }
0xe: {  	[smem:$0x3F9D] =	sst s6  }
0xf: {  	[smem:$0x3F9E] =	sst s7  }
0x10: {  	[smem:$0x3F9F] =	sst s8  }
0x11: {  	[smem:$0x3FA0] =	sst s9;
	s0 =	simm.s32 @!p0 $0x0  }
0x12: {  	s1 =	sld [smem:$0x3F86];
	s0 =	simm.s32 @p0 $0x1  }
0x13: {  	[smem:$0x3FA1] =	sst s0;
	s0 =	simm.s32 @!p1 $0x0  }
0x14: {  	s2 =	sld [smem:$0x3F85];
	s0 =	simm.s32 @p1 $0x1  }
0x15: {  	[smem:$0x3FA2] =	sst s0;
	s0 =	simm.s32 @!p2 $0x0  }
0x16: {  	s3 =	sld [smem:$0x3FDB];
	s0 =	simm.s32 @p2 $0x1  }
0x17: {  	s4 =	simm.s32 $0x1BF5;
	[smem:$0x3FA4] =	sst s0  }
0x18: {  	s0 =	sld [smem:$0x3F87];
	_ =	swait.ge [sflag:s4], $0x0  }
0x19: {  	s7 =	sld [smem:$0x3F88]  }
0x1a: {  	s8 =	sadd.s32 $0xFFFFE003, lr  }
0x1b: {  	s9 =	sadd.s32 $0xFFFFFEF7, lr;
	s5 =	simm.s32 $0xFFFFFFFF;
	p2 =	slt.u32 s8, $0xFFFFF086  }
0x1c: {  	p1 =	slt.u32 s9, $0xF7A;
	s5 =	simm.s32 @!p2 $0x0  }
0x1d: {  	s5 =	simm.s32 @p1 $0x1;
	p0 =	seq.s32 s7, s2  }
0x1e: {  	s7 =	smul.u32 @!p0 $0xF7A, s2;
	p2 =	seq.s32 @!p0 s5, $0x0  }
0x1f: {  	s9 =	smul.u32 $0xF7A, s1;
	s8 =	simm.s32 @!p0 $0x1BF5;
	p2 =	por !p2, p0  }
0x20: {  	[sflag:s8] =	ssyncset.s32 @!p0 $0xFFFFF086;
	s6 =	sadd.s32 @!p0 s3, s7;
	s7 =	simm.s32 @!p0 $0x108  }
0x21: {  	s3 =	sadd.s32 s3, s9;
	s6 =	sadd.s32 @!p0 $0x88, s6;
	s7 =	simm.s32 @p2 $0x1082  }
0x22: {  	[simem:s7], [sflag:s8] =	dma.local @!p0 [hbm:s6], $0xF7A  }
0x23: {  	s9 =	sor.u32 $0xD0000000, s2;
	s6 =	simm.s32 $0x108;
	_ =	swait.ge @!p0 [sflag:s8], $0x0  }
0x24: {  	s3 =	sadd.s32 $0x88, s3;
	s6 =	simm.s32 @!p1 $0x1082;
	[sflag:s4] =	ssyncset.s32 $0xFFFFF086  }
0x25: {  	[simem:s6], [sflag:s4] =	dma.local [hbm:s3], $0xF7A  }
0x26: {  	[smem:$0x3F88] =	sst s1;
	(tag) =	ssettag s2;
	_ =	strace s9  }
0x27: {  	s1 =	sld [smem:$0x3F98]  }
0x28: {  	s2 =	sld [smem:$0x3F99]  }
0x29: {  	s4 =	sld [smem:$0x3F9B]  }
0x2a: {  	p0 =	seq.s32 s5, $0x0;
	s5 =	sld [smem:$0x3F9C]  }
0x2b: {  	s6 =	sld [smem:$0x3F9D]  }
0x2c: {  	s7 =	sld [smem:$0x3F9E]  }
0x2d: {  	s3 =	simm.s32 $0x108;
	s8 =	sld [smem:$0x3F9F]  }
0x2e: {  	s3 =	simm.s32 @!p0 $0x1082;
	s9 =	sld [smem:$0x3FA0]  }
0x2f: {  	lr =	sadd.s32 s0, s3;
	s0 =	sld [smem:$0x3F97]  }
0x30: {  	s3 =	sld [smem:$0x3F9A]  }
0x31: {  	[smem:$0x3FA3] =	sst s10  }
0x32: {  	s10 =	sld [smem:$0x3FA1];
	_ =	sdelay $0x3  }
0x33: {  	p0 =	seq.s32 s10, $0x1;
	s10 =	sld [smem:$0x3FA3];
	_ =	sdelay $0x3  }
0x34: {  	[smem:$0x3FA3] =	sst s10  }
0x35: {  	s10 =	sld [smem:$0x3FA2];
	_ =	sdelay $0x3  }
0x36: {  	p1 =	seq.s32 s10, $0x1;
	s10 =	sld [smem:$0x3FA3];
	_ =	sdelay $0x3  }
0x37: {  	[smem:$0x3FA3] =	sst s10  }
0x38: {  	s10 =	sld [smem:$0x3FA4]  }
0x39: {  	_ = 	snop;
	(pc) =	sbr.ind lr, $3  }
0x3a: {  	_ = 	snop  }
0x3b: {  	_ = 	snop  }
0x3c: {  	p2 =	seq.s32 s10, $0x1;
	s10 =	sld [smem:$0x3FA3]  }
0x3d: {  	_ =	shalt  }
0x3e: {  	_ =	shalt  }
0x3f: {  	_ =	shalt  }
0x40: {  	_ =	shalt  }
0x41: {  	_ =	shalt  }
0x42: {  	_ =	shalt  }
0x43: {  	_ =	shalt  }
0x44: {  	_ =	shalt  }
0x45: {  	_ =	shalt  }
0x46: {  	_ =	shalt  }
0x47: {  	_ =	shalt  }
0x48: {  	_ =	shalt  }
0x49: {  	_ =	shalt  }
0x4a: {  	_ =	shalt  }
0x4b: {  	_ =	shalt  }
0x4c: {  	_ =	shalt  }
0x4d: {  	_ =	shalt  }
0x4e: {  	_ =	shalt  }
0x4f: {  	_ =	shalt  }
0x50: {  	_ =	shalt  }
0x51: {  	_ =	shalt  }
0x52: {  	_ =	shalt  }
0x53: {  	_ =	shalt  }
0x54: {  	_ =	shalt  }
0x55: {  	_ =	shalt  }
0x56: {  	_ =	shalt  }
0x57: {  	_ =	shalt  }
0x58: {  	_ =	shalt  }
0x59: {  	_ =	shalt  }
0x5a: {  	_ =	shalt  }
0x5b: {  	_ =	shalt  }
0x5c: {  	_ =	shalt  }
0x5d: {  	_ =	shalt  }
0x5e: {  	_ =	shalt  }
0x5f: {  	_ =	shalt  }
0x60: {  	_ =	shalt  }
0x61: {  	_ =	shalt  }
0x62: {  	_ =	shalt  }
0x63: {  	_ =	shalt  }
0x64: {  	_ =	shalt  }
0x65: {  	_ =	shalt  }
0x66: {  	_ =	shalt  }
0x67: {  	_ =	shalt  }
0x68: {  	_ =	shalt  }
0x69: {  	_ =	shalt  }
0x6a: {  	_ =	shalt  }
0x6b: {  	_ =	shalt  }
0x6c: {  	_ =	shalt  }
0x6d: {  	_ =	shalt  }
0x6e: {  	_ =	shalt  }
0x6f: {  	_ =	shalt  }
0x70: {  	_ =	shalt  }
0x71: {  	_ =	shalt  }
0x72: {  	_ =	shalt  }
0x73: {  	_ =	shalt  }
0x74: {  	_ =	shalt  }
0x75: {  	_ =	shalt  }
0x76: {  	_ =	shalt  }
0x77: {  	_ =	shalt  }
0x78: {  	_ =	shalt  }
0x79: {  	_ =	shalt  }
0x7a: {  	_ =	shalt  }
0x7b: {  	_ =	shalt  }
0x7c: {  	_ =	shalt  }
0x7d: {  	_ =	shalt  }
0x7e: {  	_ =	shalt  }
0x7f: {  	_ =	shalt  }
0x80: {  	_ =	shalt  }
0x81: {  	_ =	shalt  }
0x82: {  	_ =	shalt  }
0x83: {  	_ =	shalt  }
0x84: {  	_ =	shalt  }
0x85: {  	_ =	shalt  }
0x86: {  	_ =	shalt  }
0x87: {  	_ =	shalt  }
.Lfunc_end0:
.L_simem_size_0:
called_computation.1_lowered:
.L_overlay_start_0:
0x88: {  	s2 =	sld [smem:$0x3FD9]  }
0x89: {  	s3 =	sld [smem:$0x3FFE];
	_ =	sdelay $0x1  }
0x8a: {  	s1 =	srdreg.scid  }
0x8b: {  	s0 =	sand.u32 $0x1, s1  }
0x8c: {  	s16 =	sshll.u32 s0, $0xA;
	s2 =	sadd.s32 s3, s2  }
0x8d: {  	s2 =	sadd.s32 s2, s16  }
0x8e: {  	[smem:$0x3FAF] =	sst s2  }
0x8f: {  	_ = 	snop  }
0x90: {  	(tm) =	ssettm $0x1  }
0x91: {  	s17 =	sld [smem:$0x3FFB];
	_ =	sdelay $0x3  }
0x92: {  	_ =	strace s17  }
0x93: {  	s2 =	sld [smem:$0x3FFC];
	_ =	sdelay $0x3  }
0x94: {  	_ =	strace s2  }
0x95: {  	s2 =	sld [smem:$0x3FFD];
	_ =	sdelay $0x3  }
0x96: {  	_ =	strace s2  }
0x97: {  	_ =	strace $0x8FFFFFFF  }
0x98: {  	s18 =	sld [smem:$0x3FDB];
	_ =	sdelay $0x1  }
0x99: {  	s19 =	simm.s32 $_scs_section_size  }
0x9a: {  	s4 =	simm.s32 $_size__tile_overlayer_lowered;
	s5 =	simm.s32 $_tile_overlayer_lowered  }
0x9b: {  	s22 =	simm.s32 $0x1BFF;
	s21 =	sshll.u32 s5, $0x1;
	s2 =	sadd.s32 s19, s18  }
0x9c: {  	s6 =	simm.s32 $0x0;
	s20 =	sshll.u32 s4, $0x1;
	s4 =	sadd.s32 s21, s2  }
0x9d: {  	[timem:s6], [sflag:s22] =	dma.local [hbm:s4], s20  }
0x9e: {  	_ =	swait.ge [sflag:s22], s20  }
0x9f: {  	s3 =	ssub.s32 $0x0, s20;
	[sflag:s22] =	ssyncset.done $0x0  }
0xa0: {  	[sflag:s22] =	ssyncadd.s32 s3;
	_ =	sdelay $0x1  }
0xa1: {  	s23 =	simm.s32 $0x1B8B  }
0xa2: {  	_ =	swait.ge [sflag:s23], $0x1  }
0xa3: {  	[sflag:s23] =	ssyncset.done $0x0  }
0xa4: {  	s25 =	simm.s32 $0x1B8E;
	s24 =	sld [smem:$0x3FFE];
	[sflag:s23] =	ssyncadd.s32 $0xFFFFFFFF  }
0xa5: {  	s26 =	simm.s32 $execute0_lowered;
	[smem:$0x3FD2] =	sst s25  }
0xa6: {  	s4 =	sshll.u32 s26, $0x1;
	_ =	strace $0x80000049;
	[dreg:$0x1] =	wrdreg $0xFFFFFFFF  }
0xa7: {  	s28 =	simm.s32 $_size_execute0_lowered;
	s2 =	sadd.s32 s2, s4;
	[dreg:$0x0] =	wrdreg $0x0  }
0xa8: {  	s4 =	sshll.u32 s28, $0x1;
	[dreg:$0x2] =	wrdreg s2  }
0xa9: {  	[dreg:$0x3] =	wrdreg s4  }
0xaa: {  	[dreg:$0x4] =	wrdreg $0xC0  }
0xab: {  	_ =	task [dreg:s6], $0x5FFFF  }
0xac: {  	[dreg:$0x1] =	wrdreg $0xFFFFFFFF  }
0xad: {  	[dreg:$0x0] =	wrdreg $0x60  }
0xae: {  	[dreg:$0x2] =	wrdreg s24  }
0xaf: {  	[dreg:$0x3] =	wrdreg $0x9  }
0xb0: {  	_ =	task.clear_ibuf [dreg:s6], $0x4FFFF;
	_ =	strace $0x90000049  }
0xb1: {  	s29 =	simm.s32 $0x9;
	_ =	strace $0x8000004B  }
0xb2: {  	_ =	swait.ge [sflag:s29], $0x1  }
0xb3: {  	[sflag:s29] =	ssyncadd.s32 $0xFFFFFFFF  }
0xb4: {  	_ =	strace $0x9000004B  }
0xb5: {  	_ =	sfence  }
0xb6: {  	s30 =	sld [smem:$0x0];
	_ =	sdelay $0x2  }
0xb7: {  	s31 =	sshll.u32 s1, $0xD;
	s1 =	sshrl.u32 s1, $0x2  }
0xb8: {  	s3 =	sand.u32 $0x4000, s31;
	s1 =	sadd.s32 s1, s30  }
0xb9: {  	s0 =	sor.u32 s3, s0;
	s1 =	sshll.u32 s1, $0x11  }
0xba: {  	s0 =	sor.u32 s1, s0  }
0xbb: {  	s0 =	sadd.s32 $0x8F2B, s0  }
0xbc: {  	[sflag:s0] =	ssyncadd.remote.s32 $0x1  }
0xbd: {  	_ =	sfence.sel $0xFFFF  }
0xbe: {  	[dreg:$0x0] =	wrdreg $0xFFFFFFFF;
	(pc) =	sbr.abs _section_cstart, $3  }
0xbf: {  	[dreg:$0x1] =	wrdreg $0xFFFFFFFF  }
0xc0: {  	_ =	task.clear_ibuf [dreg:s6], $0x2FFFF;
	_ =	strace $0x9FFFFFFF  }
0xc1: {  	(tm) =	ssettm $0x7FFFFFFF  }
tec
execute0_lowered:
.L_overlay_start_1:
0x0: {  	(tag) =	ssettag $0x1  }
0x1: {  	s7 =	rddreg [dreg:$0x0]  }
0x2: {  	s0 =	rddreg [dreg:$0x1];
	_ =	strace $0x8000004A  }
0x3: {  	s1 =	srdreg.scid;
	s4 =	simm.s32 $0x1;
	s9 =	simm.s32 $0x3  }
0x4: {  	s11 =	simm.s32 $0x0;
	p0 =	por $0x0, $0x0;
	s5 =	sshll.u32 s1, $0x4  }
.Ltmp0:
0x5: {  	s1 =	stileid.u32;
	s5 =	sand.u32 $0x10, s5;
	(pc) =	sbr.rel .LBB2_1-.Ltmp0, $4  }
0x6: {  	s2 =	sadd.s32 $0x338000, s7;
	s3 =	sadd.s32 $0x14A00, s7;
	s6 =	sor.u32 s1, s5  }
0x7: {  	[sflag:s4] =	ssyncpa.u1 $0x0;
	s5 =	simm.s32 $0x2;
	s6 =	sshll.u32 s6, $0x6  }
0x8: {  	s7 =	sadd.s32 $0x838000, s7;
	[sflag:s5] =	ssyncpa.u1 $0x0;
	s8 =	sadd.s32 $0x40, s6  }
0x9: {  	vm0 =	vmmov $0xff;
	[sflag:s9] =	ssyncpa.u1 $0x0;
	s10 =	smov.u32 s6;
	s9 =	simm.s32 $0x0  }
.LBB2_5:
0xa: {  	p1 =	slt.u32 s9, $0x2;
	s11 =	sadd.s32 $0x8, s10  }
0xb: {  	s13 =	smov.u32 s6;
	s9 =	sadd.s32 $0x1, s9;
	p2 =	slt.s32 s11, s8  }
0xc: {  	s13 =	smov.u32 @p2 s11;
	p2 =	sne.s32 s9, $0xA  }
.Ltmp1:
0xd: {  	_ = 	snop;
	(pc) =	sbr.rel @!p2 .LBB2_6-.Ltmp1, $4  }
0xe: {  	s12 =	simm.s32 @!p1 $0x3  }
0xf: {  	_ =	swait.ge @!p1 [sflag:s12], $0xA000  }
0x10: {  	p0 =	por !p0, !p0;
	[sflag:s12] =	ssyncset.done @!p1 $0x0  }
0x11: {  	s11 =	smov.u32 s10;
	s10 =	smov.u32 s13;
	[sflag:s12] =	ssyncadd.s32 @!p1 $0xFFFF6000  }
.LBB2_1:
0x12: {  	p1 =	sgt.u32 s9, $0x7  }
0x13: {  	s12 =	sxor.u32 @!p1 $0xFFFFFFFF, s9  }
0x14: {  	s13 =	sshrl.u32 @!p1 s10, $0x3;
	s12 =	sshll.u32 @!p1 s12, $0x3  }
0x15: {  	s14 =	sand.u32 @!p1 $0x7, s10;
	s13 =	sadd.s32 @!p1 s3, s13;
	s12 =	sand.u32 @!p1 $0x8, s12  }
0x16: {  	[tilespmem:s12], [sflag:$0x2] =	stream.linear.gather @!p1 [hbm4b:s13+s14], $0x8, $0x38;
	[tilespmem:$0x14010] =	vst v63  }
0x17: {  	p1 =	seq.s32 s9, $0x0  }
0x18: {  	p2 =	seq.s32 @!p1 s9, $0x9  }
0x19: {  	p1 =	por p1, p2  }
.Ltmp2:
0x1a: {  	_ = 	snop;
	(pc) =	sbr.rel @p1 .LBB2_5-.Ltmp2, $1  }
0x1b: {  	_ =	sdelay $0x3  }
0x1c: {  	_ =	swait.ge [sflag:s5], $0x8  }
0x1d: {  	s12 =	sand.u32 $0x1, s9;
	[sflag:s5] =	ssyncset.done $0x0  }
0x1e: {  	s13 =	sshll.u32 s12, $0x3;
	[sflag:s5] =	ssyncadd.s32 $0xFFFFFFF8  }
0x1f: {  	v0 =	vld.msk [tilespmem:s13+$0x0 ss:$0x1], $0xff;
	_ =	sdelay $0x4  }
0x20: {  	vm1 =	vgt.s32 v0, $0x0  }
0x21: {  	v0 =	vnsel vm1, $0x0, v0  }
0x22: {  	v0 =	vmin.u32 v0, $0x13FF  }
0x23: {  	v1 =	vshrl.u32 v0, $0x3  }
0x24: {  	v0 =	vshll.u32 v0, $0x7;
	v1 =	vmul.u32 $0xA000, v1  }
0x25: {  	s13 =	simm.s32 $0x1;
	v0 =	vand.u32 $0x380, v0  }
0x26: {  	s13 =	simm.s32 @!p0 $0x0;
	v0 =	vor.u32 v0, v1  }
0x27: {  	s13 =	smul.u32 $0x28000, s13;
	v0 =	vshrl.u32 v0, $0x3  }
0x28: {  	s12 =	smul.u32 $0x28000, s12  }
0x29: {  	s13 =	sshrl.u32 s13, $0x2  }
0x2a: {  	s12 =	sshrl.u32 s12, $0x2;
	s13 =	sor.u32 $0x10, s13  }
0x2b: {  	s14 =	simm.s32 $0x1000;
	s12 =	sor.u32 $0x10, s12;
	s15 =	sadd.s32 $0x0, s13  }
.LBB2_3:
0x2c: {  	[tilespmem:s15], [sflag:$0x1] =	stream.indirect_vreg.gather [hbm:s2], $0x80, v0, vm0, $0x38;
	[tilespmem:$0x14010] =	vst v63  }
0x2d: {  	v0 =	vadd.s32 $0x80, v0;
	s15 =	smov.u32 s14;
	p1 =	sne.s32 s14, $0x27000  }
.Ltmp3:
0x2e: {  	s14 =	sadd.s32 $0x1000, s14;
	(pc) =	sbr.rel @p1 .LBB2_3-.Ltmp3, $3  }
0x2f: {  	_ =	sdelay $0x1  }
0x30: {  	s15 =	sshra.s32 s15, $0x2  }
0x31: {  	s15 =	sadd.s32 s15, s13  }
0x32: {  	_ =	sdelay $0x3  }
0x33: {  	[tilespmem:s15], [sflag:$0x1] =	stream.indirect_vreg.gather [hbm:s2], $0x80, v0, vm0, $0x38;
	[tilespmem:$0x14010] =	vst v63  }
.Ltmp4:
0x34: {  	s13 =	sshrl.u32 s11, $0x3;
	s31 =	sshll.u32 s11, $0x4;
	(pc) =	sbr.rel .LBB2_5-.Ltmp4, $4  }
0x35: {  	_ =	swait.ge [sflag:s4], $0xA000;
	s13 =	smul.u32 $0x1400, s13;
	s11 =	sand.u32 $0x70, s31  }
0x36: {  	[sflag:s4] =	ssyncset.done $0x0;
	s11 =	sadd.s32 s7, s11  }
0x37: {  	[sflag:s4] =	ssyncadd.s32 $0xFFFF6000;
	s11 =	sadd.s32 s13, s11  }
0x38: {  	[hbm:s11] =	stream.linear.scatter [tilespmem:s12], [sflag:$0x3], $0xA000, $0x38;
	[tilespmem:$0x14010] =	vst v63  }
.LBB2_6:
0x39: {  	_ =	sfence.sel $0x180000  }
0x3a: {  	s2 =	simm.s32 $0x2;
	[bflag:$0x0] =	sbarrier.arrive $0xFFFF  }
0x3b: {  	s30 =	simm.s32 $0x3;
	[sflag:s2] =	ssyncpa.u1 $0x1  }
0x3c: {  	s31 =	simm.s32 $0x1;
	[sflag:s30] =	ssyncpa.u1 $0x1  }
0x3d: {  	[sflag:s31] =	ssyncpa.u1 $0x1  }
0x3e: {  	p0 =	sne.s32 s1, $0x0;
	_ =	strace $0x9000004A  }
0x3f: {  	s0 =	sadd.s32 @!p0 $0x100000, s0;
	[bflag:$0x2] =	sbarrier.arrive $0xFFFF  }
0x40: {  	[sflag:s0] =	ssyncadd.tile.s32 @!p0 $0x1;
	_ =	shalt  }
.Lfunc_end2:
_tile_overlayer_lowered:
.L_overlay_start_2:
0x41: {  	(tag) =	ssettag $0x2  }
0x42: {  	s0 =	rddreg [dreg:$0x0];
	s2 =	stileid.u32  }
0x43: {  	s1 =	rddreg [dreg:$0x1];
	p0 =	sne.s32 s2, $0x0  }
0x44: {  	s3 =	rddreg [dreg:$0x2];
	[bflag:$0x3] =	sbarrier.arrive $0xFFFF;
	s2 =	simm.s32 @!p0 $0x1C01  }
0x45: {  	[timem:s3], [sflag:s2] =	dma.local @!p0 [hbm:s0], s1  }
0x46: {  	s0 =	simm.s32 @!p0 $0x1  }
0x47: {  	_ =	swait.ge @!p0 [sflag:s0], s1  }
0x48: {  	s1 =	ssub.s32 @!p0 $0x0, s1;
	[sflag:s0] =	ssyncset.done @!p0 $0x0  }
0x49: {  	[sflag:s0] =	ssyncadd.s32 @!p0 s1  }
0x4a: {  	[bflag:$0x3] =	sbarrier.arrive $0xFFFF  }
0x4b: {  	_ =	shalt  }

// kernel: kernel.35.cloned.1.call-start
scs
__scs_entry_jumppad:
0x0: {  	(pc) =	sbr.rel $0x88, $3  }
0x1: {  	(tag) =	ssettag $0x0;
	lr =	simm.s32 $0x1  }
0x2: {  	[smem:$0x3F88] =	sst lr;
	_ =	strace $0xD0000000  }
0x3: {  	_ = 	snop  }
0x4: {  	_ = 	snop  }
0x5: {  	_ = 	snop  }
0x6: {  	_ = 	snop  }
0x7: {  	_ = 	snop  }
__scs_overlays_trampoline_lowered:
0x8: {  	[smem:$0x3F97] =	sst s0  }
0x9: {  	[smem:$0x3F98] =	sst s1  }
0xa: {  	[smem:$0x3F99] =	sst s2  }
0xb: {  	[smem:$0x3F9A] =	sst s3  }
0xc: {  	[smem:$0x3F9B] =	sst s4  }
0xd: {  	[smem:$0x3F9C] =	sst s5  }
0xe: {  	[smem:$0x3F9D] =	sst s6  }
0xf: {  	[smem:$0x3F9E] =	sst s7  }
0x10: {  	[smem:$0x3F9F] =	sst s8  }
0x11: {  	[smem:$0x3FA0] =	sst s9;
	s0 =	simm.s32 @!p0 $0x0  }
0x12: {  	s1 =	sld [smem:$0x3F86];
	s0 =	simm.s32 @p0 $0x1  }
0x13: {  	[smem:$0x3FA1] =	sst s0;
	s0 =	simm.s32 @!p1 $0x0  }
0x14: {  	s2 =	sld [smem:$0x3F85];
	s0 =	simm.s32 @p1 $0x1  }
0x15: {  	[smem:$0x3FA2] =	sst s0;
	s0 =	simm.s32 @!p2 $0x0  }
0x16: {  	s3 =	sld [smem:$0x3FDB];
	s0 =	simm.s32 @p2 $0x1  }
0x17: {  	s4 =	simm.s32 $0x1BF5;
	[smem:$0x3FA4] =	sst s0  }
0x18: {  	s0 =	sld [smem:$0x3F87];
	_ =	swait.ge [sflag:s4], $0x0  }
0x19: {  	s7 =	sld [smem:$0x3F88]  }
0x1a: {  	s8 =	sadd.s32 $0xFFFFE003, lr  }
0x1b: {  	s9 =	sadd.s32 $0xFFFFFEF7, lr;
	s5 =	simm.s32 $0xFFFFFFFF;
	p2 =	slt.u32 s8, $0xFFFFF086  }
0x1c: {  	p1 =	slt.u32 s9, $0xF7A;
	s5 =	simm.s32 @!p2 $0x0  }
0x1d: {  	s5 =	simm.s32 @p1 $0x1;
	p0 =	seq.s32 s7, s2  }
0x1e: {  	s7 =	smul.u32 @!p0 $0xF7A, s2;
	p2 =	seq.s32 @!p0 s5, $0x0  }
0x1f: {  	s9 =	smul.u32 $0xF7A, s1;
	s8 =	simm.s32 @!p0 $0x1BF5;
	p2 =	por !p2, p0  }
0x20: {  	[sflag:s8] =	ssyncset.s32 @!p0 $0xFFFFF086;
	s6 =	sadd.s32 @!p0 s3, s7;
	s7 =	simm.s32 @!p0 $0x108  }
0x21: {  	s3 =	sadd.s32 s3, s9;
	s6 =	sadd.s32 @!p0 $0x88, s6;
	s7 =	simm.s32 @p2 $0x1082  }
0x22: {  	[simem:s7], [sflag:s8] =	dma.local @!p0 [hbm:s6], $0xF7A  }
0x23: {  	s9 =	sor.u32 $0xD0000000, s2;
	s6 =	simm.s32 $0x108;
	_ =	swait.ge @!p0 [sflag:s8], $0x0  }
0x24: {  	s3 =	sadd.s32 $0x88, s3;
	s6 =	simm.s32 @!p1 $0x1082;
	[sflag:s4] =	ssyncset.s32 $0xFFFFF086  }
0x25: {  	[simem:s6], [sflag:s4] =	dma.local [hbm:s3], $0xF7A  }
0x26: {  	[smem:$0x3F88] =	sst s1;
	(tag) =	ssettag s2;
	_ =	strace s9  }
0x27: {  	s1 =	sld [smem:$0x3F98]  }
0x28: {  	s2 =	sld [smem:$0x3F99]  }
0x29: {  	s4 =	sld [smem:$0x3F9B]  }
0x2a: {  	p0 =	seq.s32 s5, $0x0;
	s5 =	sld [smem:$0x3F9C]  }
0x2b: {  	s6 =	sld [smem:$0x3F9D]  }
0x2c: {  	s7 =	sld [smem:$0x3F9E]  }
0x2d: {  	s3 =	simm.s32 $0x108;
	s8 =	sld [smem:$0x3F9F]  }
0x2e: {  	s3 =	simm.s32 @!p0 $0x1082;
	s9 =	sld [smem:$0x3FA0]  }
0x2f: {  	lr =	sadd.s32 s0, s3;
	s0 =	sld [smem:$0x3F97]  }
0x30: {  	s3 =	sld [smem:$0x3F9A]  }
0x31: {  	[smem:$0x3FA3] =	sst s10  }
0x32: {  	s10 =	sld [smem:$0x3FA1];
	_ =	sdelay $0x3  }
0x33: {  	p0 =	seq.s32 s10, $0x1;
	s10 =	sld [smem:$0x3FA3];
	_ =	sdelay $0x3  }
0x34: {  	[smem:$0x3FA3] =	sst s10  }
0x35: {  	s10 =	sld [smem:$0x3FA2];
	_ =	sdelay $0x3  }
0x36: {  	p1 =	seq.s32 s10, $0x1;
	s10 =	sld [smem:$0x3FA3];
	_ =	sdelay $0x3  }
0x37: {  	[smem:$0x3FA3] =	sst s10  }
0x38: {  	s10 =	sld [smem:$0x3FA4]  }
0x39: {  	_ = 	snop;
	(pc) =	sbr.ind lr, $3  }
0x3a: {  	_ = 	snop  }
0x3b: {  	_ = 	snop  }
0x3c: {  	p2 =	seq.s32 s10, $0x1;
	s10 =	sld [smem:$0x3FA3]  }
0x3d: {  	_ =	shalt  }
0x3e: {  	_ =	shalt  }
0x3f: {  	_ =	shalt  }
0x40: {  	_ =	shalt  }
0x41: {  	_ =	shalt  }
0x42: {  	_ =	shalt  }
0x43: {  	_ =	shalt  }
0x44: {  	_ =	shalt  }
0x45: {  	_ =	shalt  }
0x46: {  	_ =	shalt  }
0x47: {  	_ =	shalt  }
0x48: {  	_ =	shalt  }
0x49: {  	_ =	shalt  }
0x4a: {  	_ =	shalt  }
0x4b: {  	_ =	shalt  }
0x4c: {  	_ =	shalt  }
0x4d: {  	_ =	shalt  }
0x4e: {  	_ =	shalt  }
0x4f: {  	_ =	shalt  }
0x50: {  	_ =	shalt  }
0x51: {  	_ =	shalt  }
0x52: {  	_ =	shalt  }
0x53: {  	_ =	shalt  }
0x54: {  	_ =	shalt  }
0x55: {  	_ =	shalt  }
0x56: {  	_ =	shalt  }
0x57: {  	_ =	shalt  }
0x58: {  	_ =	shalt  }
0x59: {  	_ =	shalt  }
0x5a: {  	_ =	shalt  }
0x5b: {  	_ =	shalt  }
0x5c: {  	_ =	shalt  }
0x5d: {  	_ =	shalt  }
0x5e: {  	_ =	shalt  }
0x5f: {  	_ =	shalt  }
0x60: {  	_ =	shalt  }
0x61: {  	_ =	shalt  }
0x62: {  	_ =	shalt  }
0x63: {  	_ =	shalt  }
0x64: {  	_ =	shalt  }
0x65: {  	_ =	shalt  }
0x66: {  	_ =	shalt  }
0x67: {  	_ =	shalt  }
0x68: {  	_ =	shalt  }
0x69: {  	_ =	shalt  }
0x6a: {  	_ =	shalt  }
0x6b: {  	_ =	shalt  }
0x6c: {  	_ =	shalt  }
0x6d: {  	_ =	shalt  }
0x6e: {  	_ =	shalt  }
0x6f: {  	_ =	shalt  }
0x70: {  	_ =	shalt  }
0x71: {  	_ =	shalt  }
0x72: {  	_ =	shalt  }
0x73: {  	_ =	shalt  }
0x74: {  	_ =	shalt  }
0x75: {  	_ =	shalt  }
0x76: {  	_ =	shalt  }
0x77: {  	_ =	shalt  }
0x78: {  	_ =	shalt  }
0x79: {  	_ =	shalt  }
0x7a: {  	_ =	shalt  }
0x7b: {  	_ =	shalt  }
0x7c: {  	_ =	shalt  }
0x7d: {  	_ =	shalt  }
0x7e: {  	_ =	shalt  }
0x7f: {  	_ =	shalt  }
0x80: {  	_ =	shalt  }
0x81: {  	_ =	shalt  }
0x82: {  	_ =	shalt  }
0x83: {  	_ =	shalt  }
0x84: {  	_ =	shalt  }
0x85: {  	_ =	shalt  }
0x86: {  	_ =	shalt  }
0x87: {  	_ =	shalt  }
.Lfunc_end0:
.L_simem_size_0:
called_computation.3_lowered:
.L_overlay_start_0:
0x88: {  	s2 =	sld [smem:$0x3FD9]  }
0x89: {  	s3 =	sld [smem:$0x3FFE];
	_ =	sdelay $0x1  }
0x8a: {  	s1 =	srdreg.scid  }
0x8b: {  	s0 =	sand.u32 $0x1, s1  }
0x8c: {  	s17 =	sshll.u32 s0, $0xA;
	s2 =	sadd.s32 s3, s2  }
0x8d: {  	s2 =	sadd.s32 s2, s17  }
0x8e: {  	[smem:$0x3FAF] =	sst s2  }
0x8f: {  	_ = 	snop  }
0x90: {  	(tm) =	ssettm $0x1  }
0x91: {  	s18 =	sld [smem:$0x3FFB];
	_ =	sdelay $0x3  }
0x92: {  	_ =	strace s18  }
0x93: {  	s2 =	sld [smem:$0x3FFC];
	_ =	sdelay $0x3  }
0x94: {  	_ =	strace s2  }
0x95: {  	s2 =	sld [smem:$0x3FFD];
	_ =	sdelay $0x3  }
0x96: {  	_ =	strace s2  }
0x97: {  	_ =	strace $0x8FFFFFFF  }
0x98: {  	s19 =	sld [smem:$0x3FDB];
	_ =	sdelay $0x1  }
0x99: {  	s20 =	simm.s32 $_scs_section_size  }
0x9a: {  	s4 =	simm.s32 $_size__tile_overlayer_lowered;
	s5 =	simm.s32 $_tile_overlayer_lowered  }
0x9b: {  	s6 =	simm.s32 $0x1BFF;
	s21 =	sshll.u32 s5, $0x1;
	s3 =	sadd.s32 s20, s19  }
0x9c: {  	s22 =	simm.s32 $0x0;
	s4 =	sshll.u32 s4, $0x1;
	s5 =	sadd.s32 s21, s3  }
0x9d: {  	[timem:s22], [sflag:s6] =	dma.local [hbm:s5], s4  }
0x9e: {  	_ =	swait.ge [sflag:s6], s4  }
0x9f: {  	s4 =	ssub.s32 $0x0, s4;
	[sflag:s6] =	ssyncset.done $0x0  }
0xa0: {  	[sflag:s6] =	ssyncadd.s32 s4;
	_ =	sdelay $0x1  }
0xa1: {  	s23 =	simm.s32 $0x1B8B  }
0xa2: {  	_ =	swait.ge [sflag:s23], $0x1  }
0xa3: {  	[sflag:s23] =	ssyncset.done $0x0  }
0xa4: {  	[sflag:s23] =	ssyncadd.s32 $0xFFFFFFFF  }
0xa5: {  	s4 =	sld [smem:$0x0]  }
0xa6: {  	s5 =	sand.u32 $0xFFFFFFFE, s1  }
0xa7: {  	p0 =	sne.s32 s1, s5  }
0xa8: {  	s5 =	sshll.u32 @p0 s5, $0xE  }
0xa9: {  	s5 =	sadd.s32 @p0 $0x11B8D, s5;
	s6 =	sshll.u32 @p0 s4, $0x11  }
0xaa: {  	s5 =	sor.u32 @p0 s6, s5  }
0xab: {  	[sflag:s5] =	ssyncadd.remote.s32 @p0 $0x1;
	_ =	sdelay $0x1  }
0xac: {  	s5 =	simm.s32 @p0 $0x1B8D  }
0xad: {  	_ =	swait.eq @p0 [sflag:s5], $0x1  }
0xae: {  	[sflag:s5] =	ssyncadd.s32 @p0 $0xFFFFFFFF  }
0xaf: {  	s6 =	sshll.u32 @!p0 s1, $0xE  }
0xb0: {  	s6 =	sor.u32 @!p0 $0x4000, s6;
	s5 =	simm.s32 @!p0 $0x1B8D  }
0xb1: {  	s4 =	sshll.u32 @!p0 s4, $0x11;
	s6 =	sadd.s32 @!p0 $0x11B8D, s6;
	_ =	swait.eq @!p0 [sflag:s5], $0x1  }
0xb2: {  	s4 =	sor.u32 @!p0 s4, s6;
	[sflag:s5] =	ssyncadd.s32 @!p0 $0xFFFFFFFF  }
0xb3: {  	s25 =	simm.s32 $0x1B8E;
	s24 =	sld [smem:$0x3FFE];
	[sflag:s4] =	ssyncadd.remote.s32 @!p0 $0x1  }
0xb4: {  	s26 =	simm.s32 $execute0_lowered;
	[smem:$0x3FD2] =	sst s25  }
0xb5: {  	s5 =	sshll.u32 s26, $0x1;
	_ =	strace $0x8000004F;
	[dreg:$0x1] =	wrdreg $0xFFFFFFFF  }
0xb6: {  	s28 =	simm.s32 $_size_execute0_lowered;
	s3 =	sadd.s32 s3, s5;
	[dreg:$0x0] =	wrdreg $0x0  }
0xb7: {  	s5 =	sshll.u32 s28, $0x1;
	[dreg:$0x2] =	wrdreg s3  }
0xb8: {  	[dreg:$0x3] =	wrdreg s5  }
0xb9: {  	[dreg:$0x4] =	wrdreg $0xC0  }
0xba: {  	_ =	task [dreg:s22], $0x5FFFF  }
0xbb: {  	[dreg:$0x1] =	wrdreg $0xFFFFFFFF  }
0xbc: {  	[dreg:$0x0] =	wrdreg $0x60  }
0xbd: {  	[dreg:$0x2] =	wrdreg s24  }
0xbe: {  	[dreg:$0x3] =	wrdreg $0xB  }
0xbf: {  	_ =	task.clear_ibuf [dreg:s22], $0x4FFFF;
	_ =	strace $0x9000004F  }
0xc0: {  	s29 =	simm.s32 $0xB;
	_ =	strace $0x80000051  }
0xc1: {  	_ =	swait.ge [sflag:s29], $0x1  }
0xc2: {  	[sflag:s29] =	ssyncadd.s32 $0xFFFFFFFF  }
0xc3: {  	_ =	strace $0x90000051  }
0xc4: {  	_ =	sfence  }
0xc5: {  	s30 =	sld [smem:$0x0];
	_ =	sdelay $0x2  }
0xc6: {  	s31 =	sshll.u32 s1, $0xD;
	s1 =	sshrl.u32 s1, $0x2  }
0xc7: {  	s4 =	sand.u32 $0x4000, s31;
	s1 =	sadd.s32 s1, s30  }
0xc8: {  	s0 =	sor.u32 s4, s0;
	s1 =	sshll.u32 s1, $0x11  }
0xc9: {  	s0 =	sor.u32 s1, s0  }
0xca: {  	s0 =	sadd.s32 $0x8F2B, s0  }
0xcb: {  	[sflag:s0] =	ssyncadd.remote.s32 $0x1  }
0xcc: {  	_ =	sfence.sel $0xFFFF  }
0xcd: {  	[dreg:$0x0] =	wrdreg $0xFFFFFFFF;
	(pc) =	sbr.abs _section_cstart, $3  }
0xce: {  	[dreg:$0x1] =	wrdreg $0xFFFFFFFF  }
0xcf: {  	_ =	task.clear_ibuf [dreg:s22], $0x2FFFF;
	_ =	strace $0x9FFFFFFF  }
0xd0: {  	(tm) =	ssettm $0x7FFFFFFF  }
0xd1: {  	_ =	shalt  }
tec
execute0_lowered:
.L_overlay_start_1:
0x0: {  	(tag) =	ssettag $0x1  }
0x1: {  	s4 =	rddreg [dreg:$0x0]  }
0x2: {  	s0 =	rddreg [dreg:$0x1]  }
0x3: {  	s3 =	srdreg.scid;
	s2 =	simm.s32 $0x0;
	s1 =	stileid.u32  }
0x4: {  	s9 =	simm.s32 $0x880;
	s10 =	simm.s32 $0x1080;
	s11 =	simm.s32 $0x1880  }
0x5: {  	s12 =	simm.s32 $0x2080;
	s13 =	simm.s32 $0x2880;
	s14 =	simm.s32 $0x3080  }
0x6: {  	s15 =	simm.s32 $0x3880;
	s16 =	simm.s32 $0x1;
	s5 =	sand.u32 $0x1, s3  }
0x7: {  	[smem:$0x7FF] =	sst s2;
	s31 =	sshll.u32 s1, $0x7;
	s6 =	sshll.u32 s5, $0x6  }
0x8: {  	s3 =	sadd.s32 $0x810000, s4;
	_ =	strace $0x80000050;
	s6 =	sor.u32 s6, s31  }
0x9: {  	s5 =	ssub.s32 $0x2, s5;
	s7 =	sshrl.u32 s6, $0x3;
	s6 =	sshll.u32 s6, $0x5  }
0xa: {  	v2 =	vlaneseq.u32;
	s8 =	sshrl.u32 s5, $0x1;
	s7 =	sadd.s32 s7, s4;
	s6 =	sadd.s32 s6, s4  }
0xb: {  	vm0 =	vmmov $0xffff;
	v1 =	vshrl.u32 v2, $0x3;
	s8 =	ssub.s32 s5, s8;
	s4 =	sadd.s32 $0x14800, s7;
	s5 =	sadd.s32 $0xAB8000, s6  }
0xc: {  	v0 =	vand.u32 $0x7, v2;
	v2 =	vor.u32 $0x8, v2;
	v1 =	vmul.u32 $0x8, v1;
	s6 =	smax.u32 s8, $0x1;
	s7 =	simm.s32 $0x2;
	s8 =	simm.s32 $0x80  }
.LBB2_1:
0xd: {  	[tilespmem:s2], [sflag:$0x2] =	stream.linear.gather [hbm4b:s4+s2], $0x40, $0x38;
	[tilespmem:$0x4080] =	vst v63  }
0xe: {  	_ =	swait.ge [sflag:s7], $0x40  }
0xf: {  	[sflag:s7] =	ssyncset.done $0x0  }
0x10: {  	[sflag:s7] =	ssyncadd.s32 $0xFFFFFFC0  }
0x11: {  	v3 =	vld [tilespmem:$0x0];
	_ =	sdelay $0x4  }
0x12: {  	v4 =	vshll.u32 v3, $0x1  }
0x13: {  	v3 =	vand.u32 $0x7, v3;
	v4 =	vand.u32 $0xFFFFFFF0, v4  }
0x14: {  	v3 =	vor.u32 v3, v4  }
0x15: {  	v4 =	vperm.xlane v3, v0;
	_ =	sdelay $0x1  }
0x16: {  	v3 =	vperm.xlane v3, v2;
	v4 =	vadd.s32 v1, v4;
	_ =	sdelay $0x1  }
0x17: {  	v3 =	vadd.s32 v1, v3;
	_ =	sdelay $0x2  }
0x18: {  	[tilespmem:s8], [sflag:$0x1] =	stream.indirect_vreg.gather [hbm4b:s3+s2], $0x80, v4, vm0, $0xb8;
	[tilespmem:$0x4080] =	vst v63  }
0x19: {  	_ = 	snop  }
0x1a: {  	[tilespmem:s9], [sflag:$0x1] =	stream.indirect_vreg.gather [hbm4b:s3+s2], $0x80, v3, vm0, $0xb8;
	[tilespmem:$0x4080] =	vst v63  }
0x1b: {  	v3 =	vld [tilespmem:$0x10];
	_ =	sdelay $0x4  }
0x1c: {  	v61 =	vshll.u32 v3, $0x1  }
0x1d: {  	v3 =	vand.u32 $0x7, v3;
	v4 =	vand.u32 $0xFFFFFFF0, v61  }
0x1e: {  	v3 =	vor.u32 v3, v4  }
0x1f: {  	v4 =	vperm.xlane v3, v0;
	_ =	sdelay $0x1  }
0x20: {  	v3 =	vperm.xlane v3, v2;
	v4 =	vadd.s32 v1, v4;
	_ =	sdelay $0x1  }
0x21: {  	v3 =	vadd.s32 v1, v3;
	_ =	sdelay $0x2  }
0x22: {  	[tilespmem:s10], [sflag:$0x1] =	stream.indirect_vreg.gather [hbm4b:s3+s2], $0x80, v4, vm0, $0xb8;
	[tilespmem:$0x4080] =	vst v63  }
0x23: {  	_ = 	snop  }
0x24: {  	[tilespmem:s11], [sflag:$0x1] =	stream.indirect_vreg.gather [hbm4b:s3+s2], $0x80, v3, vm0, $0xb8;
	[tilespmem:$0x4080] =	vst v63  }
0x25: {  	v3 =	vld [tilespmem:$0x20];
	_ =	sdelay $0x4  }
0x26: {  	v62 =	vshll.u32 v3, $0x1  }
0x27: {  	v3 =	vand.u32 $0x7, v3;
	v4 =	vand.u32 $0xFFFFFFF0, v62  }
0x28: {  	v3 =	vor.u32 v3, v4  }
0x29: {  	v4 =	vperm.xlane v3, v0;
	_ =	sdelay $0x1  }
0x2a: {  	v3 =	vperm.xlane v3, v2;
	v4 =	vadd.s32 v1, v4;
	_ =	sdelay $0x1  }
0x2b: {  	v3 =	vadd.s32 v1, v3;
	_ =	sdelay $0x2  }
0x2c: {  	[tilespmem:s12], [sflag:$0x1] =	stream.indirect_vreg.gather [hbm4b:s3+s2], $0x80, v4, vm0, $0xb8;
	[tilespmem:$0x4080] =	vst v63  }
0x2d: {  	_ = 	snop  }
0x2e: {  	[tilespmem:s13], [sflag:$0x1] =	stream.indirect_vreg.gather [hbm4b:s3+s2], $0x80, v3, vm0, $0xb8;
	[tilespmem:$0x4080] =	vst v63  }
0x2f: {  	v3 =	vld [tilespmem:$0x30];
	_ =	sdelay $0x4  }
0x30: {  	v63 =	vshll.u32 v3, $0x1  }
0x31: {  	v3 =	vand.u32 $0x7, v3;
	v4 =	vand.u32 $0xFFFFFFF0, v63  }
0x32: {  	v3 =	vor.u32 v3, v4  }
0x33: {  	v4 =	vperm.xlane v3, v0;
	_ =	sdelay $0x1  }
0x34: {  	v3 =	vperm.xlane v3, v2;
	v4 =	vadd.s32 v1, v4;
	_ =	sdelay $0x1  }
0x35: {  	v3 =	vadd.s32 v1, v3;
	_ =	sdelay $0x2  }
0x36: {  	[tilespmem:s14], [sflag:$0x1] =	stream.indirect_vreg.gather [hbm4b:s3+s2], $0x80, v4, vm0, $0xb8;
	[tilespmem:$0x4080] =	vst v63  }
0x37: {  	_ = 	snop  }
0x38: {  	[tilespmem:s15], [sflag:$0x1] =	stream.indirect_vreg.gather [hbm4b:s3+s2], $0x80, v3, vm0, $0xb8;
	[tilespmem:$0x4080] =	vst v63  }
0x39: {  	_ =	swait.ge [sflag:s16], $0x4000  }
0x3a: {  	p0 =	sne.s32 s6, $0x1;
	[sflag:s16] =	ssyncset.done $0x0  }
.Ltmp0:
0x3b: {  	[sflag:s16] =	ssyncadd.s32 $0xFFFFC000;
	(pc) =	sbr.rel @p0 .LBB2_1-.Ltmp0, $4  }
0x3c: {  	[hbm4b:s5+s2] =	stream.linear.scatter [tilespmem:s8], [sflag:$0x2], $0x4000, $0x38;
	[tilespmem:$0x4080] =	vst v63  }
0x3d: {  	_ =	swait.ge [sflag:s7], $0x4000  }
0x3e: {  	[sflag:s7] =	ssyncset.done $0x0  }
0x3f: {  	s6 =	sadd.s32 $0xFFFFFFFF, s6;
	[sflag:s7] =	ssyncadd.s32 $0xFFFFC000  }
0x40: {  	_ =	sfence.sel $0x180000  }
0x41: {  	[bflag:$0x0] =	sbarrier.arrive $0xFFFF  }
0x42: {  	p0 =	sne.s32 s1, $0x0;
	_ =	strace $0x90000050  }
0x43: {  	s0 =	sadd.s32 @!p0 $0x100000, s0;
	[bflag:$0x2] =	sbarrier.arrive $0xFFFF  }
0x44: {  	[sflag:s0] =	ssyncadd.tile.s32 @!p0 $0x1;
	_ =	shalt  }
.Lfunc_end2:
_tile_overlayer_lowered:
.L_overlay_start_2:
0x45: {  	(tag) =	ssettag $0x2  }
0x46: {  	s0 =	rddreg [dreg:$0x0];
	s2 =	stileid.u32  }
0x47: {  	s1 =	rddreg [dreg:$0x1];
	p0 =	sne.s32 s2, $0x0  }
0x48: {  	s3 =	rddreg [dreg:$0x2];
	[bflag:$0x3] =	sbarrier.arrive $0xFFFF;
	s2 =	simm.s32 @!p0 $0x1C02  }
0x49: {  	[timem:s3], [sflag:s2] =	dma.local @!p0 [hbm:s0], s1  }
0x4a: {  	s0 =	simm.s32 @!p0 $0x2  }
0x4b: {  	_ =	swait.ge @!p0 [sflag:s0], s1  }
0x4c: {  	s1 =	ssub.s32 @!p0 $0x0, s1;
	[sflag:s0] =	ssyncset.done @!p0 $0x0  }
0x4d: {  	[sflag:s0] =	ssyncadd.s32 @!p0 s1  }
0x4e: {  	[bflag:$0x3] =	sbarrier.arrive $0xFFFF  }
0x4f: {  	_ =	shalt  }

// kernel: kernel.38.cloned.1.call-start
scs
__scs_entry_jumppad:
0x0: {  	(pc) =	sbr.rel $0x88, $3  }
0x1: {  	(tag) =	ssettag $0x0;
	lr =	simm.s32 $0x1  }
0x2: {  	[smem:$0x3F88] =	sst lr;
	_ =	strace $0xD0000000  }
0x3: {  	_ = 	snop  }
0x4: {  	_ = 	snop  }
0x5: {  	_ = 	snop  }
0x6: {  	_ = 	snop  }
0x7: {  	_ = 	snop  }
__scs_overlays_trampoline_lowered:
0x8: {  	[smem:$0x3F97] =	sst s0  }
0x9: {  	[smem:$0x3F98] =	sst s1  }
0xa: {  	[smem:$0x3F99] =	sst s2  }
0xb: {  	[smem:$0x3F9A] =	sst s3  }
0xc: {  	[smem:$0x3F9B] =	sst s4  }
0xd: {  	[smem:$0x3F9C] =	sst s5  }
0xe: {  	[smem:$0x3F9D] =	sst s6  }
0xf: {  	[smem:$0x3F9E] =	sst s7  }
0x10: {  	[smem:$0x3F9F] =	sst s8  }
0x11: {  	[smem:$0x3FA0] =	sst s9;
	s0 =	simm.s32 @!p0 $0x0  }
0x12: {  	s1 =	sld [smem:$0x3F86];
	s0 =	simm.s32 @p0 $0x1  }
0x13: {  	[smem:$0x3FA1] =	sst s0;
	s0 =	simm.s32 @!p1 $0x0  }
0x14: {  	s2 =	sld [smem:$0x3F85];
	s0 =	simm.s32 @p1 $0x1  }
0x15: {  	[smem:$0x3FA2] =	sst s0;
	s0 =	simm.s32 @!p2 $0x0  }
0x16: {  	s3 =	sld [smem:$0x3FDB];
	s0 =	simm.s32 @p2 $0x1  }
0x17: {  	s4 =	simm.s32 $0x1BF5;
	[smem:$0x3FA4] =	sst s0  }
0x18: {  	s0 =	sld [smem:$0x3F87];
	_ =	swait.ge [sflag:s4], $0x0  }
0x19: {  	s7 =	sld [smem:$0x3F88]  }
0x1a: {  	s8 =	sadd.s32 $0xFFFFE003, lr  }
0x1b: {  	s9 =	sadd.s32 $0xFFFFFEF7, lr;
	s5 =	simm.s32 $0xFFFFFFFF;
	p2 =	slt.u32 s8, $0xFFFFF086  }
0x1c: {  	p1 =	slt.u32 s9, $0xF7A;
	s5 =	simm.s32 @!p2 $0x0  }
0x1d: {  	s5 =	simm.s32 @p1 $0x1;
	p0 =	seq.s32 s7, s2  }
0x1e: {  	s7 =	smul.u32 @!p0 $0xF7A, s2;
	p2 =	seq.s32 @!p0 s5, $0x0  }
0x1f: {  	s9 =	smul.u32 $0xF7A, s1;
	s8 =	simm.s32 @!p0 $0x1BF5;
	p2 =	por !p2, p0  }
0x20: {  	[sflag:s8] =	ssyncset.s32 @!p0 $0xFFFFF086;
	s6 =	sadd.s32 @!p0 s3, s7;
	s7 =	simm.s32 @!p0 $0x108  }
0x21: {  	s3 =	sadd.s32 s3, s9;
	s6 =	sadd.s32 @!p0 $0x88, s6;
	s7 =	simm.s32 @p2 $0x1082  }
0x22: {  	[simem:s7], [sflag:s8] =	dma.local @!p0 [hbm:s6], $0xF7A  }
0x23: {  	s9 =	sor.u32 $0xD0000000, s2;
	s6 =	simm.s32 $0x108;
	_ =	swait.ge @!p0 [sflag:s8], $0x0  }
0x24: {  	s3 =	sadd.s32 $0x88, s3;
	s6 =	simm.s32 @!p1 $0x1082;
	[sflag:s4] =	ssyncset.s32 $0xFFFFF086  }
0x25: {  	[simem:s6], [sflag:s4] =	dma.local [hbm:s3], $0xF7A  }
0x26: {  	[smem:$0x3F88] =	sst s1;
	(tag) =	ssettag s2;
	_ =	strace s9  }
0x27: {  	s1 =	sld [smem:$0x3F98]  }
0x28: {  	s2 =	sld [smem:$0x3F99]  }
0x29: {  	s4 =	sld [smem:$0x3F9B]  }
0x2a: {  	p0 =	seq.s32 s5, $0x0;
	s5 =	sld [smem:$0x3F9C]  }
0x2b: {  	s6 =	sld [smem:$0x3F9D]  }
0x2c: {  	s7 =	sld [smem:$0x3F9E]  }
0x2d: {  	s3 =	simm.s32 $0x108;
	s8 =	sld [smem:$0x3F9F]  }
0x2e: {  	s3 =	simm.s32 @!p0 $0x1082;
	s9 =	sld [smem:$0x3FA0]  }
0x2f: {  	lr =	sadd.s32 s0, s3;
	s0 =	sld [smem:$0x3F97]  }
0x30: {  	s3 =	sld [smem:$0x3F9A]  }
0x31: {  	[smem:$0x3FA3] =	sst s10  }
0x32: {  	s10 =	sld [smem:$0x3FA1];
	_ =	sdelay $0x3  }
0x33: {  	p0 =	seq.s32 s10, $0x1;
	s10 =	sld [smem:$0x3FA3];
	_ =	sdelay $0x3  }
0x34: {  	[smem:$0x3FA3] =	sst s10  }
0x35: {  	s10 =	sld [smem:$0x3FA2];
	_ =	sdelay $0x3  }
0x36: {  	p1 =	seq.s32 s10, $0x1;
	s10 =	sld [smem:$0x3FA3];
	_ =	sdelay $0x3  }
0x37: {  	[smem:$0x3FA3] =	sst s10  }
0x38: {  	s10 =	sld [smem:$0x3FA4]  }
0x39: {  	_ = 	snop;
	(pc) =	sbr.ind lr, $3  }
0x3a: {  	_ = 	snop  }
0x3b: {  	_ = 	snop  }
0x3c: {  	p2 =	seq.s32 s10, $0x1;
	s10 =	sld [smem:$0x3FA3]  }
0x3d: {  	_ =	shalt  }
0x3e: {  	_ =	shalt  }
0x3f: {  	_ =	shalt  }
0x40: {  	_ =	shalt  }
0x41: {  	_ =	shalt  }
0x42: {  	_ =	shalt  }
0x43: {  	_ =	shalt  }
0x44: {  	_ =	shalt  }
0x45: {  	_ =	shalt  }
0x46: {  	_ =	shalt  }
0x47: {  	_ =	shalt  }
0x48: {  	_ =	shalt  }
0x49: {  	_ =	shalt  }
0x4a: {  	_ =	shalt  }
0x4b: {  	_ =	shalt  }
0x4c: {  	_ =	shalt  }
0x4d: {  	_ =	shalt  }
0x4e: {  	_ =	shalt  }
0x4f: {  	_ =	shalt  }
0x50: {  	_ =	shalt  }
0x51: {  	_ =	shalt  }
0x52: {  	_ =	shalt  }
0x53: {  	_ =	shalt  }
0x54: {  	_ =	shalt  }
0x55: {  	_ =	shalt  }
0x56: {  	_ =	shalt  }
0x57: {  	_ =	shalt  }
0x58: {  	_ =	shalt  }
0x59: {  	_ =	shalt  }
0x5a: {  	_ =	shalt  }
0x5b: {  	_ =	shalt  }
0x5c: {  	_ =	shalt  }
0x5d: {  	_ =	shalt  }
0x5e: {  	_ =	shalt  }
0x5f: {  	_ =	shalt  }
0x60: {  	_ =	shalt  }
0x61: {  	_ =	shalt  }
0x62: {  	_ =	shalt  }
0x63: {  	_ =	shalt  }
0x64: {  	_ =	shalt  }
0x65: {  	_ =	shalt  }
0x66: {  	_ =	shalt  }
0x67: {  	_ =	shalt  }
0x68: {  	_ =	shalt  }
0x69: {  	_ =	shalt  }
0x6a: {  	_ =	shalt  }
0x6b: {  	_ =	shalt  }
0x6c: {  	_ =	shalt  }
0x6d: {  	_ =	shalt  }
0x6e: {  	_ =	shalt  }
0x6f: {  	_ =	shalt  }
0x70: {  	_ =	shalt  }
0x71: {  	_ =	shalt  }
0x72: {  	_ =	shalt  }
0x73: {  	_ =	shalt  }
0x74: {  	_ =	shalt  }
0x75: {  	_ =	shalt  }
0x76: {  	_ =	shalt  }
0x77: {  	_ =	shalt  }
0x78: {  	_ =	shalt  }
0x79: {  	_ =	shalt  }
0x7a: {  	_ =	shalt  }
0x7b: {  	_ =	shalt  }
0x7c: {  	_ =	shalt  }
0x7d: {  	_ =	shalt  }
0x7e: {  	_ =	shalt  }
0x7f: {  	_ =	shalt  }
0x80: {  	_ =	shalt  }
0x81: {  	_ =	shalt  }
0x82: {  	_ =	shalt  }
0x83: {  	_ =	shalt  }
0x84: {  	_ =	shalt  }
0x85: {  	_ =	shalt  }
0x86: {  	_ =	shalt  }
0x87: {  	_ =	shalt  }
.Lfunc_end0:
.L_simem_size_0:
called_computation.4_lowered:
.L_overlay_start_0:
0x88: {  	s2 =	sld [smem:$0x3FD9]  }
0x89: {  	s3 =	sld [smem:$0x3FFE];
	_ =	sdelay $0x1  }
0x8a: {  	s1 =	srdreg.scid  }
0x8b: {  	s0 =	sand.u32 $0x1, s1  }
0x8c: {  	s17 =	sshll.u32 s0, $0xA;
	s2 =	sadd.s32 s3, s2  }
0x8d: {  	s2 =	sadd.s32 s2, s17  }
0x8e: {  	[smem:$0x3FAF] =	sst s2  }
0x8f: {  	_ = 	snop  }
0x90: {  	s2 =	sld [smem:$0x3FD0];
	(tm) =	ssettm $0x1  }
0x91: {  	s18 =	sld [smem:$0x3FFB];
	_ =	sdelay $0x3  }
0x92: {  	_ =	strace s18  }
0x93: {  	s3 =	sld [smem:$0x3FFC];
	_ =	sdelay $0x3  }
0x94: {  	_ =	strace s3  }
0x95: {  	s3 =	sld [smem:$0x3FFD];
	_ =	sdelay $0x3  }
0x96: {  	_ =	strace s3  }
0x97: {  	_ =	strace $0x8FFFFFFF  }
0x98: {  	s19 =	sld [smem:$0x3FDB];
	_ =	sdelay $0x1  }
0x99: {  	s4 =	simm.s32 $_scs_section_size  }
0x9a: {  	s5 =	simm.s32 $_size__tile_overlayer_lowered;
	s6 =	simm.s32 $_tile_overlayer_lowered  }
0x9b: {  	s22 =	simm.s32 $0x1BFF;
	s21 =	sshll.u32 s6, $0x1;
	s3 =	sadd.s32 s4, s19  }
0x9c: {  	s7 =	simm.s32 $0x0;
	s20 =	sshll.u32 s5, $0x1;
	s5 =	sadd.s32 s21, s3  }
0x9d: {  	[timem:s7], [sflag:s22] =	dma.local [hbm:s5], s20  }
0x9e: {  	_ =	swait.ge [sflag:s22], s20  }
0x9f: {  	s4 =	ssub.s32 $0x0, s20;
	[sflag:s22] =	ssyncset.done $0x0  }
0xa0: {  	[sflag:s22] =	ssyncadd.s32 s4;
	_ =	sdelay $0x1  }
0xa1: {  	s23 =	simm.s32 $0x1B8B  }
0xa2: {  	_ =	swait.ge [sflag:s23], $0x1  }
0xa3: {  	[sflag:s23] =	ssyncset.done $0x0  }
0xa4: {  	s25 =	simm.s32 $0x1B8E;
	s24 =	sld [smem:$0x3FFE];
	[sflag:s23] =	ssyncadd.s32 $0xFFFFFFFF  }
0xa5: {  	s26 =	simm.s32 $execute0_lowered;
	[smem:$0x3FD2] =	sst s25  }
0xa6: {  	s5 =	sshll.u32 s26, $0x1;
	_ =	strace $0x80000052;
	[dreg:$0x1] =	wrdreg $0xFFFFFFFF  }
0xa7: {  	s28 =	simm.s32 $_size_execute0_lowered;
	s3 =	sadd.s32 s3, s5;
	[dreg:$0x0] =	wrdreg $0x0  }
0xa8: {  	s5 =	sshll.u32 s28, $0x1;
	[dreg:$0x2] =	wrdreg s3  }
0xa9: {  	[dreg:$0x3] =	wrdreg s5  }
0xaa: {  	[dreg:$0x4] =	wrdreg $0xC0  }
0xab: {  	_ =	task [dreg:s7], $0x5FFFF  }
0xac: {  	[dreg:$0x1] =	wrdreg $0xFFFFFFFF  }
0xad: {  	[dreg:$0x0] =	wrdreg $0x60  }
0xae: {  	[dreg:$0x2] =	wrdreg s24  }
0xaf: {  	[dreg:$0x3] =	wrdreg s2  }
0xb0: {  	[dreg:$0x4] =	wrdreg $0x9  }
0xb1: {  	_ =	task.clear_ibuf [dreg:s7], $0x5FFFF;
	_ =	strace $0x90000052  }
0xb2: {  	s29 =	simm.s32 $0x9;
	_ =	strace $0x80000054  }
0xb3: {  	_ =	swait.ge [sflag:s29], $0x1  }
0xb4: {  	[sflag:s29] =	ssyncadd.s32 $0xFFFFFFFF  }
0xb5: {  	_ =	strace $0x90000054  }
0xb6: {  	_ =	sfence  }
0xb7: {  	s30 =	sld [smem:$0x0];
	_ =	sdelay $0x2  }
0xb8: {  	s31 =	sshll.u32 s1, $0xD;
	s1 =	sshrl.u32 s1, $0x2  }
0xb9: {  	s3 =	sand.u32 $0x4000, s31;
	s1 =	sadd.s32 s1, s30  }
0xba: {  	s0 =	sor.u32 s3, s0;
	s1 =	sshll.u32 s1, $0x11  }
0xbb: {  	s0 =	sor.u32 s1, s0  }
0xbc: {  	s0 =	sadd.s32 $0x8F2B, s0  }
0xbd: {  	[sflag:s0] =	ssyncadd.remote.s32 $0x1  }
0xbe: {  	_ =	sfence.sel $0xFFFF  }
0xbf: {  	[dreg:$0x0] =	wrdreg $0xFFFFFFFF;
	(pc) =	sbr.abs _section_cstart, $3  }
0xc0: {  	[dreg:$0x1] =	wrdreg $0xFFFFFFFF  }
0xc1: {  	_ =	task.clear_ibuf [dreg:s7], $0x2FFFF;
	_ =	strace $0x9FFFFFFF  }
0xc2: {  	(tm) =	ssettm $0x7FFFFFFF  }
0xc3: {  	_ =	shalt  }
tec
execute0_lowered:
.L_overlay_start_1:
0x0: {  	(tag) =	ssettag $0x1  }
0x1: {  	s1 =	srdreg.scid;
	s10 =	rddreg [dreg:$0x0]  }
0x2: {  	s0 =	stileid.u32;
	s3 =	rddreg [dreg:$0x1];
	s2 =	simm.s32 $0x0  }
0x3: {  	s18 =	simm.s32 $0x880;
	s19 =	simm.s32 $0x1080;
	s20 =	simm.s32 $0x1880  }
0x4: {  	s21 =	simm.s32 $0x2080;
	s23 =	simm.s32 $0x2880;
	[smem:$0x7FF] =	sst s2  }
0x5: {  	s24 =	simm.s32 $0x3080;
	_ =	strace $0x80000053;
	[dreg:$0x5] =	wrdreg s18  }
0x6: {  	s6 =	simm.s32 $0x3880;
	s7 =	simm.s32 $0x4080;
	[dreg:$0x6] =	wrdreg s19  }
0x7: {  	s8 =	simm.s32 $0x4880;
	s9 =	simm.s32 $0x5080;
	[dreg:$0x7] =	wrdreg s20  }
0x8: {  	s11 =	simm.s32 $0x5880;
	s25 =	simm.s32 $0x6080;
	[dreg:$0x8] =	wrdreg s21  }
0x9: {  	s12 =	simm.s32 $0x6880;
	s26 =	simm.s32 $0x7080;
	[dreg:$0x9] =	wrdreg s23  }
0xa: {  	s13 =	simm.s32 $0x80;
	s15 =	simm.s32 $0x8080;
	[dreg:$0xa] =	wrdreg s24  }
0xb: {  	s16 =	simm.s32 $0x8880;
	s28 =	simm.s32 $0xE080;
	[dreg:$0xb] =	wrdreg s6  }
0xc: {  	s29 =	simm.s32 $0xE880;
	s30 =	simm.s32 $0xF080;
	[dreg:$0xc] =	wrdreg s7  }
0xd: {  	s31 =	simm.s32 $0xF880;
	s1 =	sand.u32 $0x1, s1;
	[dreg:$0xd] =	wrdreg s8  }
0xe: {  	s4 =	sshll.u32 s0, $0x6;
	s5 =	sshll.u32 s1, $0x5;
	[dreg:$0xe] =	wrdreg s9  }
0xf: {  	s1 =	ssub.s32 $0x2, s1;
	s6 =	sadd.s32 $0x838300, s10;
	[dreg:$0xf] =	wrdreg s11  }
0x10: {  	s7 =	sadd.s32 $0x838400, s10;
	s8 =	sadd.s32 $0x838500, s10;
	[dreg:$0x10] =	wrdreg s25  }
0x11: {  	s9 =	sadd.s32 $0x838600, s10;
	[dreg:$0x11] =	wrdreg s12;
	s12 =	simm.s32 $0x2  }
0x12: {  	[dreg:$0x12] =	wrdreg s26;
	s18 =	simm.s32 $0x9880;
	s19 =	simm.s32 $0xA080  }
0x13: {  	s20 =	simm.s32 $0xA880;
	s21 =	simm.s32 $0xB080;
	s23 =	simm.s32 $0xC080  }
0x14: {  	s24 =	simm.s32 $0xC880;
	s25 =	simm.s32 $0xD080;
	s4 =	sor.u32 s5, s4  }
0x15: {  	s26 =	simm.s32 $0xD880;
	s22 =	sshrl.u32 s1, $0x1;
	s5 =	sshll.u32 s4, $0x8  }
0x16: {  	s4 =	sshrl.u32 s4, $0x3;
	s1 =	ssub.s32 s1, s22;
	s22 =	simm.s32 $0xB880  }
0x17: {  	s5 =	sadd.s32 s5, s10;
	s3 =	sadd.s32 s3, s4;
	s4 =	sadd.s32 $0x838100, s10  }
0x18: {  	v2 =	vlaneseq.u32;
	s11 =	smax.u32 s1, $0x1;
	s1 =	simm.s32 $0x1;
	[dreg:$0x3] =	wrdreg s3  }
0x19: {  	vm0 =	vmmov $0xffff;
	v1 =	vshrl.u32 v2, $0x3;
	s17 =	sadd.s32 $0x24800, s5;
	s3 =	sadd.s32 $0x838000, s10;
	s5 =	sadd.s32 $0x838200, s10  }
0x1a: {  	v0 =	vand.u32 $0x7, v2;
	v2 =	vor.u32 $0x8, v2;
	v1 =	vmul.u32 $0x8, v1;
	s10 =	sadd.s32 $0x838700, s10;
	[dreg:$0x4] =	wrdreg s17;
	s17 =	simm.s32 $0x9080  }
.LBB2_1:
0x1b: {  	s0 =	rddreg [dreg:$0x3]  }
0x1c: {  	[tilespmem:s2], [sflag:$0x2] =	stream.linear.gather [hbm4b:s0+s2], $0x20, $0x38;
	[tilespmem:$0x10080] =	vst v63  }
0x1d: {  	_ =	swait.ge [sflag:s12], $0x20  }
0x1e: {  	[sflag:s12] =	ssyncset.done $0x0  }
0x1f: {  	[sflag:s12] =	ssyncadd.s32 $0xFFFFFFE0  }
0x20: {  	v3 =	vld [tilespmem:$0x0];
	_ =	sdelay $0x4  }
0x21: {  	v4 =	vshll.u32 v3, $0x4  }
0x22: {  	v3 =	vand.u32 $0x7, v3;
	v4 =	vand.u32 $0xFFFFFF80, v4  }
0x23: {  	v3 =	vor.u32 v3, v4  }
0x24: {  	v4 =	vperm.xlane v3, v0;
	_ =	sdelay $0x1  }
0x25: {  	v4 =	vadd.s32 v1, v4;
	_ =	sdelay $0x4  }
0x26: {  	[tilespmem:s13], [sflag:$0x1] =	stream.indirect_vreg.gather [hbm4b:s3+s2], $0x80, v4, vm0, $0xb8;
	[tilespmem:$0x10080] =	vst v63  }
0x27: {  	s0 =	rddreg [dreg:$0x5]  }
0x28: {  	[tilespmem:s0], [sflag:$0x1] =	stream.indirect_vreg.gather [hbm4b:s4+s2], $0x80, v4, vm0, $0xb8;
	[tilespmem:$0x10080] =	vst v63  }
0x29: {  	s14 =	rddreg [dreg:$0x6]  }
0x2a: {  	[tilespmem:s14], [sflag:$0x1] =	stream.indirect_vreg.gather [hbm4b:s5+s2], $0x80, v4, vm0, $0xb8;
	[tilespmem:$0x10080] =	vst v63  }
0x2b: {  	s0 =	rddreg [dreg:$0x7]  }
0x2c: {  	[tilespmem:s0], [sflag:$0x1] =	stream.indirect_vreg.gather [hbm4b:s6+s2], $0x80, v4, vm0, $0xb8;
	[tilespmem:$0x10080] =	vst v63  }
0x2d: {  	s14 =	rddreg [dreg:$0x8]  }
0x2e: {  	[tilespmem:s14], [sflag:$0x1] =	stream.indirect_vreg.gather [hbm4b:s7+s2], $0x80, v4, vm0, $0xb8;
	[tilespmem:$0x10080] =	vst v63  }
0x2f: {  	v3 =	vperm.xlane v3, v2;
	s0 =	rddreg [dreg:$0x9]  }
0x30: {  	[tilespmem:s0], [sflag:$0x1] =	stream.indirect_vreg.gather [hbm4b:s8+s2], $0x80, v4, vm0, $0xb8;
	[tilespmem:$0x10080] =	vst v63  }
0x31: {  	v3 =	vadd.s32 v1, v3;
	s14 =	rddreg [dreg:$0xa]  }
0x32: {  	[tilespmem:s14], [sflag:$0x1] =	stream.indirect_vreg.gather [hbm4b:s9+s2], $0x80, v4, vm0, $0xb8;
	[tilespmem:$0x10080] =	vst v63  }
0x33: {  	s0 =	rddreg [dreg:$0xb]  }
0x34: {  	[tilespmem:s0], [sflag:$0x1] =	stream.indirect_vreg.gather [hbm4b:s10+s2], $0x80, v4, vm0, $0xb8;
	[tilespmem:$0x10080] =	vst v63  }
0x35: {  	s14 =	rddreg [dreg:$0xc]  }
0x36: {  	[tilespmem:s14], [sflag:$0x1] =	stream.indirect_vreg.gather [hbm4b:s3+s2], $0x80, v3, vm0, $0xb8;
	[tilespmem:$0x10080] =	vst v63  }
0x37: {  	s0 =	rddreg [dreg:$0xd]  }
0x38: {  	[tilespmem:s0], [sflag:$0x1] =	stream.indirect_vreg.gather [hbm4b:s4+s2], $0x80, v3, vm0, $0xb8;
	[tilespmem:$0x10080] =	vst v63  }
0x39: {  	s14 =	rddreg [dreg:$0xe]  }
0x3a: {  	[tilespmem:s14], [sflag:$0x1] =	stream.indirect_vreg.gather [hbm4b:s5+s2], $0x80, v3, vm0, $0xb8;
	[tilespmem:$0x10080] =	vst v63  }
0x3b: {  	s0 =	rddreg [dreg:$0xf]  }
0x3c: {  	[tilespmem:s0], [sflag:$0x1] =	stream.indirect_vreg.gather [hbm4b:s6+s2], $0x80, v3, vm0, $0xb8;
	[tilespmem:$0x10080] =	vst v63  }
0x3d: {  	s14 =	rddreg [dreg:$0x10]  }
0x3e: {  	[tilespmem:s14], [sflag:$0x1] =	stream.indirect_vreg.gather [hbm4b:s7+s2], $0x80, v3, vm0, $0xb8;
	[tilespmem:$0x10080] =	vst v63  }
0x3f: {  	s0 =	rddreg [dreg:$0x11]  }
0x40: {  	[tilespmem:s0], [sflag:$0x1] =	stream.indirect_vreg.gather [hbm4b:s8+s2], $0x80, v3, vm0, $0xb8;
	[tilespmem:$0x10080] =	vst v63  }
0x41: {  	s14 =	rddreg [dreg:$0x12]  }
0x42: {  	[tilespmem:s14], [sflag:$0x1] =	stream.indirect_vreg.gather [hbm4b:s9+s2], $0x80, v3, vm0, $0xb8;
	[tilespmem:$0x10080] =	vst v63  }
0x43: {  	s14 =	simm.s32 $0x7880  }
0x44: {  	[tilespmem:s14], [sflag:$0x1] =	stream.indirect_vreg.gather [hbm4b:s10+s2], $0x80, v3, vm0, $0xb8;
	[tilespmem:$0x10080] =	vst v63  }
0x45: {  	v3 =	vld [tilespmem:$0x10];
	_ =	sdelay $0x4  }
0x46: {  	v63 =	vshll.u32 v3, $0x4  }
0x47: {  	v3 =	vand.u32 $0x7, v3;
	v4 =	vand.u32 $0xFFFFFF80, v63  }
0x48: {  	v3 =	vor.u32 v3, v4  }
0x49: {  	v4 =	vperm.xlane v3, v0;
	_ =	sdelay $0x1  }
0x4a: {  	v4 =	vadd.s32 v1, v4;
	_ =	sdelay $0x4  }
0x4b: {  	[tilespmem:s15], [sflag:$0x1] =	stream.indirect_vreg.gather [hbm4b:s3+s2], $0x80, v4, vm0, $0xb8;
	[tilespmem:$0x10080] =	vst v63  }
0x4c: {  	_ = 	snop  }
0x4d: {  	[tilespmem:s16], [sflag:$0x1] =	stream.indirect_vreg.gather [hbm4b:s4+s2], $0x80, v4, vm0, $0xb8;
	[tilespmem:$0x10080] =	vst v63  }
0x4e: {  	_ = 	snop  }
0x4f: {  	[tilespmem:s17], [sflag:$0x1] =	stream.indirect_vreg.gather [hbm4b:s5+s2], $0x80, v4, vm0, $0xb8;
	[tilespmem:$0x10080] =	vst v63  }
0x50: {  	_ = 	snop  }
0x51: {  	[tilespmem:s18], [sflag:$0x1] =	stream.indirect_vreg.gather [hbm4b:s6+s2], $0x80, v4, vm0, $0xb8;
	[tilespmem:$0x10080] =	vst v63  }
0x52: {  	_ = 	snop  }
0x53: {  	[tilespmem:s19], [sflag:$0x1] =	stream.indirect_vreg.gather [hbm4b:s7+s2], $0x80, v4, vm0, $0xb8;
	[tilespmem:$0x10080] =	vst v63  }
0x54: {  	v3 =	vperm.xlane v3, v2  }
0x55: {  	[tilespmem:s20], [sflag:$0x1] =	stream.indirect_vreg.gather [hbm4b:s8+s2], $0x80, v4, vm0, $0xb8;
	[tilespmem:$0x10080] =	vst v63  }
0x56: {  	v3 =	vadd.s32 v1, v3  }
0x57: {  	[tilespmem:s21], [sflag:$0x1] =	stream.indirect_vreg.gather [hbm4b:s9+s2], $0x80, v4, vm0, $0xb8;
	[tilespmem:$0x10080] =	vst v63  }
0x58: {  	_ = 	snop  }
0x59: {  	[tilespmem:s22], [sflag:$0x1] =	stream.indirect_vreg.gather [hbm4b:s10+s2], $0x80, v4, vm0, $0xb8;
	[tilespmem:$0x10080] =	vst v63  }
0x5a: {  	_ = 	snop  }
0x5b: {  	[tilespmem:s23], [sflag:$0x1] =	stream.indirect_vreg.gather [hbm4b:s3+s2], $0x80, v3, vm0, $0xb8;
	[tilespmem:$0x10080] =	vst v63  }
0x5c: {  	_ = 	snop  }
0x5d: {  	[tilespmem:s24], [sflag:$0x1] =	stream.indirect_vreg.gather [hbm4b:s4+s2], $0x80, v3, vm0, $0xb8;
	[tilespmem:$0x10080] =	vst v63  }
0x5e: {  	_ = 	snop  }
0x5f: {  	[tilespmem:s25], [sflag:$0x1] =	stream.indirect_vreg.gather [hbm4b:s5+s2], $0x80, v3, vm0, $0xb8;
	[tilespmem:$0x10080] =	vst v63  }
0x60: {  	_ = 	snop  }
0x61: {  	[tilespmem:s26], [sflag:$0x1] =	stream.indirect_vreg.gather [hbm4b:s6+s2], $0x80, v3, vm0, $0xb8;
	[tilespmem:$0x10080] =	vst v63  }
0x62: {  	_ = 	snop  }
0x63: {  	[tilespmem:s28], [sflag:$0x1] =	stream.indirect_vreg.gather [hbm4b:s7+s2], $0x80, v3, vm0, $0xb8;
	[tilespmem:$0x10080] =	vst v63  }
0x64: {  	_ = 	snop  }
0x65: {  	[tilespmem:s29], [sflag:$0x1] =	stream.indirect_vreg.gather [hbm4b:s8+s2], $0x80, v3, vm0, $0xb8;
	[tilespmem:$0x10080] =	vst v63  }
0x66: {  	_ = 	snop  }
0x67: {  	[tilespmem:s30], [sflag:$0x1] =	stream.indirect_vreg.gather [hbm4b:s9+s2], $0x80, v3, vm0, $0xb8;
	[tilespmem:$0x10080] =	vst v63  }
0x68: {  	_ = 	snop  }
0x69: {  	[tilespmem:s31], [sflag:$0x1] =	stream.indirect_vreg.gather [hbm4b:s10+s2], $0x80, v3, vm0, $0xb8;
	[tilespmem:$0x10080] =	vst v63  }
0x6a: {  	_ =	swait.ge [sflag:s1], $0x10000  }
0x6b: {  	p0 =	sne.s32 s11, $0x1;
	[sflag:s1] =	ssyncset.done $0x0  }
.Ltmp0:
0x6c: {  	s14 =	rddreg [dreg:$0x4];
	[sflag:s1] =	ssyncadd.s32 $0xFFFF0000;
	(pc) =	sbr.rel @p0 .LBB2_1-.Ltmp0, $4  }
0x6d: {  	[hbm4b:s14+s2] =	stream.linear.scatter [tilespmem:s13], [sflag:$0x2], $0x10000, $0x38;
	[tilespmem:$0x10080] =	vst v63  }
0x6e: {  	_ =	swait.ge [sflag:s12], $0x10000  }
0x6f: {  	[sflag:s12] =	ssyncset.done $0x0  }
0x70: {  	s11 =	sadd.s32 $0xFFFFFFFF, s11;
	[sflag:s12] =	ssyncadd.s32 $0xFFFF0000  }
0x71: {  	_ =	sfence.sel $0x180000  }
0x72: {  	[bflag:$0x0] =	sbarrier.arrive $0xFFFF  }
0x73: {  	_ =	strace $0x90000053  }
0x74: {  	s0 =	stileid.u32;
	[bflag:$0x2] =	sbarrier.arrive $0xFFFF  }
0x75: {  	p0 =	sne.s32 s0, $0x0;
	s0 =	rddreg [dreg:$0x2]  }
0x76: {  	s0 =	sadd.s32 @!p0 $0x100000, s0  }
0x77: {  	[sflag:s0] =	ssyncadd.tile.s32 @!p0 $0x1;
	_ =	shalt  }
.Lfunc_end2:
_tile_overlayer_lowered:
.L_overlay_start_2:
0x78: {  	(tag) =	ssettag $0x2  }
0x79: {  	s0 =	rddreg [dreg:$0x0];
	s2 =	stileid.u32  }
0x7a: {  	s1 =	rddreg [dreg:$0x1];
	p0 =	sne.s32 s2, $0x0  }
0x7b: {  	s3 =	rddreg [dreg:$0x2];
	[bflag:$0x3] =	sbarrier.arrive $0xFFFF;
	s2 =	simm.s32 @!p0 $0x1C02  }
0x7c: {  	[timem:s3], [sflag:s2] =	dma.local @!p0 [hbm:s0], s1  }
0x7d: {  	s0 =	simm.s32 @!p0 $0x2  }
0x7e: {  	_ =	swait.ge @!p0 [sflag:s0], s1  }
0x7f: {  	s1 =	ssub.s32 @!p0 $0x0, s1;
	[sflag:s0] =	ssyncset.done @!p0 $0x0  }
0x80: {  	[sflag:s0] =	ssyncadd.s32 @!p0 s1  }
0x81: {  	[bflag:$0x3] =	sbarrier.arrive $0xFFFF  }
0x82: {  	_ =	shalt  }

// kernel: kernel.41.cloned.1.call-start
scs
__scs_entry_jumppad:
0x0: {  	(pc) =	sbr.rel $0x88, $3  }
0x1: {  	(tag) =	ssettag $0x0;
	lr =	simm.s32 $0x1  }
0x2: {  	[smem:$0x3F88] =	sst lr;
	_ =	strace $0xD0000000  }
0x3: {  	_ = 	snop  }
0x4: {  	_ = 	snop  }
0x5: {  	_ = 	snop  }
0x6: {  	_ = 	snop  }
0x7: {  	_ = 	snop  }
__scs_overlays_trampoline_lowered:
0x8: {  	[smem:$0x3F97] =	sst s0  }
0x9: {  	[smem:$0x3F98] =	sst s1  }
0xa: {  	[smem:$0x3F99] =	sst s2  }
0xb: {  	[smem:$0x3F9A] =	sst s3  }
0xc: {  	[smem:$0x3F9B] =	sst s4  }
0xd: {  	[smem:$0x3F9C] =	sst s5  }
0xe: {  	[smem:$0x3F9D] =	sst s6  }
0xf: {  	[smem:$0x3F9E] =	sst s7  }
0x10: {  	[smem:$0x3F9F] =	sst s8  }
0x11: {  	[smem:$0x3FA0] =	sst s9;
	s0 =	simm.s32 @!p0 $0x0  }
0x12: {  	s1 =	sld [smem:$0x3F86];
	s0 =	simm.s32 @p0 $0x1  }
0x13: {  	[smem:$0x3FA1] =	sst s0;
	s0 =	simm.s32 @!p1 $0x0  }
0x14: {  	s2 =	sld [smem:$0x3F85];
	s0 =	simm.s32 @p1 $0x1  }
0x15: {  	[smem:$0x3FA2] =	sst s0;
	s0 =	simm.s32 @!p2 $0x0  }
0x16: {  	s3 =	sld [smem:$0x3FDB];
	s0 =	simm.s32 @p2 $0x1  }
0x17: {  	s4 =	simm.s32 $0x1BF5;
	[smem:$0x3FA4] =	sst s0  }
0x18: {  	s0 =	sld [smem:$0x3F87];
	_ =	swait.ge [sflag:s4], $0x0  }
0x19: {  	s7 =	sld [smem:$0x3F88]  }
0x1a: {  	s8 =	sadd.s32 $0xFFFFE003, lr  }
0x1b: {  	s9 =	sadd.s32 $0xFFFFFEF7, lr;
	s5 =	simm.s32 $0xFFFFFFFF;
	p2 =	slt.u32 s8, $0xFFFFF086  }
0x1c: {  	p1 =	slt.u32 s9, $0xF7A;
	s5 =	simm.s32 @!p2 $0x0  }
0x1d: {  	s5 =	simm.s32 @p1 $0x1;
	p0 =	seq.s32 s7, s2  }
0x1e: {  	s7 =	smul.u32 @!p0 $0xF7A, s2;
	p2 =	seq.s32 @!p0 s5, $0x0  }
0x1f: {  	s9 =	smul.u32 $0xF7A, s1;
	s8 =	simm.s32 @!p0 $0x1BF5;
	p2 =	por !p2, p0  }
0x20: {  	[sflag:s8] =	ssyncset.s32 @!p0 $0xFFFFF086;
	s6 =	sadd.s32 @!p0 s3, s7;
	s7 =	simm.s32 @!p0 $0x108  }
0x21: {  	s3 =	sadd.s32 s3, s9;
	s6 =	sadd.s32 @!p0 $0x88, s6;
	s7 =	simm.s32 @p2 $0x1082  }
0x22: {  	[simem:s7], [sflag:s8] =	dma.local @!p0 [hbm:s6], $0xF7A  }
0x23: {  	s9 =	sor.u32 $0xD0000000, s2;
	s6 =	simm.s32 $0x108;
	_ =	swait.ge @!p0 [sflag:s8], $0x0  }
0x24: {  	s3 =	sadd.s32 $0x88, s3;
	s6 =	simm.s32 @!p1 $0x1082;
	[sflag:s4] =	ssyncset.s32 $0xFFFFF086  }
0x25: {  	[simem:s6], [sflag:s4] =	dma.local [hbm:s3], $0xF7A  }
0x26: {  	[smem:$0x3F88] =	sst s1;
	(tag) =	ssettag s2;
	_ =	strace s9  }
0x27: {  	s1 =	sld [smem:$0x3F98]  }
0x28: {  	s2 =	sld [smem:$0x3F99]  }
0x29: {  	s4 =	sld [smem:$0x3F9B]  }
0x2a: {  	p0 =	seq.s32 s5, $0x0;
	s5 =	sld [smem:$0x3F9C]  }
0x2b: {  	s6 =	sld [smem:$0x3F9D]  }
0x2c: {  	s7 =	sld [smem:$0x3F9E]  }
0x2d: {  	s3 =	simm.s32 $0x108;
	s8 =	sld [smem:$0x3F9F]  }
0x2e: {  	s3 =	simm.s32 @!p0 $0x1082;
	s9 =	sld [smem:$0x3FA0]  }
0x2f: {  	lr =	sadd.s32 s0, s3;
	s0 =	sld [smem:$0x3F97]  }
0x30: {  	s3 =	sld [smem:$0x3F9A]  }
0x31: {  	[smem:$0x3FA3] =	sst s10  }
0x32: {  	s10 =	sld [smem:$0x3FA1];
	_ =	sdelay $0x3  }
0x33: {  	p0 =	seq.s32 s10, $0x1;
	s10 =	sld [smem:$0x3FA3];
	_ =	sdelay $0x3  }
0x34: {  	[smem:$0x3FA3] =	sst s10  }
0x35: {  	s10 =	sld [smem:$0x3FA2];
	_ =	sdelay $0x3  }
0x36: {  	p1 =	seq.s32 s10, $0x1;
	s10 =	sld [smem:$0x3FA3];
	_ =	sdelay $0x3  }
0x37: {  	[smem:$0x3FA3] =	sst s10  }
0x38: {  	s10 =	sld [smem:$0x3FA4]  }
0x39: {  	_ = 	snop;
	(pc) =	sbr.ind lr, $3  }
0x3a: {  	_ = 	snop  }
0x3b: {  	_ = 	snop  }
0x3c: {  	p2 =	seq.s32 s10, $0x1;
	s10 =	sld [smem:$0x3FA3]  }
0x3d: {  	_ =	shalt  }
0x3e: {  	_ =	shalt  }
0x3f: {  	_ =	shalt  }
0x40: {  	_ =	shalt  }
0x41: {  	_ =	shalt  }
0x42: {  	_ =	shalt  }
0x43: {  	_ =	shalt  }
0x44: {  	_ =	shalt  }
0x45: {  	_ =	shalt  }
0x46: {  	_ =	shalt  }
0x47: {  	_ =	shalt  }
0x48: {  	_ =	shalt  }
0x49: {  	_ =	shalt  }
0x4a: {  	_ =	shalt  }
0x4b: {  	_ =	shalt  }
0x4c: {  	_ =	shalt  }
0x4d: {  	_ =	shalt  }
0x4e: {  	_ =	shalt  }
0x4f: {  	_ =	shalt  }
0x50: {  	_ =	shalt  }
0x51: {  	_ =	shalt  }
0x52: {  	_ =	shalt  }
0x53: {  	_ =	shalt  }
0x54: {  	_ =	shalt  }
0x55: {  	_ =	shalt  }
0x56: {  	_ =	shalt  }
0x57: {  	_ =	shalt  }
0x58: {  	_ =	shalt  }
0x59: {  	_ =	shalt  }
0x5a: {  	_ =	shalt  }
0x5b: {  	_ =	shalt  }
0x5c: {  	_ =	shalt  }
0x5d: {  	_ =	shalt  }
0x5e: {  	_ =	shalt  }
0x5f: {  	_ =	shalt  }
0x60: {  	_ =	shalt  }
0x61: {  	_ =	shalt  }
0x62: {  	_ =	shalt  }
0x63: {  	_ =	shalt  }
0x64: {  	_ =	shalt  }
0x65: {  	_ =	shalt  }
0x66: {  	_ =	shalt  }
0x67: {  	_ =	shalt  }
0x68: {  	_ =	shalt  }
0x69: {  	_ =	shalt  }
0x6a: {  	_ =	shalt  }
0x6b: {  	_ =	shalt  }
0x6c: {  	_ =	shalt  }
0x6d: {  	_ =	shalt  }
0x6e: {  	_ =	shalt  }
0x6f: {  	_ =	shalt  }
0x70: {  	_ =	shalt  }
0x71: {  	_ =	shalt  }
0x72: {  	_ =	shalt  }
0x73: {  	_ =	shalt  }
0x74: {  	_ =	shalt  }
0x75: {  	_ =	shalt  }
0x76: {  	_ =	shalt  }
0x77: {  	_ =	shalt  }
0x78: {  	_ =	shalt  }
0x79: {  	_ =	shalt  }
0x7a: {  	_ =	shalt  }
0x7b: {  	_ =	shalt  }
0x7c: {  	_ =	shalt  }
0x7d: {  	_ =	shalt  }
0x7e: {  	_ =	shalt  }
0x7f: {  	_ =	shalt  }
0x80: {  	_ =	shalt  }
0x81: {  	_ =	shalt  }
0x82: {  	_ =	shalt  }
0x83: {  	_ =	shalt  }
0x84: {  	_ =	shalt  }
0x85: {  	_ =	shalt  }
0x86: {  	_ =	shalt  }
0x87: {  	_ =	shalt  }
.Lfunc_end0:
.L_simem_size_0:
called_computation.5_lowered:
.L_overlay_start_0:
0x88: {  	s2 =	sld [smem:$0x3FD9]  }
0x89: {  	s3 =	sld [smem:$0x3FFE];
	_ =	sdelay $0x1  }
0x8a: {  	s1 =	srdreg.scid  }
0x8b: {  	s0 =	sand.u32 $0x1, s1  }
0x8c: {  	s17 =	sshll.u32 s0, $0xA;
	s2 =	sadd.s32 s3, s2  }
0x8d: {  	s2 =	sadd.s32 s2, s17  }
0x8e: {  	[smem:$0x3FAF] =	sst s2  }
0x8f: {  	_ = 	snop  }
0x90: {  	s18 =	sld [smem:$0x3FD0];
	(tm) =	ssettm $0x1  }
0x91: {  	s19 =	sld [smem:$0x3FFB];
	_ =	sdelay $0x3  }
0x92: {  	_ =	strace s19  }
0x93: {  	s2 =	sld [smem:$0x3FFC];
	_ =	sdelay $0x3  }
0x94: {  	_ =	strace s2  }
0x95: {  	s2 =	sld [smem:$0x3FFD];
	_ =	sdelay $0x3  }
0x96: {  	_ =	strace s2  }
0x97: {  	_ =	strace $0x8FFFFFFF  }
0x98: {  	s20 =	sld [smem:$0x3FDB];
	_ =	sdelay $0x1  }
0x99: {  	s4 =	simm.s32 $_scs_section_size  }
0x9a: {  	s5 =	simm.s32 $_size__tile_overlayer_lowered;
	s6 =	simm.s32 $_tile_overlayer_lowered  }
0x9b: {  	s7 =	simm.s32 $0x1BFF;
	s21 =	sshll.u32 s6, $0x1;
	s4 =	sadd.s32 s4, s20  }
0x9c: {  	s22 =	simm.s32 $0x0;
	s5 =	sshll.u32 s5, $0x1;
	s6 =	sadd.s32 s21, s4  }
0x9d: {  	[timem:s22], [sflag:s7] =	dma.local [hbm:s6], s5  }
0x9e: {  	_ =	swait.ge [sflag:s7], s5  }
0x9f: {  	s5 =	ssub.s32 $0x0, s5;
	[sflag:s7] =	ssyncset.done $0x0  }
0xa0: {  	[sflag:s7] =	ssyncadd.s32 s5;
	_ =	sdelay $0x1  }
0xa1: {  	s23 =	simm.s32 $0x1B8B  }
0xa2: {  	_ =	swait.ge [sflag:s23], $0x1  }
0xa3: {  	[sflag:s23] =	ssyncset.done $0x0  }
0xa4: {  	[sflag:s23] =	ssyncadd.s32 $0xFFFFFFFF  }
0xa5: {  	s5 =	sld [smem:$0x0]  }
0xa6: {  	s6 =	sand.u32 $0xFFFFFFFE, s1  }
0xa7: {  	p0 =	sne.s32 s1, s6  }
0xa8: {  	s6 =	sshll.u32 @p0 s6, $0xE  }
0xa9: {  	s6 =	sadd.s32 @p0 $0x11B8D, s6;
	s7 =	sshll.u32 @p0 s5, $0x11  }
0xaa: {  	s6 =	sor.u32 @p0 s7, s6  }
0xab: {  	[sflag:s6] =	ssyncadd.remote.s32 @p0 $0x1;
	_ =	sdelay $0x1  }
0xac: {  	s6 =	simm.s32 @p0 $0x1B8D  }
0xad: {  	_ =	swait.eq @p0 [sflag:s6], $0x1  }
0xae: {  	[sflag:s6] =	ssyncadd.s32 @p0 $0xFFFFFFFF  }
0xaf: {  	s7 =	sshll.u32 @!p0 s1, $0xE  }
0xb0: {  	s7 =	sor.u32 @!p0 $0x4000, s7;
	s6 =	simm.s32 @!p0 $0x1B8D  }
0xb1: {  	s5 =	sshll.u32 @!p0 s5, $0x11;
	s7 =	sadd.s32 @!p0 $0x11B8D, s7;
	_ =	swait.eq @!p0 [sflag:s6], $0x1  }
0xb2: {  	s5 =	sor.u32 @!p0 s5, s7;
	[sflag:s6] =	ssyncadd.s32 @!p0 $0xFFFFFFFF  }
0xb3: {  	s25 =	simm.s32 $0x1B8E;
	s24 =	sld [smem:$0x3FFE];
	[sflag:s5] =	ssyncadd.remote.s32 @!p0 $0x1  }
0xb4: {  	s26 =	simm.s32 $execute0_lowered;
	[smem:$0x3FD2] =	sst s25  }
0xb5: {  	s6 =	sshll.u32 s26, $0x1;
	_ =	strace $0x80000055;
	[dreg:$0x1] =	wrdreg $0xFFFFFFFF  }
0xb6: {  	s28 =	simm.s32 $_size_execute0_lowered;
	s4 =	sadd.s32 s4, s6;
	[dreg:$0x0] =	wrdreg $0x0  }
0xb7: {  	s6 =	sshll.u32 s28, $0x1;
	[dreg:$0x2] =	wrdreg s4  }
0xb8: {  	[dreg:$0x3] =	wrdreg s6  }
0xb9: {  	[dreg:$0x4] =	wrdreg $0xC0  }
0xba: {  	_ =	task [dreg:s22], $0x5FFFF  }
0xbb: {  	[dreg:$0x1] =	wrdreg $0xFFFFFFFF  }
0xbc: {  	[dreg:$0x0] =	wrdreg $0x60  }
0xbd: {  	[dreg:$0x2] =	wrdreg s24  }
0xbe: {  	[dreg:$0x3] =	wrdreg s18  }
0xbf: {  	[dreg:$0x4] =	wrdreg $0xA  }
0xc0: {  	_ =	task.clear_ibuf [dreg:s22], $0x5FFFF;
	_ =	strace $0x90000055  }
0xc1: {  	s29 =	simm.s32 $0xA;
	_ =	strace $0x80000057  }
0xc2: {  	_ =	swait.ge [sflag:s29], $0x1  }
0xc3: {  	[sflag:s29] =	ssyncadd.s32 $0xFFFFFFFF  }
0xc4: {  	_ =	strace $0x90000057  }
0xc5: {  	_ =	sfence  }
0xc6: {  	s30 =	sld [smem:$0x0];
	_ =	sdelay $0x2  }
0xc7: {  	s31 =	sshll.u32 s1, $0xD;
	s1 =	sshrl.u32 s1, $0x2  }
0xc8: {  	s4 =	sand.u32 $0x4000, s31;
	s1 =	sadd.s32 s1, s30  }
0xc9: {  	s0 =	sor.u32 s4, s0;
	s1 =	sshll.u32 s1, $0x11  }
0xca: {  	s0 =	sor.u32 s1, s0  }
0xcb: {  	s0 =	sadd.s32 $0x8F2B, s0  }
0xcc: {  	[sflag:s0] =	ssyncadd.remote.s32 $0x1  }
0xcd: {  	_ =	sfence.sel $0xFFFF  }
0xce: {  	[dreg:$0x0] =	wrdreg $0xFFFFFFFF;
	(pc) =	sbr.abs _section_cstart, $3  }
0xcf: {  	[dreg:$0x1] =	wrdreg $0xFFFFFFFF  }
0xd0: {  	_ =	task.clear_ibuf [dreg:s22], $0x2FFFF;
	_ =	strace $0x9FFFFFFF  }
0xd1: {  	(tm) =	ssettm $0x7FFFFFFF  }
tec
execute0_lowered:
.L_overlay_start_1:
0x0: {  	(tag) =	ssettag $0x1  }
0x1: {  	s1 =	srdreg.scid;
	s10 =	rddreg [dreg:$0x0]  }
0x2: {  	s0 =	stileid.u32;
	s3 =	rddreg [dreg:$0x1];
	s2 =	simm.s32 $0x0  }
0x3: {  	s18 =	simm.s32 $0x880;
	s19 =	simm.s32 $0x1080;
	s20 =	simm.s32 $0x1880  }
0x4: {  	s21 =	simm.s32 $0x2080;
	s23 =	simm.s32 $0x2880;
	[smem:$0x7FF] =	sst s2  }
0x5: {  	s24 =	simm.s32 $0x3080;
	_ =	strace $0x80000056;
	[dreg:$0x5] =	wrdreg s18  }
0x6: {  	s6 =	simm.s32 $0x3880;
	s7 =	simm.s32 $0x4080;
	[dreg:$0x6] =	wrdreg s19  }
0x7: {  	s8 =	simm.s32 $0x4880;
	s9 =	simm.s32 $0x5080;
	[dreg:$0x7] =	wrdreg s20  }
0x8: {  	s11 =	simm.s32 $0x5880;
	s25 =	simm.s32 $0x6080;
	[dreg:$0x8] =	wrdreg s21  }
0x9: {  	s12 =	simm.s32 $0x6880;
	s26 =	simm.s32 $0x7080;
	[dreg:$0x9] =	wrdreg s23  }
0xa: {  	s13 =	simm.s32 $0x80;
	s15 =	simm.s32 $0x8080;
	[dreg:$0xa] =	wrdreg s24  }
0xb: {  	s16 =	simm.s32 $0x8880;
	s28 =	simm.s32 $0xE080;
	[dreg:$0xb] =	wrdreg s6  }
0xc: {  	s29 =	simm.s32 $0xE880;
	s30 =	simm.s32 $0xF080;
	[dreg:$0xc] =	wrdreg s7  }
0xd: {  	s31 =	simm.s32 $0xF880;
	s1 =	sand.u32 $0x1, s1;
	[dreg:$0xd] =	wrdreg s8  }
0xe: {  	s4 =	sshll.u32 s0, $0x6;
	s5 =	sshll.u32 s1, $0x5;
	[dreg:$0xe] =	wrdreg s9  }
0xf: {  	s1 =	ssub.s32 $0x2, s1;
	s6 =	sadd.s32 $0x8B8300, s10;
	[dreg:$0xf] =	wrdreg s11  }
0x10: {  	s7 =	sadd.s32 $0x8B8400, s10;
	s8 =	sadd.s32 $0x8B8500, s10;
	[dreg:$0x10] =	wrdreg s25  }
0x11: {  	s9 =	sadd.s32 $0x8B8600, s10;
	[dreg:$0x11] =	wrdreg s12;
	s12 =	simm.s32 $0x2  }
0x12: {  	[dreg:$0x12] =	wrdreg s26;
	s18 =	simm.s32 $0x9880;
	s19 =	simm.s32 $0xA080  }
0x13: {  	s20 =	simm.s32 $0xA880;
	s21 =	simm.s32 $0xB080;
	s23 =	simm.s32 $0xC080  }
0x14: {  	s24 =	simm.s32 $0xC880;
	s25 =	simm.s32 $0xD080;
	s4 =	sor.u32 s5, s4  }
0x15: {  	s26 =	simm.s32 $0xD880;
	s22 =	sshrl.u32 s1, $0x1;
	s5 =	sshll.u32 s4, $0x8  }
0x16: {  	s4 =	sshrl.u32 s4, $0x3;
	s1 =	ssub.s32 s1, s22;
	s22 =	simm.s32 $0xB880  }
0x17: {  	s5 =	sadd.s32 s5, s10;
	s3 =	sadd.s32 s3, s4;
	s4 =	sadd.s32 $0x8B8100, s10  }
0x18: {  	v2 =	vlaneseq.u32;
	s11 =	smax.u32 s1, $0x1;
	s1 =	simm.s32 $0x1;
	[dreg:$0x3] =	wrdreg s3  }
0x19: {  	vm0 =	vmmov $0xffff;
	v1 =	vshrl.u32 v2, $0x3;
	s17 =	sadd.s32 $0x64800, s5;
	s3 =	sadd.s32 $0x8B8000, s10;
	s5 =	sadd.s32 $0x8B8200, s10  }
0x1a: {  	v0 =	vand.u32 $0x7, v2;
	v2 =	vor.u32 $0x8, v2;
	v1 =	vmul.u32 $0x8, v1;
	s10 =	sadd.s32 $0x8B8700, s10;
	[dreg:$0x4] =	wrdreg s17;
	s17 =	simm.s32 $0x9080  }
.LBB2_1:
0x1b: {  	s0 =	rddreg [dreg:$0x3]  }
0x1c: {  	[tilespmem:s2], [sflag:$0x2] =	stream.linear.gather [hbm4b:s0+s2], $0x20, $0x38;
	[tilespmem:$0x10080] =	vst v63  }
0x1d: {  	_ =	swait.ge [sflag:s12], $0x20  }
0x1e: {  	[sflag:s12] =	ssyncset.done $0x0  }
0x1f: {  	[sflag:s12] =	ssyncadd.s32 $0xFFFFFFE0  }
0x20: {  	v3 =	vld [tilespmem:$0x0];
	_ =	sdelay $0x4  }
0x21: {  	v4 =	vshll.u32 v3, $0x4  }
0x22: {  	v3 =	vand.u32 $0x7, v3;
	v4 =	vand.u32 $0xFFFFFF80, v4  }
0x23: {  	v3 =	vor.u32 v3, v4  }
0x24: {  	v4 =	vperm.xlane v3, v0;
	_ =	sdelay $0x1  }
0x25: {  	v4 =	vadd.s32 v1, v4;
	_ =	sdelay $0x4  }
0x26: {  	[tilespmem:s13], [sflag:$0x1] =	stream.indirect_vreg.gather [hbm4b:s3+s2], $0x80, v4, vm0, $0xb8;
	[tilespmem:$0x10080] =	vst v63  }
0x27: {  	s0 =	rddreg [dreg:$0x5]  }
0x28: {  	[tilespmem:s0], [sflag:$0x1] =	stream.indirect_vreg.gather [hbm4b:s4+s2], $0x80, v4, vm0, $0xb8;
	[tilespmem:$0x10080] =	vst v63  }
0x29: {  	s14 =	rddreg [dreg:$0x6]  }
0x2a: {  	[tilespmem:s14], [sflag:$0x1] =	stream.indirect_vreg.gather [hbm4b:s5+s2], $0x80, v4, vm0, $0xb8;
	[tilespmem:$0x10080] =	vst v63  }
0x2b: {  	s0 =	rddreg [dreg:$0x7]  }
0x2c: {  	[tilespmem:s0], [sflag:$0x1] =	stream.indirect_vreg.gather [hbm4b:s6+s2], $0x80, v4, vm0, $0xb8;
	[tilespmem:$0x10080] =	vst v63  }
0x2d: {  	s14 =	rddreg [dreg:$0x8]  }
0x2e: {  	[tilespmem:s14], [sflag:$0x1] =	stream.indirect_vreg.gather [hbm4b:s7+s2], $0x80, v4, vm0, $0xb8;
	[tilespmem:$0x10080] =	vst v63  }
0x2f: {  	v3 =	vperm.xlane v3, v2;
	s0 =	rddreg [dreg:$0x9]  }
0x30: {  	[tilespmem:s0], [sflag:$0x1] =	stream.indirect_vreg.gather [hbm4b:s8+s2], $0x80, v4, vm0, $0xb8;
	[tilespmem:$0x10080] =	vst v63  }
0x31: {  	v3 =	vadd.s32 v1, v3;
	s14 =	rddreg [dreg:$0xa]  }
0x32: {  	[tilespmem:s14], [sflag:$0x1] =	stream.indirect_vreg.gather [hbm4b:s9+s2], $0x80, v4, vm0, $0xb8;
	[tilespmem:$0x10080] =	vst v63  }
0x33: {  	s0 =	rddreg [dreg:$0xb]  }
0x34: {  	[tilespmem:s0], [sflag:$0x1] =	stream.indirect_vreg.gather [hbm4b:s10+s2], $0x80, v4, vm0, $0xb8;
	[tilespmem:$0x10080] =	vst v63  }
0x35: {  	s14 =	rddreg [dreg:$0xc]  }
0x36: {  	[tilespmem:s14], [sflag:$0x1] =	stream.indirect_vreg.gather [hbm4b:s3+s2], $0x80, v3, vm0, $0xb8;
	[tilespmem:$0x10080] =	vst v63  }
0x37: {  	s0 =	rddreg [dreg:$0xd]  }
0x38: {  	[tilespmem:s0], [sflag:$0x1] =	stream.indirect_vreg.gather [hbm4b:s4+s2], $0x80, v3, vm0, $0xb8;
	[tilespmem:$0x10080] =	vst v63  }
0x39: {  	s14 =	rddreg [dreg:$0xe]  }
0x3a: {  	[tilespmem:s14], [sflag:$0x1] =	stream.indirect_vreg.gather [hbm4b:s5+s2], $0x80, v3, vm0, $0xb8;
	[tilespmem:$0x10080] =	vst v63  }
0x3b: {  	s0 =	rddreg [dreg:$0xf]  }
0x3c: {  	[tilespmem:s0], [sflag:$0x1] =	stream.indirect_vreg.gather [hbm4b:s6+s2], $0x80, v3, vm0, $0xb8;
	[tilespmem:$0x10080] =	vst v63  }
0x3d: {  	s14 =	rddreg [dreg:$0x10]  }
0x3e: {  	[tilespmem:s14], [sflag:$0x1] =	stream.indirect_vreg.gather [hbm4b:s7+s2], $0x80, v3, vm0, $0xb8;
	[tilespmem:$0x10080] =	vst v63  }
0x3f: {  	s0 =	rddreg [dreg:$0x11]  }
0x40: {  	[tilespmem:s0], [sflag:$0x1] =	stream.indirect_vreg.gather [hbm4b:s8+s2], $0x80, v3, vm0, $0xb8;
	[tilespmem:$0x10080] =	vst v63  }
0x41: {  	s14 =	rddreg [dreg:$0x12]  }
0x42: {  	[tilespmem:s14], [sflag:$0x1] =	stream.indirect_vreg.gather [hbm4b:s9+s2], $0x80, v3, vm0, $0xb8;
	[tilespmem:$0x10080] =	vst v63  }
0x43: {  	s14 =	simm.s32 $0x7880  }
0x44: {  	[tilespmem:s14], [sflag:$0x1] =	stream.indirect_vreg.gather [hbm4b:s10+s2], $0x80, v3, vm0, $0xb8;
	[tilespmem:$0x10080] =	vst v63  }
0x45: {  	v3 =	vld [tilespmem:$0x10];
	_ =	sdelay $0x4  }
0x46: {  	v63 =	vshll.u32 v3, $0x4  }
0x47: {  	v3 =	vand.u32 $0x7, v3;
	v4 =	vand.u32 $0xFFFFFF80, v63  }
0x48: {  	v3 =	vor.u32 v3, v4  }
0x49: {  	v4 =	vperm.xlane v3, v0;
	_ =	sdelay $0x1  }
0x4a: {  	v4 =	vadd.s32 v1, v4;
	_ =	sdelay $0x4  }
0x4b: {  	[tilespmem:s15], [sflag:$0x1] =	stream.indirect_vreg.gather [hbm4b:s3+s2], $0x80, v4, vm0, $0xb8;
	[tilespmem:$0x10080] =	vst v63  }
0x4c: {  	_ = 	snop  }
0x4d: {  	[tilespmem:s16], [sflag:$0x1] =	stream.indirect_vreg.gather [hbm4b:s4+s2], $0x80, v4, vm0, $0xb8;
	[tilespmem:$0x10080] =	vst v63  }
0x4e: {  	_ = 	snop  }
0x4f: {  	[tilespmem:s17], [sflag:$0x1] =	stream.indirect_vreg.gather [hbm4b:s5+s2], $0x80, v4, vm0, $0xb8;
	[tilespmem:$0x10080] =	vst v63  }
0x50: {  	_ = 	snop  }
0x51: {  	[tilespmem:s18], [sflag:$0x1] =	stream.indirect_vreg.gather [hbm4b:s6+s2], $0x80, v4, vm0, $0xb8;
	[tilespmem:$0x10080] =	vst v63  }
0x52: {  	_ = 	snop  }
0x53: {  	[tilespmem:s19], [sflag:$0x1] =	stream.indirect_vreg.gather [hbm4b:s7+s2], $0x80, v4, vm0, $0xb8;
	[tilespmem:$0x10080] =	vst v63  }
0x54: {  	v3 =	vperm.xlane v3, v2  }
0x55: {  	[tilespmem:s20], [sflag:$0x1] =	stream.indirect_vreg.gather [hbm4b:s8+s2], $0x80, v4, vm0, $0xb8;
	[tilespmem:$0x10080] =	vst v63  }
0x56: {  	v3 =	vadd.s32 v1, v3  }
0x57: {  	[tilespmem:s21], [sflag:$0x1] =	stream.indirect_vreg.gather [hbm4b:s9+s2], $0x80, v4, vm0, $0xb8;
	[tilespmem:$0x10080] =	vst v63  }
0x58: {  	_ = 	snop  }
0x59: {  	[tilespmem:s22], [sflag:$0x1] =	stream.indirect_vreg.gather [hbm4b:s10+s2], $0x80, v4, vm0, $0xb8;
	[tilespmem:$0x10080] =	vst v63  }
0x5a: {  	_ = 	snop  }
0x5b: {  	[tilespmem:s23], [sflag:$0x1] =	stream.indirect_vreg.gather [hbm4b:s3+s2], $0x80, v3, vm0, $0xb8;
	[tilespmem:$0x10080] =	vst v63  }
0x5c: {  	_ = 	snop  }
0x5d: {  	[tilespmem:s24], [sflag:$0x1] =	stream.indirect_vreg.gather [hbm4b:s4+s2], $0x80, v3, vm0, $0xb8;
	[tilespmem:$0x10080] =	vst v63  }
0x5e: {  	_ = 	snop  }
0x5f: {  	[tilespmem:s25], [sflag:$0x1] =	stream.indirect_vreg.gather [hbm4b:s5+s2], $0x80, v3, vm0, $0xb8;
	[tilespmem:$0x10080] =	vst v63  }
0x60: {  	_ = 	snop  }
0x61: {  	[tilespmem:s26], [sflag:$0x1] =	stream.indirect_vreg.gather [hbm4b:s6+s2], $0x80, v3, vm0, $0xb8;
	[tilespmem:$0x10080] =	vst v63  }
0x62: {  	_ = 	snop  }
0x63: {  	[tilespmem:s28], [sflag:$0x1] =	stream.indirect_vreg.gather [hbm4b:s7+s2], $0x80, v3, vm0, $0xb8;
	[tilespmem:$0x10080] =	vst v63  }
0x64: {  	_ = 	snop  }
0x65: {  	[tilespmem:s29], [sflag:$0x1] =	stream.indirect_vreg.gather [hbm4b:s8+s2], $0x80, v3, vm0, $0xb8;
	[tilespmem:$0x10080] =	vst v63  }
0x66: {  	_ = 	snop  }
0x67: {  	[tilespmem:s30], [sflag:$0x1] =	stream.indirect_vreg.gather [hbm4b:s9+s2], $0x80, v3, vm0, $0xb8;
	[tilespmem:$0x10080] =	vst v63  }
0x68: {  	_ = 	snop  }
0x69: {  	[tilespmem:s31], [sflag:$0x1] =	stream.indirect_vreg.gather [hbm4b:s10+s2], $0x80, v3, vm0, $0xb8;
	[tilespmem:$0x10080] =	vst v63  }
0x6a: {  	_ =	swait.ge [sflag:s1], $0x10000  }
0x6b: {  	p0 =	sne.s32 s11, $0x1;
	[sflag:s1] =	ssyncset.done $0x0  }
.Ltmp0:
0x6c: {  	s14 =	rddreg [dreg:$0x4];
	[sflag:s1] =	ssyncadd.s32 $0xFFFF0000;
	(pc) =	sbr.rel @p0 .LBB2_1-.Ltmp0, $4  }
0x6d: {  	[hbm4b:s14+s2] =	stream.linear.scatter [tilespmem:s13], [sflag:$0x2], $0x10000, $0x38;
	[tilespmem:$0x10080] =	vst v63  }
0x6e: {  	_ =	swait.ge [sflag:s12], $0x10000  }
0x6f: {  	[sflag:s12] =	ssyncset.done $0x0  }
0x70: {  	s11 =	sadd.s32 $0xFFFFFFFF, s11;
	[sflag:s12] =	ssyncadd.s32 $0xFFFF0000  }
0x71: {  	_ =	sfence.sel $0x180000  }
0x72: {  	[bflag:$0x0] =	sbarrier.arrive $0xFFFF  }
0x73: {  	_ =	strace $0x90000056  }
0x74: {  	s0 =	stileid.u32;
	[bflag:$0x2] =	sbarrier.arrive $0xFFFF  }
0x75: {  	p0 =	sne.s32 s0, $0x0;
	s0 =	rddreg [dreg:$0x2]  }
0x76: {  	s0 =	sadd.s32 @!p0 $0x100000, s0  }
0x77: {  	[sflag:s0] =	ssyncadd.tile.s32 @!p0 $0x1;
	_ =	shalt  }
.Lfunc_end2:
_tile_overlayer_lowered:
.L_overlay_start_2:
0x78: {  	(tag) =	ssettag $0x2  }
0x79: {  	s0 =	rddreg [dreg:$0x0];
	s2 =	stileid.u32  }
0x7a: {  	s1 =	rddreg [dreg:$0x1];
	p0 =	sne.s32 s2, $0x0  }
0x7b: {  	s3 =	rddreg [dreg:$0x2];
	[bflag:$0x3] =	sbarrier.arrive $0xFFFF;
	s2 =	simm.s32 @!p0 $0x1C02  }
0x7c: {  	[timem:s3], [sflag:s2] =	dma.local @!p0 [hbm:s0], s1  }
0x7d: {  	s0 =	simm.s32 @!p0 $0x2  }
0x7e: {  	_ =	swait.ge @!p0 [sflag:s0], s1  }
0x7f: {  	s1 =	ssub.s32 @!p0 $0x0, s1;
	[sflag:s0] =	ssyncset.done @!p0 $0x0  }
0x80: {  	[sflag:s0] =	ssyncadd.s32 @!p0 s1  }
0x81: {  	[bflag:$0x3] =	sbarrier.arrive $0xFFFF  }
0x82: {  	_ =	shalt  }

// kernel: kernel.44.cloned.1.call-start
scs
__scs_entry_jumppad:
0x0: {  	(pc) =	sbr.rel $0x88, $3  }
0x1: {  	(tag) =	ssettag $0x0;
	lr =	simm.s32 $0x1  }
0x2: {  	[smem:$0x3F88] =	sst lr;
	_ =	strace $0xD0000000  }
0x3: {  	_ = 	snop  }
0x4: {  	_ = 	snop  }
0x5: {  	_ = 	snop  }
0x6: {  	_ = 	snop  }
0x7: {  	_ = 	snop  }
__scs_overlays_trampoline_lowered:
0x8: {  	[smem:$0x3F97] =	sst s0  }
0x9: {  	[smem:$0x3F98] =	sst s1  }
0xa: {  	[smem:$0x3F99] =	sst s2  }
0xb: {  	[smem:$0x3F9A] =	sst s3  }
0xc: {  	[smem:$0x3F9B] =	sst s4  }
0xd: {  	[smem:$0x3F9C] =	sst s5  }
0xe: {  	[smem:$0x3F9D] =	sst s6  }
0xf: {  	[smem:$0x3F9E] =	sst s7  }
0x10: {  	[smem:$0x3F9F] =	sst s8  }
0x11: {  	[smem:$0x3FA0] =	sst s9;
	s0 =	simm.s32 @!p0 $0x0  }
0x12: {  	s1 =	sld [smem:$0x3F86];
	s0 =	simm.s32 @p0 $0x1  }
0x13: {  	[smem:$0x3FA1] =	sst s0;
	s0 =	simm.s32 @!p1 $0x0  }
0x14: {  	s2 =	sld [smem:$0x3F85];
	s0 =	simm.s32 @p1 $0x1  }
0x15: {  	[smem:$0x3FA2] =	sst s0;
	s0 =	simm.s32 @!p2 $0x0  }
0x16: {  	s3 =	sld [smem:$0x3FDB];
	s0 =	simm.s32 @p2 $0x1  }
0x17: {  	s4 =	simm.s32 $0x1BF5;
	[smem:$0x3FA4] =	sst s0  }
0x18: {  	s0 =	sld [smem:$0x3F87];
	_ =	swait.ge [sflag:s4], $0x0  }
0x19: {  	s7 =	sld [smem:$0x3F88]  }
0x1a: {  	s8 =	sadd.s32 $0xFFFFE003, lr  }
0x1b: {  	s9 =	sadd.s32 $0xFFFFFEF7, lr;
	s5 =	simm.s32 $0xFFFFFFFF;
	p2 =	slt.u32 s8, $0xFFFFF086  }
0x1c: {  	p1 =	slt.u32 s9, $0xF7A;
	s5 =	simm.s32 @!p2 $0x0  }
0x1d: {  	s5 =	simm.s32 @p1 $0x1;
	p0 =	seq.s32 s7, s2  }
0x1e: {  	s7 =	smul.u32 @!p0 $0xF7A, s2;
	p2 =	seq.s32 @!p0 s5, $0x0  }
0x1f: {  	s9 =	smul.u32 $0xF7A, s1;
	s8 =	simm.s32 @!p0 $0x1BF5;
	p2 =	por !p2, p0  }
0x20: {  	[sflag:s8] =	ssyncset.s32 @!p0 $0xFFFFF086;
	s6 =	sadd.s32 @!p0 s3, s7;
	s7 =	simm.s32 @!p0 $0x108  }
0x21: {  	s3 =	sadd.s32 s3, s9;
	s6 =	sadd.s32 @!p0 $0x88, s6;
	s7 =	simm.s32 @p2 $0x1082  }
0x22: {  	[simem:s7], [sflag:s8] =	dma.local @!p0 [hbm:s6], $0xF7A  }
0x23: {  	s9 =	sor.u32 $0xD0000000, s2;
	s6 =	simm.s32 $0x108;
	_ =	swait.ge @!p0 [sflag:s8], $0x0  }
0x24: {  	s3 =	sadd.s32 $0x88, s3;
	s6 =	simm.s32 @!p1 $0x1082;
	[sflag:s4] =	ssyncset.s32 $0xFFFFF086  }
0x25: {  	[simem:s6], [sflag:s4] =	dma.local [hbm:s3], $0xF7A  }
0x26: {  	[smem:$0x3F88] =	sst s1;
	(tag) =	ssettag s2;
	_ =	strace s9  }
0x27: {  	s1 =	sld [smem:$0x3F98]  }
0x28: {  	s2 =	sld [smem:$0x3F99]  }
0x29: {  	s4 =	sld [smem:$0x3F9B]  }
0x2a: {  	p0 =	seq.s32 s5, $0x0;
	s5 =	sld [smem:$0x3F9C]  }
0x2b: {  	s6 =	sld [smem:$0x3F9D]  }
0x2c: {  	s7 =	sld [smem:$0x3F9E]  }
0x2d: {  	s3 =	simm.s32 $0x108;
	s8 =	sld [smem:$0x3F9F]  }
0x2e: {  	s3 =	simm.s32 @!p0 $0x1082;
	s9 =	sld [smem:$0x3FA0]  }
0x2f: {  	lr =	sadd.s32 s0, s3;
	s0 =	sld [smem:$0x3F97]  }
0x30: {  	s3 =	sld [smem:$0x3F9A]  }
0x31: {  	[smem:$0x3FA3] =	sst s10  }
0x32: {  	s10 =	sld [smem:$0x3FA1];
	_ =	sdelay $0x3  }
0x33: {  	p0 =	seq.s32 s10, $0x1;
	s10 =	sld [smem:$0x3FA3];
	_ =	sdelay $0x3  }
0x34: {  	[smem:$0x3FA3] =	sst s10  }
0x35: {  	s10 =	sld [smem:$0x3FA2];
	_ =	sdelay $0x3  }
0x36: {  	p1 =	seq.s32 s10, $0x1;
	s10 =	sld [smem:$0x3FA3];
	_ =	sdelay $0x3  }
0x37: {  	[smem:$0x3FA3] =	sst s10  }
0x38: {  	s10 =	sld [smem:$0x3FA4]  }
0x39: {  	_ = 	snop;
	(pc) =	sbr.ind lr, $3  }
0x3a: {  	_ = 	snop  }
0x3b: {  	_ = 	snop  }
0x3c: {  	p2 =	seq.s32 s10, $0x1;
	s10 =	sld [smem:$0x3FA3]  }
0x3d: {  	_ =	shalt  }
0x3e: {  	_ =	shalt  }
0x3f: {  	_ =	shalt  }
0x40: {  	_ =	shalt  }
0x41: {  	_ =	shalt  }
0x42: {  	_ =	shalt  }
0x43: {  	_ =	shalt  }
0x44: {  	_ =	shalt  }
0x45: {  	_ =	shalt  }
0x46: {  	_ =	shalt  }
0x47: {  	_ =	shalt  }
0x48: {  	_ =	shalt  }
0x49: {  	_ =	shalt  }
0x4a: {  	_ =	shalt  }
0x4b: {  	_ =	shalt  }
0x4c: {  	_ =	shalt  }
0x4d: {  	_ =	shalt  }
0x4e: {  	_ =	shalt  }
0x4f: {  	_ =	shalt  }
0x50: {  	_ =	shalt  }
0x51: {  	_ =	shalt  }
0x52: {  	_ =	shalt  }
0x53: {  	_ =	shalt  }
0x54: {  	_ =	shalt  }
0x55: {  	_ =	shalt  }
0x56: {  	_ =	shalt  }
0x57: {  	_ =	shalt  }
0x58: {  	_ =	shalt  }
0x59: {  	_ =	shalt  }
0x5a: {  	_ =	shalt  }
0x5b: {  	_ =	shalt  }
0x5c: {  	_ =	shalt  }
0x5d: {  	_ =	shalt  }
0x5e: {  	_ =	shalt  }
0x5f: {  	_ =	shalt  }
0x60: {  	_ =	shalt  }
0x61: {  	_ =	shalt  }
0x62: {  	_ =	shalt  }
0x63: {  	_ =	shalt  }
0x64: {  	_ =	shalt  }
0x65: {  	_ =	shalt  }
0x66: {  	_ =	shalt  }
0x67: {  	_ =	shalt  }
0x68: {  	_ =	shalt  }
0x69: {  	_ =	shalt  }
0x6a: {  	_ =	shalt  }
0x6b: {  	_ =	shalt  }
0x6c: {  	_ =	shalt  }
0x6d: {  	_ =	shalt  }
0x6e: {  	_ =	shalt  }
0x6f: {  	_ =	shalt  }
0x70: {  	_ =	shalt  }
0x71: {  	_ =	shalt  }
0x72: {  	_ =	shalt  }
0x73: {  	_ =	shalt  }
0x74: {  	_ =	shalt  }
0x75: {  	_ =	shalt  }
0x76: {  	_ =	shalt  }
0x77: {  	_ =	shalt  }
0x78: {  	_ =	shalt  }
0x79: {  	_ =	shalt  }
0x7a: {  	_ =	shalt  }
0x7b: {  	_ =	shalt  }
0x7c: {  	_ =	shalt  }
0x7d: {  	_ =	shalt  }
0x7e: {  	_ =	shalt  }
0x7f: {  	_ =	shalt  }
0x80: {  	_ =	shalt  }
0x81: {  	_ =	shalt  }
0x82: {  	_ =	shalt  }
0x83: {  	_ =	shalt  }
0x84: {  	_ =	shalt  }
0x85: {  	_ =	shalt  }
0x86: {  	_ =	shalt  }
0x87: {  	_ =	shalt  }
.Lfunc_end0:
.L_simem_size_0:
called_computation.6_lowered:
.L_overlay_start_0:
0x88: {  	s2 =	sld [smem:$0x3FD9]  }
0x89: {  	s3 =	sld [smem:$0x3FFE];
	_ =	sdelay $0x1  }
0x8a: {  	s1 =	srdreg.scid  }
0x8b: {  	s0 =	sand.u32 $0x1, s1  }
0x8c: {  	s17 =	sshll.u32 s0, $0xA;
	s2 =	sadd.s32 s3, s2  }
0x8d: {  	s2 =	sadd.s32 s2, s17  }
0x8e: {  	[smem:$0x3FAF] =	sst s2  }
0x8f: {  	_ = 	snop  }
0x90: {  	s18 =	sld [smem:$0x3FD0];
	(tm) =	ssettm $0x1  }
0x91: {  	s19 =	sld [smem:$0x3FFB];
	_ =	sdelay $0x3  }
0x92: {  	_ =	strace s19  }
0x93: {  	s2 =	sld [smem:$0x3FFC];
	_ =	sdelay $0x3  }
0x94: {  	_ =	strace s2  }
0x95: {  	s2 =	sld [smem:$0x3FFD];
	_ =	sdelay $0x3  }
0x96: {  	_ =	strace s2  }
0x97: {  	_ =	strace $0x8FFFFFFF  }
0x98: {  	s20 =	sld [smem:$0x3FDB];
	_ =	sdelay $0x1  }
0x99: {  	s4 =	simm.s32 $_scs_section_size  }
0x9a: {  	s5 =	simm.s32 $_size__tile_overlayer_lowered;
	s6 =	simm.s32 $_tile_overlayer_lowered  }
0x9b: {  	s7 =	simm.s32 $0x1BFF;
	s21 =	sshll.u32 s6, $0x1;
	s4 =	sadd.s32 s4, s20  }
0x9c: {  	s22 =	simm.s32 $0x0;
	s5 =	sshll.u32 s5, $0x1;
	s6 =	sadd.s32 s21, s4  }
0x9d: {  	[timem:s22], [sflag:s7] =	dma.local [hbm:s6], s5  }
0x9e: {  	_ =	swait.ge [sflag:s7], s5  }
0x9f: {  	s5 =	ssub.s32 $0x0, s5;
	[sflag:s7] =	ssyncset.done $0x0  }
0xa0: {  	[sflag:s7] =	ssyncadd.s32 s5;
	_ =	sdelay $0x1  }
0xa1: {  	s23 =	simm.s32 $0x1B8B  }
0xa2: {  	_ =	swait.ge [sflag:s23], $0x1  }
0xa3: {  	[sflag:s23] =	ssyncset.done $0x0  }
0xa4: {  	[sflag:s23] =	ssyncadd.s32 $0xFFFFFFFF  }
0xa5: {  	s5 =	sld [smem:$0x0]  }
0xa6: {  	s6 =	sand.u32 $0xFFFFFFFE, s1  }
0xa7: {  	p0 =	sne.s32 s1, s6  }
0xa8: {  	s6 =	sshll.u32 @p0 s6, $0xE  }
0xa9: {  	s6 =	sadd.s32 @p0 $0x11B8D, s6;
	s7 =	sshll.u32 @p0 s5, $0x11  }
0xaa: {  	s6 =	sor.u32 @p0 s7, s6  }
0xab: {  	[sflag:s6] =	ssyncadd.remote.s32 @p0 $0x1;
	_ =	sdelay $0x1  }
0xac: {  	s6 =	simm.s32 @p0 $0x1B8D  }
0xad: {  	_ =	swait.eq @p0 [sflag:s6], $0x1  }
0xae: {  	[sflag:s6] =	ssyncadd.s32 @p0 $0xFFFFFFFF  }
0xaf: {  	s7 =	sshll.u32 @!p0 s1, $0xE  }
0xb0: {  	s7 =	sor.u32 @!p0 $0x4000, s7;
	s6 =	simm.s32 @!p0 $0x1B8D  }
0xb1: {  	s5 =	sshll.u32 @!p0 s5, $0x11;
	s7 =	sadd.s32 @!p0 $0x11B8D, s7;
	_ =	swait.eq @!p0 [sflag:s6], $0x1  }
0xb2: {  	s5 =	sor.u32 @!p0 s5, s7;
	[sflag:s6] =	ssyncadd.s32 @!p0 $0xFFFFFFFF  }
0xb3: {  	s25 =	simm.s32 $0x1B8E;
	s24 =	sld [smem:$0x3FFE];
	[sflag:s5] =	ssyncadd.remote.s32 @!p0 $0x1  }
0xb4: {  	s26 =	simm.s32 $execute0_lowered;
	[smem:$0x3FD2] =	sst s25  }
0xb5: {  	s6 =	sshll.u32 s26, $0x1;
	_ =	strace $0x80000058;
	[dreg:$0x1] =	wrdreg $0xFFFFFFFF  }
0xb6: {  	s28 =	simm.s32 $_size_execute0_lowered;
	s4 =	sadd.s32 s4, s6;
	[dreg:$0x0] =	wrdreg $0x0  }
0xb7: {  	s6 =	sshll.u32 s28, $0x1;
	[dreg:$0x2] =	wrdreg s4  }
0xb8: {  	[dreg:$0x3] =	wrdreg s6  }
0xb9: {  	[dreg:$0x4] =	wrdreg $0xC0  }
0xba: {  	_ =	task [dreg:s22], $0x5FFFF  }
0xbb: {  	[dreg:$0x1] =	wrdreg $0xFFFFFFFF  }
0xbc: {  	[dreg:$0x0] =	wrdreg $0x60  }
0xbd: {  	[dreg:$0x2] =	wrdreg s24  }
0xbe: {  	[dreg:$0x3] =	wrdreg s18  }
0xbf: {  	[dreg:$0x4] =	wrdreg $0xB  }
0xc0: {  	_ =	task.clear_ibuf [dreg:s22], $0x5FFFF;
	_ =	strace $0x90000058  }
0xc1: {  	s29 =	simm.s32 $0xB;
	_ =	strace $0x8000005A  }
0xc2: {  	_ =	swait.ge [sflag:s29], $0x1  }
0xc3: {  	[sflag:s29] =	ssyncadd.s32 $0xFFFFFFFF  }
0xc4: {  	_ =	strace $0x9000005A  }
0xc5: {  	_ =	sfence  }
0xc6: {  	s30 =	sld [smem:$0x0];
	_ =	sdelay $0x2  }
0xc7: {  	s31 =	sshll.u32 s1, $0xD;
	s1 =	sshrl.u32 s1, $0x2  }
0xc8: {  	s4 =	sand.u32 $0x4000, s31;
	s1 =	sadd.s32 s1, s30  }
0xc9: {  	s0 =	sor.u32 s4, s0;
	s1 =	sshll.u32 s1, $0x11  }
0xca: {  	s0 =	sor.u32 s1, s0  }
0xcb: {  	s0 =	sadd.s32 $0x8F2B, s0  }
0xcc: {  	[sflag:s0] =	ssyncadd.remote.s32 $0x1  }
0xcd: {  	_ =	sfence.sel $0xFFFF  }
0xce: {  	[dreg:$0x0] =	wrdreg $0xFFFFFFFF;
	(pc) =	sbr.abs _section_cstart, $3  }
0xcf: {  	[dreg:$0x1] =	wrdreg $0xFFFFFFFF  }
0xd0: {  	_ =	task.clear_ibuf [dreg:s22], $0x2FFFF;
	_ =	strace $0x9FFFFFFF  }
0xd1: {  	(tm) =	ssettm $0x7FFFFFFF  }
tec
execute0_lowered:
.L_overlay_start_1:
0x0: {  	(tag) =	ssettag $0x1  }
0x1: {  	s4 =	rddreg [dreg:$0x0]  }
0x2: {  	s5 =	rddreg [dreg:$0x1]  }
0x3: {  	s0 =	rddreg [dreg:$0x2];
	s3 =	srdreg.scid  }
0x4: {  	s2 =	simm.s32 $0x0;
	s1 =	stileid.u32;
	s10 =	simm.s32 $0x1080  }
0x5: {  	s11 =	simm.s32 $0x1880;
	s12 =	simm.s32 $0x1;
	s3 =	sand.u32 $0x1, s3  }
0x6: {  	[smem:$0x7FF] =	sst s2;
	s6 =	sshll.u32 s1, $0x6;
	s7 =	sshll.u32 s3, $0x5  }
0x7: {  	_ =	strace $0x80000059;
	s30 =	ssub.s32 $0x2, s3;
	s6 =	sor.u32 s7, s6  }
0x8: {  	s3 =	sadd.s32 $0x14800, s4;
	s9 =	sshrl.u32 s30, $0x1;
	s8 =	sshll.u32 s6, $0x5  }
0x9: {  	v2 =	vlaneseq.u32;
	s7 =	ssub.s32 s30, s9;
	s31 =	sshrl.u32 s6, $0x3;
	s9 =	simm.s32 $0x880  }
0xa: {  	vm0 =	vmmov $0xffff;
	v1 =	vshrl.u32 v2, $0x3;
	s8 =	sadd.s32 s8, s4;
	s4 =	sadd.s32 s5, s31;
	s6 =	smax.u32 s7, $0x1  }
0xb: {  	v0 =	vand.u32 $0x7, v2;
	v2 =	vor.u32 $0x8, v2;
	v1 =	vmul.u32 $0x8, v1;
	s7 =	simm.s32 $0x2;
	s5 =	sadd.s32 $0xA4800, s8;
	s8 =	simm.s32 $0x80  }
.LBB2_1:
0xc: {  	[tilespmem:s2], [sflag:$0x2] =	stream.linear.gather [hbm4b:s4+s2], $0x20, $0x38;
	[tilespmem:$0x2080] =	vst v63  }
0xd: {  	_ =	swait.ge [sflag:s7], $0x20  }
0xe: {  	[sflag:s7] =	ssyncset.done $0x0  }
0xf: {  	[sflag:s7] =	ssyncadd.s32 $0xFFFFFFE0  }
0x10: {  	v3 =	vld [tilespmem:$0x0];
	_ =	sdelay $0x4  }
0x11: {  	v4 =	vshll.u32 v3, $0x1  }
0x12: {  	v3 =	vand.u32 $0x7, v3;
	v4 =	vand.u32 $0xFFFFFFF0, v4  }
0x13: {  	v3 =	vor.u32 v3, v4  }
0x14: {  	v4 =	vperm.xlane v3, v0;
	_ =	sdelay $0x1  }
0x15: {  	v3 =	vperm.xlane v3, v2;
	v4 =	vadd.s32 v1, v4;
	_ =	sdelay $0x1  }
0x16: {  	v3 =	vadd.s32 v1, v3;
	_ =	sdelay $0x2  }
0x17: {  	[tilespmem:s8], [sflag:$0x1] =	stream.indirect_vreg.gather [hbm4b:s3+s2], $0x80, v4, vm0, $0xb8;
	[tilespmem:$0x2080] =	vst v63  }
0x18: {  	_ = 	snop  }
0x19: {  	[tilespmem:s9], [sflag:$0x1] =	stream.indirect_vreg.gather [hbm4b:s3+s2], $0x80, v3, vm0, $0xb8;
	[tilespmem:$0x2080] =	vst v63  }
0x1a: {  	v3 =	vld [tilespmem:$0x10];
	_ =	sdelay $0x4  }
0x1b: {  	v63 =	vshll.u32 v3, $0x1  }
0x1c: {  	v3 =	vand.u32 $0x7, v3;
	v4 =	vand.u32 $0xFFFFFFF0, v63  }
0x1d: {  	v3 =	vor.u32 v3, v4  }
0x1e: {  	v4 =	vperm.xlane v3, v0;
	_ =	sdelay $0x1  }
0x1f: {  	v3 =	vperm.xlane v3, v2;
	v4 =	vadd.s32 v1, v4;
	_ =	sdelay $0x1  }
0x20: {  	v3 =	vadd.s32 v1, v3;
	_ =	sdelay $0x2  }
0x21: {  	[tilespmem:s10], [sflag:$0x1] =	stream.indirect_vreg.gather [hbm4b:s3+s2], $0x80, v4, vm0, $0xb8;
	[tilespmem:$0x2080] =	vst v63  }
0x22: {  	_ = 	snop  }
0x23: {  	[tilespmem:s11], [sflag:$0x1] =	stream.indirect_vreg.gather [hbm4b:s3+s2], $0x80, v3, vm0, $0xb8;
	[tilespmem:$0x2080] =	vst v63  }
0x24: {  	_ =	swait.ge [sflag:s12], $0x2000  }
0x25: {  	p0 =	sne.s32 s6, $0x1;
	[sflag:s12] =	ssyncset.done $0x0  }
.Ltmp0:
0x26: {  	[sflag:s12] =	ssyncadd.s32 $0xFFFFE000;
	(pc) =	sbr.rel @p0 .LBB2_1-.Ltmp0, $4  }
0x27: {  	[hbm4b:s5+s2] =	stream.linear.scatter [tilespmem:s8], [sflag:$0x2], $0x2000, $0x38;
	[tilespmem:$0x2080] =	vst v63  }
0x28: {  	_ =	swait.ge [sflag:s7], $0x2000  }
0x29: {  	[sflag:s7] =	ssyncset.done $0x0  }
0x2a: {  	s6 =	sadd.s32 $0xFFFFFFFF, s6;
	[sflag:s7] =	ssyncadd.s32 $0xFFFFE000  }
0x2b: {  	_ =	sfence.sel $0x180000  }
0x2c: {  	[bflag:$0x0] =	sbarrier.arrive $0xFFFF  }
0x2d: {  	p0 =	sne.s32 s1, $0x0;
	_ =	strace $0x90000059  }
0x2e: {  	s0 =	sadd.s32 @!p0 $0x100000, s0;
	[bflag:$0x2] =	sbarrier.arrive $0xFFFF  }
0x2f: {  	[sflag:s0] =	ssyncadd.tile.s32 @!p0 $0x1;
	_ =	shalt  }
.Lfunc_end2:
_tile_overlayer_lowered:
.L_overlay_start_2:
0x30: {  	(tag) =	ssettag $0x2  }
0x31: {  	s0 =	rddreg [dreg:$0x0];
	s2 =	stileid.u32  }
0x32: {  	s1 =	rddreg [dreg:$0x1];
	p0 =	sne.s32 s2, $0x0  }
0x33: {  	s3 =	rddreg [dreg:$0x2];
	[bflag:$0x3] =	sbarrier.arrive $0xFFFF;
	s2 =	simm.s32 @!p0 $0x1C02  }
0x34: {  	[timem:s3], [sflag:s2] =	dma.local @!p0 [hbm:s0], s1  }
0x35: {  	s0 =	simm.s32 @!p0 $0x2  }
0x36: {  	_ =	swait.ge @!p0 [sflag:s0], s1  }
0x37: {  	s1 =	ssub.s32 @!p0 $0x0, s1;
	[sflag:s0] =	ssyncset.done @!p0 $0x0  }
0x38: {  	[sflag:s0] =	ssyncadd.s32 @!p0 s1  }
0x39: {  	[bflag:$0x3] =	sbarrier.arrive $0xFFFF  }
0x3a: {  	_ =	shalt  }

// kernel: kernel.47.cloned.1.call-start
scs
__scs_entry_jumppad:
0x0: {  	(pc) =	sbr.rel $0x88, $3  }
0x1: {  	(tag) =	ssettag $0x0;
	lr =	simm.s32 $0x1  }
0x2: {  	[smem:$0x3F88] =	sst lr;
	_ =	strace $0xD0000000  }
0x3: {  	_ = 	snop  }
0x4: {  	_ = 	snop  }
0x5: {  	_ = 	snop  }
0x6: {  	_ = 	snop  }
0x7: {  	_ = 	snop  }
__scs_overlays_trampoline_lowered:
0x8: {  	[smem:$0x3F97] =	sst s0  }
0x9: {  	[smem:$0x3F98] =	sst s1  }
0xa: {  	[smem:$0x3F99] =	sst s2  }
0xb: {  	[smem:$0x3F9A] =	sst s3  }
0xc: {  	[smem:$0x3F9B] =	sst s4  }
0xd: {  	[smem:$0x3F9C] =	sst s5  }
0xe: {  	[smem:$0x3F9D] =	sst s6  }
0xf: {  	[smem:$0x3F9E] =	sst s7  }
0x10: {  	[smem:$0x3F9F] =	sst s8  }
0x11: {  	[smem:$0x3FA0] =	sst s9;
	s0 =	simm.s32 @!p0 $0x0  }
0x12: {  	s1 =	sld [smem:$0x3F86];
	s0 =	simm.s32 @p0 $0x1  }
0x13: {  	[smem:$0x3FA1] =	sst s0;
	s0 =	simm.s32 @!p1 $0x0  }
0x14: {  	s2 =	sld [smem:$0x3F85];
	s0 =	simm.s32 @p1 $0x1  }
0x15: {  	[smem:$0x3FA2] =	sst s0;
	s0 =	simm.s32 @!p2 $0x0  }
0x16: {  	s3 =	sld [smem:$0x3FDB];
	s0 =	simm.s32 @p2 $0x1  }
0x17: {  	s4 =	simm.s32 $0x1BF5;
	[smem:$0x3FA4] =	sst s0  }
0x18: {  	s0 =	sld [smem:$0x3F87];
	_ =	swait.ge [sflag:s4], $0x0  }
0x19: {  	s7 =	sld [smem:$0x3F88]  }
0x1a: {  	s8 =	sadd.s32 $0xFFFFE003, lr  }
0x1b: {  	s9 =	sadd.s32 $0xFFFFFEF7, lr;
	s5 =	simm.s32 $0xFFFFFFFF;
	p2 =	slt.u32 s8, $0xFFFFF086  }
0x1c: {  	p1 =	slt.u32 s9, $0xF7A;
	s5 =	simm.s32 @!p2 $0x0  }
0x1d: {  	s5 =	simm.s32 @p1 $0x1;
	p0 =	seq.s32 s7, s2  }
0x1e: {  	s7 =	smul.u32 @!p0 $0xF7A, s2;
	p2 =	seq.s32 @!p0 s5, $0x0  }
0x1f: {  	s9 =	smul.u32 $0xF7A, s1;
	s8 =	simm.s32 @!p0 $0x1BF5;
	p2 =	por !p2, p0  }
0x20: {  	[sflag:s8] =	ssyncset.s32 @!p0 $0xFFFFF086;
	s6 =	sadd.s32 @!p0 s3, s7;
	s7 =	simm.s32 @!p0 $0x108  }
0x21: {  	s3 =	sadd.s32 s3, s9;
	s6 =	sadd.s32 @!p0 $0x88, s6;
	s7 =	simm.s32 @p2 $0x1082  }
0x22: {  	[simem:s7], [sflag:s8] =	dma.local @!p0 [hbm:s6], $0xF7A  }
0x23: {  	s9 =	sor.u32 $0xD0000000, s2;
	s6 =	simm.s32 $0x108;
	_ =	swait.ge @!p0 [sflag:s8], $0x0  }
0x24: {  	s3 =	sadd.s32 $0x88, s3;
	s6 =	simm.s32 @!p1 $0x1082;
	[sflag:s4] =	ssyncset.s32 $0xFFFFF086  }
0x25: {  	[simem:s6], [sflag:s4] =	dma.local [hbm:s3], $0xF7A  }
0x26: {  	[smem:$0x3F88] =	sst s1;
	(tag) =	ssettag s2;
	_ =	strace s9  }
0x27: {  	s1 =	sld [smem:$0x3F98]  }
0x28: {  	s2 =	sld [smem:$0x3F99]  }
0x29: {  	s4 =	sld [smem:$0x3F9B]  }
0x2a: {  	p0 =	seq.s32 s5, $0x0;
	s5 =	sld [smem:$0x3F9C]  }
0x2b: {  	s6 =	sld [smem:$0x3F9D]  }
0x2c: {  	s7 =	sld [smem:$0x3F9E]  }
0x2d: {  	s3 =	simm.s32 $0x108;
	s8 =	sld [smem:$0x3F9F]  }
0x2e: {  	s3 =	simm.s32 @!p0 $0x1082;
	s9 =	sld [smem:$0x3FA0]  }
0x2f: {  	lr =	sadd.s32 s0, s3;
	s0 =	sld [smem:$0x3F97]  }
0x30: {  	s3 =	sld [smem:$0x3F9A]  }
0x31: {  	[smem:$0x3FA3] =	sst s10  }
0x32: {  	s10 =	sld [smem:$0x3FA1];
	_ =	sdelay $0x3  }
0x33: {  	p0 =	seq.s32 s10, $0x1;
	s10 =	sld [smem:$0x3FA3];
	_ =	sdelay $0x3  }
0x34: {  	[smem:$0x3FA3] =	sst s10  }
0x35: {  	s10 =	sld [smem:$0x3FA2];
	_ =	sdelay $0x3  }
0x36: {  	p1 =	seq.s32 s10, $0x1;
	s10 =	sld [smem:$0x3FA3];
	_ =	sdelay $0x3  }
0x37: {  	[smem:$0x3FA3] =	sst s10  }
0x38: {  	s10 =	sld [smem:$0x3FA4]  }
0x39: {  	_ = 	snop;
	(pc) =	sbr.ind lr, $3  }
0x3a: {  	_ = 	snop  }
0x3b: {  	_ = 	snop  }
0x3c: {  	p2 =	seq.s32 s10, $0x1;
	s10 =	sld [smem:$0x3FA3]  }
0x3d: {  	_ =	shalt  }
0x3e: {  	_ =	shalt  }
0x3f: {  	_ =	shalt  }
0x40: {  	_ =	shalt  }
0x41: {  	_ =	shalt  }
0x42: {  	_ =	shalt  }
0x43: {  	_ =	shalt  }
0x44: {  	_ =	shalt  }
0x45: {  	_ =	shalt  }
0x46: {  	_ =	shalt  }
0x47: {  	_ =	shalt  }
0x48: {  	_ =	shalt  }
0x49: {  	_ =	shalt  }
0x4a: {  	_ =	shalt  }
0x4b: {  	_ =	shalt  }
0x4c: {  	_ =	shalt  }
0x4d: {  	_ =	shalt  }
0x4e: {  	_ =	shalt  }
0x4f: {  	_ =	shalt  }
0x50: {  	_ =	shalt  }
0x51: {  	_ =	shalt  }
0x52: {  	_ =	shalt  }
0x53: {  	_ =	shalt  }
0x54: {  	_ =	shalt  }
0x55: {  	_ =	shalt  }
0x56: {  	_ =	shalt  }
0x57: {  	_ =	shalt  }
0x58: {  	_ =	shalt  }
0x59: {  	_ =	shalt  }
0x5a: {  	_ =	shalt  }
0x5b: {  	_ =	shalt  }
0x5c: {  	_ =	shalt  }
0x5d: {  	_ =	shalt  }
0x5e: {  	_ =	shalt  }
0x5f: {  	_ =	shalt  }
0x60: {  	_ =	shalt  }
0x61: {  	_ =	shalt  }
0x62: {  	_ =	shalt  }
0x63: {  	_ =	shalt  }
0x64: {  	_ =	shalt  }
0x65: {  	_ =	shalt  }
0x66: {  	_ =	shalt  }
0x67: {  	_ =	shalt  }
0x68: {  	_ =	shalt  }
0x69: {  	_ =	shalt  }
0x6a: {  	_ =	shalt  }
0x6b: {  	_ =	shalt  }
0x6c: {  	_ =	shalt  }
0x6d: {  	_ =	shalt  }
0x6e: {  	_ =	shalt  }
0x6f: {  	_ =	shalt  }
0x70: {  	_ =	shalt  }
0x71: {  	_ =	shalt  }
0x72: {  	_ =	shalt  }
0x73: {  	_ =	shalt  }
0x74: {  	_ =	shalt  }
0x75: {  	_ =	shalt  }
0x76: {  	_ =	shalt  }
0x77: {  	_ =	shalt  }
0x78: {  	_ =	shalt  }
0x79: {  	_ =	shalt  }
0x7a: {  	_ =	shalt  }
0x7b: {  	_ =	shalt  }
0x7c: {  	_ =	shalt  }
0x7d: {  	_ =	shalt  }
0x7e: {  	_ =	shalt  }
0x7f: {  	_ =	shalt  }
0x80: {  	_ =	shalt  }
0x81: {  	_ =	shalt  }
0x82: {  	_ =	shalt  }
0x83: {  	_ =	shalt  }
0x84: {  	_ =	shalt  }
0x85: {  	_ =	shalt  }
0x86: {  	_ =	shalt  }
0x87: {  	_ =	shalt  }
.Lfunc_end0:
.L_simem_size_0:
called_computation.7_lowered:
.L_overlay_start_0:
0x88: {  	s2 =	sld [smem:$0x3FD9]  }
0x89: {  	s3 =	sld [smem:$0x3FFE];
	_ =	sdelay $0x1  }
0x8a: {  	s1 =	srdreg.scid  }
0x8b: {  	s0 =	sand.u32 $0x1, s1  }
0x8c: {  	s17 =	sshll.u32 s0, $0xA;
	s2 =	sadd.s32 s3, s2  }
0x8d: {  	s2 =	sadd.s32 s2, s17  }
0x8e: {  	[smem:$0x3FAF] =	sst s2  }
0x8f: {  	_ = 	snop  }
0x90: {  	(tm) =	ssettm $0x1  }
0x91: {  	s18 =	sld [smem:$0x3FFB];
	_ =	sdelay $0x3  }
0x92: {  	_ =	strace s18  }
0x93: {  	s2 =	sld [smem:$0x3FFC];
	_ =	sdelay $0x3  }
0x94: {  	_ =	strace s2  }
0x95: {  	s2 =	sld [smem:$0x3FFD];
	_ =	sdelay $0x3  }
0x96: {  	_ =	strace s2  }
0x97: {  	_ =	strace $0x8FFFFFFF  }
0x98: {  	s19 =	sld [smem:$0x3FDB];
	_ =	sdelay $0x1  }
0x99: {  	s20 =	simm.s32 $_scs_section_size  }
0x9a: {  	s4 =	simm.s32 $_size__tile_overlayer_lowered;
	s5 =	simm.s32 $_tile_overlayer_lowered  }
0x9b: {  	s6 =	simm.s32 $0x1BFF;
	s21 =	sshll.u32 s5, $0x1;
	s3 =	sadd.s32 s20, s19  }
0x9c: {  	s22 =	simm.s32 $0x0;
	s4 =	sshll.u32 s4, $0x1;
	s5 =	sadd.s32 s21, s3  }
0x9d: {  	[timem:s22], [sflag:s6] =	dma.local [hbm:s5], s4  }
0x9e: {  	_ =	swait.ge [sflag:s6], s4  }
0x9f: {  	s4 =	ssub.s32 $0x0, s4;
	[sflag:s6] =	ssyncset.done $0x0  }
0xa0: {  	[sflag:s6] =	ssyncadd.s32 s4;
	_ =	sdelay $0x1  }
0xa1: {  	s23 =	simm.s32 $0x1B8B  }
0xa2: {  	_ =	swait.ge [sflag:s23], $0x1  }
0xa3: {  	[sflag:s23] =	ssyncset.done $0x0  }
0xa4: {  	[sflag:s23] =	ssyncadd.s32 $0xFFFFFFFF  }
0xa5: {  	s4 =	sld [smem:$0x0]  }
0xa6: {  	s5 =	sand.u32 $0xFFFFFFFE, s1  }
0xa7: {  	p0 =	sne.s32 s1, s5  }
0xa8: {  	s5 =	sshll.u32 @p0 s5, $0xE  }
0xa9: {  	s5 =	sadd.s32 @p0 $0x11B8D, s5;
	s6 =	sshll.u32 @p0 s4, $0x11  }
0xaa: {  	s5 =	sor.u32 @p0 s6, s5  }
0xab: {  	[sflag:s5] =	ssyncadd.remote.s32 @p0 $0x1;
	_ =	sdelay $0x1  }
0xac: {  	s5 =	simm.s32 @p0 $0x1B8D  }
0xad: {  	_ =	swait.eq @p0 [sflag:s5], $0x1  }
0xae: {  	[sflag:s5] =	ssyncadd.s32 @p0 $0xFFFFFFFF  }
0xaf: {  	s6 =	sshll.u32 @!p0 s1, $0xE  }
0xb0: {  	s6 =	sor.u32 @!p0 $0x4000, s6;
	s5 =	simm.s32 @!p0 $0x1B8D  }
0xb1: {  	s4 =	sshll.u32 @!p0 s4, $0x11;
	s6 =	sadd.s32 @!p0 $0x11B8D, s6;
	_ =	swait.eq @!p0 [sflag:s5], $0x1  }
0xb2: {  	s4 =	sor.u32 @!p0 s4, s6;
	[sflag:s5] =	ssyncadd.s32 @!p0 $0xFFFFFFFF  }
0xb3: {  	s25 =	simm.s32 $0x1B8E;
	s24 =	sld [smem:$0x3FFE];
	[sflag:s4] =	ssyncadd.remote.s32 @!p0 $0x1  }
0xb4: {  	s26 =	simm.s32 $execute0_lowered;
	[smem:$0x3FD2] =	sst s25  }
0xb5: {  	s5 =	sshll.u32 s26, $0x1;
	_ =	strace $0x8000005E;
	[dreg:$0x1] =	wrdreg $0xFFFFFFFF  }
0xb6: {  	s28 =	simm.s32 $_size_execute0_lowered;
	s3 =	sadd.s32 s3, s5;
	[dreg:$0x0] =	wrdreg $0x0  }
0xb7: {  	s5 =	sshll.u32 s28, $0x1;
	[dreg:$0x2] =	wrdreg s3  }
0xb8: {  	[dreg:$0x3] =	wrdreg s5  }
0xb9: {  	[dreg:$0x4] =	wrdreg $0xC0  }
0xba: {  	_ =	task [dreg:s22], $0x5FFFF  }
0xbb: {  	[dreg:$0x1] =	wrdreg $0xFFFFFFFF  }
0xbc: {  	[dreg:$0x0] =	wrdreg $0x60  }
0xbd: {  	[dreg:$0x2] =	wrdreg s24  }
0xbe: {  	[dreg:$0x3] =	wrdreg $0x9  }
0xbf: {  	_ =	task.clear_ibuf [dreg:s22], $0x4FFFF;
	_ =	strace $0x9000005E  }
0xc0: {  	s29 =	simm.s32 $0x9;
	_ =	strace $0x80000060  }
0xc1: {  	_ =	swait.ge [sflag:s29], $0x1  }
0xc2: {  	[sflag:s29] =	ssyncadd.s32 $0xFFFFFFFF  }
0xc3: {  	_ =	strace $0x90000060  }
0xc4: {  	_ =	sfence  }
0xc5: {  	s30 =	sld [smem:$0x0];
	_ =	sdelay $0x2  }
0xc6: {  	s31 =	sshll.u32 s1, $0xD;
	s1 =	sshrl.u32 s1, $0x2  }
0xc7: {  	s4 =	sand.u32 $0x4000, s31;
	s1 =	sadd.s32 s1, s30  }
0xc8: {  	s0 =	sor.u32 s4, s0;
	s1 =	sshll.u32 s1, $0x11  }
0xc9: {  	s0 =	sor.u32 s1, s0  }
0xca: {  	s0 =	sadd.s32 $0x8F2B, s0  }
0xcb: {  	[sflag:s0] =	ssyncadd.remote.s32 $0x1  }
0xcc: {  	_ =	sfence.sel $0xFFFF  }
0xcd: {  	[dreg:$0x0] =	wrdreg $0xFFFFFFFF;
	(pc) =	sbr.abs _section_cstart, $3  }
0xce: {  	[dreg:$0x1] =	wrdreg $0xFFFFFFFF  }
0xcf: {  	_ =	task.clear_ibuf [dreg:s22], $0x2FFFF;
	_ =	strace $0x9FFFFFFF  }
0xd0: {  	(tm) =	ssettm $0x7FFFFFFF  }
0xd1: {  	_ =	shalt  }
tec
execute0_lowered:
.L_overlay_start_1:
0x0: {  	(tag) =	ssettag $0x1  }
0x1: {  	s1 =	srdreg.scid  }
0x2: {  	s0 =	stileid.u32;
	s16 =	sand.u32 $0x1, s1  }
0x3: {  	s30 =	sshll.u32 s0, $0x5;
	s2 =	sshll.u32 s16, $0x4  }
0x4: {  	s18 =	rddreg [dreg:$0x0];
	s19 =	sor.u32 s2, s30  }
0x5: {  	s1 =	rddreg [dreg:$0x1];
	s2 =	simm.s32 $0x0;
	s3 =	sshrl.u32 s19, $0x3  }
0x6: {  	[smem:$0x7FF] =	sst s2;
	s3 =	sadd.s32 s3, s18  }
0x7: {  	_ =	strace $0x8000005F;
	s4 =	sadd.s32 $0x840000, s3;
	s3 =	simm.s32 $0x2  }
0x8: {  	[tilespmem:s2], [sflag:$0x2] =	stream.linear.gather [hbm4b:s4+s2], $0x10, $0x38;
	[tilespmem:$0x4080] =	vst v63  }
0x9: {  	_ =	swait.ge [sflag:s3], $0x10  }
0xa: {  	[sflag:s3] =	ssyncset.done $0x0  }
0xb: {  	[sflag:s3] =	ssyncadd.s32 $0xFFFFFFF0  }
0xc: {  	v0 =	vld [tilespmem:$0x0];
	_ =	sdelay $0x4  }
0xd: {  	v1 =	vshll.u32 v0, $0x3  }
0xe: {  	v2 =	vlaneseq.u32;
	v3 =	vand.u32 $0x7, v0;
	v1 =	vand.u32 $0xFFFFFFC0, v1  }
0xf: {  	v4 =	vshrl.u32 v2, $0x3;
	v0 =	vand.u32 $0x7, v2;
	v3 =	vor.u32 v3, v1  }
0x10: {  	v1 =	vmul.u32 $0x8, v4;
	v63 =	vperm.xlane v3, v0;
	_ =	sdelay $0x1  }
0x11: {  	v4 =	vadd.s32 v1, v63;
	_ =	sdelay $0x3  }
0x12: {  	vm0 =	vmmov $0xffff;
	s6 =	simm.s32 $0x80;
	s5 =	sadd.s32 $0x24800, s18  }
0x13: {  	v2 =	vor.u32 $0x8, v2;
	[tilespmem:s6], [sflag:$0x1] =	stream.indirect_vreg.gather [hbm4b:s5+s2], $0x80, v4, vm0, $0xb8;
	[tilespmem:$0x4080] =	vst v63  }
0x14: {  	s8 =	simm.s32 $0x880;
	s7 =	sadd.s32 $0x24900, s18;
	v3 =	vperm.xlane v3, v2  }
0x15: {  	[tilespmem:s8], [sflag:$0x1] =	stream.indirect_vreg.gather [hbm4b:s7+s2], $0x80, v4, vm0, $0xb8;
	[tilespmem:$0x4080] =	vst v63  }
0x16: {  	s10 =	simm.s32 $0x1080;
	s9 =	sadd.s32 $0x24A00, s18;
	v3 =	vadd.s32 v1, v3  }
0x17: {  	[tilespmem:s10], [sflag:$0x1] =	stream.indirect_vreg.gather [hbm4b:s9+s2], $0x80, v4, vm0, $0xb8;
	[tilespmem:$0x4080] =	vst v63  }
0x18: {  	s12 =	simm.s32 $0x1880;
	s11 =	sadd.s32 $0x24B00, s18  }
0x19: {  	[tilespmem:s12], [sflag:$0x1] =	stream.indirect_vreg.gather [hbm4b:s11+s2], $0x80, v4, vm0, $0xb8;
	[tilespmem:$0x4080] =	vst v63  }
0x1a: {  	s13 =	simm.s32 $0x2080;
	s20 =	ssub.s32 $0x2, s16  }
0x1b: {  	[tilespmem:s13], [sflag:$0x1] =	stream.indirect_vreg.gather [hbm4b:s5+s2], $0x80, v3, vm0, $0xb8;
	[tilespmem:$0x4080] =	vst v63  }
0x1c: {  	s14 =	simm.s32 $0x2880;
	s15 =	simm.s32 $0x3080;
	s21 =	sshrl.u32 s20, $0x1  }
0x1d: {  	[tilespmem:s14], [sflag:$0x1] =	stream.indirect_vreg.gather [hbm4b:s7+s2], $0x80, v3, vm0, $0xb8;
	[tilespmem:$0x4080] =	vst v63  }
0x1e: {  	s17 =	simm.s32 $0x1;
	s19 =	sshll.u32 s19, $0x7;
	s31 =	ssub.s32 s20, s21  }
0x1f: {  	[tilespmem:s15], [sflag:$0x1] =	stream.indirect_vreg.gather [hbm4b:s9+s2], $0x80, v3, vm0, $0xb8;
	[tilespmem:$0x4080] =	vst v63  }
0x20: {  	s16 =	simm.s32 $0x3880;
	s18 =	sadd.s32 s19, s18;
	s19 =	smax.u32 s31, $0x1  }
0x21: {  	[tilespmem:s16], [sflag:$0x1] =	stream.indirect_vreg.gather [hbm4b:s11+s2], $0x80, v3, vm0, $0xb8;
	[tilespmem:$0x4080] =	vst v63  }
0x22: {  	p0 =	sne.s32 s19, $0x1;
	_ =	swait.ge [sflag:s17], $0x4000  }
.Ltmp0:
0x23: {  	[sflag:s17] =	ssyncset.done $0x0;
	(pc) =	sbr.rel @!p0 .LBB2_2-.Ltmp0, $4  }
0x24: {  	s18 =	sadd.s32 $0x850200, s18;
	[sflag:s17] =	ssyncadd.s32 $0xFFFFC000  }
0x25: {  	[hbm4b:s18+s2] =	stream.linear.scatter [tilespmem:s6], [sflag:$0x2], $0x4000, $0x38;
	[tilespmem:$0x4080] =	vst v63  }
0x26: {  	_ =	swait.ge [sflag:s3], $0x4000  }
0x27: {  	s19 =	sadd.s32 $0xFFFFFFFF, s19;
	[sflag:s3] =	ssyncset.done $0x0  }
.LBB2_1:
0x28: {  	p0 =	sne.s32 s19, $0x1;
	s19 =	sadd.s32 $0xFFFFFFFF, s19;
	[sflag:s3] =	ssyncadd.s32 $0xFFFFC000  }
0x29: {  	[tilespmem:s2], [sflag:$0x2] =	stream.linear.gather [hbm4b:s4+s2], $0x10, $0x38;
	[tilespmem:$0x4080] =	vst v63  }
0x2a: {  	_ =	swait.ge [sflag:s3], $0x10  }
0x2b: {  	[sflag:s3] =	ssyncset.done $0x0  }
0x2c: {  	[sflag:s3] =	ssyncadd.s32 $0xFFFFFFF0  }
0x2d: {  	v3 =	vld [tilespmem:$0x0];
	_ =	sdelay $0x4  }
0x2e: {  	v4 =	vshll.u32 v3, $0x3  }
0x2f: {  	v3 =	vand.u32 $0x7, v3;
	v4 =	vand.u32 $0xFFFFFFC0, v4  }
0x30: {  	v3 =	vor.u32 v3, v4  }
0x31: {  	v4 =	vperm.xlane v3, v0;
	v3 =	vperm.xlane v3, v2;
	_ =	sdelay $0x1  }
0x32: {  	v4 =	vadd.s32 v1, v4;
	_ =	sdelay $0x4  }
0x33: {  	[tilespmem:s6], [sflag:$0x1] =	stream.indirect_vreg.gather [hbm4b:s5+s2], $0x80, v4, vm0, $0xb8;
	[tilespmem:$0x4080] =	vst v63  }
0x34: {  	_ = 	snop  }
0x35: {  	[tilespmem:s8], [sflag:$0x1] =	stream.indirect_vreg.gather [hbm4b:s7+s2], $0x80, v4, vm0, $0xb8;
	[tilespmem:$0x4080] =	vst v63  }
0x36: {  	v3 =	vadd.s32 v1, v3  }
0x37: {  	[tilespmem:s10], [sflag:$0x1] =	stream.indirect_vreg.gather [hbm4b:s9+s2], $0x80, v4, vm0, $0xb8;
	[tilespmem:$0x4080] =	vst v63  }
0x38: {  	_ = 	snop  }
0x39: {  	[tilespmem:s12], [sflag:$0x1] =	stream.indirect_vreg.gather [hbm4b:s11+s2], $0x80, v4, vm0, $0xb8;
	[tilespmem:$0x4080] =	vst v63  }
0x3a: {  	_ = 	snop  }
0x3b: {  	[tilespmem:s13], [sflag:$0x1] =	stream.indirect_vreg.gather [hbm4b:s5+s2], $0x80, v3, vm0, $0xb8;
	[tilespmem:$0x4080] =	vst v63  }
0x3c: {  	_ = 	snop  }
0x3d: {  	[tilespmem:s14], [sflag:$0x1] =	stream.indirect_vreg.gather [hbm4b:s7+s2], $0x80, v3, vm0, $0xb8;
	[tilespmem:$0x4080] =	vst v63  }
0x3e: {  	_ = 	snop  }
0x3f: {  	[tilespmem:s15], [sflag:$0x1] =	stream.indirect_vreg.gather [hbm4b:s9+s2], $0x80, v3, vm0, $0xb8;
	[tilespmem:$0x4080] =	vst v63  }
0x40: {  	_ = 	snop  }
0x41: {  	[tilespmem:s16], [sflag:$0x1] =	stream.indirect_vreg.gather [hbm4b:s11+s2], $0x80, v3, vm0, $0xb8;
	[tilespmem:$0x4080] =	vst v63  }
0x42: {  	_ =	swait.ge [sflag:s17], $0x4000  }
.Ltmp1:
0x43: {  	[sflag:s17] =	ssyncset.done $0x0;
	(pc) =	sbr.rel @p0 .LBB2_1-.Ltmp1, $4  }
0x44: {  	[sflag:s17] =	ssyncadd.s32 $0xFFFFC000  }
0x45: {  	[hbm4b:s18+s2] =	stream.linear.scatter [tilespmem:s6], [sflag:$0x2], $0x4000, $0x38;
	[tilespmem:$0x4080] =	vst v63  }
0x46: {  	_ =	swait.ge [sflag:s3], $0x4000  }
0x47: {  	[sflag:s3] =	ssyncset.done $0x0  }
.LBB2_2:
0x48: {  	[sflag:s3] =	ssyncadd.s32 $0xFFFFC000  }
0x49: {  	_ =	sfence.sel $0x180000  }
0x4a: {  	[bflag:$0x0] =	sbarrier.arrive $0xFFFF  }
0x4b: {  	p0 =	sne.s32 s0, $0x0;
	_ =	strace $0x9000005F  }
0x4c: {  	s0 =	sadd.s32 @!p0 $0x100000, s1;
	[bflag:$0x2] =	sbarrier.arrive $0xFFFF  }
0x4d: {  	[sflag:s0] =	ssyncadd.tile.s32 @!p0 $0x1;
	_ =	shalt  }
.Lfunc_end2:
_tile_overlayer_lowered:
.L_overlay_start_2:
0x4e: {  	(tag) =	ssettag $0x2  }
0x4f: {  	s0 =	rddreg [dreg:$0x0];
	s2 =	stileid.u32  }
0x50: {  	s1 =	rddreg [dreg:$0x1];
	p0 =	sne.s32 s2, $0x0  }
0x51: {  	s3 =	rddreg [dreg:$0x2];
	[bflag:$0x3] =	sbarrier.arrive $0xFFFF;
	s2 =	simm.s32 @!p0 $0x1C02  }
0x52: {  	[timem:s3], [sflag:s2] =	dma.local @!p0 [hbm:s0], s1  }
0x53: {  	s0 =	simm.s32 @!p0 $0x2  }
0x54: {  	_ =	swait.ge @!p0 [sflag:s0], s1  }
0x55: {  	s1 =	ssub.s32 @!p0 $0x0, s1;
	[sflag:s0] =	ssyncset.done @!p0 $0x0  }
0x56: {  	[sflag:s0] =	ssyncadd.s32 @!p0 s1  }
0x57: {  	[bflag:$0x3] =	sbarrier.arrive $0xFFFF  }
0x58: {  	_ =	shalt  }

// kernel: kernel.50.cloned.1.call-start
scs
__scs_entry_jumppad:
0x0: {  	(pc) =	sbr.rel $0x88, $3  }
0x1: {  	(tag) =	ssettag $0x0;
	lr =	simm.s32 $0x1  }
0x2: {  	[smem:$0x3F88] =	sst lr;
	_ =	strace $0xD0000000  }
0x3: {  	_ = 	snop  }
0x4: {  	_ = 	snop  }
0x5: {  	_ = 	snop  }
0x6: {  	_ = 	snop  }
0x7: {  	_ = 	snop  }
__scs_overlays_trampoline_lowered:
0x8: {  	[smem:$0x3F97] =	sst s0  }
0x9: {  	[smem:$0x3F98] =	sst s1  }
0xa: {  	[smem:$0x3F99] =	sst s2  }
0xb: {  	[smem:$0x3F9A] =	sst s3  }
0xc: {  	[smem:$0x3F9B] =	sst s4  }
0xd: {  	[smem:$0x3F9C] =	sst s5  }
0xe: {  	[smem:$0x3F9D] =	sst s6  }
0xf: {  	[smem:$0x3F9E] =	sst s7  }
0x10: {  	[smem:$0x3F9F] =	sst s8  }
0x11: {  	[smem:$0x3FA0] =	sst s9;
	s0 =	simm.s32 @!p0 $0x0  }
0x12: {  	s1 =	sld [smem:$0x3F86];
	s0 =	simm.s32 @p0 $0x1  }
0x13: {  	[smem:$0x3FA1] =	sst s0;
	s0 =	simm.s32 @!p1 $0x0  }
0x14: {  	s2 =	sld [smem:$0x3F85];
	s0 =	simm.s32 @p1 $0x1  }
0x15: {  	[smem:$0x3FA2] =	sst s0;
	s0 =	simm.s32 @!p2 $0x0  }
0x16: {  	s3 =	sld [smem:$0x3FDB];
	s0 =	simm.s32 @p2 $0x1  }
0x17: {  	s4 =	simm.s32 $0x1BF5;
	[smem:$0x3FA4] =	sst s0  }
0x18: {  	s0 =	sld [smem:$0x3F87];
	_ =	swait.ge [sflag:s4], $0x0  }
0x19: {  	s7 =	sld [smem:$0x3F88]  }
0x1a: {  	s8 =	sadd.s32 $0xFFFFE003, lr  }
0x1b: {  	s9 =	sadd.s32 $0xFFFFFEF7, lr;
	s5 =	simm.s32 $0xFFFFFFFF;
	p2 =	slt.u32 s8, $0xFFFFF086  }
0x1c: {  	p1 =	slt.u32 s9, $0xF7A;
	s5 =	simm.s32 @!p2 $0x0  }
0x1d: {  	s5 =	simm.s32 @p1 $0x1;
	p0 =	seq.s32 s7, s2  }
0x1e: {  	s7 =	smul.u32 @!p0 $0xF7A, s2;
	p2 =	seq.s32 @!p0 s5, $0x0  }
0x1f: {  	s9 =	smul.u32 $0xF7A, s1;
	s8 =	simm.s32 @!p0 $0x1BF5;
	p2 =	por !p2, p0  }
0x20: {  	[sflag:s8] =	ssyncset.s32 @!p0 $0xFFFFF086;
	s6 =	sadd.s32 @!p0 s3, s7;
	s7 =	simm.s32 @!p0 $0x108  }
0x21: {  	s3 =	sadd.s32 s3, s9;
	s6 =	sadd.s32 @!p0 $0x88, s6;
	s7 =	simm.s32 @p2 $0x1082  }
0x22: {  	[simem:s7], [sflag:s8] =	dma.local @!p0 [hbm:s6], $0xF7A  }
0x23: {  	s9 =	sor.u32 $0xD0000000, s2;
	s6 =	simm.s32 $0x108;
	_ =	swait.ge @!p0 [sflag:s8], $0x0  }
0x24: {  	s3 =	sadd.s32 $0x88, s3;
	s6 =	simm.s32 @!p1 $0x1082;
	[sflag:s4] =	ssyncset.s32 $0xFFFFF086  }
0x25: {  	[simem:s6], [sflag:s4] =	dma.local [hbm:s3], $0xF7A  }
0x26: {  	[smem:$0x3F88] =	sst s1;
	(tag) =	ssettag s2;
	_ =	strace s9  }
0x27: {  	s1 =	sld [smem:$0x3F98]  }
0x28: {  	s2 =	sld [smem:$0x3F99]  }
0x29: {  	s4 =	sld [smem:$0x3F9B]  }
0x2a: {  	p0 =	seq.s32 s5, $0x0;
	s5 =	sld [smem:$0x3F9C]  }
0x2b: {  	s6 =	sld [smem:$0x3F9D]  }
0x2c: {  	s7 =	sld [smem:$0x3F9E]  }
0x2d: {  	s3 =	simm.s32 $0x108;
	s8 =	sld [smem:$0x3F9F]  }
0x2e: {  	s3 =	simm.s32 @!p0 $0x1082;
	s9 =	sld [smem:$0x3FA0]  }
0x2f: {  	lr =	sadd.s32 s0, s3;
	s0 =	sld [smem:$0x3F97]  }
0x30: {  	s3 =	sld [smem:$0x3F9A]  }
0x31: {  	[smem:$0x3FA3] =	sst s10  }
0x32: {  	s10 =	sld [smem:$0x3FA1];
	_ =	sdelay $0x3  }
0x33: {  	p0 =	seq.s32 s10, $0x1;
	s10 =	sld [smem:$0x3FA3];
	_ =	sdelay $0x3  }
0x34: {  	[smem:$0x3FA3] =	sst s10  }
0x35: {  	s10 =	sld [smem:$0x3FA2];
	_ =	sdelay $0x3  }
0x36: {  	p1 =	seq.s32 s10, $0x1;
	s10 =	sld [smem:$0x3FA3];
	_ =	sdelay $0x3  }
0x37: {  	[smem:$0x3FA3] =	sst s10  }
0x38: {  	s10 =	sld [smem:$0x3FA4]  }
0x39: {  	_ = 	snop;
	(pc) =	sbr.ind lr, $3  }
0x3a: {  	_ = 	snop  }
0x3b: {  	_ = 	snop  }
0x3c: {  	p2 =	seq.s32 s10, $0x1;
	s10 =	sld [smem:$0x3FA3]  }
0x3d: {  	_ =	shalt  }
0x3e: {  	_ =	shalt  }
0x3f: {  	_ =	shalt  }
0x40: {  	_ =	shalt  }
0x41: {  	_ =	shalt  }
0x42: {  	_ =	shalt  }
0x43: {  	_ =	shalt  }
0x44: {  	_ =	shalt  }
0x45: {  	_ =	shalt  }
0x46: {  	_ =	shalt  }
0x47: {  	_ =	shalt  }
0x48: {  	_ =	shalt  }
0x49: {  	_ =	shalt  }
0x4a: {  	_ =	shalt  }
0x4b: {  	_ =	shalt  }
0x4c: {  	_ =	shalt  }
0x4d: {  	_ =	shalt  }
0x4e: {  	_ =	shalt  }
0x4f: {  	_ =	shalt  }
0x50: {  	_ =	shalt  }
0x51: {  	_ =	shalt  }
0x52: {  	_ =	shalt  }
0x53: {  	_ =	shalt  }
0x54: {  	_ =	shalt  }
0x55: {  	_ =	shalt  }
0x56: {  	_ =	shalt  }
0x57: {  	_ =	shalt  }
0x58: {  	_ =	shalt  }
0x59: {  	_ =	shalt  }
0x5a: {  	_ =	shalt  }
0x5b: {  	_ =	shalt  }
0x5c: {  	_ =	shalt  }
0x5d: {  	_ =	shalt  }
0x5e: {  	_ =	shalt  }
0x5f: {  	_ =	shalt  }
0x60: {  	_ =	shalt  }
0x61: {  	_ =	shalt  }
0x62: {  	_ =	shalt  }
0x63: {  	_ =	shalt  }
0x64: {  	_ =	shalt  }
0x65: {  	_ =	shalt  }
0x66: {  	_ =	shalt  }
0x67: {  	_ =	shalt  }
0x68: {  	_ =	shalt  }
0x69: {  	_ =	shalt  }
0x6a: {  	_ =	shalt  }
0x6b: {  	_ =	shalt  }
0x6c: {  	_ =	shalt  }
0x6d: {  	_ =	shalt  }
0x6e: {  	_ =	shalt  }
0x6f: {  	_ =	shalt  }
0x70: {  	_ =	shalt  }
0x71: {  	_ =	shalt  }
0x72: {  	_ =	shalt  }
0x73: {  	_ =	shalt  }
0x74: {  	_ =	shalt  }
0x75: {  	_ =	shalt  }
0x76: {  	_ =	shalt  }
0x77: {  	_ =	shalt  }
0x78: {  	_ =	shalt  }
0x79: {  	_ =	shalt  }
0x7a: {  	_ =	shalt  }
0x7b: {  	_ =	shalt  }
0x7c: {  	_ =	shalt  }
0x7d: {  	_ =	shalt  }
0x7e: {  	_ =	shalt  }
0x7f: {  	_ =	shalt  }
0x80: {  	_ =	shalt  }
0x81: {  	_ =	shalt  }
0x82: {  	_ =	shalt  }
0x83: {  	_ =	shalt  }
0x84: {  	_ =	shalt  }
0x85: {  	_ =	shalt  }
0x86: {  	_ =	shalt  }
0x87: {  	_ =	shalt  }
.Lfunc_end0:
.L_simem_size_0:
called_computation.8_lowered:
.L_overlay_start_0:
0x88: {  	s2 =	sld [smem:$0x3FD9]  }
0x89: {  	s3 =	sld [smem:$0x3FFE];
	_ =	sdelay $0x1  }
0x8a: {  	s1 =	srdreg.scid  }
0x8b: {  	s0 =	sand.u32 $0x1, s1  }
0x8c: {  	s16 =	sshll.u32 s0, $0xA;
	s2 =	sadd.s32 s3, s2  }
0x8d: {  	s2 =	sadd.s32 s2, s16  }
0x8e: {  	[smem:$0x3FAF] =	sst s2  }
0x8f: {  	_ = 	snop  }
0x90: {  	(tm) =	ssettm $0x1  }
0x91: {  	s17 =	sld [smem:$0x3FFB];
	_ =	sdelay $0x3  }
0x92: {  	_ =	strace s17  }
0x93: {  	s2 =	sld [smem:$0x3FFC];
	_ =	sdelay $0x3  }
0x94: {  	_ =	strace s2  }
0x95: {  	s2 =	sld [smem:$0x3FFD];
	_ =	sdelay $0x3  }
0x96: {  	_ =	strace s2  }
0x97: {  	_ =	strace $0x8FFFFFFF  }
0x98: {  	s18 =	sld [smem:$0x3FDB];
	_ =	sdelay $0x1  }
0x99: {  	s19 =	simm.s32 $_scs_section_size  }
0x9a: {  	s4 =	simm.s32 $_size__tile_overlayer_lowered;
	s5 =	simm.s32 $_tile_overlayer_lowered  }
0x9b: {  	s22 =	simm.s32 $0x1BFF;
	s21 =	sshll.u32 s5, $0x1;
	s2 =	sadd.s32 s19, s18  }
0x9c: {  	s6 =	simm.s32 $0x0;
	s20 =	sshll.u32 s4, $0x1;
	s4 =	sadd.s32 s21, s2  }
0x9d: {  	[timem:s6], [sflag:s22] =	dma.local [hbm:s4], s20  }
0x9e: {  	_ =	swait.ge [sflag:s22], s20  }
0x9f: {  	s3 =	ssub.s32 $0x0, s20;
	[sflag:s22] =	ssyncset.done $0x0  }
0xa0: {  	[sflag:s22] =	ssyncadd.s32 s3;
	_ =	sdelay $0x1  }
0xa1: {  	s23 =	simm.s32 $0x1B8B  }
0xa2: {  	_ =	swait.ge [sflag:s23], $0x1  }
0xa3: {  	[sflag:s23] =	ssyncset.done $0x0  }
0xa4: {  	s25 =	simm.s32 $0x1B8E;
	s24 =	sld [smem:$0x3FFE];
	[sflag:s23] =	ssyncadd.s32 $0xFFFFFFFF  }
0xa5: {  	s26 =	simm.s32 $execute0_lowered;
	[smem:$0x3FD2] =	sst s25  }
0xa6: {  	s4 =	sshll.u32 s26, $0x1;
	_ =	strace $0x8000005B;
	[dreg:$0x1] =	wrdreg $0xFFFFFFFF  }
0xa7: {  	s28 =	simm.s32 $_size_execute0_lowered;
	s2 =	sadd.s32 s2, s4;
	[dreg:$0x0] =	wrdreg $0x0  }
0xa8: {  	s4 =	sshll.u32 s28, $0x1;
	[dreg:$0x2] =	wrdreg s2  }
0xa9: {  	[dreg:$0x3] =	wrdreg s4  }
0xaa: {  	[dreg:$0x4] =	wrdreg $0xC0  }
0xab: {  	_ =	task [dreg:s6], $0x5FFFF  }
0xac: {  	[dreg:$0x1] =	wrdreg $0xFFFFFFFF  }
0xad: {  	[dreg:$0x0] =	wrdreg $0x60  }
0xae: {  	[dreg:$0x2] =	wrdreg s24  }
0xaf: {  	[dreg:$0x3] =	wrdreg $0xA  }
0xb0: {  	_ =	task.clear_ibuf [dreg:s6], $0x4FFFF;
	_ =	strace $0x9000005B  }
0xb1: {  	s29 =	simm.s32 $0xA;
	_ =	strace $0x8000005D  }
0xb2: {  	_ =	swait.ge [sflag:s29], $0x1  }
0xb3: {  	[sflag:s29] =	ssyncadd.s32 $0xFFFFFFFF  }
0xb4: {  	_ =	strace $0x9000005D  }
0xb5: {  	_ =	sfence  }
0xb6: {  	s30 =	sld [smem:$0x0];
	_ =	sdelay $0x2  }
0xb7: {  	s31 =	sshll.u32 s1, $0xD;
	s1 =	sshrl.u32 s1, $0x2  }
0xb8: {  	s3 =	sand.u32 $0x4000, s31;
	s1 =	sadd.s32 s1, s30  }
0xb9: {  	s0 =	sor.u32 s3, s0;
	s1 =	sshll.u32 s1, $0x11  }
0xba: {  	s0 =	sor.u32 s1, s0  }
0xbb: {  	s0 =	sadd.s32 $0x8F2B, s0  }
0xbc: {  	[sflag:s0] =	ssyncadd.remote.s32 $0x1  }
0xbd: {  	_ =	sfence.sel $0xFFFF  }
0xbe: {  	[dreg:$0x0] =	wrdreg $0xFFFFFFFF;
	(pc) =	sbr.abs _section_cstart, $3  }
0xbf: {  	[dreg:$0x1] =	wrdreg $0xFFFFFFFF  }
0xc0: {  	_ =	task.clear_ibuf [dreg:s6], $0x2FFFF;
	_ =	strace $0x9FFFFFFF  }
0xc1: {  	(tm) =	ssettm $0x7FFFFFFF  }
tec
execute0_lowered:
.L_overlay_start_1:
0x0: {  	(tag) =	ssettag $0x1  }
0x1: {  	s1 =	srdreg.scid  }
0x2: {  	s0 =	stileid.u32;
	s16 =	sand.u32 $0x1, s1  }
0x3: {  	s30 =	sshll.u32 s0, $0x5;
	s2 =	sshll.u32 s16, $0x4  }
0x4: {  	s18 =	rddreg [dreg:$0x0];
	s19 =	sor.u32 s2, s30  }
0x5: {  	s1 =	rddreg [dreg:$0x1];
	s2 =	simm.s32 $0x0;
	s3 =	sshrl.u32 s19, $0x3  }
0x6: {  	[smem:$0x7FF] =	sst s2;
	s3 =	sadd.s32 s3, s18  }
0x7: {  	_ =	strace $0x8000005C;
	s4 =	sadd.s32 $0x840000, s3;
	s3 =	simm.s32 $0x2  }
0x8: {  	[tilespmem:s2], [sflag:$0x2] =	stream.linear.gather [hbm4b:s4+s2], $0x10, $0x38;
	[tilespmem:$0x4080] =	vst v63  }
0x9: {  	_ =	swait.ge [sflag:s3], $0x10  }
0xa: {  	[sflag:s3] =	ssyncset.done $0x0  }
0xb: {  	[sflag:s3] =	ssyncadd.s32 $0xFFFFFFF0  }
0xc: {  	v0 =	vld [tilespmem:$0x0];
	_ =	sdelay $0x4  }
0xd: {  	v1 =	vshll.u32 v0, $0x3  }
0xe: {  	v2 =	vlaneseq.u32;
	v3 =	vand.u32 $0x7, v0;
	v1 =	vand.u32 $0xFFFFFFC0, v1  }
0xf: {  	v4 =	vshrl.u32 v2, $0x3;
	v0 =	vand.u32 $0x7, v2;
	v3 =	vor.u32 v3, v1  }
0x10: {  	v1 =	vmul.u32 $0x8, v4;
	v63 =	vperm.xlane v3, v0;
	_ =	sdelay $0x1  }
0x11: {  	v4 =	vadd.s32 v1, v63;
	_ =	sdelay $0x3  }
0x12: {  	vm0 =	vmmov $0xffff;
	s6 =	simm.s32 $0x80;
	s5 =	sadd.s32 $0x44800, s18  }
0x13: {  	v2 =	vor.u32 $0x8, v2;
	[tilespmem:s6], [sflag:$0x1] =	stream.indirect_vreg.gather [hbm4b:s5+s2], $0x80, v4, vm0, $0xb8;
	[tilespmem:$0x4080] =	vst v63  }
0x14: {  	s8 =	simm.s32 $0x880;
	s7 =	sadd.s32 $0x44900, s18;
	v3 =	vperm.xlane v3, v2  }
0x15: {  	[tilespmem:s8], [sflag:$0x1] =	stream.indirect_vreg.gather [hbm4b:s7+s2], $0x80, v4, vm0, $0xb8;
	[tilespmem:$0x4080] =	vst v63  }
0x16: {  	s10 =	simm.s32 $0x1080;
	s9 =	sadd.s32 $0x44A00, s18;
	v3 =	vadd.s32 v1, v3  }
0x17: {  	[tilespmem:s10], [sflag:$0x1] =	stream.indirect_vreg.gather [hbm4b:s9+s2], $0x80, v4, vm0, $0xb8;
	[tilespmem:$0x4080] =	vst v63  }
0x18: {  	s12 =	simm.s32 $0x1880;
	s11 =	sadd.s32 $0x44B00, s18  }
0x19: {  	[tilespmem:s12], [sflag:$0x1] =	stream.indirect_vreg.gather [hbm4b:s11+s2], $0x80, v4, vm0, $0xb8;
	[tilespmem:$0x4080] =	vst v63  }
0x1a: {  	s13 =	simm.s32 $0x2080;
	s20 =	ssub.s32 $0x2, s16  }
0x1b: {  	[tilespmem:s13], [sflag:$0x1] =	stream.indirect_vreg.gather [hbm4b:s5+s2], $0x80, v3, vm0, $0xb8;
	[tilespmem:$0x4080] =	vst v63  }
0x1c: {  	s14 =	simm.s32 $0x2880;
	s15 =	simm.s32 $0x3080;
	s21 =	sshrl.u32 s20, $0x1  }
0x1d: {  	[tilespmem:s14], [sflag:$0x1] =	stream.indirect_vreg.gather [hbm4b:s7+s2], $0x80, v3, vm0, $0xb8;
	[tilespmem:$0x4080] =	vst v63  }
0x1e: {  	s17 =	simm.s32 $0x1;
	s19 =	sshll.u32 s19, $0x7;
	s31 =	ssub.s32 s20, s21  }
0x1f: {  	[tilespmem:s15], [sflag:$0x1] =	stream.indirect_vreg.gather [hbm4b:s9+s2], $0x80, v3, vm0, $0xb8;
	[tilespmem:$0x4080] =	vst v63  }
0x20: {  	s16 =	simm.s32 $0x3880;
	s18 =	sadd.s32 s19, s18;
	s19 =	smax.u32 s31, $0x1  }
0x21: {  	[tilespmem:s16], [sflag:$0x1] =	stream.indirect_vreg.gather [hbm4b:s11+s2], $0x80, v3, vm0, $0xb8;
	[tilespmem:$0x4080] =	vst v63  }
0x22: {  	p0 =	sne.s32 s19, $0x1;
	_ =	swait.ge [sflag:s17], $0x4000  }
.Ltmp0:
0x23: {  	[sflag:s17] =	ssyncset.done $0x0;
	(pc) =	sbr.rel @!p0 .LBB2_2-.Ltmp0, $4  }
0x24: {  	s18 =	sadd.s32 $0x840200, s18;
	[sflag:s17] =	ssyncadd.s32 $0xFFFFC000  }
0x25: {  	[hbm4b:s18+s2] =	stream.linear.scatter [tilespmem:s6], [sflag:$0x2], $0x4000, $0x38;
	[tilespmem:$0x4080] =	vst v63  }
0x26: {  	_ =	swait.ge [sflag:s3], $0x4000  }
0x27: {  	s19 =	sadd.s32 $0xFFFFFFFF, s19;
	[sflag:s3] =	ssyncset.done $0x0  }
.LBB2_1:
0x28: {  	p0 =	sne.s32 s19, $0x1;
	s19 =	sadd.s32 $0xFFFFFFFF, s19;
	[sflag:s3] =	ssyncadd.s32 $0xFFFFC000  }
0x29: {  	[tilespmem:s2], [sflag:$0x2] =	stream.linear.gather [hbm4b:s4+s2], $0x10, $0x38;
	[tilespmem:$0x4080] =	vst v63  }
0x2a: {  	_ =	swait.ge [sflag:s3], $0x10  }
0x2b: {  	[sflag:s3] =	ssyncset.done $0x0  }
0x2c: {  	[sflag:s3] =	ssyncadd.s32 $0xFFFFFFF0  }
0x2d: {  	v3 =	vld [tilespmem:$0x0];
	_ =	sdelay $0x4  }
0x2e: {  	v4 =	vshll.u32 v3, $0x3  }
0x2f: {  	v3 =	vand.u32 $0x7, v3;
	v4 =	vand.u32 $0xFFFFFFC0, v4  }
0x30: {  	v3 =	vor.u32 v3, v4  }
0x31: {  	v4 =	vperm.xlane v3, v0;
	v3 =	vperm.xlane v3, v2;
	_ =	sdelay $0x1  }
0x32: {  	v4 =	vadd.s32 v1, v4;
	_ =	sdelay $0x4  }
0x33: {  	[tilespmem:s6], [sflag:$0x1] =	stream.indirect_vreg.gather [hbm4b:s5+s2], $0x80, v4, vm0, $0xb8;
	[tilespmem:$0x4080] =	vst v63  }
0x34: {  	_ = 	snop  }
0x35: {  	[tilespmem:s8], [sflag:$0x1] =	stream.indirect_vreg.gather [hbm4b:s7+s2], $0x80, v4, vm0, $0xb8;
	[tilespmem:$0x4080] =	vst v63  }
0x36: {  	v3 =	vadd.s32 v1, v3  }
0x37: {  	[tilespmem:s10], [sflag:$0x1] =	stream.indirect_vreg.gather [hbm4b:s9+s2], $0x80, v4, vm0, $0xb8;
	[tilespmem:$0x4080] =	vst v63  }
0x38: {  	_ = 	snop  }
0x39: {  	[tilespmem:s12], [sflag:$0x1] =	stream.indirect_vreg.gather [hbm4b:s11+s2], $0x80, v4, vm0, $0xb8;
	[tilespmem:$0x4080] =	vst v63  }
0x3a: {  	_ = 	snop  }
0x3b: {  	[tilespmem:s13], [sflag:$0x1] =	stream.indirect_vreg.gather [hbm4b:s5+s2], $0x80, v3, vm0, $0xb8;
	[tilespmem:$0x4080] =	vst v63  }
0x3c: {  	_ = 	snop  }
0x3d: {  	[tilespmem:s14], [sflag:$0x1] =	stream.indirect_vreg.gather [hbm4b:s7+s2], $0x80, v3, vm0, $0xb8;
	[tilespmem:$0x4080] =	vst v63  }
0x3e: {  	_ = 	snop  }
0x3f: {  	[tilespmem:s15], [sflag:$0x1] =	stream.indirect_vreg.gather [hbm4b:s9+s2], $0x80, v3, vm0, $0xb8;
	[tilespmem:$0x4080] =	vst v63  }
0x40: {  	_ = 	snop  }
0x41: {  	[tilespmem:s16], [sflag:$0x1] =	stream.indirect_vreg.gather [hbm4b:s11+s2], $0x80, v3, vm0, $0xb8;
	[tilespmem:$0x4080] =	vst v63  }
0x42: {  	_ =	swait.ge [sflag:s17], $0x4000  }
.Ltmp1:
0x43: {  	[sflag:s17] =	ssyncset.done $0x0;
	(pc) =	sbr.rel @p0 .LBB2_1-.Ltmp1, $4  }
0x44: {  	[sflag:s17] =	ssyncadd.s32 $0xFFFFC000  }
0x45: {  	[hbm4b:s18+s2] =	stream.linear.scatter [tilespmem:s6], [sflag:$0x2], $0x4000, $0x38;
	[tilespmem:$0x4080] =	vst v63  }
0x46: {  	_ =	swait.ge [sflag:s3], $0x4000  }
0x47: {  	[sflag:s3] =	ssyncset.done $0x0  }
.LBB2_2:
0x48: {  	[sflag:s3] =	ssyncadd.s32 $0xFFFFC000  }
0x49: {  	_ =	sfence.sel $0x180000  }
0x4a: {  	[bflag:$0x0] =	sbarrier.arrive $0xFFFF  }
0x4b: {  	p0 =	sne.s32 s0, $0x0;
	_ =	strace $0x9000005C  }
0x4c: {  	s0 =	sadd.s32 @!p0 $0x100000, s1;
	[bflag:$0x2] =	sbarrier.arrive $0xFFFF  }
0x4d: {  	[sflag:s0] =	ssyncadd.tile.s32 @!p0 $0x1;
	_ =	shalt  }
.Lfunc_end2:
_tile_overlayer_lowered:
.L_overlay_start_2:
0x4e: {  	(tag) =	ssettag $0x2  }
0x4f: {  	s0 =	rddreg [dreg:$0x0];
	s2 =	stileid.u32  }
0x50: {  	s1 =	rddreg [dreg:$0x1];
	p0 =	sne.s32 s2, $0x0  }
0x51: {  	s3 =	rddreg [dreg:$0x2];
	[bflag:$0x3] =	sbarrier.arrive $0xFFFF;
	s2 =	simm.s32 @!p0 $0x1C02  }
0x52: {  	[timem:s3], [sflag:s2] =	dma.local @!p0 [hbm:s0], s1  }
0x53: {  	s0 =	simm.s32 @!p0 $0x2  }
0x54: {  	_ =	swait.ge @!p0 [sflag:s0], s1  }
0x55: {  	s1 =	ssub.s32 @!p0 $0x0, s1;
	[sflag:s0] =	ssyncset.done @!p0 $0x0  }
0x56: {  	[sflag:s0] =	ssyncadd.s32 @!p0 s1  }
0x57: {  	[bflag:$0x3] =	sbarrier.arrive $0xFFFF  }
0x58: {  	_ =	shalt  }

// kernel: kernel.53.cloned.1.call-start
scs
__scs_entry_jumppad:
0x0: {  	(pc) =	sbr.rel $0x88, $3  }
0x1: {  	(tag) =	ssettag $0x0;
	lr =	simm.s32 $0x1  }
0x2: {  	[smem:$0x3F88] =	sst lr;
	_ =	strace $0xD0000000  }
0x3: {  	_ = 	snop  }
0x4: {  	_ = 	snop  }
0x5: {  	_ = 	snop  }
0x6: {  	_ = 	snop  }
0x7: {  	_ = 	snop  }
__scs_overlays_trampoline_lowered:
0x8: {  	[smem:$0x3F97] =	sst s0  }
0x9: {  	[smem:$0x3F98] =	sst s1  }
0xa: {  	[smem:$0x3F99] =	sst s2  }
0xb: {  	[smem:$0x3F9A] =	sst s3  }
0xc: {  	[smem:$0x3F9B] =	sst s4  }
0xd: {  	[smem:$0x3F9C] =	sst s5  }
0xe: {  	[smem:$0x3F9D] =	sst s6  }
0xf: {  	[smem:$0x3F9E] =	sst s7  }
0x10: {  	[smem:$0x3F9F] =	sst s8  }
0x11: {  	[smem:$0x3FA0] =	sst s9;
	s0 =	simm.s32 @!p0 $0x0  }
0x12: {  	s1 =	sld [smem:$0x3F86];
	s0 =	simm.s32 @p0 $0x1  }
0x13: {  	[smem:$0x3FA1] =	sst s0;
	s0 =	simm.s32 @!p1 $0x0  }
0x14: {  	s2 =	sld [smem:$0x3F85];
	s0 =	simm.s32 @p1 $0x1  }
0x15: {  	[smem:$0x3FA2] =	sst s0;
	s0 =	simm.s32 @!p2 $0x0  }
0x16: {  	s3 =	sld [smem:$0x3FDB];
	s0 =	simm.s32 @p2 $0x1  }
0x17: {  	s4 =	simm.s32 $0x1BF5;
	[smem:$0x3FA4] =	sst s0  }
0x18: {  	s0 =	sld [smem:$0x3F87];
	_ =	swait.ge [sflag:s4], $0x0  }
0x19: {  	s7 =	sld [smem:$0x3F88]  }
0x1a: {  	s8 =	sadd.s32 $0xFFFFE003, lr  }
0x1b: {  	s9 =	sadd.s32 $0xFFFFFEF7, lr;
	s5 =	simm.s32 $0xFFFFFFFF;
	p2 =	slt.u32 s8, $0xFFFFF086  }
0x1c: {  	p1 =	slt.u32 s9, $0xF7A;
	s5 =	simm.s32 @!p2 $0x0  }
0x1d: {  	s5 =	simm.s32 @p1 $0x1;
	p0 =	seq.s32 s7, s2  }
0x1e: {  	s7 =	smul.u32 @!p0 $0xF7A, s2;
	p2 =	seq.s32 @!p0 s5, $0x0  }
0x1f: {  	s9 =	smul.u32 $0xF7A, s1;
	s8 =	simm.s32 @!p0 $0x1BF5;
	p2 =	por !p2, p0  }
0x20: {  	[sflag:s8] =	ssyncset.s32 @!p0 $0xFFFFF086;
	s6 =	sadd.s32 @!p0 s3, s7;
	s7 =	simm.s32 @!p0 $0x108  }
0x21: {  	s3 =	sadd.s32 s3, s9;
	s6 =	sadd.s32 @!p0 $0x88, s6;
	s7 =	simm.s32 @p2 $0x1082  }
0x22: {  	[simem:s7], [sflag:s8] =	dma.local @!p0 [hbm:s6], $0xF7A  }
0x23: {  	s9 =	sor.u32 $0xD0000000, s2;
	s6 =	simm.s32 $0x108;
	_ =	swait.ge @!p0 [sflag:s8], $0x0  }
0x24: {  	s3 =	sadd.s32 $0x88, s3;
	s6 =	simm.s32 @!p1 $0x1082;
	[sflag:s4] =	ssyncset.s32 $0xFFFFF086  }
0x25: {  	[simem:s6], [sflag:s4] =	dma.local [hbm:s3], $0xF7A  }
0x26: {  	[smem:$0x3F88] =	sst s1;
	(tag) =	ssettag s2;
	_ =	strace s9  }
0x27: {  	s1 =	sld [smem:$0x3F98]  }
0x28: {  	s2 =	sld [smem:$0x3F99]  }
0x29: {  	s4 =	sld [smem:$0x3F9B]  }
0x2a: {  	p0 =	seq.s32 s5, $0x0;
	s5 =	sld [smem:$0x3F9C]  }
0x2b: {  	s6 =	sld [smem:$0x3F9D]  }
0x2c: {  	s7 =	sld [smem:$0x3F9E]  }
0x2d: {  	s3 =	simm.s32 $0x108;
	s8 =	sld [smem:$0x3F9F]  }
0x2e: {  	s3 =	simm.s32 @!p0 $0x1082;
	s9 =	sld [smem:$0x3FA0]  }
0x2f: {  	lr =	sadd.s32 s0, s3;
	s0 =	sld [smem:$0x3F97]  }
0x30: {  	s3 =	sld [smem:$0x3F9A]  }
0x31: {  	[smem:$0x3FA3] =	sst s10  }
0x32: {  	s10 =	sld [smem:$0x3FA1];
	_ =	sdelay $0x3  }
0x33: {  	p0 =	seq.s32 s10, $0x1;
	s10 =	sld [smem:$0x3FA3];
	_ =	sdelay $0x3  }
0x34: {  	[smem:$0x3FA3] =	sst s10  }
0x35: {  	s10 =	sld [smem:$0x3FA2];
	_ =	sdelay $0x3  }
0x36: {  	p1 =	seq.s32 s10, $0x1;
	s10 =	sld [smem:$0x3FA3];
	_ =	sdelay $0x3  }
0x37: {  	[smem:$0x3FA3] =	sst s10  }
0x38: {  	s10 =	sld [smem:$0x3FA4]  }
0x39: {  	_ = 	snop;
	(pc) =	sbr.ind lr, $3  }
0x3a: {  	_ = 	snop  }
0x3b: {  	_ = 	snop  }
0x3c: {  	p2 =	seq.s32 s10, $0x1;
	s10 =	sld [smem:$0x3FA3]  }
0x3d: {  	_ =	shalt  }
0x3e: {  	_ =	shalt  }
0x3f: {  	_ =	shalt  }
0x40: {  	_ =	shalt  }
0x41: {  	_ =	shalt  }
0x42: {  	_ =	shalt  }
0x43: {  	_ =	shalt  }
0x44: {  	_ =	shalt  }
0x45: {  	_ =	shalt  }
0x46: {  	_ =	shalt  }
0x47: {  	_ =	shalt  }
0x48: {  	_ =	shalt  }
0x49: {  	_ =	shalt  }
0x4a: {  	_ =	shalt  }
0x4b: {  	_ =	shalt  }
0x4c: {  	_ =	shalt  }
0x4d: {  	_ =	shalt  }
0x4e: {  	_ =	shalt  }
0x4f: {  	_ =	shalt  }
0x50: {  	_ =	shalt  }
0x51: {  	_ =	shalt  }
0x52: {  	_ =	shalt  }
0x53: {  	_ =	shalt  }
0x54: {  	_ =	shalt  }
0x55: {  	_ =	shalt  }
0x56: {  	_ =	shalt  }
0x57: {  	_ =	shalt  }
0x58: {  	_ =	shalt  }
0x59: {  	_ =	shalt  }
0x5a: {  	_ =	shalt  }
0x5b: {  	_ =	shalt  }
0x5c: {  	_ =	shalt  }
0x5d: {  	_ =	shalt  }
0x5e: {  	_ =	shalt  }
0x5f: {  	_ =	shalt  }
0x60: {  	_ =	shalt  }
0x61: {  	_ =	shalt  }
0x62: {  	_ =	shalt  }
0x63: {  	_ =	shalt  }
0x64: {  	_ =	shalt  }
0x65: {  	_ =	shalt  }
0x66: {  	_ =	shalt  }
0x67: {  	_ =	shalt  }
0x68: {  	_ =	shalt  }
0x69: {  	_ =	shalt  }
0x6a: {  	_ =	shalt  }
0x6b: {  	_ =	shalt  }
0x6c: {  	_ =	shalt  }
0x6d: {  	_ =	shalt  }
0x6e: {  	_ =	shalt  }
0x6f: {  	_ =	shalt  }
0x70: {  	_ =	shalt  }
0x71: {  	_ =	shalt  }
0x72: {  	_ =	shalt  }
0x73: {  	_ =	shalt  }
0x74: {  	_ =	shalt  }
0x75: {  	_ =	shalt  }
0x76: {  	_ =	shalt  }
0x77: {  	_ =	shalt  }
0x78: {  	_ =	shalt  }
0x79: {  	_ =	shalt  }
0x7a: {  	_ =	shalt  }
0x7b: {  	_ =	shalt  }
0x7c: {  	_ =	shalt  }
0x7d: {  	_ =	shalt  }
0x7e: {  	_ =	shalt  }
0x7f: {  	_ =	shalt  }
0x80: {  	_ =	shalt  }
0x81: {  	_ =	shalt  }
0x82: {  	_ =	shalt  }
0x83: {  	_ =	shalt  }
0x84: {  	_ =	shalt  }
0x85: {  	_ =	shalt  }
0x86: {  	_ =	shalt  }
0x87: {  	_ =	shalt  }
.Lfunc_end0:
.L_simem_size_0:
called_computation.9_lowered:
.L_overlay_start_0:
0x88: {  	s2 =	sld [smem:$0x3FD9]  }
0x89: {  	s3 =	sld [smem:$0x3FFE];
	_ =	sdelay $0x1  }
0x8a: {  	s1 =	srdreg.scid  }
0x8b: {  	s0 =	sand.u32 $0x1, s1  }
0x8c: {  	s17 =	sshll.u32 s0, $0xA;
	s2 =	sadd.s32 s3, s2  }
0x8d: {  	s2 =	sadd.s32 s2, s17  }
0x8e: {  	[smem:$0x3FAF] =	sst s2  }
0x8f: {  	_ = 	snop  }
0x90: {  	s18 =	sld [smem:$0x3FD0];
	(tm) =	ssettm $0x1  }
0x91: {  	s19 =	sld [smem:$0x3FFB];
	_ =	sdelay $0x3  }
0x92: {  	_ =	strace s19  }
0x93: {  	s2 =	sld [smem:$0x3FFC];
	_ =	sdelay $0x3  }
0x94: {  	_ =	strace s2  }
0x95: {  	s2 =	sld [smem:$0x3FFD];
	_ =	sdelay $0x3  }
0x96: {  	_ =	strace s2  }
0x97: {  	_ =	strace $0x8FFFFFFF  }
0x98: {  	s20 =	sld [smem:$0x3FDB];
	_ =	sdelay $0x1  }
0x99: {  	s4 =	simm.s32 $_scs_section_size  }
0x9a: {  	s5 =	simm.s32 $_size__tile_overlayer_lowered;
	s6 =	simm.s32 $_tile_overlayer_lowered  }
0x9b: {  	s7 =	simm.s32 $0x1BFF;
	s21 =	sshll.u32 s6, $0x1;
	s4 =	sadd.s32 s4, s20  }
0x9c: {  	s22 =	simm.s32 $0x0;
	s5 =	sshll.u32 s5, $0x1;
	s6 =	sadd.s32 s21, s4  }
0x9d: {  	[timem:s22], [sflag:s7] =	dma.local [hbm:s6], s5  }
0x9e: {  	_ =	swait.ge [sflag:s7], s5  }
0x9f: {  	s5 =	ssub.s32 $0x0, s5;
	[sflag:s7] =	ssyncset.done $0x0  }
0xa0: {  	[sflag:s7] =	ssyncadd.s32 s5;
	_ =	sdelay $0x1  }
0xa1: {  	s23 =	simm.s32 $0x1B8B  }
0xa2: {  	_ =	swait.ge [sflag:s23], $0x1  }
0xa3: {  	[sflag:s23] =	ssyncset.done $0x0  }
0xa4: {  	[sflag:s23] =	ssyncadd.s32 $0xFFFFFFFF  }
0xa5: {  	s5 =	sld [smem:$0x0]  }
0xa6: {  	s6 =	sand.u32 $0xFFFFFFFE, s1  }
0xa7: {  	p0 =	sne.s32 s1, s6  }
0xa8: {  	s6 =	sshll.u32 @p0 s6, $0xE  }
0xa9: {  	s6 =	sadd.s32 @p0 $0x11B8D, s6;
	s7 =	sshll.u32 @p0 s5, $0x11  }
0xaa: {  	s6 =	sor.u32 @p0 s7, s6  }
0xab: {  	[sflag:s6] =	ssyncadd.remote.s32 @p0 $0x1;
	_ =	sdelay $0x1  }
0xac: {  	s6 =	simm.s32 @p0 $0x1B8D  }
0xad: {  	_ =	swait.eq @p0 [sflag:s6], $0x1  }
0xae: {  	[sflag:s6] =	ssyncadd.s32 @p0 $0xFFFFFFFF  }
0xaf: {  	s7 =	sshll.u32 @!p0 s1, $0xE  }
0xb0: {  	s7 =	sor.u32 @!p0 $0x4000, s7;
	s6 =	simm.s32 @!p0 $0x1B8D  }
0xb1: {  	s5 =	sshll.u32 @!p0 s5, $0x11;
	s7 =	sadd.s32 @!p0 $0x11B8D, s7;
	_ =	swait.eq @!p0 [sflag:s6], $0x1  }
0xb2: {  	s5 =	sor.u32 @!p0 s5, s7;
	[sflag:s6] =	ssyncadd.s32 @!p0 $0xFFFFFFFF  }
0xb3: {  	s25 =	simm.s32 $0x1B8E;
	s24 =	sld [smem:$0x3FFE];
	[sflag:s5] =	ssyncadd.remote.s32 @!p0 $0x1  }
0xb4: {  	s26 =	simm.s32 $execute0_lowered;
	[smem:$0x3FD2] =	sst s25  }
0xb5: {  	s6 =	sshll.u32 s26, $0x1;
	_ =	strace $0x80000061;
	[dreg:$0x1] =	wrdreg $0xFFFFFFFF  }
0xb6: {  	s28 =	simm.s32 $_size_execute0_lowered;
	s4 =	sadd.s32 s4, s6;
	[dreg:$0x0] =	wrdreg $0x0  }
0xb7: {  	s6 =	sshll.u32 s28, $0x1;
	[dreg:$0x2] =	wrdreg s4  }
0xb8: {  	[dreg:$0x3] =	wrdreg s6  }
0xb9: {  	[dreg:$0x4] =	wrdreg $0xC0  }
0xba: {  	_ =	task [dreg:s22], $0x5FFFF  }
0xbb: {  	[dreg:$0x1] =	wrdreg $0xFFFFFFFF  }
0xbc: {  	[dreg:$0x0] =	wrdreg $0x60  }
0xbd: {  	[dreg:$0x2] =	wrdreg s24  }
0xbe: {  	[dreg:$0x3] =	wrdreg s18  }
0xbf: {  	[dreg:$0x4] =	wrdreg $0xB  }
0xc0: {  	_ =	task.clear_ibuf [dreg:s22], $0x5FFFF;
	_ =	strace $0x90000061  }
0xc1: {  	s29 =	simm.s32 $0xB;
	_ =	strace $0x80000063  }
0xc2: {  	_ =	swait.ge [sflag:s29], $0x1  }
0xc3: {  	[sflag:s29] =	ssyncadd.s32 $0xFFFFFFFF  }
0xc4: {  	_ =	strace $0x90000063  }
0xc5: {  	_ =	sfence  }
0xc6: {  	s30 =	sld [smem:$0x0];
	_ =	sdelay $0x2  }
0xc7: {  	s31 =	sshll.u32 s1, $0xD;
	s1 =	sshrl.u32 s1, $0x2  }
0xc8: {  	s4 =	sand.u32 $0x4000, s31;
	s1 =	sadd.s32 s1, s30  }
0xc9: {  	s0 =	sor.u32 s4, s0;
	s1 =	sshll.u32 s1, $0x11  }
0xca: {  	s0 =	sor.u32 s1, s0  }
0xcb: {  	s0 =	sadd.s32 $0x8F2B, s0  }
0xcc: {  	[sflag:s0] =	ssyncadd.remote.s32 $0x1  }
0xcd: {  	_ =	sfence.sel $0xFFFF  }
0xce: {  	[dreg:$0x0] =	wrdreg $0xFFFFFFFF;
	(pc) =	sbr.abs _section_cstart, $3  }
0xcf: {  	[dreg:$0x1] =	wrdreg $0xFFFFFFFF  }
0xd0: {  	_ =	task.clear_ibuf [dreg:s22], $0x2FFFF;
	_ =	strace $0x9FFFFFFF  }
0xd1: {  	(tm) =	ssettm $0x7FFFFFFF  }
tec
execute0_lowered:
.L_overlay_start_1:
0x0: {  	(tag) =	ssettag $0x1  }
0x1: {  	s1 =	srdreg.scid  }
0x2: {  	s0 =	stileid.u32;
	s7 =	sand.u32 $0x1, s1  }
0x3: {  	s5 =	rddreg [dreg:$0x0];
	s30 =	sshll.u32 s0, $0x5;
	s2 =	sshll.u32 s7, $0x4  }
0x4: {  	s9 =	rddreg [dreg:$0x1];
	s10 =	sor.u32 s2, s30  }
0x5: {  	s1 =	rddreg [dreg:$0x2];
	s2 =	simm.s32 $0x0;
	s3 =	sshrl.u32 s10, $0x3  }
0x6: {  	[smem:$0x7FF] =	sst s2;
	s3 =	sadd.s32 s3, s5  }
0x7: {  	_ =	strace $0x80000062;
	s4 =	sadd.s32 $0x840000, s3;
	s3 =	simm.s32 $0x2  }
0x8: {  	[tilespmem:s2], [sflag:$0x2] =	stream.linear.gather [hbm4b:s4+s2], $0x10, $0x38;
	[tilespmem:$0x1080] =	vst v63  }
0x9: {  	_ =	swait.ge [sflag:s3], $0x10  }
0xa: {  	[sflag:s3] =	ssyncset.done $0x0  }
0xb: {  	[sflag:s3] =	ssyncadd.s32 $0xFFFFFFF0  }
0xc: {  	v0 =	vld [tilespmem:$0x0];
	_ =	sdelay $0x4  }
0xd: {  	v1 =	vshll.u32 v0, $0x1  }
0xe: {  	v2 =	vlaneseq.u32;
	v3 =	vand.u32 $0x7, v0;
	v1 =	vand.u32 $0xFFFFFFF0, v1  }
0xf: {  	v4 =	vshrl.u32 v2, $0x3;
	v0 =	vand.u32 $0x7, v2;
	v3 =	vor.u32 v3, v1  }
0x10: {  	v1 =	vmul.u32 $0x8, v4;
	v63 =	vperm.xlane v3, v0  }
0x11: {  	v2 =	vor.u32 $0x8, v2  }
0x12: {  	v3 =	vperm.xlane v3, v2;
	v4 =	vadd.s32 v1, v63;
	_ =	sdelay $0x1  }
0x13: {  	s11 =	ssub.s32 $0x2, s7;
	v3 =	vadd.s32 v1, v3  }
0x14: {  	s12 =	sshrl.u32 s11, $0x1  }
0x15: {  	vm0 =	vmmov $0xffff;
	s6 =	simm.s32 $0x80;
	s11 =	ssub.s32 s11, s12;
	s5 =	sadd.s32 $0x838000, s5  }
0x16: {  	[tilespmem:s6], [sflag:$0x1] =	stream.indirect_vreg.gather [hbm4b:s5+s2], $0x80, v4, vm0, $0xb8;
	[tilespmem:$0x1080] =	vst v63  }
0x17: {  	s8 =	simm.s32 $0x1;
	s7 =	simm.s32 $0x880;
	s31 =	smax.u32 s11, $0x1  }
0x18: {  	[tilespmem:s7], [sflag:$0x1] =	stream.indirect_vreg.gather [hbm4b:s5+s2], $0x80, v3, vm0, $0xb8;
	[tilespmem:$0x1080] =	vst v63  }
0x19: {  	p0 =	sne.s32 s31, $0x1;
	_ =	swait.ge [sflag:s8], $0x1000  }
.Ltmp0:
0x1a: {  	s10 =	sshll.u32 s10, $0x5;
	[sflag:s8] =	ssyncset.done $0x0;
	(pc) =	sbr.rel @!p0 .LBB2_2-.Ltmp0, $4  }
0x1b: {  	s9 =	sadd.s32 s9, s10;
	[sflag:s8] =	ssyncadd.s32 $0xFFFFF000  }
0x1c: {  	[hbm4b:s9+s2] =	stream.linear.scatter [tilespmem:s6], [sflag:$0x2], $0x1000, $0x38;
	[tilespmem:$0x1080] =	vst v63  }
0x1d: {  	_ =	swait.ge [sflag:s3], $0x1000  }
0x1e: {  	s10 =	sadd.s32 $0xFFFFFFFF, s31;
	[sflag:s3] =	ssyncset.done $0x0  }
.LBB2_1:
0x1f: {  	p0 =	sne.s32 s10, $0x1;
	s10 =	sadd.s32 $0xFFFFFFFF, s10;
	[sflag:s3] =	ssyncadd.s32 $0xFFFFF000  }
0x20: {  	[tilespmem:s2], [sflag:$0x2] =	stream.linear.gather [hbm4b:s4+s2], $0x10, $0x38;
	[tilespmem:$0x1080] =	vst v63  }
0x21: {  	_ =	swait.ge [sflag:s3], $0x10  }
0x22: {  	[sflag:s3] =	ssyncset.done $0x0  }
0x23: {  	[sflag:s3] =	ssyncadd.s32 $0xFFFFFFF0  }
0x24: {  	v3 =	vld [tilespmem:$0x0];
	_ =	sdelay $0x4  }
0x25: {  	v4 =	vshll.u32 v3, $0x1  }
0x26: {  	v3 =	vand.u32 $0x7, v3;
	v4 =	vand.u32 $0xFFFFFFF0, v4  }
0x27: {  	v3 =	vor.u32 v3, v4  }
0x28: {  	v4 =	vperm.xlane v3, v0;
	v3 =	vperm.xlane v3, v2;
	_ =	sdelay $0x1  }
0x29: {  	v4 =	vadd.s32 v1, v4;
	_ =	sdelay $0x1  }
0x2a: {  	v3 =	vadd.s32 v1, v3;
	_ =	sdelay $0x2  }
0x2b: {  	[tilespmem:s6], [sflag:$0x1] =	stream.indirect_vreg.gather [hbm4b:s5+s2], $0x80, v4, vm0, $0xb8;
	[tilespmem:$0x1080] =	vst v63  }
0x2c: {  	_ = 	snop  }
0x2d: {  	[tilespmem:s7], [sflag:$0x1] =	stream.indirect_vreg.gather [hbm4b:s5+s2], $0x80, v3, vm0, $0xb8;
	[tilespmem:$0x1080] =	vst v63  }
0x2e: {  	_ =	swait.ge [sflag:s8], $0x1000  }
.Ltmp1:
0x2f: {  	[sflag:s8] =	ssyncset.done $0x0;
	(pc) =	sbr.rel @p0 .LBB2_1-.Ltmp1, $4  }
0x30: {  	[sflag:s8] =	ssyncadd.s32 $0xFFFFF000  }
0x31: {  	[hbm4b:s9+s2] =	stream.linear.scatter [tilespmem:s6], [sflag:$0x2], $0x1000, $0x38;
	[tilespmem:$0x1080] =	vst v63  }
0x32: {  	_ =	swait.ge [sflag:s3], $0x1000  }
0x33: {  	[sflag:s3] =	ssyncset.done $0x0  }
.LBB2_2:
0x34: {  	[sflag:s3] =	ssyncadd.s32 $0xFFFFF000  }
0x35: {  	_ =	sfence.sel $0x180000  }
0x36: {  	[bflag:$0x0] =	sbarrier.arrive $0xFFFF  }
0x37: {  	p0 =	sne.s32 s0, $0x0;
	_ =	strace $0x90000062  }
0x38: {  	s0 =	sadd.s32 @!p0 $0x100000, s1;
	[bflag:$0x2] =	sbarrier.arrive $0xFFFF  }
0x39: {  	[sflag:s0] =	ssyncadd.tile.s32 @!p0 $0x1;
	_ =	shalt  }
.Lfunc_end2:
_tile_overlayer_lowered:
.L_overlay_start_2:
0x3a: {  	(tag) =	ssettag $0x2  }
0x3b: {  	s0 =	rddreg [dreg:$0x0];
	s2 =	stileid.u32  }
0x3c: {  	s1 =	rddreg [dreg:$0x1];
	p0 =	sne.s32 s2, $0x0  }
0x3d: {  	s3 =	rddreg [dreg:$0x2];
	[bflag:$0x3] =	sbarrier.arrive $0xFFFF;
	s2 =	simm.s32 @!p0 $0x1C02  }
0x3e: {  	[timem:s3], [sflag:s2] =	dma.local @!p0 [hbm:s0], s1  }
0x3f: {  	s0 =	simm.s32 @!p0 $0x2  }
0x40: {  	_ =	swait.ge @!p0 [sflag:s0], s1  }
0x41: {  	s1 =	ssub.s32 @!p0 $0x0, s1;
	[sflag:s0] =	ssyncset.done @!p0 $0x0  }
0x42: {  	[sflag:s0] =	ssyncadd.s32 @!p0 s1  }
0x43: {  	[bflag:$0x3] =	sbarrier.arrive $0xFFFF  }
0x44: {  	_ =	shalt  }

// kernel: scatter_offload_async_start
scs
__scs_entry_jumppad:
0x0: {  	(pc) =	sbr.rel $0x88, $3  }
0x1: {  	(tag) =	ssettag $0x0;
	lr =	simm.s32 $0x1  }
0x2: {  	[smem:$0x3F88] =	sst lr;
	_ =	strace $0xD0000000  }
0x3: {  	_ = 	snop  }
0x4: {  	_ = 	snop  }
0x5: {  	_ = 	snop  }
0x6: {  	_ = 	snop  }
0x7: {  	_ = 	snop  }
__scs_overlays_trampoline_lowered:
0x8: {  	[smem:$0x3F97] =	sst s0  }
0x9: {  	[smem:$0x3F98] =	sst s1  }
0xa: {  	[smem:$0x3F99] =	sst s2  }
0xb: {  	[smem:$0x3F9A] =	sst s3  }
0xc: {  	[smem:$0x3F9B] =	sst s4  }
0xd: {  	[smem:$0x3F9C] =	sst s5  }
0xe: {  	[smem:$0x3F9D] =	sst s6  }
0xf: {  	[smem:$0x3F9E] =	sst s7  }
0x10: {  	[smem:$0x3F9F] =	sst s8  }
0x11: {  	[smem:$0x3FA0] =	sst s9;
	s0 =	simm.s32 @!p0 $0x0  }
0x12: {  	s1 =	sld [smem:$0x3F86];
	s0 =	simm.s32 @p0 $0x1  }
0x13: {  	[smem:$0x3FA1] =	sst s0;
	s0 =	simm.s32 @!p1 $0x0  }
0x14: {  	s2 =	sld [smem:$0x3F85];
	s0 =	simm.s32 @p1 $0x1  }
0x15: {  	[smem:$0x3FA2] =	sst s0;
	s0 =	simm.s32 @!p2 $0x0  }
0x16: {  	s3 =	sld [smem:$0x3FDB];
	s0 =	simm.s32 @p2 $0x1  }
0x17: {  	s4 =	simm.s32 $0x1BF5;
	[smem:$0x3FA4] =	sst s0  }
0x18: {  	s0 =	sld [smem:$0x3F87];
	_ =	swait.ge [sflag:s4], $0x0  }
0x19: {  	s7 =	sld [smem:$0x3F88]  }
0x1a: {  	s8 =	sadd.s32 $0xFFFFE003, lr  }
0x1b: {  	s9 =	sadd.s32 $0xFFFFFEF7, lr;
	s5 =	simm.s32 $0xFFFFFFFF;
	p2 =	slt.u32 s8, $0xFFFFF086  }
0x1c: {  	p1 =	slt.u32 s9, $0xF7A;
	s5 =	simm.s32 @!p2 $0x0  }
0x1d: {  	s5 =	simm.s32 @p1 $0x1;
	p0 =	seq.s32 s7, s2  }
0x1e: {  	s7 =	smul.u32 @!p0 $0xF7A, s2;
	p2 =	seq.s32 @!p0 s5, $0x0  }
0x1f: {  	s9 =	smul.u32 $0xF7A, s1;
	s8 =	simm.s32 @!p0 $0x1BF5;
	p2 =	por !p2, p0  }
0x20: {  	[sflag:s8] =	ssyncset.s32 @!p0 $0xFFFFF086;
	s6 =	sadd.s32 @!p0 s3, s7;
	s7 =	simm.s32 @!p0 $0x108  }
0x21: {  	s3 =	sadd.s32 s3, s9;
	s6 =	sadd.s32 @!p0 $0x88, s6;
	s7 =	simm.s32 @p2 $0x1082  }
0x22: {  	[simem:s7], [sflag:s8] =	dma.local @!p0 [hbm:s6], $0xF7A  }
0x23: {  	s9 =	sor.u32 $0xD0000000, s2;
	s6 =	simm.s32 $0x108;
	_ =	swait.ge @!p0 [sflag:s8], $0x0  }
0x24: {  	s3 =	sadd.s32 $0x88, s3;
	s6 =	simm.s32 @!p1 $0x1082;
	[sflag:s4] =	ssyncset.s32 $0xFFFFF086  }
0x25: {  	[simem:s6], [sflag:s4] =	dma.local [hbm:s3], $0xF7A  }
0x26: {  	[smem:$0x3F88] =	sst s1;
	(tag) =	ssettag s2;
	_ =	strace s9  }
0x27: {  	s1 =	sld [smem:$0x3F98]  }
0x28: {  	s2 =	sld [smem:$0x3F99]  }
0x29: {  	s4 =	sld [smem:$0x3F9B]  }
0x2a: {  	p0 =	seq.s32 s5, $0x0;
	s5 =	sld [smem:$0x3F9C]  }
0x2b: {  	s6 =	sld [smem:$0x3F9D]  }
0x2c: {  	s7 =	sld [smem:$0x3F9E]  }
0x2d: {  	s3 =	simm.s32 $0x108;
	s8 =	sld [smem:$0x3F9F]  }
0x2e: {  	s3 =	simm.s32 @!p0 $0x1082;
	s9 =	sld [smem:$0x3FA0]  }
0x2f: {  	lr =	sadd.s32 s0, s3;
	s0 =	sld [smem:$0x3F97]  }
0x30: {  	s3 =	sld [smem:$0x3F9A]  }
0x31: {  	[smem:$0x3FA3] =	sst s10  }
0x32: {  	s10 =	sld [smem:$0x3FA1];
	_ =	sdelay $0x3  }
0x33: {  	p0 =	seq.s32 s10, $0x1;
	s10 =	sld [smem:$0x3FA3];
	_ =	sdelay $0x3  }
0x34: {  	[smem:$0x3FA3] =	sst s10  }
0x35: {  	s10 =	sld [smem:$0x3FA2];
	_ =	sdelay $0x3  }
0x36: {  	p1 =	seq.s32 s10, $0x1;
	s10 =	sld [smem:$0x3FA3];
	_ =	sdelay $0x3  }
0x37: {  	[smem:$0x3FA3] =	sst s10  }
0x38: {  	s10 =	sld [smem:$0x3FA4]  }
0x39: {  	_ = 	snop;
	(pc) =	sbr.ind lr, $3  }
0x3a: {  	_ = 	snop  }
0x3b: {  	_ = 	snop  }
0x3c: {  	p2 =	seq.s32 s10, $0x1;
	s10 =	sld [smem:$0x3FA3]  }
0x3d: {  	_ =	shalt  }
0x3e: {  	_ =	shalt  }
0x3f: {  	_ =	shalt  }
0x40: {  	_ =	shalt  }
0x41: {  	_ =	shalt  }
0x42: {  	_ =	shalt  }
0x43: {  	_ =	shalt  }
0x44: {  	_ =	shalt  }
0x45: {  	_ =	shalt  }
0x46: {  	_ =	shalt  }
0x47: {  	_ =	shalt  }
0x48: {  	_ =	shalt  }
0x49: {  	_ =	shalt  }
0x4a: {  	_ =	shalt  }
0x4b: {  	_ =	shalt  }
0x4c: {  	_ =	shalt  }
0x4d: {  	_ =	shalt  }
0x4e: {  	_ =	shalt  }
0x4f: {  	_ =	shalt  }
0x50: {  	_ =	shalt  }
0x51: {  	_ =	shalt  }
0x52: {  	_ =	shalt  }
0x53: {  	_ =	shalt  }
0x54: {  	_ =	shalt  }
0x55: {  	_ =	shalt  }
0x56: {  	_ =	shalt  }
0x57: {  	_ =	shalt  }
0x58: {  	_ =	shalt  }
0x59: {  	_ =	shalt  }
0x5a: {  	_ =	shalt  }
0x5b: {  	_ =	shalt  }
0x5c: {  	_ =	shalt  }
0x5d: {  	_ =	shalt  }
0x5e: {  	_ =	shalt  }
0x5f: {  	_ =	shalt  }
0x60: {  	_ =	shalt  }
0x61: {  	_ =	shalt  }
0x62: {  	_ =	shalt  }
0x63: {  	_ =	shalt  }
0x64: {  	_ =	shalt  }
0x65: {  	_ =	shalt  }
0x66: {  	_ =	shalt  }
0x67: {  	_ =	shalt  }
0x68: {  	_ =	shalt  }
0x69: {  	_ =	shalt  }
0x6a: {  	_ =	shalt  }
0x6b: {  	_ =	shalt  }
0x6c: {  	_ =	shalt  }
0x6d: {  	_ =	shalt  }
0x6e: {  	_ =	shalt  }
0x6f: {  	_ =	shalt  }
0x70: {  	_ =	shalt  }
0x71: {  	_ =	shalt  }
0x72: {  	_ =	shalt  }
0x73: {  	_ =	shalt  }
0x74: {  	_ =	shalt  }
0x75: {  	_ =	shalt  }
0x76: {  	_ =	shalt  }
0x77: {  	_ =	shalt  }
0x78: {  	_ =	shalt  }
0x79: {  	_ =	shalt  }
0x7a: {  	_ =	shalt  }
0x7b: {  	_ =	shalt  }
0x7c: {  	_ =	shalt  }
0x7d: {  	_ =	shalt  }
0x7e: {  	_ =	shalt  }
0x7f: {  	_ =	shalt  }
0x80: {  	_ =	shalt  }
0x81: {  	_ =	shalt  }
0x82: {  	_ =	shalt  }
0x83: {  	_ =	shalt  }
0x84: {  	_ =	shalt  }
0x85: {  	_ =	shalt  }
0x86: {  	_ =	shalt  }
0x87: {  	_ =	shalt  }
.Lfunc_end0:
.L_simem_size_0:
called_computation_lowered:
.L_overlay_start_0:
0x88: {  	s0 =	sld [smem:$0x3FD9]  }
0x89: {  	s1 =	sld [smem:$0x3FFE];
	_ =	sdelay $0x3  }
0x8a: {  	s0 =	sadd.s32 s1, s0  }
0x8b: {  	[smem:$0x3FAF] =	sst s0  }
0x8c: {  	_ = 	snop  }
0x8d: {  	s0 =	sld [smem:$0x3FD0];
	(tm) =	ssettm $0x1  }
0x8e: {  	s16 =	sld [smem:$0x3FFB];
	_ =	sdelay $0x3  }
0x8f: {  	_ =	strace s16  }
0x90: {  	s1 =	sld [smem:$0x3FFC];
	_ =	sdelay $0x3  }
0x91: {  	_ =	strace s1  }
0x92: {  	s1 =	sld [smem:$0x3FFD];
	_ =	sdelay $0x3  }
0x93: {  	_ =	strace s1  }
0x94: {  	_ =	strace $0x8FFFFFFF  }
0x95: {  	s17 =	sld [smem:$0x3FDB];
	_ =	sdelay $0x1  }
0x96: {  	s2 =	simm.s32 $_scs_section_size  }
0x97: {  	s3 =	simm.s32 $_size__tile_overlayer_lowered;
	s4 =	simm.s32 $_tile_overlayer_lowered  }
0x98: {  	s20 =	simm.s32 $0x1BFF;
	s19 =	sshll.u32 s4, $0x1;
	s1 =	sadd.s32 s2, s17  }
0x99: {  	s5 =	simm.s32 $0x0;
	s18 =	sshll.u32 s3, $0x1;
	s3 =	sadd.s32 s19, s1  }
0x9a: {  	[timem:s5], [sflag:s20] =	dma.local [hbm:s3], s18  }
0x9b: {  	_ =	swait.ge [sflag:s20], s18  }
0x9c: {  	s2 =	ssub.s32 $0x0, s18;
	[sflag:s20] =	ssyncset.done $0x0  }
0x9d: {  	[sflag:s20] =	ssyncadd.s32 s2;
	_ =	sdelay $0x1  }
0x9e: {  	s21 =	simm.s32 $0x1B8B  }
0x9f: {  	_ =	swait.ge [sflag:s21], $0x1  }
0xa0: {  	[sflag:s21] =	ssyncset.done $0x0  }
0xa1: {  	s23 =	simm.s32 $0x1B8E;
	s22 =	sld [smem:$0x3FFE];
	[sflag:s21] =	ssyncadd.s32 $0xFFFFFFFF  }
0xa2: {  	s24 =	simm.s32 $execute0_lowered;
	[smem:$0x3FD2] =	sst s23  }
0xa3: {  	s3 =	sshll.u32 s24, $0x1;
	_ =	strace $0x80000046;
	[dreg:$0x1] =	wrdreg $0xFFFFFFFF  }
0xa4: {  	s25 =	simm.s32 $_size_execute0_lowered;
	s1 =	sadd.s32 s1, s3;
	[dreg:$0x0] =	wrdreg $0x0  }
0xa5: {  	s3 =	sshll.u32 s25, $0x1;
	[dreg:$0x2] =	wrdreg s1  }
0xa6: {  	[dreg:$0x3] =	wrdreg s3  }
0xa7: {  	[dreg:$0x4] =	wrdreg $0xC0  }
0xa8: {  	_ =	task [dreg:s5], $0x5FFFF  }
0xa9: {  	[dreg:$0x1] =	wrdreg $0xFFFFFFFF  }
0xaa: {  	[dreg:$0x0] =	wrdreg $0x60  }
0xab: {  	[dreg:$0x2] =	wrdreg s22  }
0xac: {  	[dreg:$0x3] =	wrdreg s0  }
0xad: {  	[dreg:$0x4] =	wrdreg $0x9  }
0xae: {  	_ =	task.clear_ibuf [dreg:s5], $0x5FFFF;
	_ =	strace $0x90000046  }
0xaf: {  	s26 =	simm.s32 $0x9;
	_ =	strace $0x80000048  }
0xb0: {  	_ =	swait.ge [sflag:s26], $0x1  }
0xb1: {  	[sflag:s26] =	ssyncadd.s32 $0xFFFFFFFF  }
0xb2: {  	_ =	strace $0x90000048  }
0xb3: {  	_ =	sfence  }
0xb4: {  	s28 =	sld [smem:$0x0];
	_ =	sdelay $0x1  }
0xb5: {  	s29 =	srdreg.scid  }
0xb6: {  	s30 =	sshll.u32 s29, $0xD;
	s31 =	sshrl.u32 s29, $0x2  }
0xb7: {  	s2 =	sand.u32 $0x4000, s30;
	s1 =	sand.u32 $0x1, s29;
	s0 =	sadd.s32 s31, s28  }
0xb8: {  	s1 =	sor.u32 s2, s1;
	s0 =	sshll.u32 s0, $0x11  }
0xb9: {  	s0 =	sor.u32 s0, s1  }
0xba: {  	s0 =	sadd.s32 $0x8F2B, s0  }
0xbb: {  	[sflag:s0] =	ssyncadd.remote.s32 $0x1  }
0xbc: {  	_ =	sfence.sel $0xFFFF  }
0xbd: {  	[dreg:$0x0] =	wrdreg $0xFFFFFFFF;
	(pc) =	sbr.abs _section_cstart, $3  }
0xbe: {  	[dreg:$0x1] =	wrdreg $0xFFFFFFFF  }
0xbf: {  	_ =	task.clear_ibuf [dreg:s5], $0x2FFFF;
	_ =	strace $0x9FFFFFFF  }
0xc0: {  	(tm) =	ssettm $0x7FFFFFFF  }
0xc1: {  	_ =	shalt  }
tec
execute0_lowered:
.L_overlay_start_1:
0x0: {  	(tag) =	ssettag $0x1  }
0x1: {  	s0 =	rddreg [dreg:$0x0]  }
0x2: {  	s3 =	rddreg [dreg:$0x1];
	s14 =	stileid.u32  }
0x3: {  	_ =	strace $0x80000047;
	s2 =	simm.s32 $0x1;
	s1 =	smin.u32 s14, $0x4  }
0x4: {  	v1 =	vimm.s32 $0xFFFFFFFF;
	[sflag:s2] =	ssyncpa.u1 $0x0;
	s1 =	sadd.s32 s14, s1  }
0x5: {  	p0 =	slt.u32 s14, $0x4;
	[tilespmem:$0x10] =	vst v1;
	s4 =	smul.u32 $0xFA0, s1;
	s1 =	simm.s32 $0x1F40  }
0x6: {  	v0 =	vimm.f32 $0.0e+00;
	[tilespmem:$0x20] =	vst v1;
	s1 =	simm.s32 @!p0 $0xFA0  }
0x7: {  	[tilespmem:$0x30] =	vst v0;
	s1 =	sadd.s32 s1, s4  }
0x8: {  	[tilespmem:$0x40] =	vst v0;
	s5 =	smin.u32 s1, $0x13880  }
0x9: {  	[tilespmem:$0x50] =	vst v0;
	s9 =	ssub.s32 s5, s4  }
0xa: {  	s7 =	simm.s32 $0x2;
	[tilespmem:$0x60] =	vst v1;
	p0 =	sgt.s32 s9, $0x0  }
0xb: {  	s8 =	simm.s32 $0x8;
	s31 =	simm.s32 $0x9;
	[tilespmem:$0x70] =	vst v1;
	s9 =	simm.s32 @!p0 $0x0  }
0xc: {  	s16 =	simm.s32 $0x0;
	s17 =	simm.s32 $0xF0;
	[tilespmem:$0x80] =	vst v1;
	s30 =	smulhi.u32 $0x10624DD3, s9  }
0xd: {  	s18 =	simm.s32 $0xFFFFFFFF;
	s19 =	simm.s32 $0xFFFFE1C0;
	s20 =	simm.s32 $0xFFFFFFFE;
	v1 =	vimm.s32 $0x0;
	[tilespmem:$0xB0] =	vst v0  }
0xe: {  	s21 =	simm.s32 $0xF;
	s25 =	simm.s32 $0x0;
	[tilespmem:$0x90] =	vst v1;
	s10 =	sshrl.u32 s30, $0x8  }
0xf: {  	[tilespmem:$0xA0] =	vst v1;
	[sflag:s7] =	ssyncpa.u1 $0x0;
	s7 =	simm.s32 $0x7;
	s11 =	smul.u32 $0xFA0, s10  }
0x10: {  	s24 =	simm.s32 $0x0;
	s6 =	sadd.s32 $0x15800, s0;
	[sflag:s7] =	ssyncpa.u1 $0x0  }
.Ltmp0:
0x11: {  	[sflag:s8] =	ssyncpa.u1 $0x0;
	p0 =	sne.s32 s9, s11;
	(pc) =	sbr.rel .LBB2_1-.Ltmp0, $4  }
0x12: {  	s23 =	smov.u32 s4;
	s1 =	sadd.s32 $0x18000, s0;
	s2 =	simm.s32 @!p0 $0x0  }
0x13: {  	[sflag:s31] =	ssyncpa.u1 $0x0;
	p0 =	por $0x0, $0x0;
	s9 =	sadd.s32 s2, s10  }
0x14: {  	vm0 =	vmmov $0xffff;
	v2 =	vlaneseq.u32;
	s10 =	sshll.u32 s14, $0x1;
	s14 =	sshllo.u32 s14, $0x1;
	s11 =	sadd.s32 $0x1, s9  }
0x15: {  	vm1 =	vmxor vm1, vm1;
	vm2 =	vmmov $0x1;
	vm3 =	vcmask $0x3F3C;
	s12 =	sadd.s32 $0x2, s9;
	s13 =	sor.u32 $0x81, s10;
	s15 =	sor.u32 $0x80, s10  }
.LBB2_9:
0x16: {  	p1 =	slt.u32 s24, $0x3  }
0x17: {  	s0 =	simm.s32 @!p1 $0x2  }
0x18: {  	_ =	swait.ge @!p1 [sflag:s0], $0xFA0  }
0x19: {  	[sflag:s0] =	ssyncset.done @!p1 $0x0  }
0x1a: {  	[sflag:s0] =	ssyncadd.s32 @!p1 $0xFFFFF060;
	s0 =	simm.s32 @!p1 $0x9  }
0x1b: {  	_ =	swait.ge @!p1 [sflag:s0], $0x10  }
0x1c: {  	[sflag:s0] =	ssyncset.done @!p1 $0x0  }
0x1d: {  	[sflag:s0] =	ssyncadd.s32 @!p1 $0xFFFFFFF0;
	p1 =	sne.s32 s24, s12  }
.Ltmp1:
0x1e: {  	s2 =	sadd.s32 $0xFA0, s23;
	(pc) =	sbr.rel @!p1 .LBB2_10-.Ltmp1, $4  }
0x1f: {  	s22 =	smov.u32 s4;
	s31 =	sadd.s32 $0x1, s24;
	s17 =	sadd.s32 $0xFA0, s17  }
0x20: {  	s18 =	sadd.s32 $0x1, s18;
	s25 =	smov.u32 s23;
	p2 =	slt.s32 s2, s5  }
0x21: {  	p0 =	por !p0, !p0;
	s19 =	sadd.s32 $0xFA0, s19;
	s22 =	smov.u32 @p2 s2  }
0x22: {  	s20 =	sadd.s32 $0x1, s20;
	s23 =	smov.u32 s22;
	s24 =	smov.u32 s31  }
.LBB2_1:
0x23: {  	p1 =	sge.u32 s24, s9  }
0x24: {  	s0 =	smulhi.u32 @!p1 $0xAAAAAAAB, s24;
	_ =	sdelay $0x1  }
0x25: {  	s0 =	sshrl.u32 @!p1 s0, $0x1  }
0x26: {  	s0 =	smul.u32 @!p1 $0x3, s0;
	_ =	sdelay $0x1  }
0x27: {  	s0 =	ssub.s32 @!p1 s24, s0  }
0x28: {  	s0 =	smul.u32 @!p1 $0x3E80, s0;
	_ =	sdelay $0x1  }
0x29: {  	s2 =	sshrl.u32 @!p1 s23, $0x3;
	s0 =	sshrl.u32 @!p1 s0, $0x2  }
0x2a: {  	s22 =	sand.u32 @!p1 $0x7, s23;
	s2 =	sadd.s32 @!p1 s3, s2;
	s0 =	sadd.s32 @!p1 $0x100, s0  }
0x2b: {  	[tilespmem:s0], [sflag:$0x7] =	stream.linear.gather @!p1 [hbm4b:s2+s22], $0xFA0, $0x38;
	[tilespmem:$0x8DC0] =	vst v63  }
0x2c: {  	s0 =	sadd.s32 $0xFFFFFFFF, s24  }
0x2d: {  	p1 =	sge.u32 s0, s9  }
.Ltmp2:
0x2e: {  	_ = 	snop;
	(pc) =	sbr.rel @p1 .LBB2_5-.Ltmp2, $1  }
0x2f: {  	_ =	sdelay $0x3  }
0x30: {  	s2 =	smulhi.u32 $0xAAAAAAAB, s0;
	_ =	sdelay $0x1  }
0x31: {  	s2 =	sshrl.u32 s2, $0x1  }
0x32: {  	s2 =	smul.u32 $0x3, s2;
	_ =	sdelay $0x1  }
0x33: {  	s2 =	ssub.s32 s0, s2  }
0x34: {  	s2 =	smul.u32 $0x3E80, s2  }
0x35: {  	_ =	swait.ge [sflag:s7], $0xFA0  }
0x36: {  	[sflag:s7] =	ssyncset.done $0x0;
	s2 =	sshrl.u32 s2, $0x2  }
0x37: {  	[sflag:s7] =	ssyncadd.s32 $0xFFFFF060;
	(ifvalue) =	ssetifvalue $0xFFFFFFFF;
	v3 =	vld.msk [tilespmem:s2+$0x100 ss:$0x1], $0xffff;
	_ =	sdelay $0x2  }
0x38: {  	s30 =	smulhi.u32 $0xAAAAAAAB, s18;
	p1 =	sne.s32 s24, $0x1  }
0x39: {  	v4 =	vimm.s32 @!p1 $0x0  }
0x3a: {  	s2 =	sshrl.u32 s30, $0x1;
	v4 =	vperm.xlane @!p1 v3, v4  }
0x3b: {  	s22 =	sshll.u32 s24, $0x4;
	s2 =	smul.u32 $0xFFFF4480, s2;
	vm4 =	vlt.u32 v3, $0x1900000  }
0x3c: {  	s22 =	sand.u32 $0x10, s22;
	v3 =	vnsel vm4, $0xFFFFFFFE, v3;
	vm4 =	vlt.u32 @!p1 v4, $0x1900000  }
0x3d: {  	s2 =	sshra.s32 s2, $0x2;
	[tilespmem:s22+$0x60] =	vst v3;
	v3 =	vnsel @!p1 vm4, $0xFFFFFFFE, v4  }
0x3e: {  	s28 =	sadd.s32 s2, s17;
	[tilespmem:$0x80] =	vst @!p1 v3  }
0x3f: {  	v3 =	vld.msk [tilespmem:s28+$0x0 ss:$0x1], $0xffff;
	_ =	sdelay $0x4  }
0x40: {  	(xrf1) =	vunique.msk.u32 $0xffff, v3;
	_ =	sdelay $0xd  }
0x41: {  	v4 =	vimm.s32 $0xFFFFFFFF;
	v5, _, _ =	vpop (xrf1)  }
0x42: {  	vm5 =	vne.s32 v3, v4;
	vm4 =	veq.s32 v5, v2  }
0x43: {  	vm6 =	vlt.u32 v3, $0x1900000;
	vm4 =	vmand vm5, vm4  }
0x44: {  	vm4 =	vmand vm6, vm4  }
0x45: {  	v4 =	vnsel vm4, $0xFFFFFFFF, v3  }
0x46: {  	s31 =	sand.u32 $0x1, s0  }
0x47: {  	s0 =	simm.s32 $0xFA0;
	p1 =	seq.s32 s31, $0x1  }
0x48: {  	s0 =	simm.s32 @!p1 $0x0  }
0x49: {  	s26 =	sadd.s32 $0x3F70, s0;
	(ifvalue) =	ssetifvalue $0xFFFFFFFF  }
0x4a: {  	v3 =	vperm.xlane v3, v1;
	[tilespmem:s26], [sflag:$0x8] =	stream.indirect_vreg.gather [hbm4b:s1+s16], $0x1, v4, vm0, $0x4038;
	v4 =	vnsel vm6, $0xFFFFFFFE, v4;
	[tilespmem:$0x8DC0] =	vst v63  }
0x4b: {  	s2 =	simm.s32 $0x0;
	s22 =	sadd.s32 $0xFFFFFFF0, s28;
	[tilespmem:s28+$0x0] =	vst v4  }
.LBB2_3:
0x4c: {  	v4 =	vld.msk [tilespmem:s22+$0x0 ss:$0x1], $0xffff;
	s2 =	sadd.s32 $0x10, s2;
	v5 =	vmov v3;
	s28 =	smov.u32 s22  }
0x4d: {  	p1 =	slt.u32 s2, $0xF90;
	_ =	sdelay $0x4  }
0x4e: {  	v3 =	vperm.xlane v4, v1;
	(xrf1) =	vunique.msk.u32 $0xffff, v4;
	_ =	sdelay $0xd  }
0x4f: {  	v6, _, _ =	vpop (xrf1)  }
0x50: {  	vm5 =	vne.s32 v4, v5;
	vm4 =	veq.s32 v6, v2  }
0x51: {  	vm6 =	vlt.u32 v4, $0x1900000;
	vm4 =	vmand vm5, vm4  }
0x52: {  	vm4 =	vmand vm6, vm4  }
0x53: {  	v4 =	vnsel vm4, $0xFFFFFFFF, v4  }
.Ltmp3:
0x54: {  	v5 =	vnsel vm6, $0xFFFFFFFE, v4;
	(pc) =	sbr.rel @p1 .LBB2_3-.Ltmp3, $3  }
0x55: {  	_ =	sdelay $0x1  }
0x56: {  	s22 =	sadd.s32 $0xFFFFFFF0, s22;
	s26 =	sadd.s32 $0xFFFFFFF0, s26;
	(ifvalue) =	ssetifvalue $0xFFFFFFFF  }
0x57: {  	[tilespmem:s26], [sflag:$0x8] =	stream.indirect_vreg.gather [hbm4b:s1+s16], $0x1, v4, vm0, $0x4038;
	[tilespmem:s28+$0x0] =	vst v5  }
0x58: {  	s2 =	sshrl.u32 s25, $0x3  }
0x59: {  	s0 =	sadd.s32 $0x4F20, s0;
	s2 =	sadd.s32 s6, s2  }
0x5a: {  	[tilespmem:s0], [sflag:$0x8] =	stream.linear.gather [hbm:s2], $0xFA0, $0x38;
	[tilespmem:$0x8DC0] =	vst v63  }
.LBB2_5:
0x5b: {  	p1 =	slt.u32 s24, $0x2  }
0x5c: {  	p2 =	sge.u32 @!p1 s24, s12  }
0x5d: {  	p1 =	por p1, p2  }
.Ltmp4:
0x5e: {  	_ = 	snop;
	(pc) =	sbr.rel @p1 .LBB2_9-.Ltmp4, $1  }
0x5f: {  	_ =	sdelay $0x3  }
0x60: {  	s0 =	sadd.s32 $0xFFFFFFFE, s24  }
0x61: {  	s2 =	smulhi.u32 $0xAAAAAAAB, s0;
	_ =	sdelay $0x1  }
0x62: {  	s2 =	sshrl.u32 s2, $0x1  }
0x63: {  	s2 =	smul.u32 $0x3, s2;
	_ =	sdelay $0x1  }
0x64: {  	s0 =	ssub.s32 s0, s2  }
0x65: {  	_ =	swait.ge [sflag:s8], $0x1F40;
	s0 =	smul.u32 $0xFA0, s0  }
0x66: {  	p1 =	sne.s32 s24, s11;
	[sflag:s8] =	ssyncset.done $0x0  }
0x67: {  	[sflag:s8] =	ssyncadd.s32 $0xFFFFE0C0;
	s2 =	sadd.s32 @!p1 $0x109F, s0  }
0x68: {  	[spmem:s13] =	stream.linear.scatter @!p1 [tilespmem:s2], [sflag:$0x1], $0x1, $0x38;
	[tilespmem:$0x8DC0] =	vst v63  }
0x69: {  	s2 =	simm.s32 @!p1 $0x1  }
0x6a: {  	_ =	swait.ge @!p1 [sflag:s2], $0x1  }
0x6b: {  	s22 =	sshll.u32 s24, $0x4;
	[sflag:s2] =	ssyncset.done @!p1 $0x0  }
0x6c: {  	s25 =	sand.u32 $0x10, s22;
	[sflag:s2] =	ssyncadd.s32 @!p1 $0xFFFFFFFF  }
0x6d: {  	s2 =	sxor.u32 $0x10, s25;
	v4 =	vld [tilespmem:s25+$0x10]  }
0x6e: {  	v5 =	vld [tilespmem:s2+$0x60]  }
0x6f: {  	v3 =	vld [tilespmem:$0x80];
	_ =	sdelay $0x2  }
0x70: {  	(v2sf) =	vpush v4, $0x0  }
0x71: {  	(v2sf) =	vpush v5, $0x0  }
0x72: {  	(v2sf) =	vpush v3, $0x0;
	_ =	sdelay $0xc  }
0x73: {  	s22 =	spop (v2sf)  }
0x74: {  	s26 =	spop (v2sf)  }
0x75: {  	s28 =	spop (v2sf)  }
0x76: {  	p2 =	seq.s32 s22, s26;
	p3 =	seq.s32 s28, s22  }
0x77: {  	p3 =	por p2, p3  }
0x78: {  	s26 =	sand.u32 $0x1, s24;
	v4 =	vpsel p3, $0xFFFFFFFF, v4  }
0x79: {  	s29 =	smul.u32 $0xFA0, s26;
	[tilespmem:s25+$0x10] =	vst.msk $0x1, v4  }
0x7a: {  	v4 =	vld [tilespmem:$0x30]  }
0x7b: {  	v5 =	vld [tilespmem:s29+$0x4F20]  }
0x7c: {  	v6 =	vld [tilespmem:s25+$0x40];
	_ =	sdelay $0x3  }
0x7d: {  	vm4 =	vmmov vm1;
	v5 =	vadd.f32 v5, v4  }
0x7e: {  	vm5 =	vmmov vm2;
	vm4 =	vmmov @p2 vm2;
	s22 =	sshll.u32 s26, $0x4;
	v4 =	vadd.f32 v6, v4  }
0x7f: {  	s26 =	sor.u32 $0x8DA0, s22;
	vm5 =	vmmov @p3 vm1;
	[tilespmem:s29+$0x4F20] =	vst.msk vm4, v5  }
0x80: {  	[tilespmem:s26+$0x0] =	vst.msk vm5, v4  }
0x81: {  	v4 =	vld [tilespmem:s29+$0x3F70];
	_ =	sdelay $0x3  }
0x82: {  	v5 =	vimm.f32 $0.0e+00  }
0x83: {  	v4 =	vshift.insert v4, v5, s21  }
0x84: {  	s22 =	sor.u32 $0x40, s2  }
0x85: {  	[tilespmem:s22+$0x0] =	vst.msk $0x1, v4  }
0x86: {  	[tilespmem:s29+$0x3F7F] =	vst.msk $0x1, v5  }
0x87: {  	v4 =	vld [tilespmem:s0+$0x1090];
	_ =	sdelay $0x1  }
0x88: {  	s22 =	smulhi.u32 $0xAAAAAAAB, s20;
	s0 =	simm.s32 $0x1  }
0x89: {  	s0 =	simm.s32 @!p0 $0x0  }
0x8a: {  	s22 =	sshrl.u32 s22, $0x1;
	s0 =	smul.u32 $0x3E80, s0  }
0x8b: {  	s22 =	smul.u32 $0xFFFF4480, s22;
	v4 =	vshift.insert v4, v1, s21  }
0x8c: {  	s0 =	sshrl.u32 s0, $0x2  }
0x8d: {  	s22 =	sshra.s32 s22, $0x2;
	s30 =	sadd.s32 $0x4F20, s0;
	[tilespmem:s2+$0x10] =	vst.msk $0x1, v4  }
0x8e: {  	s22 =	sadd.s32 s22, s19;
	v6 =	vld [tilespmem:s30+$0x0]  }
0x8f: {  	v7 =	vld [tilespmem:s22+$0x0];
	_ =	sdelay $0x3  }
0x90: {  	v5 =	vadd.f32 v6, v5  }
0x91: {  	vm4 =	vne.s32 v7, $0xFFFFFFFF  }
0x92: {  	(xrf2) =	vadd.seg.scan.f32 vm4, v5;
	_ =	sdelay $0x3  }
0x93: {  	s31 =	sadd.s32 $0x2FE0, s0;
	v5 =	vperm.xlane v4, v1  }
0x94: {  	v6 =	vld [tilespmem:s31+$0x0]  }
0x95: {  	vm5 =	veq.s32 v7, v3;
	vm6 =	veq.s32 v7, v5  }
0x96: {  	vm7 =	vgt.u32 v7, $0xFFFFFFFD;
	vm6 =	vmor vm6, vm5  }
0x97: {  	vm6 =	vmor vm6, vm7  }
0x98: {  	v9 =	vld [tilespmem:$0xA0];
	v7 =	vsel vm6, $0xFFFFFFFF, v7  }
0x99: {  	v10 =	vld [tilespmem:$0x90];
	v6 =	vsel vm5, $0x0, v6;
	v8, _, _ =	vpop (xrf2)  }
0x9a: {  	v6 =	vadd.f32 v8, v6  }
0x9b: {  	s0 =	sadd.s32 $0x6E60, s0  }
0x9c: {  	vm4 =	vmand vm4, vm3;
	[tilespmem:s0+$0x0] =	vst v6;
	(ifvalue) =	ssetifvalue $0xFFFFFFFF  }
0x9d: {  	vm6 =	veq.s32 v9, $0x1;
	[hbm4b:s1+s16] =	stream.indirect_vreg.scatter [tilespmem:s0], [sflag:$0x2], $0x1, v7, vm0, $0x4038;
	v7 =	vsel vm4, $0x0, v8;
	[tilespmem:$0x8DC0] =	vst v63  }
0x9e: {  	s2 =	simm.s32 $0x0;
	s22 =	sadd.s32 $0x10, s22;
	vm4 =	vmor vm6, vm5;
	v6 =	vsel vm5, v8, v10;
	v7 =	vshift.insert v7, v0, s21  }
.LBB2_7:
0x9f: {  	v8 =	vld [tilespmem:s22+$0x0];
	s30 =	sadd.s32 $0x10, s30  }
0xa0: {  	s31 =	sadd.s32 $0x10, s31;
	v9 =	vld [tilespmem:s30+$0x0]  }
0xa1: {  	s2 =	sadd.s32 $0x10, s2;
	v10 =	vld [tilespmem:s31+$0x0]  }
0xa2: {  	p2 =	slt.u32 s2, $0xF90;
	_ =	sdelay $0x2  }
0xa3: {  	v7 =	vadd.f32 v9, v7  }
0xa4: {  	vm5 =	vne.s32 v8, $0xFFFFFFFF  }
0xa5: {  	vm6 =	vmand vm5, vm3;
	(xrf2) =	vadd.seg.scan.f32 vm5, v7;
	_ =	sdelay $0x5  }
0xa6: {  	vm7 =	veq.s32 v8, v5;
	vm5 =	veq.s32 v8, v3  }
0xa7: {  	vm8 =	vgt.u32 v8, $0xFFFFFFFD;
	vm4 =	vmor vm4, vm5;
	vm7 =	vmor vm7, vm5  }
0xa8: {  	vm7 =	vmor vm7, vm8  }
0xa9: {  	v8 =	vsel vm7, $0xFFFFFFFF, v8  }
.Ltmp5:
0xaa: {  	v7 =	vsel vm5, $0x0, v10;
	v9, _, _ =	vpop (xrf2);
	(pc) =	sbr.rel @p2 .LBB2_7-.Ltmp5, $4  }
0xab: {  	v6 =	vsel vm5, v9, v6;
	v10 =	vadd.f32 v9, v7;
	v7 =	vsel vm6, $0x0, v9  }
0xac: {  	s0 =	sadd.s32 $0x10, s0;
	v7 =	vshift.insert v7, v0, s21  }
0xad: {  	s22 =	sadd.s32 $0x10, s22;
	[tilespmem:s0+$0x0] =	vst v10;
	(ifvalue) =	ssetifvalue $0xFFFFFFFF  }
0xae: {  	[hbm4b:s1+s16] =	stream.indirect_vreg.scatter [tilespmem:s0], [sflag:$0x2], $0x1, v8, vm0, $0x4038;
	[tilespmem:$0x8DC0] =	vst v63  }
0xaf: {  	v3 =	vld [tilespmem:s29+$0x7DF0];
	_ =	sdelay $0x4  }
0xb0: {  	v3 =	vshift.insert v3, v0, s21  }
0xb1: {  	s0 =	simm.s32 $0x30  }
0xb2: {  	[tilespmem:s0+$0x0] =	vst.msk $0x1, v3  }
0xb3: {  	v3 =	vsel vm4, $0x1, v1;
	[tilespmem:$0x90] =	vst v6  }
0xb4: {  	s0 =	sadd.s32 @!p1 $0x7DFF, s29;
	[tilespmem:$0xA0] =	vst v3  }
0xb5: {  	[spmem:s14] =	stream.linear.scatter @!p1 [tilespmem:s0], [sflag:$0x1], $0x1, $0x38;
	[tilespmem:$0x8DC0] =	vst v63  }
0xb6: {  	s0 =	simm.s32 @!p1 $0x1  }
0xb7: {  	v3 =	vmctz.xlane @!p1 vm4;
	_ =	swait.ge @!p1 [sflag:s0], $0x1  }
0xb8: {  	(v2sf) =	vpush @!p1 v4, $0x0  }
0xb9: {  	(v2sf) =	vpush @!p1 v3, $0x0;
	_ =	sdelay $0xd  }
0xba: {  	s2 =	spop @!p1 (v2sf)  }
0xbb: {  	s22 =	spop @!p1 (v2sf)  }
0xbc: {  	p2 =	sne.s32 @!p1 s28, s2;
	p3 =	slt.s32 @!p1 s22, $0xF  }
0xbd: {  	[sflag:s0] =	ssyncset.done @!p1 $0x0;
	p2 =	por p2, p1;
	p3 =	por !p3, p1  }
0xbe: {  	[sflag:s0] =	ssyncadd.s32 @!p1 $0xFFFFFFFF;
	v3 =	vimm.s32 @!p2 $0xFFFFFFFF;
	s22 =	simm.s32 @p3 $0xF  }
0xbf: {  	[tilespmem:$0x80] =	vst @!p2 v3;
	s2 =	sadd.s32 @!p1 $0x90, s22  }
0xc0: {  	[spmem:s10] =	stream.linear.scatter @!p1 [tilespmem:s2], [sflag:$0x1], $0x1, $0x38;
	[tilespmem:$0x8DC0] =	vst v63  }
0xc1: {  	_ =	swait.ge @!p1 [sflag:s0], $0x1  }
0xc2: {  	[sflag:s0] =	ssyncset.done @!p1 $0x0  }
0xc3: {  	s2 =	simm.s32 @!p1 $0x80;
	[sflag:s0] =	ssyncadd.s32 @!p1 $0xFFFFFFFF  }
0xc4: {  	[spmem:s15] =	stream.linear.scatter @!p1 [tilespmem:s2], [sflag:$0x1], $0x1, $0x38;
	[tilespmem:$0x8DC0] =	vst v63  }
0xc5: {  	_ =	swait.ge @!p1 [sflag:s0], $0x1  }
0xc6: {  	[sflag:s0] =	ssyncset.done @!p1 $0x0  }
0xc7: {  	[sflag:s0] =	ssyncadd.s32 @!p1 $0xFFFFFFFF;
	(ifvalue) =	ssetifvalue $0xFFFFFFFF;
	v3 =	vld [tilespmem:s25+$0x10];
	_ =	sdelay $0x3  }
.Ltmp6:
0xc8: {  	_ = 	snop;
	(pc) =	sbr.rel .LBB2_9-.Ltmp6, $3  }
0xc9: {  	_ =	sdelay $0x1  }
0xca: {  	(ifvalue) =	ssetifvalue $0xFFFFFFFF  }
0xcb: {  	[hbm4b:s1+s16] =	stream.indirect_vreg.scatter [tilespmem:s26], [sflag:$0x9], $0x1, v3, vm0, $0x4038;
	[tilespmem:$0x8DC0] =	vst v63  }
.LBB2_10:
0xcc: {  	_ =	sfence.sel $0x180000  }
0xcd: {  	s0 =	simm.s32 $0x7;
	[bflag:$0x0] =	sbarrier.arrive $0xFFFF  }
0xce: {  	s26 =	simm.s32 $0x8;
	[sflag:s0] =	ssyncpa.u1 $0x1  }
0xcf: {  	s28 =	simm.s32 $0x9;
	[sflag:s26] =	ssyncpa.u1 $0x1  }
0xd0: {  	[sflag:s28] =	ssyncpa.u1 $0x1  }
0xd1: {  	_ =	sfence.stream.spmem  }
0xd2: {  	s29 =	simm.s32 $0x3;
	[bflag:$0x0] =	sbarrier.arrive $0xFFFF  }
0xd3: {  	s30 =	simm.s32 $0x4;
	[sflag:s29] =	ssyncpa.u1 $0x1  }
0xd4: {  	s31 =	simm.s32 $0x3C;
	s2 =	stileid.u32;
	[sflag:s30] =	ssyncpa.u1 $0x1  }
0xd5: {  	p0 =	sne.s32 s2, $0x0;
	[sflag:s31] =	ssyncpa.u1 $0x1  }
0xd6: {  	s0 =	simm.s32 @p0 $0x1;
	_ =	sfence @p0  }
0xd7: {  	[sflag:s0] =	ssyncpa.u1 @p0 $0x1;
	s0 =	simm.s32 @p0 $0x2  }
0xd8: {  	[sflag:s0] =	ssyncpa.u1 @p0 $0x1  }
0xd9: {  	_ =	strace @p0 $0x90000047  }
0xda: {  	[bflag:$0x2] =	sbarrier.arrive @p0 $0xFFFF  }
0xdb: {  	_ =	shalt @p0  }
.LBB2_11:
0xdc: {  	_ =	sfence.stream.spmem;
	s0 =	simm.s32 $0x5  }
0xdd: {  	s2 =	simm.s32 $0x80;
	s3 =	simm.s32 $0xC0;
	[sflag:s0] =	ssyncpa.u1 $0x0  }
0xde: {  	[tilespmem:s3], [sflag:$0x5] =	stream.linear.gather [spmem:s2], $0x20, $0x38;
	[tilespmem:$0x8DC0] =	vst v63  }
0xdf: {  	s2 =	simm.s32 $0x0;
	s3 =	simm.s32 $0xE0  }
0xe0: {  	[tilespmem:s3], [sflag:$0x5] =	stream.linear.gather [spmem:s2], $0x20, $0x38;
	[tilespmem:$0x8DC0] =	vst v63  }
.Ltmp7:
0xe1: {  	_ = 	snop;
	(pc) =	sbr.rel .LBB2_12-.Ltmp7, $4  }
0xe2: {  	_ =	swait.ge [sflag:s0], $0x40  }
0xe3: {  	[sflag:s0] =	ssyncset.done $0x0  }
0xe4: {  	s31 =	simm.s32 $0x6;
	[sflag:s0] =	ssyncadd.s32 $0xFFFFFFC0  }
0xe5: {  	s4 =	simm.s32 $0x0;
	[sflag:s31] =	ssyncpa.u1 $0x0  }
.LBB2_17:
0xe6: {  	p0 =	sgt.u32 s5, $0x18FFFFF  }
0xe7: {  	s0 =	sshrl.u32 @!p0 s5, $0x3  }
0xe8: {  	s5 =	sand.u32 @!p0 $0x7, s5;
	s6 =	simm.s32 @!p0 $0xB0;
	s0 =	sadd.s32 @!p0 s1, s0  }
0xe9: {  	[tilespmem:s6], [sflag:$0x6] =	stream.linear.gather @!p0 [hbm4b:s0+s5], $0x1, $0x38;
	[tilespmem:$0x8DC0] =	vst v63  }
0xea: {  	s0 =	simm.s32 @!p0 $0x6  }
0xeb: {  	_ =	swait.ge @!p0 [sflag:s0], $0x1  }
0xec: {  	[sflag:s0] =	ssyncset.done @!p0 $0x0  }
0xed: {  	[sflag:s0] =	ssyncadd.s32 @!p0 $0xFFFFFFFF  }
0xee: {  	v2 =	vmov @!p0 s4;
	v1 =	vld.msk @!p0 [tilespmem:$0xB0], $0x1;
	_ =	sdelay $0x3  }
0xef: {  	s0 =	simm.s32 @!p0 $0xE0  }
0xf0: {  	[tilespmem:v2+s0+$0x0], v1 =	vst.idx.ret.add.f32.msk @!p0 $0x1, v1  }
0xf1: {  	[tilespmem:s2+$0xC0] =	vst.msk $0x1, v0  }
0xf2: {  	v0 =	vld.msk [tilespmem:s4+$0xE0], $0x1;
	_ =	sdelay $0x4  }
0xf3: {  	[tilespmem:s2+$0xE0] =	vst.msk $0x1, v0;
	s2 =	sadd.s32 $0x1, s2  }
.LBB2_19:
0xf4: {  	s4 =	sadd.s32 $0x1, s4  }
0xf5: {  	p0 =	sne.s32 s4, $0x20  }
.Ltmp8:
0xf6: {  	_ = 	snop;
	(pc) =	sbr.rel @!p0 .LBB2_20-.Ltmp8, $1  }
0xf7: {  	_ =	sdelay $0x3  }
.LBB2_12:
0xf8: {  	v0 =	vld.msk [tilespmem:s4+$0xC0], $0x1;
	_ =	sdelay $0x4  }
0xf9: {  	(v2sf) =	vpush v0, $0x0;
	_ =	sdelay $0xe  }
0xfa: {  	s5 =	spop (v2sf)  }
0xfb: {  	p0 =	seq.s32 s5, $0xFFFFFFFF  }
.Ltmp9:
0xfc: {  	_ = 	snop;
	(pc) =	sbr.rel @p0 .LBB2_19-.Ltmp9, $1  }
0xfd: {  	_ =	sdelay $0x3  }
0xfe: {  	p0 =	slt.s32 s2, $0x1  }
.Ltmp10:
0xff: {  	_ = 	snop;
	(pc) =	sbr.rel @p0 .LBB2_17-.Ltmp10, $1  }
0x100: {  	_ =	sdelay $0x3  }
0x101: {  	s0 =	simm.s32 $0xC0;
	p0 =	por $0x0, $0x0  }
0x102: {  	v1 =	vld.msk @!p0 [tilespmem:s0+$0x0], $0x1;
	_ =	sdelay $0x4  }
0x103: {  	(v2sf) =	vpush @!p0 v1, $0x0;
	_ =	sdelay $0xd  }
0x104: {  	p2 =	sne.s32 s2, $0x1  }
.Ltmp11:
0x105: {  	s6 =	spop @!p0 (v2sf);
	(pc) =	sbr.rel @!p2 .LBB2_16-.Ltmp11, $4  }
0x106: {  	p1 =	seq.s32 @!p0 s5, s6  }
0x107: {  	s6 =	simm.s32 $0x0;
	p1 =	por !p1, p0  }
0x108: {  	s8 =	simm.s32 $0xFFFFFFFF;
	s6 =	simm.s32 @p1 $0xFFFFFFFF  }
0x109: {  	s7 =	simm.s32 $0x1;
	s6 =	smov.u32 @p0 s8  }
.LBB2_15:
0x10a: {  	s8 =	smov.u32 s6;
	p0 =	sne.s32 s6, $0xFFFFFFFF  }
0x10b: {  	s0 =	sadd.s32 $0x1, s0;
	s6 =	smov.u32 s7;
	s7 =	sadd.s32 $0x1, s7  }
0x10c: {  	p1 =	sne.s32 s2, s7;
	v1 =	vld.msk @!p0 [tilespmem:s0+$0x0], $0x1;
	_ =	sdelay $0x4  }
0x10d: {  	(v2sf) =	vpush @!p0 v1, $0x0;
	_ =	sdelay $0xe  }
.Ltmp12:
0x10e: {  	s9 =	spop @!p0 (v2sf);
	(pc) =	sbr.rel @p1 .LBB2_15-.Ltmp12, $4  }
0x10f: {  	p2 =	seq.s32 @!p0 s5, s9  }
0x110: {  	p2 =	por !p2, p0  }
0x111: {  	s6 =	simm.s32 @p2 $0xFFFFFFFF  }
0x112: {  	s6 =	smov.u32 @p0 s8  }
.LBB2_16:
0x113: {  	p0 =	sne.s32 s6, $0xFFFFFFFF  }
.Ltmp13:
0x114: {  	_ = 	snop;
	(pc) =	sbr.rel @!p0 .LBB2_17-.Ltmp13, $1  }
0x115: {  	_ =	sdelay $0x3  }
0x116: {  	v0 =	vld.msk [tilespmem:s4+$0xE0], $0x1;
	v1 =	vmov s6  }
.Ltmp14:
0x117: {  	_ = 	snop;
	(pc) =	sbr.rel .LBB2_19-.Ltmp14, $2  }
0x118: {  	_ =	sdelay $0x2  }
0x119: {  	[tilespmem:v1+s3+$0x0], v0 =	vst.idx.ret.add.f32.msk $0x1, v0  }
.LBB2_20:
0x11a: {  	p0 =	slt.s32 s2, $0x1  }
.Ltmp15:
0x11b: {  	_ = 	snop;
	(pc) =	sbr.rel @p0 .LBB2_24-.Ltmp15, $3  }
0x11c: {  	_ =	sdelay $0x1  }
0x11d: {  	s0 =	simm.s32 $0x6  }
0x11e: {  	s3 =	simm.s32 $0x0;
	[sflag:s0] =	ssyncpa.u1 $0x1  }
0x11f: {  	s0 =	simm.s32 $0xC0  }
0x120: {  	v0 =	vld.msk [tilespmem:s0+$0x0], $0x1;
	_ =	sdelay $0x4  }
0x121: {  	(v2sf) =	vpush v0, $0x0;
	_ =	sdelay $0xe  }
0x122: {  	s2 =	sadd.s32 $0xFFFFFFFF, s2;
	s4 =	spop (v2sf)  }
0x123: {  	p1 =	sne.s32 s2, $0x0;
	p0 =	sgt.u32 s4, $0x18FFFFF  }
.Ltmp16:
0x124: {  	s5 =	sshrl.u32 @!p0 s4, $0x3;
	(pc) =	sbr.rel @!p1 .LBB2_23-.Ltmp16, $4  }
0x125: {  	s0 =	simm.s32 $0xE0;
	s4 =	sand.u32 @!p0 $0x7, s4;
	s5 =	sadd.s32 @!p0 s1, s5  }
0x126: {  	[hbm4b:s5+s4] =	stream.linear.scatter @!p0 [tilespmem:s0], [sflag:$0x5], $0x1, $0x38;
	[tilespmem:$0x8DC0] =	vst v63  }
0x127: {  	s5 =	simm.s32 $0x0  }
0x128: {  	s4 =	simm.s32 $0xC1;
	s5 =	simm.s32 @!p0 $0x4  }
.LBB2_22:
0x129: {  	v0 =	vld.msk [tilespmem:s4+$0x0], $0x1;
	s2 =	sadd.s32 $0xFFFFFFFF, s2;
	s3 =	sadd.s32 s3, s5  }
0x12a: {  	p0 =	sne.s32 s2, $0x0;
	_ =	sdelay $0x3  }
0x12b: {  	(v2sf) =	vpush v0, $0x0;
	_ =	sdelay $0xe  }
.Ltmp17:
0x12c: {  	s6 =	spop (v2sf);
	(pc) =	sbr.rel @p0 .LBB2_22-.Ltmp17, $4  }
0x12d: {  	s5 =	simm.s32 $0x0;
	p1 =	sgt.u32 s6, $0x18FFFFF  }
0x12e: {  	s0 =	sadd.s32 $0x1, s0;
	s5 =	simm.s32 @!p1 $0x4;
	s7 =	sshrl.u32 @!p1 s6, $0x3  }
0x12f: {  	s4 =	sadd.s32 $0x1, s4;
	s6 =	sand.u32 @!p1 $0x7, s6;
	s7 =	sadd.s32 @!p1 s1, s7  }
0x130: {  	[hbm4b:s7+s6] =	stream.linear.scatter @!p1 [tilespmem:s0], [sflag:$0x5], $0x1, $0x38;
	[tilespmem:$0x8DC0] =	vst v63  }
.LBB2_23:
0x131: {  	s0 =	sadd.s32 s3, s5  }
0x132: {  	s3 =	sshrl.u32 s0, $0x2  }
.LBB2_24:
0x133: {  	s0 =	simm.s32 $0x5  }
0x134: {  	_ =	swait.ge [sflag:s0], s3  }
0x135: {  	s1 =	ssub.s32 $0x0, s3;
	[sflag:s0] =	ssyncset.done $0x0  }
0x136: {  	[sflag:s0] =	ssyncadd.s32 s1  }
0x137: {  	[sflag:s0] =	ssyncpa.u1 $0x1  }
0x138: {  	s29 =	simm.s32 $0x1;
	_ =	sfence  }
0x139: {  	s30 =	simm.s32 $0x2;
	[sflag:s29] =	ssyncpa.u1 $0x1  }
0x13a: {  	[sflag:s30] =	ssyncpa.u1 $0x1  }
0x13b: {  	_ =	strace $0x90000047  }
0x13c: {  	[bflag:$0x2] =	sbarrier.arrive $0xFFFF  }
0x13d: {  	s31 =	rddreg [dreg:$0x2]  }
0x13e: {  	s0 =	sadd.s32 $0x100000, s31  }
0x13f: {  	[sflag:s0] =	ssyncadd.tile.s32 $0x1;
	_ =	shalt  }
.Lfunc_end2:
_tile_overlayer_lowered:
.L_overlay_start_2:
0x140: {  	(tag) =	ssettag $0x2  }
0x141: {  	s0 =	rddreg [dreg:$0x0];
	s2 =	stileid.u32  }
0x142: {  	s1 =	rddreg [dreg:$0x1];
	p0 =	sne.s32 s2, $0x0  }
0x143: {  	s3 =	rddreg [dreg:$0x2];
	[bflag:$0x3] =	sbarrier.arrive $0xFFFF;
	s2 =	simm.s32 @!p0 $0x1C01  }
0x144: {  	[timem:s3], [sflag:s2] =	dma.local @!p0 [hbm:s0], s1  }
0x145: {  	s0 =	simm.s32 @!p0 $0x1  }
0x146: {  	_ =	swait.ge @!p0 [sflag:s0], s1  }
0x147: {  	s1 =	ssub.s32 @!p0 $0x0, s1;
	[sflag:s0] =	ssyncset.done @!p0 $0x0  }
0x148: {  	[sflag:s0] =	ssyncadd.s32 @!p0 s1  }
0x149: {  	[bflag:$0x3] =	sbarrier.arrive $0xFFFF  }
0x14a: {  	_ =	shalt  }

</sc_bundles>
